<compile_context>
chip_gen: v7x
topology: tpu7x:2x2x1
jax: 0.10.2.dev20260603
libtpu: 0.0.44.dev20260713+nightly
codegen_flags: <defaults>
</compile_context>

<pallas_src>
import functools

import jax
import jax.numpy as jnp
from jax import lax
from jax.experimental import pallas as pl
from jax.experimental.pallas import tpu as pltpu
from jax.experimental.pallas import tpu_sc as plsc

_CHUNK = 128
_SW = 128


def _edge_msg_body(ea_ref, xs_ref, w1_ref, b1_ref, w2_ref, b2m_ref, r_ref,
                   f_ref, out_ref, *, n_valid, base, teb, hd):
    h = jnp.dot(ea_ref[...], w1_ref[...], preferred_element_type=jnp.float32)
    h = jnp.maximum(h + b1_ref[...], 0.0)
    xs = xs_ref[:, :hd]
    q = jnp.dot(h.astype(jnp.bfloat16), w2_ref[...].astype(jnp.bfloat16),
                preferred_element_type=jnp.float32)
    x_exp = jnp.dot(xs.astype(jnp.bfloat16), r_ref[...].astype(jnp.bfloat16),
                    preferred_element_type=jnp.float32)
    p = (q * x_exp).astype(jnp.bfloat16)
    msg = jnp.dot(p, f_ref[...].astype(jnp.bfloat16),
                  preferred_element_type=jnp.float32)
    msg = msg + jnp.dot(xs, b2m_ref[...], preferred_element_type=jnp.float32)
    row = (base + pl.program_id(0) * teb
           + lax.broadcasted_iota(jnp.int32, (teb, 1), 0))
    out_ref[:, :hd] = jnp.where(row < n_valid, msg, 0.0)
    out_ref[:, hd:] = jnp.zeros((teb, _SW - hd), jnp.float32)


def _final_body(pa_ref, pb_ref, pc_ref, x_ref, root_ref, bias_ref, gamma_ref,
                beta_ref, out_ref, *, n, hd):
    agg = pa_ref[:n, :hd] + pb_ref[:n, :hd] + pc_ref[:n, :hd]
    pre = agg + jnp.dot(x_ref[...], root_ref[...],
                        preferred_element_type=jnp.float32) + bias_ref[...]
    mean = jnp.mean(pre, axis=0, keepdims=True)
    ctr = pre - mean
    var = jnp.mean(ctr * ctr, axis=0, keepdims=True)
    y = ctr * lax.rsqrt(var + 1e-5) * gamma_ref[...] + beta_ref[...]
    out_ref[...] = x_ref[...] + jnp.maximum(y, 0.0)


def _edge_msgs(ea_p, xs, w1, b1r, w2, b2m, rmat, fmat, e, ep, hd, base=0,
               teb=256):
    ed = ea_p.shape[1]
    return pl.pallas_call(
        functools.partial(_edge_msg_body, n_valid=e, base=base, teb=teb,
                          hd=hd),
        grid=(ep // teb,),
        in_specs=[
            pl.BlockSpec((teb, ed), lambda i: (i, 0)),
            pl.BlockSpec((teb, _SW), lambda i: (i, 0)),
            pl.BlockSpec((ed, hd), lambda i: (0, 0)),
            pl.BlockSpec((1, hd), lambda i: (0, 0)),
            pl.BlockSpec((hd, hd * hd), lambda i: (0, 0)),
            pl.BlockSpec((hd, hd), lambda i: (0, 0)),
            pl.BlockSpec((hd, hd * hd), lambda i: (0, 0)),
            pl.BlockSpec((hd * hd, hd), lambda i: (0, 0)),
        ],
        out_specs=pl.BlockSpec((teb, _SW), lambda i: (i, 0)),
        out_shape=jax.ShapeDtypeStruct((ep, _SW), jnp.float32),
    )(ea_p, xs, w1, b1r, w2, b2m, rmat, fmat)


def _sc_gather(xpad, idx3, nc, ns):
    nw = nc * ns
    kj = idx3.shape[1]
    epw = kj * _CHUNK
    ep = epw * nw

    @functools.partial(
        pl.kernel,
        mesh=plsc.VectorSubcoreMesh(core_axis_name="c", subcore_axis_name="s"),
        out_type=jax.ShapeDtypeStruct((ep, _SW), jnp.float32),
        scratch_types=[
            pltpu.VMEM((kj, _CHUNK), jnp.int32),
            pltpu.VMEM((epw, _SW), jnp.float32),
            pltpu.SemaphoreType.DMA,
            pltpu.SemaphoreType.DMA,
        ],
    )
    def gk(x_hbm, idx_hbm, out_hbm, idx_v, rows_v, sem, sem2):
        wid = lax.axis_index("s") * nc + lax.axis_index("c")
        pltpu.sync_copy(idx_hbm.at[wid], idx_v)
        dmas = [
            pltpu.async_copy(x_hbm.at[idx_v.at[j]],
                             rows_v.at[pl.ds(j * _CHUNK, _CHUNK)], sem)
            for j in range(kj)
        ]
        dumps = []
        for j, d in enumerate(dmas):
            d.wait()
            dumps.append(pltpu.async_copy(
                rows_v.at[pl.ds(j * _CHUNK, _CHUNK)],
                out_hbm.at[pl.ds(wid * epw + j * _CHUNK, _CHUNK)], sem2))
        for d in dumps:
            d.wait()

    return gk(xpad, idx3)


def _sc_scatter(msg, idx2, zrows, npad, nc, ns):
    half = npad // nc
    rps = half // ns
    kj = idx2.shape[1]
    esub = kj * _CHUNK
    groups = _CHUNK // 16

    @functools.partial(
        pl.kernel,
        mesh=plsc.VectorSubcoreMesh(core_axis_name="c", subcore_axis_name="s"),
        out_type=jax.ShapeDtypeStruct((npad, _SW), jnp.float32),
        scratch_types=[
            pltpu.VMEM((kj, _CHUNK), jnp.int32),
            pltpu.VMEM((2, _CHUNK, _SW), jnp.float32),
            pltpu.VMEM_SHARED((half + 8, _SW), jnp.float32),
            pltpu.SemaphoreType.DMA,
            pltpu.SemaphoreType.DMA,
            pltpu.SemaphoreType.DMA,
        ],
    )
    def sk(msg_hbm, idx_hbm, z_hbm, out_hbm, idx_v, msg_v, shared, sa, s0, s1):
        c = lax.axis_index("c")
        s = lax.axis_index("s")
        lsem = (s0, s1)
        pltpu.sync_copy(z_hbm, shared.at[pl.ds(s * rps, rps)])
        pltpu.sync_copy(idx_hbm.at[s], idx_v)
        base = jax.lax.broadcast(c * half, (16,)).astype(jnp.int32)
        trash = jnp.full((16,), half, jnp.int32)
        for j in range(kj):
            for g in range(groups):
                v = idx_v[j, pl.ds(g * 16, 16)]
                local = v - base
                valid = (v >= base) & (local < half)
                idx_v[j, pl.ds(g * 16, 16)] = jnp.where(valid, local, trash)
        plsc.subcore_barrier()
        loads = [pltpu.async_copy(msg_hbm.at[pl.ds(s * esub, _CHUNK)],
                                  msg_v.at[0], lsem[0])]
        for j in range(kj):
            if j + 1 < kj:
                loads.append(pltpu.async_copy(
                    msg_hbm.at[pl.ds(s * esub + (j + 1) * _CHUNK, _CHUNK)],
                    msg_v.at[(j + 1) % 2], lsem[(j + 1) % 2]))
            loads[j].wait()
            pltpu.async_copy(msg_v.at[j % 2], shared.at[idx_v.at[j]], sa,
                             add=True).wait()
        plsc.subcore_barrier()
        pltpu.sync_copy(shared.at[pl.ds(s * rps, rps)],
                        out_hbm.at[pl.ds(c * half + s * rps, rps)])

    return sk(msg, idx2, zrows)


def kernel(x, edge_index, edge_attr, W1, b1, W2, b2, root, bias, gamma, beta):
    n, hd = x.shape
    e = edge_attr.shape[0]
    info = plsc.get_sparse_core_info()
    nc, ns = info.num_cores, info.num_subcores
    nw = nc * ns

    epw = (-(-(-(-e // nw)) // _CHUNK)) * _CHUNK
    ep = epw * nw
    pad = ep - e
    src_p = jnp.concatenate([edge_index[0], jnp.zeros((pad,), jnp.int32)])
    dst_p = jnp.concatenate([edge_index[1], jnp.zeros((pad,), jnp.int32)])
    ea_p = jnp.pad(edge_attr, ((0, pad), (0, 0)))

    b2m = b2.reshape(hd, hd)
    eye = jnp.eye(hd, dtype=jnp.float32)
    rmat = jnp.repeat(eye, hd, axis=1)
    fmat = jnp.tile(eye, (hd, 1))
    b1r = b1.reshape(1, hd)
    xpad = jnp.pad(x, ((0, 0), (0, _SW - hd)))

    rps = (-(-n // (nc * ns)) + 7) // 8 * 8
    npad = rps * nc * ns
    zrows = jnp.zeros((rps, _SW), jnp.float32)

    kj = epw // _CHUNK
    cut1 = 2 * _CHUNK * nw
    cut2 = 4 * _CHUNK * nw
    aggs = []
    for lo, hi in ((0, cut1), (cut1, cut2), (cut2, ep)):
        cnt = hi - lo
        src_i = src_p[lo:hi].reshape(nw, cnt // (nw * _CHUNK), _CHUNK)
        dst_i = dst_p[lo:hi].reshape(ns, cnt // (ns * _CHUNK), _CHUNK)
        xs_i = _sc_gather(xpad, src_i, nc, ns)
        msg_i = _edge_msgs(ea_p[lo:hi], xs_i, W1, b1r, W2, b2m, rmat, fmat,
                           e, cnt, hd, base=lo)
        aggs.append(_sc_scatter(msg_i, dst_i, zrows, npad, nc, ns))

    return pl.pallas_call(
        functools.partial(_final_body, n=n, hd=hd),
        out_shape=jax.ShapeDtypeStruct((n, hd), jnp.float32),
    )(aggs[0], aggs[1], aggs[2], x, root, bias.reshape(1, hd),
      gamma.reshape(1, hd), beta.reshape(1, hd))

# --- scband reference (transcript-rebuilt; emitter-appended) ---
"""Pipeline reference for scband-orbital-message-passing-22728966930567 (READ-ONLY COPY).

The authoritative reference and input builder live on the scoring server;
editing this copy changes nothing except your own understanding.
"""

import jax, jax.numpy as jnp
import numpy as np

N = 10000
E = 20000
HD = 64
ED = 4

def setup_inputs(seed: int = 0) -> dict:
    key = jax.random.key(seed)
    ks = jax.random.split(key, 8)
    x = jax.random.normal(ks[0], (N, HD), dtype=jnp.float32)
    edge_index = jax.random.randint(ks[1], (2, E), 0, N, dtype=jnp.int32)
    edge_attr = jax.random.uniform(ks[2], (E, ED), dtype=jnp.float32)
    W1 = jax.random.normal(ks[3], (ED, HD), dtype=jnp.float32) * (1.0 / np.sqrt(ED))
    b1 = jnp.zeros((HD,), dtype=jnp.float32)
    W2 = jax.random.normal(ks[4], (HD, HD * HD), dtype=jnp.float32) * (1.0 / np.sqrt(HD))
    b2 = jnp.zeros((HD * HD,), dtype=jnp.float32)
    root = jax.random.normal(ks[5], (HD, HD), dtype=jnp.float32) * (1.0 / np.sqrt(HD))
    bias = jnp.zeros((HD,), dtype=jnp.float32)
    gamma = jnp.ones((HD,), dtype=jnp.float32)
    beta = jnp.zeros((HD,), dtype=jnp.float32)
    return {"x": x, "edge_index": edge_index, "edge_attr": edge_attr,
            "W1": W1, "b1": b1, "W2": W2, "b2": b2,
            "root": root, "bias": bias, "gamma": gamma, "beta": beta}

def reference(x, edge_index, edge_attr, W1, b1, W2, b2, root, bias, gamma, beta):
    # edge_network: Linear -> ReLU -> Dropout(eval=identity) -> Linear
    h = jnp.maximum(edge_attr @ W1 + b1, 0.0)
    ew = (h @ W2 + b2).reshape(E, HD, HD)  # per-edge weight matrices [E, in, out]
    src = edge_index[0]
    dst = edge_index[1]
    # NNConv message: x_j @ W_e ; aggr='add' scatter to dst
    msg = jnp.einsum('ei,eio->eo', jnp.take(x, src, axis=0), ew)
    agg = jax.ops.segment_sum(msg, dst, num_segments=N)
    # root weight + bias
    out = agg + x @ root + bias
    # BatchNorm1d (training-mode batch statistics, deterministic)
    mean = jnp.mean(out, axis=0)
    var = jnp.var(out, axis=0)
    out = (out - mean) / jnp.sqrt(var + 1e-5) * gamma + beta
    out = jnp.maximum(out, 0.0)
    # Dropout(eval=identity); residual
    return x + out

if __name__ == "__main__":
    import jax
    _d = setup_inputs()
    print(jax.jit(kernel)(*tuple(_d.values())))

</pallas_src>

<mosaic_0001>
#map = affine_map<(d0, d1) -> (0, 0)>
#map1 = affine_map<(d0, d1) -> (0, 0, 0)>
module attributes {stable_mosaic.version = 14 : i64} {
  func.func @gk(%arg0: i32, %arg1: i32, %arg2: memref<10000x128xf32, #tpu.memory_space<hbm>>, %arg3: memref<32x2x128xi32, #tpu.memory_space<hbm>>, %arg4: memref<8192x128xf32, #tpu.memory_space<hbm>>, %arg5: memref<2x128xi32, #tpu.memory_space<vmem>>, %arg6: memref<256x128xf32, #tpu.memory_space<vmem>>, %arg7: memref<!tpu.dma_semaphore, #tpu.memory_space<semaphore_mem>>, %arg8: memref<!tpu.dma_semaphore, #tpu.memory_space<semaphore_mem>>) attributes {dimension_semantics = [#tpu.dimension_semantics<core_parallel>, #tpu.dimension_semantics<subcore_parallel>], iteration_bounds = array<i64: 2, 16>, scalar_prefetch = 0 : i64, scratch_operands = 4 : i64, tpu.core_type = #tpu.core_type<sc_vector_subcore>, window_params = [{transform_indices = #map}, {transform_indices = #map1}, {transform_indices = #map}]} {
    %mul3A = arith.constant 2 : i32
    %mul3A_0 = arith.muli %arg1, %mul3A : i32
    %add3A = arith.addi %mul3A_0, %arg0 : i32
    "tpu.region"() ({
      %run_scoped3A = tpu.sem_alloc : memref<!tpu.dma_semaphore, #tpu.memory_space<semaphore_mem>>
      %dma_start3A_87 = arith.constant 0 : i32
      %dma_start3A_88 = arith.constant 0 : i32
      %dma_start3A_89 = tpu.memref_slice %arg3[%add3A, %dma_start3A_87, %dma_start3A_88] : memref<32x2x128xi32, #tpu.memory_space<hbm>> -> memref<1x2x128xi32, #tpu.memory_space<hbm>>
      %dma_start3A_90 = tpu.memref_squeeze %dma_start3A_89 : memref<1x2x128xi32, #tpu.memory_space<hbm>> -> memref<2x128xi32, #tpu.memory_space<hbm>>
      %dma_start3A_91 = arith.constant 0 : i32
      %dma_start3A_92 = arith.constant 0 : i32
      %dma_start3A_93 = tpu.memref_slice %arg3[%add3A, %dma_start3A_91, %dma_start3A_92] : memref<32x2x128xi32, #tpu.memory_space<hbm>> -> memref<1x2x128xi32, #tpu.memory_space<hbm>>
      %dma_start3A_94 = tpu.memref_squeeze %dma_start3A_93 : memref<1x2x128xi32, #tpu.memory_space<hbm>> -> memref<2x128xi32, #tpu.memory_space<hbm>>
      tpu.enqueue_dma source(%dma_start3A_94 : memref<2x128xi32, #tpu.memory_space<hbm>>) target(%arg5 : memref<2x128xi32, #tpu.memory_space<vmem>>) target_semaphore(%run_scoped3A : memref<!tpu.dma_semaphore, #tpu.memory_space<semaphore_mem>>)
      %dma_wait3A_95 = arith.constant 0 : i32
      %dma_wait3A_96 = arith.constant 0 : i32
      %dma_wait3A_97 = tpu.memref_slice %arg3[%add3A, %dma_wait3A_95, %dma_wait3A_96] : memref<32x2x128xi32, #tpu.memory_space<hbm>> -> memref<1x2x128xi32, #tpu.memory_space<hbm>>
      %dma_wait3A_98 = tpu.memref_squeeze %dma_wait3A_97 : memref<1x2x128xi32, #tpu.memory_space<hbm>> -> memref<2x128xi32, #tpu.memory_space<hbm>>
      %dma_wait3A_99 = arith.constant 0 : i32
      %dma_wait3A_100 = arith.constant 0 : i32
      %dma_wait3A_101 = tpu.memref_slice %arg3[%add3A, %dma_wait3A_99, %dma_wait3A_100] : memref<32x2x128xi32, #tpu.memory_space<hbm>> -> memref<1x2x128xi32, #tpu.memory_space<hbm>>
      %dma_wait3A_102 = tpu.memref_squeeze %dma_wait3A_101 : memref<1x2x128xi32, #tpu.memory_space<hbm>> -> memref<2x128xi32, #tpu.memory_space<hbm>>
      tpu.wait_dma2 semaphore(%run_scoped3A : memref<!tpu.dma_semaphore, #tpu.memory_space<semaphore_mem>>) src(%dma_wait3A_102 : memref<2x128xi32, #tpu.memory_space<hbm>>) dst(%arg5 : memref<2x128xi32, #tpu.memory_space<vmem>>)
      tpu.yield
    }) : () -> ()
    %dma_start3A = arith.constant 0 : i32
    %dma_start3A_1 = arith.constant 0 : i32
    %dma_start3A_2 = arith.constant 0 : i32
    %dma_start3A_3 = tpu.memref_slice %arg6[%dma_start3A_1, %dma_start3A_2] : memref<256x128xf32, #tpu.memory_space<vmem>> -> memref<128x128xf32, #tpu.memory_space<vmem>>
    %dma_start3A_4 = arith.constant 0 : i32
    %dma_start3A_5 = tpu.memref_slice %arg5[%dma_start3A, %dma_start3A_4] : memref<2x128xi32, #tpu.memory_space<vmem>> -> memref<1x128xi32, #tpu.memory_space<vmem>>
    %dma_start3A_6 = tpu.memref_squeeze %dma_start3A_5 : memref<1x128xi32, #tpu.memory_space<vmem>> -> memref<128xi32, #tpu.memory_space<vmem>>
    %dma_start3A_7 = arith.constant 0 : i32
    %dma_start3A_8 = arith.constant 0 : i32
    %dma_start3A_9 = tpu.memref_slice %arg2[%dma_start3A_7, %dma_start3A_8] : memref<10000x128xf32, #tpu.memory_space<hbm>> -> memref<10000x128xf32, #tpu.memory_space<hbm>>
    tpu.enqueue_indirect_dma source(%dma_start3A_9 : memref<10000x128xf32, #tpu.memory_space<hbm>>) target(%dma_start3A_3 : memref<128x128xf32, #tpu.memory_space<vmem>>) offsets(%dma_start3A_6 : memref<128xi32, #tpu.memory_space<vmem>>) semaphore(%arg7 : memref<!tpu.dma_semaphore, #tpu.memory_space<semaphore_mem>>)
    %dma_start3A_10 = arith.constant 1 : i32
    %dma_start3A_11 = arith.constant 128 : i32
    %dma_start3A_12 = arith.constant 0 : i32
    %dma_start3A_13 = tpu.memref_slice %arg6[%dma_start3A_11, %dma_start3A_12] : memref<256x128xf32, #tpu.memory_space<vmem>> -> memref<128x128xf32, #tpu.memory_space<vmem>>
    %dma_start3A_14 = arith.constant 0 : i32
    %dma_start3A_15 = tpu.memref_slice %arg5[%dma_start3A_10, %dma_start3A_14] : memref<2x128xi32, #tpu.memory_space<vmem>> -> memref<1x128xi32, #tpu.memory_space<vmem>>
    %dma_start3A_16 = tpu.memref_squeeze %dma_start3A_15 : memref<1x128xi32, #tpu.memory_space<vmem>> -> memref<128xi32, #tpu.memory_space<vmem>>
    %dma_start3A_17 = arith.constant 0 : i32
    %dma_start3A_18 = arith.constant 0 : i32
    %dma_start3A_19 = tpu.memref_slice %arg2[%dma_start3A_17, %dma_start3A_18] : memref<10000x128xf32, #tpu.memory_space<hbm>> -> memref<10000x128xf32, #tpu.memory_space<hbm>>
    tpu.enqueue_indirect_dma source(%dma_start3A_19 : memref<10000x128xf32, #tpu.memory_space<hbm>>) target(%dma_start3A_13 : memref<128x128xf32, #tpu.memory_space<vmem>>) offsets(%dma_start3A_16 : memref<128xi32, #tpu.memory_space<vmem>>) semaphore(%arg7 : memref<!tpu.dma_semaphore, #tpu.memory_space<semaphore_mem>>)
    %dma_wait3A = arith.constant 0 : i32
    %dma_wait3A_20 = arith.constant 0 : i32
    %dma_wait3A_21 = arith.constant 0 : i32
    %dma_wait3A_22 = tpu.memref_slice %arg6[%dma_wait3A_20, %dma_wait3A_21] : memref<256x128xf32, #tpu.memory_space<vmem>> -> memref<128x128xf32, #tpu.memory_space<vmem>>
    %dma_wait3A_23 = arith.constant 0 : i32
    %dma_wait3A_24 = tpu.memref_slice %arg5[%dma_wait3A, %dma_wait3A_23] : memref<2x128xi32, #tpu.memory_space<vmem>> -> memref<1x128xi32, #tpu.memory_space<vmem>>
    %dma_wait3A_25 = tpu.memref_squeeze %dma_wait3A_24 : memref<1x128xi32, #tpu.memory_space<vmem>> -> memref<128xi32, #tpu.memory_space<vmem>>
    %dma_wait3A_26 = arith.constant 0 : i32
    %dma_wait3A_27 = arith.constant 0 : i32
    %dma_wait3A_28 = tpu.memref_slice %arg2[%dma_wait3A_26, %dma_wait3A_27] : memref<10000x128xf32, #tpu.memory_space<hbm>> -> memref<10000x128xf32, #tpu.memory_space<hbm>>
    tpu.wait_indirect_dma semaphore(%arg7 : memref<!tpu.dma_semaphore, #tpu.memory_space<semaphore_mem>>) src(%dma_wait3A_28 : memref<10000x128xf32, #tpu.memory_space<hbm>>) dst(%dma_wait3A_22 : memref<128x128xf32, #tpu.memory_space<vmem>>)
    %mul3A_29 = arith.constant 256 : i32
    %mul3A_30 = arith.muli %add3A, %mul3A_29 : i32
    %add3A_31 = arith.constant 0 : i32
    %add3A_32 = arith.addi %mul3A_30, %add3A_31 : i32
    %dma_start3A_33 = arith.constant 0 : i32
    %dma_start3A_34 = arith.constant 0 : i32
    %dma_start3A_35 = tpu.memref_slice %arg6[%dma_start3A_33, %dma_start3A_34] : memref<256x128xf32, #tpu.memory_space<vmem>> -> memref<128x128xf32, #tpu.memory_space<vmem>>
    %dma_start3A_36 = arith.constant 0 : i32
    %dma_start3A_37 = tpu.memref_slice %arg4[%add3A_32, %dma_start3A_36] : memref<8192x128xf32, #tpu.memory_space<hbm>> -> memref<128x128xf32, #tpu.memory_space<hbm>>
    %dma_start3A_38 = arith.constant 0 : i32
    %dma_start3A_39 = tpu.memref_slice %arg4[%add3A_32, %dma_start3A_38] : memref<8192x128xf32, #tpu.memory_space<hbm>> -> memref<128x128xf32, #tpu.memory_space<hbm>>
    %dma_start3A_40 = arith.constant 0 : i32
    %dma_start3A_41 = arith.constant 0 : i32
    %dma_start3A_42 = tpu.memref_slice %arg6[%dma_start3A_40, %dma_start3A_41] : memref<256x128xf32, #tpu.memory_space<vmem>> -> memref<128x128xf32, #tpu.memory_space<vmem>>
    tpu.enqueue_dma source(%dma_start3A_42 : memref<128x128xf32, #tpu.memory_space<vmem>>) target(%dma_start3A_39 : memref<128x128xf32, #tpu.memory_space<hbm>>) target_semaphore(%arg8 : memref<!tpu.dma_semaphore, #tpu.memory_space<semaphore_mem>>)
    %dma_wait3A_43 = arith.constant 1 : i32
    %dma_wait3A_44 = arith.constant 128 : i32
    %dma_wait3A_45 = arith.constant 0 : i32
    %dma_wait3A_46 = tpu.memref_slice %arg6[%dma_wait3A_44, %dma_wait3A_45] : memref<256x128xf32, #tpu.memory_space<vmem>> -> memref<128x128xf32, #tpu.memory_space<vmem>>
    %dma_wait3A_47 = arith.constant 0 : i32
    %dma_wait3A_48 = tpu.memref_slice %arg5[%dma_wait3A_43, %dma_wait3A_47] : memref<2x128xi32, #tpu.memory_space<vmem>> -> memref<1x128xi32, #tpu.memory_space<vmem>>
    %dma_wait3A_49 = tpu.memref_squeeze %dma_wait3A_48 : memref<1x128xi32, #tpu.memory_space<vmem>> -> memref<128xi32, #tpu.memory_space<vmem>>
    %dma_wait3A_50 = arith.constant 0 : i32
    %dma_wait3A_51 = arith.constant 0 : i32
    %dma_wait3A_52 = tpu.memref_slice %arg2[%dma_wait3A_50, %dma_wait3A_51] : memref<10000x128xf32, #tpu.memory_space<hbm>> -> memref<10000x128xf32, #tpu.memory_space<hbm>>
    tpu.wait_indirect_dma semaphore(%arg7 : memref<!tpu.dma_semaphore, #tpu.memory_space<semaphore_mem>>) src(%dma_wait3A_52 : memref<10000x128xf32, #tpu.memory_space<hbm>>) dst(%dma_wait3A_46 : memref<128x128xf32, #tpu.memory_space<vmem>>)
    %mul3A_53 = arith.constant 256 : i32
    %mul3A_54 = arith.muli %add3A, %mul3A_53 : i32
    %add3A_55 = arith.constant 128 : i32
    %add3A_56 = arith.addi %mul3A_54, %add3A_55 : i32
    %dma_start3A_57 = arith.constant 128 : i32
    %dma_start3A_58 = arith.constant 0 : i32
    %dma_start3A_59 = tpu.memref_slice %arg6[%dma_start3A_57, %dma_start3A_58] : memref<256x128xf32, #tpu.memory_space<vmem>> -> memref<128x128xf32, #tpu.memory_space<vmem>>
    %dma_start3A_60 = arith.constant 0 : i32
    %dma_start3A_61 = tpu.memref_slice %arg4[%add3A_56, %dma_start3A_60] : memref<8192x128xf32, #tpu.memory_space<hbm>> -> memref<128x128xf32, #tpu.memory_space<hbm>>
    %dma_start3A_62 = arith.constant 0 : i32
    %dma_start3A_63 = tpu.memref_slice %arg4[%add3A_56, %dma_start3A_62] : memref<8192x128xf32, #tpu.memory_space<hbm>> -> memref<128x128xf32, #tpu.memory_space<hbm>>
    %dma_start3A_64 = arith.constant 128 : i32
    %dma_start3A_65 = arith.constant 0 : i32
    %dma_start3A_66 = tpu.memref_slice %arg6[%dma_start3A_64, %dma_start3A_65] : memref<256x128xf32, #tpu.memory_space<vmem>> -> memref<128x128xf32, #tpu.memory_space<vmem>>
    tpu.enqueue_dma source(%dma_start3A_66 : memref<128x128xf32, #tpu.memory_space<vmem>>) target(%dma_start3A_63 : memref<128x128xf32, #tpu.memory_space<hbm>>) target_semaphore(%arg8 : memref<!tpu.dma_semaphore, #tpu.memory_space<semaphore_mem>>)
    %dma_wait3A_67 = arith.constant 0 : i32
    %dma_wait3A_68 = arith.constant 0 : i32
    %dma_wait3A_69 = tpu.memref_slice %arg6[%dma_wait3A_67, %dma_wait3A_68] : memref<256x128xf32, #tpu.memory_space<vmem>> -> memref<128x128xf32, #tpu.memory_space<vmem>>
    %dma_wait3A_70 = arith.constant 0 : i32
    %dma_wait3A_71 = tpu.memref_slice %arg4[%add3A_32, %dma_wait3A_70] : memref<8192x128xf32, #tpu.memory_space<hbm>> -> memref<128x128xf32, #tpu.memory_space<hbm>>
    %dma_wait3A_72 = arith.constant 0 : i32
    %dma_wait3A_73 = tpu.memref_slice %arg4[%add3A_32, %dma_wait3A_72] : memref<8192x128xf32, #tpu.memory_space<hbm>> -> memref<128x128xf32, #tpu.memory_space<hbm>>
    %dma_wait3A_74 = arith.constant 0 : i32
    %dma_wait3A_75 = arith.constant 0 : i32
    %dma_wait3A_76 = tpu.memref_slice %arg6[%dma_wait3A_74, %dma_wait3A_75] : memref<256x128xf32, #tpu.memory_space<vmem>> -> memref<128x128xf32, #tpu.memory_space<vmem>>
    tpu.wait_dma2 semaphore(%arg8 : memref<!tpu.dma_semaphore, #tpu.memory_space<semaphore_mem>>) src(%dma_wait3A_76 : memref<128x128xf32, #tpu.memory_space<vmem>>) dst(%dma_wait3A_73 : memref<128x128xf32, #tpu.memory_space<hbm>>)
    %dma_wait3A_77 = arith.constant 128 : i32
    %dma_wait3A_78 = arith.constant 0 : i32
    %dma_wait3A_79 = tpu.memref_slice %arg6[%dma_wait3A_77, %dma_wait3A_78] : memref<256x128xf32, #tpu.memory_space<vmem>> -> memref<128x128xf32, #tpu.memory_space<vmem>>
    %dma_wait3A_80 = arith.constant 0 : i32
    %dma_wait3A_81 = tpu.memref_slice %arg4[%add3A_56, %dma_wait3A_80] : memref<8192x128xf32, #tpu.memory_space<hbm>> -> memref<128x128xf32, #tpu.memory_space<hbm>>
    %dma_wait3A_82 = arith.constant 0 : i32
    %dma_wait3A_83 = tpu.memref_slice %arg4[%add3A_56, %dma_wait3A_82] : memref<8192x128xf32, #tpu.memory_space<hbm>> -> memref<128x128xf32, #tpu.memory_space<hbm>>
    %dma_wait3A_84 = arith.constant 128 : i32
    %dma_wait3A_85 = arith.constant 0 : i32
    %dma_wait3A_86 = tpu.memref_slice %arg6[%dma_wait3A_84, %dma_wait3A_85] : memref<256x128xf32, #tpu.memory_space<vmem>> -> memref<128x128xf32, #tpu.memory_space<vmem>>
    tpu.wait_dma2 semaphore(%arg8 : memref<!tpu.dma_semaphore, #tpu.memory_space<semaphore_mem>>) src(%dma_wait3A_86 : memref<128x128xf32, #tpu.memory_space<vmem>>) dst(%dma_wait3A_83 : memref<128x128xf32, #tpu.memory_space<hbm>>)
    return
  }
}

#map = affine_map<(d0, d1) -> (0, 0)>
#map1 = affine_map<(d0, d1) -> (0, 0, 0)>
module attributes {stable_mosaic.version = 14 : i64} {
  func.func @sk(%arg0: i32, %arg1: i32, %arg2: memref<8192x128xf32, #tpu.memory_space<hbm>>, %arg3: memref<16x4x128xi32, #tpu.memory_space<hbm>>, %arg4: memref<320x128xf32, #tpu.memory_space<hbm>>, %arg5: memref<10240x128xf32, #tpu.memory_space<hbm>>, %arg6: memref<4x128xi32, #tpu.memory_space<vmem>>, %arg7: memref<2x128x128xf32, #tpu.memory_space<vmem>>, %arg8: memref<5128x128xf32, #tpu.memory_space<vmem_shared>>, %arg9: memref<!tpu.dma_semaphore, #tpu.memory_space<semaphore_mem>>, %arg10: memref<!tpu.dma_semaphore, #tpu.memory_space<semaphore_mem>>, %arg11: memref<!tpu.dma_semaphore, #tpu.memory_space<semaphore_mem>>) attributes {dimension_semantics = [#tpu.dimension_semantics<core_parallel>, #tpu.dimension_semantics<subcore_parallel>], iteration_bounds = array<i64: 2, 16>, scalar_prefetch = 0 : i64, scratch_operands = 6 : i64, tpu.core_type = #tpu.core_type<sc_vector_subcore>, window_params = [{transform_indices = #map}, {transform_indices = #map1}, {transform_indices = #map}, {transform_indices = #map}]} {
    %mul3A = arith.constant 320 : i32
    %mul3A_0 = arith.muli %arg1, %mul3A : i32
    "tpu.region"() ({
      %run_scoped3A = tpu.sem_alloc : memref<!tpu.dma_semaphore, #tpu.memory_space<semaphore_mem>>
      %dma_start3A_793 = arith.constant 0 : i32
      %dma_start3A_794 = tpu.memref_slice %arg8[%mul3A_0, %dma_start3A_793] : memref<5128x128xf32, #tpu.memory_space<vmem_shared>> -> memref<320x128xf32, #tpu.memory_space<vmem_shared>>
      tpu.enqueue_dma source(%arg4 : memref<320x128xf32, #tpu.memory_space<hbm>>) target(%dma_start3A_794 : memref<320x128xf32, #tpu.memory_space<vmem_shared>>) target_semaphore(%run_scoped3A : memref<!tpu.dma_semaphore, #tpu.memory_space<semaphore_mem>>)
      %dma_wait3A_795 = arith.constant 0 : i32
      %dma_wait3A_796 = tpu.memref_slice %arg8[%mul3A_0, %dma_wait3A_795] : memref<5128x128xf32, #tpu.memory_space<vmem_shared>> -> memref<320x128xf32, #tpu.memory_space<vmem_shared>>
      tpu.wait_dma2 semaphore(%run_scoped3A : memref<!tpu.dma_semaphore, #tpu.memory_space<semaphore_mem>>) src(%arg4 : memref<320x128xf32, #tpu.memory_space<hbm>>) dst(%dma_wait3A_796 : memref<320x128xf32, #tpu.memory_space<vmem_shared>>)
      tpu.yield
    }) : () -> ()
    "tpu.region"() ({
      %run_scoped3A = tpu.sem_alloc : memref<!tpu.dma_semaphore, #tpu.memory_space<semaphore_mem>>
      %dma_start3A_793 = arith.constant 0 : i32
      %dma_start3A_794 = arith.constant 0 : i32
      %dma_start3A_795 = tpu.memref_slice %arg3[%arg1, %dma_start3A_793, %dma_start3A_794] : memref<16x4x128xi32, #tpu.memory_space<hbm>> -> memref<1x4x128xi32, #tpu.memory_space<hbm>>
      %dma_start3A_796 = tpu.memref_squeeze %dma_start3A_795 : memref<1x4x128xi32, #tpu.memory_space<hbm>> -> memref<4x128xi32, #tpu.memory_space<hbm>>
      %dma_start3A_797 = arith.constant 0 : i32
      %dma_start3A_798 = arith.constant 0 : i32
      %dma_start3A_799 = tpu.memref_slice %arg3[%arg1, %dma_start3A_797, %dma_start3A_798] : memref<16x4x128xi32, #tpu.memory_space<hbm>> -> memref<1x4x128xi32, #tpu.memory_space<hbm>>
      %dma_start3A_800 = tpu.memref_squeeze %dma_start3A_799 : memref<1x4x128xi32, #tpu.memory_space<hbm>> -> memref<4x128xi32, #tpu.memory_space<hbm>>
      tpu.enqueue_dma source(%dma_start3A_800 : memref<4x128xi32, #tpu.memory_space<hbm>>) target(%arg6 : memref<4x128xi32, #tpu.memory_space<vmem>>) target_semaphore(%run_scoped3A : memref<!tpu.dma_semaphore, #tpu.memory_space<semaphore_mem>>)
      %dma_wait3A_801 = arith.constant 0 : i32
      %dma_wait3A_802 = arith.constant 0 : i32
      %dma_wait3A_803 = tpu.memref_slice %arg3[%arg1, %dma_wait3A_801, %dma_wait3A_802] : memref<16x4x128xi32, #tpu.memory_space<hbm>> -> memref<1x4x128xi32, #tpu.memory_space<hbm>>
      %dma_wait3A_804 = tpu.memref_squeeze %dma_wait3A_803 : memref<1x4x128xi32, #tpu.memory_space<hbm>> -> memref<4x128xi32, #tpu.memory_space<hbm>>
      %dma_wait3A_805 = arith.constant 0 : i32
      %dma_wait3A_806 = arith.constant 0 : i32
      %dma_wait3A_807 = tpu.memref_slice %arg3[%arg1, %dma_wait3A_805, %dma_wait3A_806] : memref<16x4x128xi32, #tpu.memory_space<hbm>> -> memref<1x4x128xi32, #tpu.memory_space<hbm>>
      %dma_wait3A_808 = tpu.memref_squeeze %dma_wait3A_807 : memref<1x4x128xi32, #tpu.memory_space<hbm>> -> memref<4x128xi32, #tpu.memory_space<hbm>>
      tpu.wait_dma2 semaphore(%run_scoped3A : memref<!tpu.dma_semaphore, #tpu.memory_space<semaphore_mem>>) src(%dma_wait3A_808 : memref<4x128xi32, #tpu.memory_space<hbm>>) dst(%arg6 : memref<4x128xi32, #tpu.memory_space<vmem>>)
      tpu.yield
    }) : () -> ()
    %mul3A_1 = arith.constant 5120 : i32
    %mul3A_2 = arith.muli %arg0, %mul3A_1 : i32
    %broadcast_in_dim3A = vector.broadcast %mul3A_2 : i32 to vector<16xi32>
    %broadcast_in_dim3A_3 = arith.constant 5120 : i32
    %broadcast_in_dim3A_4 = vector.broadcast %broadcast_in_dim3A_3 : i32 to vector<16xi32>
    %get3A = arith.constant 0 : i32
    %get3A_5 = arith.index_cast %get3A : i32 to index
    %get3A_6 = arith.constant 0 : index
    %get3A_7 = tpu.vector_load %arg6[%get3A_5, %get3A_6] {strides = array<i32>} : memref<4x128xi32, #tpu.memory_space<vmem>>, vector<1x16xi32>,
    %get3A_8 = vector.shape_cast %get3A_7 : vector<1x16xi32> to vector<16xi32>
    %sub3A = arith.subi %get3A_8, %broadcast_in_dim3A : vector<16xi32>
    %ge3A = arith.cmpi sge, %get3A_8, %broadcast_in_dim3A : vector<16xi32>
    %lt3A = arith.constant 5120 : i32
    %lt3A_9 = vector.broadcast %lt3A : i32 to vector<16xi32>
    %lt3A_10 = arith.cmpi slt, %sub3A, %lt3A_9 : vector<16xi32>
    %and3A = arith.andi %ge3A, %lt3A_10 : vector<16xi1>
    %select_n3A = arith.select %and3A, %sub3A, %broadcast_in_dim3A_4 : vector<16xi1>, vector<16xi32>
    %swap3A = arith.constant 0 : i32
    %swap3A_11 = arith.index_cast %swap3A : i32 to index
    %swap3A_12 = arith.constant 0 : index
    %swap3A_13 = tpu.vector_load %arg6[%swap3A_11, %swap3A_12] {strides = array<i32>} : memref<4x128xi32, #tpu.memory_space<vmem>>, vector<1x16xi32>,
    %swap3A_14 = vector.shape_cast %swap3A_13 : vector<1x16xi32> to vector<16xi32>
    %swap3A_15 = vector.shape_cast %select_n3A : vector<16xi32> to vector<1x16xi32>
    tpu.vector_store %arg6[%swap3A_11, %swap3A_12], %swap3A_15 {strides = array<i32>} : memref<4x128xi32, #tpu.memory_space<vmem>>, vector<1x16xi32>,
    %get3A_16 = arith.constant 0 : i32
    %get3A_17 = arith.index_cast %get3A_16 : i32 to index
    %get3A_18 = arith.constant 16 : index
    %get3A_19 = tpu.vector_load %arg6[%get3A_17, %get3A_18] {strides = array<i32>} : memref<4x128xi32, #tpu.memory_space<vmem>>, vector<1x16xi32>,
    %get3A_20 = vector.shape_cast %get3A_19 : vector<1x16xi32> to vector<16xi32>
    %sub3A_21 = arith.subi %get3A_20, %broadcast_in_dim3A : vector<16xi32>
    %ge3A_22 = arith.cmpi sge, %get3A_20, %broadcast_in_dim3A : vector<16xi32>
    %lt3A_23 = arith.constant 5120 : i32
    %lt3A_24 = vector.broadcast %lt3A_23 : i32 to vector<16xi32>
    %lt3A_25 = arith.cmpi slt, %sub3A_21, %lt3A_24 : vector<16xi32>
    %and3A_26 = arith.andi %ge3A_22, %lt3A_25 : vector<16xi1>
    %select_n3A_27 = arith.select %and3A_26, %sub3A_21, %broadcast_in_dim3A_4 : vector<16xi1>, vector<16xi32>
    %swap3A_28 = arith.constant 0 : i32
    %swap3A_29 = arith.index_cast %swap3A_28 : i32 to index
    %swap3A_30 = arith.constant 16 : index
    %swap3A_31 = tpu.vector_load %arg6[%swap3A_29, %swap3A_30] {strides = array<i32>} : memref<4x128xi32, #tpu.memory_space<vmem>>, vector<1x16xi32>,
    %swap3A_32 = vector.shape_cast %swap3A_31 : vector<1x16xi32> to vector<16xi32>
    %swap3A_33 = vector.shape_cast %select_n3A_27 : vector<16xi32> to vector<1x16xi32>
    tpu.vector_store %arg6[%swap3A_29, %swap3A_30], %swap3A_33 {strides = array<i32>} : memref<4x128xi32, #tpu.memory_space<vmem>>, vector<1x16xi32>,
    %get3A_34 = arith.constant 0 : i32
    %get3A_35 = arith.index_cast %get3A_34 : i32 to index
    %get3A_36 = arith.constant 32 : index
    %get3A_37 = tpu.vector_load %arg6[%get3A_35, %get3A_36] {strides = array<i32>} : memref<4x128xi32, #tpu.memory_space<vmem>>, vector<1x16xi32>,
    %get3A_38 = vector.shape_cast %get3A_37 : vector<1x16xi32> to vector<16xi32>
    %sub3A_39 = arith.subi %get3A_38, %broadcast_in_dim3A : vector<16xi32>
    %ge3A_40 = arith.cmpi sge, %get3A_38, %broadcast_in_dim3A : vector<16xi32>
    %lt3A_41 = arith.constant 5120 : i32
    %lt3A_42 = vector.broadcast %lt3A_41 : i32 to vector<16xi32>
    %lt3A_43 = arith.cmpi slt, %sub3A_39, %lt3A_42 : vector<16xi32>
    %and3A_44 = arith.andi %ge3A_40, %lt3A_43 : vector<16xi1>
    %select_n3A_45 = arith.select %and3A_44, %sub3A_39, %broadcast_in_dim3A_4 : vector<16xi1>, vector<16xi32>
    %swap3A_46 = arith.constant 0 : i32
    %swap3A_47 = arith.index_cast %swap3A_46 : i32 to index
    %swap3A_48 = arith.constant 32 : index
    %swap3A_49 = tpu.vector_load %arg6[%swap3A_47, %swap3A_48] {strides = array<i32>} : memref<4x128xi32, #tpu.memory_space<vmem>>, vector<1x16xi32>,
    %swap3A_50 = vector.shape_cast %swap3A_49 : vector<1x16xi32> to vector<16xi32>
    %swap3A_51 = vector.shape_cast %select_n3A_45 : vector<16xi32> to vector<1x16xi32>
    tpu.vector_store %arg6[%swap3A_47, %swap3A_48], %swap3A_51 {strides = array<i32>} : memref<4x128xi32, #tpu.memory_space<vmem>>, vector<1x16xi32>,
    %get3A_52 = arith.constant 0 : i32
    %get3A_53 = arith.index_cast %get3A_52 : i32 to index
    %get3A_54 = arith.constant 48 : index
    %get3A_55 = tpu.vector_load %arg6[%get3A_53, %get3A_54] {strides = array<i32>} : memref<4x128xi32, #tpu.memory_space<vmem>>, vector<1x16xi32>,
    %get3A_56 = vector.shape_cast %get3A_55 : vector<1x16xi32> to vector<16xi32>
    %sub3A_57 = arith.subi %get3A_56, %broadcast_in_dim3A : vector<16xi32>
    %ge3A_58 = arith.cmpi sge, %get3A_56, %broadcast_in_dim3A : vector<16xi32>
    %lt3A_59 = arith.constant 5120 : i32
    %lt3A_60 = vector.broadcast %lt3A_59 : i32 to vector<16xi32>
    %lt3A_61 = arith.cmpi slt, %sub3A_57, %lt3A_60 : vector<16xi32>
    %and3A_62 = arith.andi %ge3A_58, %lt3A_61 : vector<16xi1>
    %select_n3A_63 = arith.select %and3A_62, %sub3A_57, %broadcast_in_dim3A_4 : vector<16xi1>, vector<16xi32>
    %swap3A_64 = arith.constant 0 : i32
    %swap3A_65 = arith.index_cast %swap3A_64 : i32 to index
    %swap3A_66 = arith.constant 48 : index
    %swap3A_67 = tpu.vector_load %arg6[%swap3A_65, %swap3A_66] {strides = array<i32>} : memref<4x128xi32, #tpu.memory_space<vmem>>, vector<1x16xi32>,
    %swap3A_68 = vector.shape_cast %swap3A_67 : vector<1x16xi32> to vector<16xi32>
    %swap3A_69 = vector.shape_cast %select_n3A_63 : vector<16xi32> to vector<1x16xi32>
    tpu.vector_store %arg6[%swap3A_65, %swap3A_66], %swap3A_69 {strides = array<i32>} : memref<4x128xi32, #tpu.memory_space<vmem>>, vector<1x16xi32>,
    %get3A_70 = arith.constant 0 : i32
    %get3A_71 = arith.index_cast %get3A_70 : i32 to index
    %get3A_72 = arith.constant 64 : index
    %get3A_73 = tpu.vector_load %arg6[%get3A_71, %get3A_72] {strides = array<i32>} : memref<4x128xi32, #tpu.memory_space<vmem>>, vector<1x16xi32>,
    %get3A_74 = vector.shape_cast %get3A_73 : vector<1x16xi32> to vector<16xi32>
    %sub3A_75 = arith.subi %get3A_74, %broadcast_in_dim3A : vector<16xi32>
    %ge3A_76 = arith.cmpi sge, %get3A_74, %broadcast_in_dim3A : vector<16xi32>
    %lt3A_77 = arith.constant 5120 : i32
    %lt3A_78 = vector.broadcast %lt3A_77 : i32 to vector<16xi32>
    %lt3A_79 = arith.cmpi slt, %sub3A_75, %lt3A_78 : vector<16xi32>
    %and3A_80 = arith.andi %ge3A_76, %lt3A_79 : vector<16xi1>
    %select_n3A_81 = arith.select %and3A_80, %sub3A_75, %broadcast_in_dim3A_4 : vector<16xi1>, vector<16xi32>
    %swap3A_82 = arith.constant 0 : i32
    %swap3A_83 = arith.index_cast %swap3A_82 : i32 to index
    %swap3A_84 = arith.constant 64 : index
    %swap3A_85 = tpu.vector_load %arg6[%swap3A_83, %swap3A_84] {strides = array<i32>} : memref<4x128xi32, #tpu.memory_space<vmem>>, vector<1x16xi32>,
    %swap3A_86 = vector.shape_cast %swap3A_85 : vector<1x16xi32> to vector<16xi32>
    %swap3A_87 = vector.shape_cast %select_n3A_81 : vector<16xi32> to vector<1x16xi32>
    tpu.vector_store %arg6[%swap3A_83, %swap3A_84], %swap3A_87 {strides = array<i32>} : memref<4x128xi32, #tpu.memory_space<vmem>>, vector<1x16xi32>,
    %get3A_88 = arith.constant 0 : i32
    %get3A_89 = arith.index_cast %get3A_88 : i32 to index
    %get3A_90 = arith.constant 80 : index
    %get3A_91 = tpu.vector_load %arg6[%get3A_89, %get3A_90] {strides = array<i32>} : memref<4x128xi32, #tpu.memory_space<vmem>>, vector<1x16xi32>,
    %get3A_92 = vector.shape_cast %get3A_91 : vector<1x16xi32> to vector<16xi32>
    %sub3A_93 = arith.subi %get3A_92, %broadcast_in_dim3A : vector<16xi32>
    %ge3A_94 = arith.cmpi sge, %get3A_92, %broadcast_in_dim3A : vector<16xi32>
    %lt3A_95 = arith.constant 5120 : i32
    %lt3A_96 = vector.broadcast %lt3A_95 : i32 to vector<16xi32>
    %lt3A_97 = arith.cmpi slt, %sub3A_93, %lt3A_96 : vector<16xi32>
    %and3A_98 = arith.andi %ge3A_94, %lt3A_97 : vector<16xi1>
    %select_n3A_99 = arith.select %and3A_98, %sub3A_93, %broadcast_in_dim3A_4 : vector<16xi1>, vector<16xi32>
    %swap3A_100 = arith.constant 0 : i32
    %swap3A_101 = arith.index_cast %swap3A_100 : i32 to index
    %swap3A_102 = arith.constant 80 : index
    %swap3A_103 = tpu.vector_load %arg6[%swap3A_101, %swap3A_102] {strides = array<i32>} : memref<4x128xi32, #tpu.memory_space<vmem>>, vector<1x16xi32>,
    %swap3A_104 = vector.shape_cast %swap3A_103 : vector<1x16xi32> to vector<16xi32>
    %swap3A_105 = vector.shape_cast %select_n3A_99 : vector<16xi32> to vector<1x16xi32>
    tpu.vector_store %arg6[%swap3A_101, %swap3A_102], %swap3A_105 {strides = array<i32>} : memref<4x128xi32, #tpu.memory_space<vmem>>, vector<1x16xi32>,
    %get3A_106 = arith.constant 0 : i32
    %get3A_107 = arith.index_cast %get3A_106 : i32 to index
    %get3A_108 = arith.constant 96 : index
    %get3A_109 = tpu.vector_load %arg6[%get3A_107, %get3A_108] {strides = array<i32>} : memref<4x128xi32, #tpu.memory_space<vmem>>, vector<1x16xi32>,
    %get3A_110 = vector.shape_cast %get3A_109 : vector<1x16xi32> to vector<16xi32>
    %sub3A_111 = arith.subi %get3A_110, %broadcast_in_dim3A : vector<16xi32>
    %ge3A_112 = arith.cmpi sge, %get3A_110, %broadcast_in_dim3A : vector<16xi32>
    %lt3A_113 = arith.constant 5120 : i32
    %lt3A_114 = vector.broadcast %lt3A_113 : i32 to vector<16xi32>
    %lt3A_115 = arith.cmpi slt, %sub3A_111, %lt3A_114 : vector<16xi32>
    %and3A_116 = arith.andi %ge3A_112, %lt3A_115 : vector<16xi1>
    %select_n3A_117 = arith.select %and3A_116, %sub3A_111, %broadcast_in_dim3A_4 : vector<16xi1>, vector<16xi32>
    %swap3A_118 = arith.constant 0 : i32
    %swap3A_119 = arith.index_cast %swap3A_118 : i32 to index
    %swap3A_120 = arith.constant 96 : index
    %swap3A_121 = tpu.vector_load %arg6[%swap3A_119, %swap3A_120] {strides = array<i32>} : memref<4x128xi32, #tpu.memory_space<vmem>>, vector<1x16xi32>,
    %swap3A_122 = vector.shape_cast %swap3A_121 : vector<1x16xi32> to vector<16xi32>
    %swap3A_123 = vector.shape_cast %select_n3A_117 : vector<16xi32> to vector<1x16xi32>
    tpu.vector_store %arg6[%swap3A_119, %swap3A_120], %swap3A_123 {strides = array<i32>} : memref<4x128xi32, #tpu.memory_space<vmem>>, vector<1x16xi32>,
    %get3A_124 = arith.constant 0 : i32
    %get3A_125 = arith.index_cast %get3A_124 : i32 to index
    %get3A_126 = arith.constant 112 : index
    %get3A_127 = tpu.vector_load %arg6[%get3A_125, %get3A_126] {strides = array<i32>} : memref<4x128xi32, #tpu.memory_space<vmem>>, vector<1x16xi32>,
    %get3A_128 = vector.shape_cast %get3A_127 : vector<1x16xi32> to vector<16xi32>
    %sub3A_129 = arith.subi %get3A_128, %broadcast_in_dim3A : vector<16xi32>
    %ge3A_130 = arith.cmpi sge, %get3A_128, %broadcast_in_dim3A : vector<16xi32>
    %lt3A_131 = arith.constant 5120 : i32
    %lt3A_132 = vector.broadcast %lt3A_131 : i32 to vector<16xi32>
    %lt3A_133 = arith.cmpi slt, %sub3A_129, %lt3A_132 : vector<16xi32>
    %and3A_134 = arith.andi %ge3A_130, %lt3A_133 : vector<16xi1>
    %select_n3A_135 = arith.select %and3A_134, %sub3A_129, %broadcast_in_dim3A_4 : vector<16xi1>, vector<16xi32>
    %swap3A_136 = arith.constant 0 : i32
    %swap3A_137 = arith.index_cast %swap3A_136 : i32 to index
    %swap3A_138 = arith.constant 112 : index
    %swap3A_139 = tpu.vector_load %arg6[%swap3A_137, %swap3A_138] {strides = array<i32>} : memref<4x128xi32, #tpu.memory_space<vmem>>, vector<1x16xi32>,
    %swap3A_140 = vector.shape_cast %swap3A_139 : vector<1x16xi32> to vector<16xi32>
    %swap3A_141 = vector.shape_cast %select_n3A_135 : vector<16xi32> to vector<1x16xi32>
    tpu.vector_store %arg6[%swap3A_137, %swap3A_138], %swap3A_141 {strides = array<i32>} : memref<4x128xi32, #tpu.memory_space<vmem>>, vector<1x16xi32>,
    %get3A_142 = arith.constant 1 : i32
    %get3A_143 = arith.index_cast %get3A_142 : i32 to index
    %get3A_144 = arith.constant 0 : index
    %get3A_145 = tpu.vector_load %arg6[%get3A_143, %get3A_144] {strides = array<i32>} : memref<4x128xi32, #tpu.memory_space<vmem>>, vector<1x16xi32>,
    %get3A_146 = vector.shape_cast %get3A_145 : vector<1x16xi32> to vector<16xi32>
    %sub3A_147 = arith.subi %get3A_146, %broadcast_in_dim3A : vector<16xi32>
    %ge3A_148 = arith.cmpi sge, %get3A_146, %broadcast_in_dim3A : vector<16xi32>
    %lt3A_149 = arith.constant 5120 : i32
    %lt3A_150 = vector.broadcast %lt3A_149 : i32 to vector<16xi32>
    %lt3A_151 = arith.cmpi slt, %sub3A_147, %lt3A_150 : vector<16xi32>
    %and3A_152 = arith.andi %ge3A_148, %lt3A_151 : vector<16xi1>
    %select_n3A_153 = arith.select %and3A_152, %sub3A_147, %broadcast_in_dim3A_4 : vector<16xi1>, vector<16xi32>
    %swap3A_154 = arith.constant 1 : i32
    %swap3A_155 = arith.index_cast %swap3A_154 : i32 to index
    %swap3A_156 = arith.constant 0 : index
    %swap3A_157 = tpu.vector_load %arg6[%swap3A_155, %swap3A_156] {strides = array<i32>} : memref<4x128xi32, #tpu.memory_space<vmem>>, vector<1x16xi32>,
    %swap3A_158 = vector.shape_cast %swap3A_157 : vector<1x16xi32> to vector<16xi32>
    %swap3A_159 = vector.shape_cast %select_n3A_153 : vector<16xi32> to vector<1x16xi32>
    tpu.vector_store %arg6[%swap3A_155, %swap3A_156], %swap3A_159 {strides = array<i32>} : memref<4x128xi32, #tpu.memory_space<vmem>>, vector<1x16xi32>,
    %get3A_160 = arith.constant 1 : i32
    %get3A_161 = arith.index_cast %get3A_160 : i32 to index
    %get3A_162 = arith.constant 16 : index
    %get3A_163 = tpu.vector_load %arg6[%get3A_161, %get3A_162] {strides = array<i32>} : memref<4x128xi32, #tpu.memory_space<vmem>>, vector<1x16xi32>,
    %get3A_164 = vector.shape_cast %get3A_163 : vector<1x16xi32> to vector<16xi32>
    %sub3A_165 = arith.subi %get3A_164, %broadcast_in_dim3A : vector<16xi32>
    %ge3A_166 = arith.cmpi sge, %get3A_164, %broadcast_in_dim3A : vector<16xi32>
    %lt3A_167 = arith.constant 5120 : i32
    %lt3A_168 = vector.broadcast %lt3A_167 : i32 to vector<16xi32>
    %lt3A_169 = arith.cmpi slt, %sub3A_165, %lt3A_168 : vector<16xi32>
    %and3A_170 = arith.andi %ge3A_166, %lt3A_169 : vector<16xi1>
    %select_n3A_171 = arith.select %and3A_170, %sub3A_165, %broadcast_in_dim3A_4 : vector<16xi1>, vector<16xi32>
    %swap3A_172 = arith.constant 1 : i32
    %swap3A_173 = arith.index_cast %swap3A_172 : i32 to index
    %swap3A_174 = arith.constant 16 : index
    %swap3A_175 = tpu.vector_load %arg6[%swap3A_173, %swap3A_174] {strides = array<i32>} : memref<4x128xi32, #tpu.memory_space<vmem>>, vector<1x16xi32>,
    %swap3A_176 = vector.shape_cast %swap3A_175 : vector<1x16xi32> to vector<16xi32>
    %swap3A_177 = vector.shape_cast %select_n3A_171 : vector<16xi32> to vector<1x16xi32>
    tpu.vector_store %arg6[%swap3A_173, %swap3A_174], %swap3A_177 {strides = array<i32>} : memref<4x128xi32, #tpu.memory_space<vmem>>, vector<1x16xi32>,
    %get3A_178 = arith.constant 1 : i32
    %get3A_179 = arith.index_cast %get3A_178 : i32 to index
    %get3A_180 = arith.constant 32 : index
    %get3A_181 = tpu.vector_load %arg6[%get3A_179, %get3A_180] {strides = array<i32>} : memref<4x128xi32, #tpu.memory_space<vmem>>, vector<1x16xi32>,
    %get3A_182 = vector.shape_cast %get3A_181 : vector<1x16xi32> to vector<16xi32>
    %sub3A_183 = arith.subi %get3A_182, %broadcast_in_dim3A : vector<16xi32>
    %ge3A_184 = arith.cmpi sge, %get3A_182, %broadcast_in_dim3A : vector<16xi32>
    %lt3A_185 = arith.constant 5120 : i32
    %lt3A_186 = vector.broadcast %lt3A_185 : i32 to vector<16xi32>
    %lt3A_187 = arith.cmpi slt, %sub3A_183, %lt3A_186 : vector<16xi32>
    %and3A_188 = arith.andi %ge3A_184, %lt3A_187 : vector<16xi1>
    %select_n3A_189 = arith.select %and3A_188, %sub3A_183, %broadcast_in_dim3A_4 : vector<16xi1>, vector<16xi32>
    %swap3A_190 = arith.constant 1 : i32
    %swap3A_191 = arith.index_cast %swap3A_190 : i32 to index
    %swap3A_192 = arith.constant 32 : index
    %swap3A_193 = tpu.vector_load %arg6[%swap3A_191, %swap3A_192] {strides = array<i32>} : memref<4x128xi32, #tpu.memory_space<vmem>>, vector<1x16xi32>,
    %swap3A_194 = vector.shape_cast %swap3A_193 : vector<1x16xi32> to vector<16xi32>
    %swap3A_195 = vector.shape_cast %select_n3A_189 : vector<16xi32> to vector<1x16xi32>
    tpu.vector_store %arg6[%swap3A_191, %swap3A_192], %swap3A_195 {strides = array<i32>} : memref<4x128xi32, #tpu.memory_space<vmem>>, vector<1x16xi32>,
    %get3A_196 = arith.constant 1 : i32
    %get3A_197 = arith.index_cast %get3A_196 : i32 to index
    %get3A_198 = arith.constant 48 : index
    %get3A_199 = tpu.vector_load %arg6[%get3A_197, %get3A_198] {strides = array<i32>} : memref<4x128xi32, #tpu.memory_space<vmem>>, vector<1x16xi32>,
    %get3A_200 = vector.shape_cast %get3A_199 : vector<1x16xi32> to vector<16xi32>
    %sub3A_201 = arith.subi %get3A_200, %broadcast_in_dim3A : vector<16xi32>
    %ge3A_202 = arith.cmpi sge, %get3A_200, %broadcast_in_dim3A : vector<16xi32>
    %lt3A_203 = arith.constant 5120 : i32
    %lt3A_204 = vector.broadcast %lt3A_203 : i32 to vector<16xi32>
    %lt3A_205 = arith.cmpi slt, %sub3A_201, %lt3A_204 : vector<16xi32>
    %and3A_206 = arith.andi %ge3A_202, %lt3A_205 : vector<16xi1>
    %select_n3A_207 = arith.select %and3A_206, %sub3A_201, %broadcast_in_dim3A_4 : vector<16xi1>, vector<16xi32>
    %swap3A_208 = arith.constant 1 : i32
    %swap3A_209 = arith.index_cast %swap3A_208 : i32 to index
    %swap3A_210 = arith.constant 48 : index
    %swap3A_211 = tpu.vector_load %arg6[%swap3A_209, %swap3A_210] {strides = array<i32>} : memref<4x128xi32, #tpu.memory_space<vmem>>, vector<1x16xi32>,
    %swap3A_212 = vector.shape_cast %swap3A_211 : vector<1x16xi32> to vector<16xi32>
    %swap3A_213 = vector.shape_cast %select_n3A_207 : vector<16xi32> to vector<1x16xi32>
    tpu.vector_store %arg6[%swap3A_209, %swap3A_210], %swap3A_213 {strides = array<i32>} : memref<4x128xi32, #tpu.memory_space<vmem>>, vector<1x16xi32>,
    %get3A_214 = arith.constant 1 : i32
    %get3A_215 = arith.index_cast %get3A_214 : i32 to index
    %get3A_216 = arith.constant 64 : index
    %get3A_217 = tpu.vector_load %arg6[%get3A_215, %get3A_216] {strides = array<i32>} : memref<4x128xi32, #tpu.memory_space<vmem>>, vector<1x16xi32>,
    %get3A_218 = vector.shape_cast %get3A_217 : vector<1x16xi32> to vector<16xi32>
    %sub3A_219 = arith.subi %get3A_218, %broadcast_in_dim3A : vector<16xi32>
    %ge3A_220 = arith.cmpi sge, %get3A_218, %broadcast_in_dim3A : vector<16xi32>
    %lt3A_221 = arith.constant 5120 : i32
    %lt3A_222 = vector.broadcast %lt3A_221 : i32 to vector<16xi32>
    %lt3A_223 = arith.cmpi slt, %sub3A_219, %lt3A_222 : vector<16xi32>
    %and3A_224 = arith.andi %ge3A_220, %lt3A_223 : vector<16xi1>
    %select_n3A_225 = arith.select %and3A_224, %sub3A_219, %broadcast_in_dim3A_4 : vector<16xi1>, vector<16xi32>
    %swap3A_226 = arith.constant 1 : i32
    %swap3A_227 = arith.index_cast %swap3A_226 : i32 to index
    %swap3A_228 = arith.constant 64 : index
    %swap3A_229 = tpu.vector_load %arg6[%swap3A_227, %swap3A_228] {strides = array<i32>} : memref<4x128xi32, #tpu.memory_space<vmem>>, vector<1x16xi32>,
    %swap3A_230 = vector.shape_cast %swap3A_229 : vector<1x16xi32> to vector<16xi32>
    %swap3A_231 = vector.shape_cast %select_n3A_225 : vector<16xi32> to vector<1x16xi32>
    tpu.vector_store %arg6[%swap3A_227, %swap3A_228], %swap3A_231 {strides = array<i32>} : memref<4x128xi32, #tpu.memory_space<vmem>>, vector<1x16xi32>,
    %get3A_232 = arith.constant 1 : i32
    %get3A_233 = arith.index_cast %get3A_232 : i32 to index
    %get3A_234 = arith.constant 80 : index
    %get3A_235 = tpu.vector_load %arg6[%get3A_233, %get3A_234] {strides = array<i32>} : memref<4x128xi32, #tpu.memory_space<vmem>>, vector<1x16xi32>,
    %get3A_236 = vector.shape_cast %get3A_235 : vector<1x16xi32> to vector<16xi32>
    %sub3A_237 = arith.subi %get3A_236, %broadcast_in_dim3A : vector<16xi32>
    %ge3A_238 = arith.cmpi sge, %get3A_236, %broadcast_in_dim3A : vector<16xi32>
    %lt3A_239 = arith.constant 5120 : i32
    %lt3A_240 = vector.broadcast %lt3A_239 : i32 to vector<16xi32>
    %lt3A_241 = arith.cmpi slt, %sub3A_237, %lt3A_240 : vector<16xi32>
    %and3A_242 = arith.andi %ge3A_238, %lt3A_241 : vector<16xi1>
    %select_n3A_243 = arith.select %and3A_242, %sub3A_237, %broadcast_in_dim3A_4 : vector<16xi1>, vector<16xi32>
    %swap3A_244 = arith.constant 1 : i32
    %swap3A_245 = arith.index_cast %swap3A_244 : i32 to index
    %swap3A_246 = arith.constant 80 : index
    %swap3A_247 = tpu.vector_load %arg6[%swap3A_245, %swap3A_246] {strides = array<i32>} : memref<4x128xi32, #tpu.memory_space<vmem>>, vector<1x16xi32>,
    %swap3A_248 = vector.shape_cast %swap3A_247 : vector<1x16xi32> to vector<16xi32>
    %swap3A_249 = vector.shape_cast %select_n3A_243 : vector<16xi32> to vector<1x16xi32>
    tpu.vector_store %arg6[%swap3A_245, %swap3A_246], %swap3A_249 {strides = array<i32>} : memref<4x128xi32, #tpu.memory_space<vmem>>, vector<1x16xi32>,
    %get3A_250 = arith.constant 1 : i32
    %get3A_251 = arith.index_cast %get3A_250 : i32 to index
    %get3A_252 = arith.constant 96 : index
    %get3A_253 = tpu.vector_load %arg6[%get3A_251, %get3A_252] {strides = array<i32>} : memref<4x128xi32, #tpu.memory_space<vmem>>, vector<1x16xi32>,
    %get3A_254 = vector.shape_cast %get3A_253 : vector<1x16xi32> to vector<16xi32>
    %sub3A_255 = arith.subi %get3A_254, %broadcast_in_dim3A : vector<16xi32>
    %ge3A_256 = arith.cmpi sge, %get3A_254, %broadcast_in_dim3A : vector<16xi32>
    %lt3A_257 = arith.constant 5120 : i32
    %lt3A_258 = vector.broadcast %lt3A_257 : i32 to vector<16xi32>
    %lt3A_259 = arith.cmpi slt, %sub3A_255, %lt3A_258 : vector<16xi32>
    %and3A_260 = arith.andi %ge3A_256, %lt3A_259 : vector<16xi1>
    %select_n3A_261 = arith.select %and3A_260, %sub3A_255, %broadcast_in_dim3A_4 : vector<16xi1>, vector<16xi32>
    %swap3A_262 = arith.constant 1 : i32
    %swap3A_263 = arith.index_cast %swap3A_262 : i32 to index
    %swap3A_264 = arith.constant 96 : index
    %swap3A_265 = tpu.vector_load %arg6[%swap3A_263, %swap3A_264] {strides = array<i32>} : memref<4x128xi32, #tpu.memory_space<vmem>>, vector<1x16xi32>,
    %swap3A_266 = vector.shape_cast %swap3A_265 : vector<1x16xi32> to vector<16xi32>
    %swap3A_267 = vector.shape_cast %select_n3A_261 : vector<16xi32> to vector<1x16xi32>
    tpu.vector_store %arg6[%swap3A_263, %swap3A_264], %swap3A_267 {strides = array<i32>} : memref<4x128xi32, #tpu.memory_space<vmem>>, vector<1x16xi32>,
    %get3A_268 = arith.constant 1 : i32
    %get3A_269 = arith.index_cast %get3A_268 : i32 to index
    %get3A_270 = arith.constant 112 : index
    %get3A_271 = tpu.vector_load %arg6[%get3A_269, %get3A_270] {strides = array<i32>} : memref<4x128xi32, #tpu.memory_space<vmem>>, vector<1x16xi32>,
    %get3A_272 = vector.shape_cast %get3A_271 : vector<1x16xi32> to vector<16xi32>
    %sub3A_273 = arith.subi %get3A_272, %broadcast_in_dim3A : vector<16xi32>
    %ge3A_274 = arith.cmpi sge, %get3A_272, %broadcast_in_dim3A : vector<16xi32>
    %lt3A_275 = arith.constant 5120 : i32
    %lt3A_276 = vector.broadcast %lt3A_275 : i32 to vector<16xi32>
    %lt3A_277 = arith.cmpi slt, %sub3A_273, %lt3A_276 : vector<16xi32>
    %and3A_278 = arith.andi %ge3A_274, %lt3A_277 : vector<16xi1>
    %select_n3A_279 = arith.select %and3A_278, %sub3A_273, %broadcast_in_dim3A_4 : vector<16xi1>, vector<16xi32>
    %swap3A_280 = arith.constant 1 : i32
    %swap3A_281 = arith.index_cast %swap3A_280 : i32 to index
    %swap3A_282 = arith.constant 112 : index
    %swap3A_283 = tpu.vector_load %arg6[%swap3A_281, %swap3A_282] {strides = array<i32>} : memref<4x128xi32, #tpu.memory_space<vmem>>, vector<1x16xi32>,
    %swap3A_284 = vector.shape_cast %swap3A_283 : vector<1x16xi32> to vector<16xi32>
    %swap3A_285 = vector.shape_cast %select_n3A_279 : vector<16xi32> to vector<1x16xi32>
    tpu.vector_store %arg6[%swap3A_281, %swap3A_282], %swap3A_285 {strides = array<i32>} : memref<4x128xi32, #tpu.memory_space<vmem>>, vector<1x16xi32>,
    %get3A_286 = arith.constant 2 : i32
    %get3A_287 = arith.index_cast %get3A_286 : i32 to index
    %get3A_288 = arith.constant 0 : index
    %get3A_289 = tpu.vector_load %arg6[%get3A_287, %get3A_288] {strides = array<i32>} : memref<4x128xi32, #tpu.memory_space<vmem>>, vector<1x16xi32>,
    %get3A_290 = vector.shape_cast %get3A_289 : vector<1x16xi32> to vector<16xi32>
    %sub3A_291 = arith.subi %get3A_290, %broadcast_in_dim3A : vector<16xi32>
    %ge3A_292 = arith.cmpi sge, %get3A_290, %broadcast_in_dim3A : vector<16xi32>
    %lt3A_293 = arith.constant 5120 : i32
    %lt3A_294 = vector.broadcast %lt3A_293 : i32 to vector<16xi32>
    %lt3A_295 = arith.cmpi slt, %sub3A_291, %lt3A_294 : vector<16xi32>
    %and3A_296 = arith.andi %ge3A_292, %lt3A_295 : vector<16xi1>
    %select_n3A_297 = arith.select %and3A_296, %sub3A_291, %broadcast_in_dim3A_4 : vector<16xi1>, vector<16xi32>
    %swap3A_298 = arith.constant 2 : i32
    %swap3A_299 = arith.index_cast %swap3A_298 : i32 to index
    %swap3A_300 = arith.constant 0 : index
    %swap3A_301 = tpu.vector_load %arg6[%swap3A_299, %swap3A_300] {strides = array<i32>} : memref<4x128xi32, #tpu.memory_space<vmem>>, vector<1x16xi32>,
    %swap3A_302 = vector.shape_cast %swap3A_301 : vector<1x16xi32> to vector<16xi32>
    %swap3A_303 = vector.shape_cast %select_n3A_297 : vector<16xi32> to vector<1x16xi32>
    tpu.vector_store %arg6[%swap3A_299, %swap3A_300], %swap3A_303 {strides = array<i32>} : memref<4x128xi32, #tpu.memory_space<vmem>>, vector<1x16xi32>,
    %get3A_304 = arith.constant 2 : i32
    %get3A_305 = arith.index_cast %get3A_304 : i32 to index
    %get3A_306 = arith.constant 16 : index
    %get3A_307 = tpu.vector_load %arg6[%get3A_305, %get3A_306] {strides = array<i32>} : memref<4x128xi32, #tpu.memory_space<vmem>>, vector<1x16xi32>,
    %get3A_308 = vector.shape_cast %get3A_307 : vector<1x16xi32> to vector<16xi32>
    %sub3A_309 = arith.subi %get3A_308, %broadcast_in_dim3A : vector<16xi32>
    %ge3A_310 = arith.cmpi sge, %get3A_308, %broadcast_in_dim3A : vector<16xi32>
    %lt3A_311 = arith.constant 5120 : i32
    %lt3A_312 = vector.broadcast %lt3A_311 : i32 to vector<16xi32>
    %lt3A_313 = arith.cmpi slt, %sub3A_309, %lt3A_312 : vector<16xi32>
    %and3A_314 = arith.andi %ge3A_310, %lt3A_313 : vector<16xi1>
    %select_n3A_315 = arith.select %and3A_314, %sub3A_309, %broadcast_in_dim3A_4 : vector<16xi1>, vector<16xi32>
    %swap3A_316 = arith.constant 2 : i32
    %swap3A_317 = arith.index_cast %swap3A_316 : i32 to index
    %swap3A_318 = arith.constant 16 : index
    %swap3A_319 = tpu.vector_load %arg6[%swap3A_317, %swap3A_318] {strides = array<i32>} : memref<4x128xi32, #tpu.memory_space<vmem>>, vector<1x16xi32>,
    %swap3A_320 = vector.shape_cast %swap3A_319 : vector<1x16xi32> to vector<16xi32>
    %swap3A_321 = vector.shape_cast %select_n3A_315 : vector<16xi32> to vector<1x16xi32>
    tpu.vector_store %arg6[%swap3A_317, %swap3A_318], %swap3A_321 {strides = array<i32>} : memref<4x128xi32, #tpu.memory_space<vmem>>, vector<1x16xi32>,
    %get3A_322 = arith.constant 2 : i32
    %get3A_323 = arith.index_cast %get3A_322 : i32 to index
    %get3A_324 = arith.constant 32 : index
    %get3A_325 = tpu.vector_load %arg6[%get3A_323, %get3A_324] {strides = array<i32>} : memref<4x128xi32, #tpu.memory_space<vmem>>, vector<1x16xi32>,
    %get3A_326 = vector.shape_cast %get3A_325 : vector<1x16xi32> to vector<16xi32>
    %sub3A_327 = arith.subi %get3A_326, %broadcast_in_dim3A : vector<16xi32>
    %ge3A_328 = arith.cmpi sge, %get3A_326, %broadcast_in_dim3A : vector<16xi32>
    %lt3A_329 = arith.constant 5120 : i32
    %lt3A_330 = vector.broadcast %lt3A_329 : i32 to vector<16xi32>
    %lt3A_331 = arith.cmpi slt, %sub3A_327, %lt3A_330 : vector<16xi32>
    %and3A_332 = arith.andi %ge3A_328, %lt3A_331 : vector<16xi1>
    %select_n3A_333 = arith.select %and3A_332, %sub3A_327, %broadcast_in_dim3A_4 : vector<16xi1>, vector<16xi32>
    %swap3A_334 = arith.constant 2 : i32
    %swap3A_335 = arith.index_cast %swap3A_334 : i32 to index
    %swap3A_336 = arith.constant 32 : index
    %swap3A_337 = tpu.vector_load %arg6[%swap3A_335, %swap3A_336] {strides = array<i32>} : memref<4x128xi32, #tpu.memory_space<vmem>>, vector<1x16xi32>,
    %swap3A_338 = vector.shape_cast %swap3A_337 : vector<1x16xi32> to vector<16xi32>
    %swap3A_339 = vector.shape_cast %select_n3A_333 : vector<16xi32> to vector<1x16xi32>
    tpu.vector_store %arg6[%swap3A_335, %swap3A_336], %swap3A_339 {strides = array<i32>} : memref<4x128xi32, #tpu.memory_space<vmem>>, vector<1x16xi32>,
    %get3A_340 = arith.constant 2 : i32
    %get3A_341 = arith.index_cast %get3A_340 : i32 to index
    %get3A_342 = arith.constant 48 : index
    %get3A_343 = tpu.vector_load %arg6[%get3A_341, %get3A_342] {strides = array<i32>} : memref<4x128xi32, #tpu.memory_space<vmem>>, vector<1x16xi32>,
    %get3A_344 = vector.shape_cast %get3A_343 : vector<1x16xi32> to vector<16xi32>
    %sub3A_345 = arith.subi %get3A_344, %broadcast_in_dim3A : vector<16xi32>
    %ge3A_346 = arith.cmpi sge, %get3A_344, %broadcast_in_dim3A : vector<16xi32>
    %lt3A_347 = arith.constant 5120 : i32
    %lt3A_348 = vector.broadcast %lt3A_347 : i32 to vector<16xi32>
    %lt3A_349 = arith.cmpi slt, %sub3A_345, %lt3A_348 : vector<16xi32>
    %and3A_350 = arith.andi %ge3A_346, %lt3A_349 : vector<16xi1>
    %select_n3A_351 = arith.select %and3A_350, %sub3A_345, %broadcast_in_dim3A_4 : vector<16xi1>, vector<16xi32>
    %swap3A_352 = arith.constant 2 : i32
    %swap3A_353 = arith.index_cast %swap3A_352 : i32 to index
    %swap3A_354 = arith.constant 48 : index
    %swap3A_355 = tpu.vector_load %arg6[%swap3A_353, %swap3A_354] {strides = array<i32>} : memref<4x128xi32, #tpu.memory_space<vmem>>, vector<1x16xi32>,
    %swap3A_356 = vector.shape_cast %swap3A_355 : vector<1x16xi32> to vector<16xi32>
    %swap3A_357 = vector.shape_cast %select_n3A_351 : vector<16xi32> to vector<1x16xi32>
    tpu.vector_store %arg6[%swap3A_353, %swap3A_354], %swap3A_357 {strides = array<i32>} : memref<4x128xi32, #tpu.memory_space<vmem>>, vector<1x16xi32>,
    %get3A_358 = arith.constant 2 : i32
    %get3A_359 = arith.index_cast %get3A_358 : i32 to index
    %get3A_360 = arith.constant 64 : index
    %get3A_361 = tpu.vector_load %arg6[%get3A_359, %get3A_360] {strides = array<i32>} : memref<4x128xi32, #tpu.memory_space<vmem>>, vector<1x16xi32>,
    %get3A_362 = vector.shape_cast %get3A_361 : vector<1x16xi32> to vector<16xi32>
    %sub3A_363 = arith.subi %get3A_362, %broadcast_in_dim3A : vector<16xi32>
    %ge3A_364 = arith.cmpi sge, %get3A_362, %broadcast_in_dim3A : vector<16xi32>
    %lt3A_365 = arith.constant 5120 : i32
    %lt3A_366 = vector.broadcast %lt3A_365 : i32 to vector<16xi32>
    %lt3A_367 = arith.cmpi slt, %sub3A_363, %lt3A_366 : vector<16xi32>
    %and3A_368 = arith.andi %ge3A_364, %lt3A_367 : vector<16xi1>
    %select_n3A_369 = arith.select %and3A_368, %sub3A_363, %broadcast_in_dim3A_4 : vector<16xi1>, vector<16xi32>
    %swap3A_370 = arith.constant 2 : i32
    %swap3A_371 = arith.index_cast %swap3A_370 : i32 to index
    %swap3A_372 = arith.constant 64 : index
    %swap3A_373 = tpu.vector_load %arg6[%swap3A_371, %swap3A_372] {strides = array<i32>} : memref<4x128xi32, #tpu.memory_space<vmem>>, vector<1x16xi32>,
    %swap3A_374 = vector.shape_cast %swap3A_373 : vector<1x16xi32> to vector<16xi32>
    %swap3A_375 = vector.shape_cast %select_n3A_369 : vector<16xi32> to vector<1x16xi32>
    tpu.vector_store %arg6[%swap3A_371, %swap3A_372], %swap3A_375 {strides = array<i32>} : memref<4x128xi32, #tpu.memory_space<vmem>>, vector<1x16xi32>,
    %get3A_376 = arith.constant 2 : i32
    %get3A_377 = arith.index_cast %get3A_376 : i32 to index
    %get3A_378 = arith.constant 80 : index
    %get3A_379 = tpu.vector_load %arg6[%get3A_377, %get3A_378] {strides = array<i32>} : memref<4x128xi32, #tpu.memory_space<vmem>>, vector<1x16xi32>,
    %get3A_380 = vector.shape_cast %get3A_379 : vector<1x16xi32> to vector<16xi32>
    %sub3A_381 = arith.subi %get3A_380, %broadcast_in_dim3A : vector<16xi32>
    %ge3A_382 = arith.cmpi sge, %get3A_380, %broadcast_in_dim3A : vector<16xi32>
    %lt3A_383 = arith.constant 5120 : i32
    %lt3A_384 = vector.broadcast %lt3A_383 : i32 to vector<16xi32>
    %lt3A_385 = arith.cmpi slt, %sub3A_381, %lt3A_384 : vector<16xi32>
    %and3A_386 = arith.andi %ge3A_382, %lt3A_385 : vector<16xi1>
    %select_n3A_387 = arith.select %and3A_386, %sub3A_381, %broadcast_in_dim3A_4 : vector<16xi1>, vector<16xi32>
    %swap3A_388 = arith.constant 2 : i32
    %swap3A_389 = arith.index_cast %swap3A_388 : i32 to index
    %swap3A_390 = arith.constant 80 : index
    %swap3A_391 = tpu.vector_load %arg6[%swap3A_389, %swap3A_390] {strides = array<i32>} : memref<4x128xi32, #tpu.memory_space<vmem>>, vector<1x16xi32>,
    %swap3A_392 = vector.shape_cast %swap3A_391 : vector<1x16xi32> to vector<16xi32>
    %swap3A_393 = vector.shape_cast %select_n3A_387 : vector<16xi32> to vector<1x16xi32>
    tpu.vector_store %arg6[%swap3A_389, %swap3A_390], %swap3A_393 {strides = array<i32>} : memref<4x128xi32, #tpu.memory_space<vmem>>, vector<1x16xi32>,
    %get3A_394 = arith.constant 2 : i32
    %get3A_395 = arith.index_cast %get3A_394 : i32 to index
    %get3A_396 = arith.constant 96 : index
    %get3A_397 = tpu.vector_load %arg6[%get3A_395, %get3A_396] {strides = array<i32>} : memref<4x128xi32, #tpu.memory_space<vmem>>, vector<1x16xi32>,
    %get3A_398 = vector.shape_cast %get3A_397 : vector<1x16xi32> to vector<16xi32>
    %sub3A_399 = arith.subi %get3A_398, %broadcast_in_dim3A : vector<16xi32>
    %ge3A_400 = arith.cmpi sge, %get3A_398, %broadcast_in_dim3A : vector<16xi32>
    %lt3A_401 = arith.constant 5120 : i32
    %lt3A_402 = vector.broadcast %lt3A_401 : i32 to vector<16xi32>
    %lt3A_403 = arith.cmpi slt, %sub3A_399, %lt3A_402 : vector<16xi32>
    %and3A_404 = arith.andi %ge3A_400, %lt3A_403 : vector<16xi1>
    %select_n3A_405 = arith.select %and3A_404, %sub3A_399, %broadcast_in_dim3A_4 : vector<16xi1>, vector<16xi32>
    %swap3A_406 = arith.constant 2 : i32
    %swap3A_407 = arith.index_cast %swap3A_406 : i32 to index
    %swap3A_408 = arith.constant 96 : index
    %swap3A_409 = tpu.vector_load %arg6[%swap3A_407, %swap3A_408] {strides = array<i32>} : memref<4x128xi32, #tpu.memory_space<vmem>>, vector<1x16xi32>,
    %swap3A_410 = vector.shape_cast %swap3A_409 : vector<1x16xi32> to vector<16xi32>
    %swap3A_411 = vector.shape_cast %select_n3A_405 : vector<16xi32> to vector<1x16xi32>
    tpu.vector_store %arg6[%swap3A_407, %swap3A_408], %swap3A_411 {strides = array<i32>} : memref<4x128xi32, #tpu.memory_space<vmem>>, vector<1x16xi32>,
    %get3A_412 = arith.constant 2 : i32
    %get3A_413 = arith.index_cast %get3A_412 : i32 to index
    %get3A_414 = arith.constant 112 : index
    %get3A_415 = tpu.vector_load %arg6[%get3A_413, %get3A_414] {strides = array<i32>} : memref<4x128xi32, #tpu.memory_space<vmem>>, vector<1x16xi32>,
    %get3A_416 = vector.shape_cast %get3A_415 : vector<1x16xi32> to vector<16xi32>
    %sub3A_417 = arith.subi %get3A_416, %broadcast_in_dim3A : vector<16xi32>
    %ge3A_418 = arith.cmpi sge, %get3A_416, %broadcast_in_dim3A : vector<16xi32>
    %lt3A_419 = arith.constant 5120 : i32
    %lt3A_420 = vector.broadcast %lt3A_419 : i32 to vector<16xi32>
    %lt3A_421 = arith.cmpi slt, %sub3A_417, %lt3A_420 : vector<16xi32>
    %and3A_422 = arith.andi %ge3A_418, %lt3A_421 : vector<16xi1>
    %select_n3A_423 = arith.select %and3A_422, %sub3A_417, %broadcast_in_dim3A_4 : vector<16xi1>, vector<16xi32>
    %swap3A_424 = arith.constant 2 : i32
    %swap3A_425 = arith.index_cast %swap3A_424 : i32 to index
    %swap3A_426 = arith.constant 112 : index
    %swap3A_427 = tpu.vector_load %arg6[%swap3A_425, %swap3A_426] {strides = array<i32>} : memref<4x128xi32, #tpu.memory_space<vmem>>, vector<1x16xi32>,
    %swap3A_428 = vector.shape_cast %swap3A_427 : vector<1x16xi32> to vector<16xi32>
    %swap3A_429 = vector.shape_cast %select_n3A_423 : vector<16xi32> to vector<1x16xi32>
    tpu.vector_store %arg6[%swap3A_425, %swap3A_426], %swap3A_429 {strides = array<i32>} : memref<4x128xi32, #tpu.memory_space<vmem>>, vector<1x16xi32>,
    %get3A_430 = arith.constant 3 : i32
    %get3A_431 = arith.index_cast %get3A_430 : i32 to index
    %get3A_432 = arith.constant 0 : index
    %get3A_433 = tpu.vector_load %arg6[%get3A_431, %get3A_432] {strides = array<i32>} : memref<4x128xi32, #tpu.memory_space<vmem>>, vector<1x16xi32>,
    %get3A_434 = vector.shape_cast %get3A_433 : vector<1x16xi32> to vector<16xi32>
    %sub3A_435 = arith.subi %get3A_434, %broadcast_in_dim3A : vector<16xi32>
    %ge3A_436 = arith.cmpi sge, %get3A_434, %broadcast_in_dim3A : vector<16xi32>
    %lt3A_437 = arith.constant 5120 : i32
    %lt3A_438 = vector.broadcast %lt3A_437 : i32 to vector<16xi32>
    %lt3A_439 = arith.cmpi slt, %sub3A_435, %lt3A_438 : vector<16xi32>
    %and3A_440 = arith.andi %ge3A_436, %lt3A_439 : vector<16xi1>
    %select_n3A_441 = arith.select %and3A_440, %sub3A_435, %broadcast_in_dim3A_4 : vector<16xi1>, vector<16xi32>
    %swap3A_442 = arith.constant 3 : i32
    %swap3A_443 = arith.index_cast %swap3A_442 : i32 to index
    %swap3A_444 = arith.constant 0 : index
    %swap3A_445 = tpu.vector_load %arg6[%swap3A_443, %swap3A_444] {strides = array<i32>} : memref<4x128xi32, #tpu.memory_space<vmem>>, vector<1x16xi32>,
    %swap3A_446 = vector.shape_cast %swap3A_445 : vector<1x16xi32> to vector<16xi32>
    %swap3A_447 = vector.shape_cast %select_n3A_441 : vector<16xi32> to vector<1x16xi32>
    tpu.vector_store %arg6[%swap3A_443, %swap3A_444], %swap3A_447 {strides = array<i32>} : memref<4x128xi32, #tpu.memory_space<vmem>>, vector<1x16xi32>,
    %get3A_448 = arith.constant 3 : i32
    %get3A_449 = arith.index_cast %get3A_448 : i32 to index
    %get3A_450 = arith.constant 16 : index
    %get3A_451 = tpu.vector_load %arg6[%get3A_449, %get3A_450] {strides = array<i32>} : memref<4x128xi32, #tpu.memory_space<vmem>>, vector<1x16xi32>,
    %get3A_452 = vector.shape_cast %get3A_451 : vector<1x16xi32> to vector<16xi32>
    %sub3A_453 = arith.subi %get3A_452, %broadcast_in_dim3A : vector<16xi32>
    %ge3A_454 = arith.cmpi sge, %get3A_452, %broadcast_in_dim3A : vector<16xi32>
    %lt3A_455 = arith.constant 5120 : i32
    %lt3A_456 = vector.broadcast %lt3A_455 : i32 to vector<16xi32>
    %lt3A_457 = arith.cmpi slt, %sub3A_453, %lt3A_456 : vector<16xi32>
    %and3A_458 = arith.andi %ge3A_454, %lt3A_457 : vector<16xi1>
    %select_n3A_459 = arith.select %and3A_458, %sub3A_453, %broadcast_in_dim3A_4 : vector<16xi1>, vector<16xi32>
    %swap3A_460 = arith.constant 3 : i32
    %swap3A_461 = arith.index_cast %swap3A_460 : i32 to index
    %swap3A_462 = arith.constant 16 : index
    %swap3A_463 = tpu.vector_load %arg6[%swap3A_461, %swap3A_462] {strides = array<i32>} : memref<4x128xi32, #tpu.memory_space<vmem>>, vector<1x16xi32>,
    %swap3A_464 = vector.shape_cast %swap3A_463 : vector<1x16xi32> to vector<16xi32>
    %swap3A_465 = vector.shape_cast %select_n3A_459 : vector<16xi32> to vector<1x16xi32>
    tpu.vector_store %arg6[%swap3A_461, %swap3A_462], %swap3A_465 {strides = array<i32>} : memref<4x128xi32, #tpu.memory_space<vmem>>, vector<1x16xi32>,
    %get3A_466 = arith.constant 3 : i32
    %get3A_467 = arith.index_cast %get3A_466 : i32 to index
    %get3A_468 = arith.constant 32 : index
    %get3A_469 = tpu.vector_load %arg6[%get3A_467, %get3A_468] {strides = array<i32>} : memref<4x128xi32, #tpu.memory_space<vmem>>, vector<1x16xi32>,
    %get3A_470 = vector.shape_cast %get3A_469 : vector<1x16xi32> to vector<16xi32>
    %sub3A_471 = arith.subi %get3A_470, %broadcast_in_dim3A : vector<16xi32>
    %ge3A_472 = arith.cmpi sge, %get3A_470, %broadcast_in_dim3A : vector<16xi32>
    %lt3A_473 = arith.constant 5120 : i32
    %lt3A_474 = vector.broadcast %lt3A_473 : i32 to vector<16xi32>
    %lt3A_475 = arith.cmpi slt, %sub3A_471, %lt3A_474 : vector<16xi32>
    %and3A_476 = arith.andi %ge3A_472, %lt3A_475 : vector<16xi1>
    %select_n3A_477 = arith.select %and3A_476, %sub3A_471, %broadcast_in_dim3A_4 : vector<16xi1>, vector<16xi32>
    %swap3A_478 = arith.constant 3 : i32
    %swap3A_479 = arith.index_cast %swap3A_478 : i32 to index
    %swap3A_480 = arith.constant 32 : index
    %swap3A_481 = tpu.vector_load %arg6[%swap3A_479, %swap3A_480] {strides = array<i32>} : memref<4x128xi32, #tpu.memory_space<vmem>>, vector<1x16xi32>,
    %swap3A_482 = vector.shape_cast %swap3A_481 : vector<1x16xi32> to vector<16xi32>
    %swap3A_483 = vector.shape_cast %select_n3A_477 : vector<16xi32> to vector<1x16xi32>
    tpu.vector_store %arg6[%swap3A_479, %swap3A_480], %swap3A_483 {strides = array<i32>} : memref<4x128xi32, #tpu.memory_space<vmem>>, vector<1x16xi32>,
    %get3A_484 = arith.constant 3 : i32
    %get3A_485 = arith.index_cast %get3A_484 : i32 to index
    %get3A_486 = arith.constant 48 : index
    %get3A_487 = tpu.vector_load %arg6[%get3A_485, %get3A_486] {strides = array<i32>} : memref<4x128xi32, #tpu.memory_space<vmem>>, vector<1x16xi32>,
    %get3A_488 = vector.shape_cast %get3A_487 : vector<1x16xi32> to vector<16xi32>
    %sub3A_489 = arith.subi %get3A_488, %broadcast_in_dim3A : vector<16xi32>
    %ge3A_490 = arith.cmpi sge, %get3A_488, %broadcast_in_dim3A : vector<16xi32>
    %lt3A_491 = arith.constant 5120 : i32
    %lt3A_492 = vector.broadcast %lt3A_491 : i32 to vector<16xi32>
    %lt3A_493 = arith.cmpi slt, %sub3A_489, %lt3A_492 : vector<16xi32>
    %and3A_494 = arith.andi %ge3A_490, %lt3A_493 : vector<16xi1>
    %select_n3A_495 = arith.select %and3A_494, %sub3A_489, %broadcast_in_dim3A_4 : vector<16xi1>, vector<16xi32>
    %swap3A_496 = arith.constant 3 : i32
    %swap3A_497 = arith.index_cast %swap3A_496 : i32 to index
    %swap3A_498 = arith.constant 48 : index
    %swap3A_499 = tpu.vector_load %arg6[%swap3A_497, %swap3A_498] {strides = array<i32>} : memref<4x128xi32, #tpu.memory_space<vmem>>, vector<1x16xi32>,
    %swap3A_500 = vector.shape_cast %swap3A_499 : vector<1x16xi32> to vector<16xi32>
    %swap3A_501 = vector.shape_cast %select_n3A_495 : vector<16xi32> to vector<1x16xi32>
    tpu.vector_store %arg6[%swap3A_497, %swap3A_498], %swap3A_501 {strides = array<i32>} : memref<4x128xi32, #tpu.memory_space<vmem>>, vector<1x16xi32>,
    %get3A_502 = arith.constant 3 : i32
    %get3A_503 = arith.index_cast %get3A_502 : i32 to index
    %get3A_504 = arith.constant 64 : index
    %get3A_505 = tpu.vector_load %arg6[%get3A_503, %get3A_504] {strides = array<i32>} : memref<4x128xi32, #tpu.memory_space<vmem>>, vector<1x16xi32>,
    %get3A_506 = vector.shape_cast %get3A_505 : vector<1x16xi32> to vector<16xi32>
    %sub3A_507 = arith.subi %get3A_506, %broadcast_in_dim3A : vector<16xi32>
    %ge3A_508 = arith.cmpi sge, %get3A_506, %broadcast_in_dim3A : vector<16xi32>
    %lt3A_509 = arith.constant 5120 : i32
    %lt3A_510 = vector.broadcast %lt3A_509 : i32 to vector<16xi32>
    %lt3A_511 = arith.cmpi slt, %sub3A_507, %lt3A_510 : vector<16xi32>
    %and3A_512 = arith.andi %ge3A_508, %lt3A_511 : vector<16xi1>
    %select_n3A_513 = arith.select %and3A_512, %sub3A_507, %broadcast_in_dim3A_4 : vector<16xi1>, vector<16xi32>
    %swap3A_514 = arith.constant 3 : i32
    %swap3A_515 = arith.index_cast %swap3A_514 : i32 to index
    %swap3A_516 = arith.constant 64 : index
    %swap3A_517 = tpu.vector_load %arg6[%swap3A_515, %swap3A_516] {strides = array<i32>} : memref<4x128xi32, #tpu.memory_space<vmem>>, vector<1x16xi32>,
    %swap3A_518 = vector.shape_cast %swap3A_517 : vector<1x16xi32> to vector<16xi32>
    %swap3A_519 = vector.shape_cast %select_n3A_513 : vector<16xi32> to vector<1x16xi32>
    tpu.vector_store %arg6[%swap3A_515, %swap3A_516], %swap3A_519 {strides = array<i32>} : memref<4x128xi32, #tpu.memory_space<vmem>>, vector<1x16xi32>,
    %get3A_520 = arith.constant 3 : i32
    %get3A_521 = arith.index_cast %get3A_520 : i32 to index
    %get3A_522 = arith.constant 80 : index
    %get3A_523 = tpu.vector_load %arg6[%get3A_521, %get3A_522] {strides = array<i32>} : memref<4x128xi32, #tpu.memory_space<vmem>>, vector<1x16xi32>,
    %get3A_524 = vector.shape_cast %get3A_523 : vector<1x16xi32> to vector<16xi32>
    %sub3A_525 = arith.subi %get3A_524, %broadcast_in_dim3A : vector<16xi32>
    %ge3A_526 = arith.cmpi sge, %get3A_524, %broadcast_in_dim3A : vector<16xi32>
    %lt3A_527 = arith.constant 5120 : i32
    %lt3A_528 = vector.broadcast %lt3A_527 : i32 to vector<16xi32>
    %lt3A_529 = arith.cmpi slt, %sub3A_525, %lt3A_528 : vector<16xi32>
    %and3A_530 = arith.andi %ge3A_526, %lt3A_529 : vector<16xi1>
    %select_n3A_531 = arith.select %and3A_530, %sub3A_525, %broadcast_in_dim3A_4 : vector<16xi1>, vector<16xi32>
    %swap3A_532 = arith.constant 3 : i32
    %swap3A_533 = arith.index_cast %swap3A_532 : i32 to index
    %swap3A_534 = arith.constant 80 : index
    %swap3A_535 = tpu.vector_load %arg6[%swap3A_533, %swap3A_534] {strides = array<i32>} : memref<4x128xi32, #tpu.memory_space<vmem>>, vector<1x16xi32>,
    %swap3A_536 = vector.shape_cast %swap3A_535 : vector<1x16xi32> to vector<16xi32>
    %swap3A_537 = vector.shape_cast %select_n3A_531 : vector<16xi32> to vector<1x16xi32>
    tpu.vector_store %arg6[%swap3A_533, %swap3A_534], %swap3A_537 {strides = array<i32>} : memref<4x128xi32, #tpu.memory_space<vmem>>, vector<1x16xi32>,
    %get3A_538 = arith.constant 3 : i32
    %get3A_539 = arith.index_cast %get3A_538 : i32 to index
    %get3A_540 = arith.constant 96 : index
    %get3A_541 = tpu.vector_load %arg6[%get3A_539, %get3A_540] {strides = array<i32>} : memref<4x128xi32, #tpu.memory_space<vmem>>, vector<1x16xi32>,
    %get3A_542 = vector.shape_cast %get3A_541 : vector<1x16xi32> to vector<16xi32>
    %sub3A_543 = arith.subi %get3A_542, %broadcast_in_dim3A : vector<16xi32>
    %ge3A_544 = arith.cmpi sge, %get3A_542, %broadcast_in_dim3A : vector<16xi32>
    %lt3A_545 = arith.constant 5120 : i32
    %lt3A_546 = vector.broadcast %lt3A_545 : i32 to vector<16xi32>
    %lt3A_547 = arith.cmpi slt, %sub3A_543, %lt3A_546 : vector<16xi32>
    %and3A_548 = arith.andi %ge3A_544, %lt3A_547 : vector<16xi1>
    %select_n3A_549 = arith.select %and3A_548, %sub3A_543, %broadcast_in_dim3A_4 : vector<16xi1>, vector<16xi32>
    %swap3A_550 = arith.constant 3 : i32
    %swap3A_551 = arith.index_cast %swap3A_550 : i32 to index
    %swap3A_552 = arith.constant 96 : index
    %swap3A_553 = tpu.vector_load %arg6[%swap3A_551, %swap3A_552] {strides = array<i32>} : memref<4x128xi32, #tpu.memory_space<vmem>>, vector<1x16xi32>,
    %swap3A_554 = vector.shape_cast %swap3A_553 : vector<1x16xi32> to vector<16xi32>
    %swap3A_555 = vector.shape_cast %select_n3A_549 : vector<16xi32> to vector<1x16xi32>
    tpu.vector_store %arg6[%swap3A_551, %swap3A_552], %swap3A_555 {strides = array<i32>} : memref<4x128xi32, #tpu.memory_space<vmem>>, vector<1x16xi32>,
    %get3A_556 = arith.constant 3 : i32
    %get3A_557 = arith.index_cast %get3A_556 : i32 to index
    %get3A_558 = arith.constant 112 : index
    %get3A_559 = tpu.vector_load %arg6[%get3A_557, %get3A_558] {strides = array<i32>} : memref<4x128xi32, #tpu.memory_space<vmem>>, vector<1x16xi32>,
    %get3A_560 = vector.shape_cast %get3A_559 : vector<1x16xi32> to vector<16xi32>
    %sub3A_561 = arith.subi %get3A_560, %broadcast_in_dim3A : vector<16xi32>
    %ge3A_562 = arith.cmpi sge, %get3A_560, %broadcast_in_dim3A : vector<16xi32>
    %lt3A_563 = arith.constant 5120 : i32
    %lt3A_564 = vector.broadcast %lt3A_563 : i32 to vector<16xi32>
    %lt3A_565 = arith.cmpi slt, %sub3A_561, %lt3A_564 : vector<16xi32>
    %and3A_566 = arith.andi %ge3A_562, %lt3A_565 : vector<16xi1>
    %select_n3A_567 = arith.select %and3A_566, %sub3A_561, %broadcast_in_dim3A_4 : vector<16xi1>, vector<16xi32>
    %swap3A_568 = arith.constant 3 : i32
    %swap3A_569 = arith.index_cast %swap3A_568 : i32 to index
    %swap3A_570 = arith.constant 112 : index
    %swap3A_571 = tpu.vector_load %arg6[%swap3A_569, %swap3A_570] {strides = array<i32>} : memref<4x128xi32, #tpu.memory_space<vmem>>, vector<1x16xi32>,
    %swap3A_572 = vector.shape_cast %swap3A_571 : vector<1x16xi32> to vector<16xi32>
    %swap3A_573 = vector.shape_cast %select_n3A_567 : vector<16xi32> to vector<1x16xi32>
    tpu.vector_store %arg6[%swap3A_569, %swap3A_570], %swap3A_573 {strides = array<i32>} : memref<4x128xi32, #tpu.memory_space<vmem>>, vector<1x16xi32>,
    %barrier3A = arith.constant 0 : index
    tpu.barrier barrier_id(%barrier3A)
    %mul3A_574 = arith.constant 512 : i32
    %mul3A_575 = arith.muli %arg1, %mul3A_574 : i32
    %dma_start3A = arith.constant 0 : i32
    %dma_start3A_576 = arith.constant 0 : i32
    %dma_start3A_577 = arith.constant 0 : i32
    %dma_start3A_578 = tpu.memref_slice %arg7[%dma_start3A, %dma_start3A_576, %dma_start3A_577] : memref<2x128x128xf32, #tpu.memory_space<vmem>> -> memref<1x128x128xf32, #tpu.memory_space<vmem>>
    %dma_start3A_579 = tpu.memref_squeeze %dma_start3A_578 : memref<1x128x128xf32, #tpu.memory_space<vmem>> -> memref<128x128xf32, #tpu.memory_space<vmem>>
    %dma_start3A_580 = arith.constant 0 : i32
    %dma_start3A_581 = tpu.memref_slice %arg2[%mul3A_575, %dma_start3A_580] : memref<8192x128xf32, #tpu.memory_space<hbm>> -> memref<128x128xf32, #tpu.memory_space<hbm>>
    %dma_start3A_582 = arith.constant 0 : i32
    %dma_start3A_583 = arith.constant 0 : i32
    %dma_start3A_584 = tpu.memref_slice %arg7[%dma_start3A, %dma_start3A_582, %dma_start3A_583] : memref<2x128x128xf32, #tpu.memory_space<vmem>> -> memref<1x128x128xf32, #tpu.memory_space<vmem>>
    %dma_start3A_585 = tpu.memref_squeeze %dma_start3A_584 : memref<1x128x128xf32, #tpu.memory_space<vmem>> -> memref<128x128xf32, #tpu.memory_space<vmem>>
    %dma_start3A_586 = arith.constant 0 : i32
    %dma_start3A_587 = tpu.memref_slice %arg2[%mul3A_575, %dma_start3A_586] : memref<8192x128xf32, #tpu.memory_space<hbm>> -> memref<128x128xf32, #tpu.memory_space<hbm>>
    tpu.enqueue_dma source(%dma_start3A_587 : memref<128x128xf32, #tpu.memory_space<hbm>>) target(%dma_start3A_585 : memref<128x128xf32, #tpu.memory_space<vmem>>) target_semaphore(%arg10 : memref<!tpu.dma_semaphore, #tpu.memory_space<semaphore_mem>>)
    %mul3A_588 = arith.constant 512 : i32
    %mul3A_589 = arith.muli %arg1, %mul3A_588 : i32
    %add3A = arith.constant 128 : i32
    %add3A_590 = arith.addi %mul3A_589, %add3A : i32
    %dma_start3A_591 = arith.constant 1 : i32
    %dma_start3A_592 = arith.constant 0 : i32
    %dma_start3A_593 = arith.constant 0 : i32
    %dma_start3A_594 = tpu.memref_slice %arg7[%dma_start3A_591, %dma_start3A_592, %dma_start3A_593] : memref<2x128x128xf32, #tpu.memory_space<vmem>> -> memref<1x128x128xf32, #tpu.memory_space<vmem>>
    %dma_start3A_595 = tpu.memref_squeeze %dma_start3A_594 : memref<1x128x128xf32, #tpu.memory_space<vmem>> -> memref<128x128xf32, #tpu.memory_space<vmem>>
    %dma_start3A_596 = arith.constant 0 : i32
    %dma_start3A_597 = tpu.memref_slice %arg2[%add3A_590, %dma_start3A_596] : memref<8192x128xf32, #tpu.memory_space<hbm>> -> memref<128x128xf32, #tpu.memory_space<hbm>>
    %dma_start3A_598 = arith.constant 0 : i32
    %dma_start3A_599 = arith.constant 0 : i32
    %dma_start3A_600 = tpu.memref_slice %arg7[%dma_start3A_591, %dma_start3A_598, %dma_start3A_599] : memref<2x128x128xf32, #tpu.memory_space<vmem>> -> memref<1x128x128xf32, #tpu.memory_space<vmem>>
    %dma_start3A_601 = tpu.memref_squeeze %dma_start3A_600 : memref<1x128x128xf32, #tpu.memory_space<vmem>> -> memref<128x128xf32, #tpu.memory_space<vmem>>
    %dma_start3A_602 = arith.constant 0 : i32
    %dma_start3A_603 = tpu.memref_slice %arg2[%add3A_590, %dma_start3A_602] : memref<8192x128xf32, #tpu.memory_space<hbm>> -> memref<128x128xf32, #tpu.memory_space<hbm>>
    tpu.enqueue_dma source(%dma_start3A_603 : memref<128x128xf32, #tpu.memory_space<hbm>>) target(%dma_start3A_601 : memref<128x128xf32, #tpu.memory_space<vmem>>) target_semaphore(%arg11 : memref<!tpu.dma_semaphore, #tpu.memory_space<semaphore_mem>>)
    %dma_wait3A = arith.constant 0 : i32
    %dma_wait3A_604 = arith.constant 0 : i32
    %dma_wait3A_605 = arith.constant 0 : i32
    %dma_wait3A_606 = tpu.memref_slice %arg7[%dma_wait3A, %dma_wait3A_604, %dma_wait3A_605] : memref<2x128x128xf32, #tpu.memory_space<vmem>> -> memref<1x128x128xf32, #tpu.memory_space<vmem>>
    %dma_wait3A_607 = tpu.memref_squeeze %dma_wait3A_606 : memref<1x128x128xf32, #tpu.memory_space<vmem>> -> memref<128x128xf32, #tpu.memory_space<vmem>>
    %dma_wait3A_608 = arith.constant 0 : i32
    %dma_wait3A_609 = tpu.memref_slice %arg2[%mul3A_575, %dma_wait3A_608] : memref<8192x128xf32, #tpu.memory_space<hbm>> -> memref<128x128xf32, #tpu.memory_space<hbm>>
    %dma_wait3A_610 = arith.constant 0 : i32
    %dma_wait3A_611 = arith.constant 0 : i32
    %dma_wait3A_612 = tpu.memref_slice %arg7[%dma_wait3A, %dma_wait3A_610, %dma_wait3A_611] : memref<2x128x128xf32, #tpu.memory_space<vmem>> -> memref<1x128x128xf32, #tpu.memory_space<vmem>>
    %dma_wait3A_613 = tpu.memref_squeeze %dma_wait3A_612 : memref<1x128x128xf32, #tpu.memory_space<vmem>> -> memref<128x128xf32, #tpu.memory_space<vmem>>
    %dma_wait3A_614 = arith.constant 0 : i32
    %dma_wait3A_615 = tpu.memref_slice %arg2[%mul3A_575, %dma_wait3A_614] : memref<8192x128xf32, #tpu.memory_space<hbm>> -> memref<128x128xf32, #tpu.memory_space<hbm>>
    tpu.wait_dma2 semaphore(%arg10 : memref<!tpu.dma_semaphore, #tpu.memory_space<semaphore_mem>>) src(%dma_wait3A_615 : memref<128x128xf32, #tpu.memory_space<hbm>>) dst(%dma_wait3A_613 : memref<128x128xf32, #tpu.memory_space<vmem>>)
    %dma_start3A_616 = arith.constant 0 : i32
    %dma_start3A_617 = arith.constant 0 : i32
    %dma_start3A_618 = arith.constant 0 : i32
    %dma_start3A_619 = arith.constant 0 : i32
    %dma_start3A_620 = tpu.memref_slice %arg7[%dma_start3A_616, %dma_start3A_618, %dma_start3A_619] : memref<2x128x128xf32, #tpu.memory_space<vmem>> -> memref<1x128x128xf32, #tpu.memory_space<vmem>>
    %dma_start3A_621 = tpu.memref_squeeze %dma_start3A_620 : memref<1x128x128xf32, #tpu.memory_space<vmem>> -> memref<128x128xf32, #tpu.memory_space<vmem>>
    %dma_start3A_622 = arith.constant 0 : i32
    %dma_start3A_623 = tpu.memref_slice %arg6[%dma_start3A_617, %dma_start3A_622] : memref<4x128xi32, #tpu.memory_space<vmem>> -> memref<1x128xi32, #tpu.memory_space<vmem>>
    %dma_start3A_624 = tpu.memref_squeeze %dma_start3A_623 : memref<1x128xi32, #tpu.memory_space<vmem>> -> memref<128xi32, #tpu.memory_space<vmem>>
    %dma_start3A_625 = arith.constant 0 : i32
    %dma_start3A_626 = arith.constant 0 : i32
    %dma_start3A_627 = tpu.memref_slice %arg8[%dma_start3A_625, %dma_start3A_626] : memref<5128x128xf32, #tpu.memory_space<vmem_shared>> -> memref<5128x128xf32, #tpu.memory_space<vmem_shared>>
    tpu.enqueue_indirect_dma source(%dma_start3A_621 : memref<128x128xf32, #tpu.memory_space<vmem>>) target(%dma_start3A_627 : memref<5128x128xf32, #tpu.memory_space<vmem_shared>>) offsets(%dma_start3A_624 : memref<128xi32, #tpu.memory_space<vmem>>) semaphore(%arg9 : memref<!tpu.dma_semaphore, #tpu.memory_space<semaphore_mem>>) {add = true}
    %dma_wait3A_628 = arith.constant 0 : i32
    %dma_wait3A_629 = arith.constant 0 : i32
    %dma_wait3A_630 = arith.constant 0 : i32
    %dma_wait3A_631 = arith.constant 0 : i32
    %dma_wait3A_632 = tpu.memref_slice %arg7[%dma_wait3A_628, %dma_wait3A_630, %dma_wait3A_631] : memref<2x128x128xf32, #tpu.memory_space<vmem>> -> memref<1x128x128xf32, #tpu.memory_space<vmem>>
    %dma_wait3A_633 = tpu.memref_squeeze %dma_wait3A_632 : memref<1x128x128xf32, #tpu.memory_space<vmem>> -> memref<128x128xf32, #tpu.memory_space<vmem>>
    %dma_wait3A_634 = arith.constant 0 : i32
    %dma_wait3A_635 = tpu.memref_slice %arg6[%dma_wait3A_629, %dma_wait3A_634] : memref<4x128xi32, #tpu.memory_space<vmem>> -> memref<1x128xi32, #tpu.memory_space<vmem>>
    %dma_wait3A_636 = tpu.memref_squeeze %dma_wait3A_635 : memref<1x128xi32, #tpu.memory_space<vmem>> -> memref<128xi32, #tpu.memory_space<vmem>>
    %dma_wait3A_637 = arith.constant 0 : i32
    %dma_wait3A_638 = arith.constant 0 : i32
    %dma_wait3A_639 = tpu.memref_slice %arg8[%dma_wait3A_637, %dma_wait3A_638] : memref<5128x128xf32, #tpu.memory_space<vmem_shared>> -> memref<5128x128xf32, #tpu.memory_space<vmem_shared>>
    tpu.wait_indirect_dma semaphore(%arg9 : memref<!tpu.dma_semaphore, #tpu.memory_space<semaphore_mem>>) src(%dma_wait3A_633 : memref<128x128xf32, #tpu.memory_space<vmem>>) dst(%dma_wait3A_639 : memref<5128x128xf32, #tpu.memory_space<vmem_shared>>)
    %mul3A_640 = arith.constant 512 : i32
    %mul3A_641 = arith.muli %arg1, %mul3A_640 : i32
    %add3A_642 = arith.constant 256 : i32
    %add3A_643 = arith.addi %mul3A_641, %add3A_642 : i32
    %dma_start3A_644 = arith.constant 0 : i32
    %dma_start3A_645 = arith.constant 0 : i32
    %dma_start3A_646 = arith.constant 0 : i32
    %dma_start3A_647 = tpu.memref_slice %arg7[%dma_start3A_644, %dma_start3A_645, %dma_start3A_646] : memref<2x128x128xf32, #tpu.memory_space<vmem>> -> memref<1x128x128xf32, #tpu.memory_space<vmem>>
    %dma_start3A_648 = tpu.memref_squeeze %dma_start3A_647 : memref<1x128x128xf32, #tpu.memory_space<vmem>> -> memref<128x128xf32, #tpu.memory_space<vmem>>
    %dma_start3A_649 = arith.constant 0 : i32
    %dma_start3A_650 = tpu.memref_slice %arg2[%add3A_643, %dma_start3A_649] : memref<8192x128xf32, #tpu.memory_space<hbm>> -> memref<128x128xf32, #tpu.memory_space<hbm>>
    %dma_start3A_651 = arith.constant 0 : i32
    %dma_start3A_652 = arith.constant 0 : i32
    %dma_start3A_653 = tpu.memref_slice %arg7[%dma_start3A_644, %dma_start3A_651, %dma_start3A_652] : memref<2x128x128xf32, #tpu.memory_space<vmem>> -> memref<1x128x128xf32, #tpu.memory_space<vmem>>
    %dma_start3A_654 = tpu.memref_squeeze %dma_start3A_653 : memref<1x128x128xf32, #tpu.memory_space<vmem>> -> memref<128x128xf32, #tpu.memory_space<vmem>>
    %dma_start3A_655 = arith.constant 0 : i32
    %dma_start3A_656 = tpu.memref_slice %arg2[%add3A_643, %dma_start3A_655] : memref<8192x128xf32, #tpu.memory_space<hbm>> -> memref<128x128xf32, #tpu.memory_space<hbm>>
    tpu.enqueue_dma source(%dma_start3A_656 : memref<128x128xf32, #tpu.memory_space<hbm>>) target(%dma_start3A_654 : memref<128x128xf32, #tpu.memory_space<vmem>>) target_semaphore(%arg10 : memref<!tpu.dma_semaphore, #tpu.memory_space<semaphore_mem>>)
    %dma_wait3A_657 = arith.constant 1 : i32
    %dma_wait3A_658 = arith.constant 0 : i32
    %dma_wait3A_659 = arith.constant 0 : i32
    %dma_wait3A_660 = tpu.memref_slice %arg7[%dma_wait3A_657, %dma_wait3A_658, %dma_wait3A_659] : memref<2x128x128xf32, #tpu.memory_space<vmem>> -> memref<1x128x128xf32, #tpu.memory_space<vmem>>
    %dma_wait3A_661 = tpu.memref_squeeze %dma_wait3A_660 : memref<1x128x128xf32, #tpu.memory_space<vmem>> -> memref<128x128xf32, #tpu.memory_space<vmem>>
    %dma_wait3A_662 = arith.constant 0 : i32
    %dma_wait3A_663 = tpu.memref_slice %arg2[%add3A_590, %dma_wait3A_662] : memref<8192x128xf32, #tpu.memory_space<hbm>> -> memref<128x128xf32, #tpu.memory_space<hbm>>
    %dma_wait3A_664 = arith.constant 0 : i32
    %dma_wait3A_665 = arith.constant 0 : i32
    %dma_wait3A_666 = tpu.memref_slice %arg7[%dma_wait3A_657, %dma_wait3A_664, %dma_wait3A_665] : memref<2x128x128xf32, #tpu.memory_space<vmem>> -> memref<1x128x128xf32, #tpu.memory_space<vmem>>
    %dma_wait3A_667 = tpu.memref_squeeze %dma_wait3A_666 : memref<1x128x128xf32, #tpu.memory_space<vmem>> -> memref<128x128xf32, #tpu.memory_space<vmem>>
    %dma_wait3A_668 = arith.constant 0 : i32
    %dma_wait3A_669 = tpu.memref_slice %arg2[%add3A_590, %dma_wait3A_668] : memref<8192x128xf32, #tpu.memory_space<hbm>> -> memref<128x128xf32, #tpu.memory_space<hbm>>
    tpu.wait_dma2 semaphore(%arg11 : memref<!tpu.dma_semaphore, #tpu.memory_space<semaphore_mem>>) src(%dma_wait3A_669 : memref<128x128xf32, #tpu.memory_space<hbm>>) dst(%dma_wait3A_667 : memref<128x128xf32, #tpu.memory_space<vmem>>)
    %dma_start3A_670 = arith.constant 1 : i32
    %dma_start3A_671 = arith.constant 1 : i32
    %dma_start3A_672 = arith.constant 0 : i32
    %dma_start3A_673 = arith.constant 0 : i32
    %dma_start3A_674 = tpu.memref_slice %arg7[%dma_start3A_670, %dma_start3A_672, %dma_start3A_673] : memref<2x128x128xf32, #tpu.memory_space<vmem>> -> memref<1x128x128xf32, #tpu.memory_space<vmem>>
    %dma_start3A_675 = tpu.memref_squeeze %dma_start3A_674 : memref<1x128x128xf32, #tpu.memory_space<vmem>> -> memref<128x128xf32, #tpu.memory_space<vmem>>
    %dma_start3A_676 = arith.constant 0 : i32
    %dma_start3A_677 = tpu.memref_slice %arg6[%dma_start3A_671, %dma_start3A_676] : memref<4x128xi32, #tpu.memory_space<vmem>> -> memref<1x128xi32, #tpu.memory_space<vmem>>
    %dma_start3A_678 = tpu.memref_squeeze %dma_start3A_677 : memref<1x128xi32, #tpu.memory_space<vmem>> -> memref<128xi32, #tpu.memory_space<vmem>>
    %dma_start3A_679 = arith.constant 0 : i32
    %dma_start3A_680 = arith.constant 0 : i32
    %dma_start3A_681 = tpu.memref_slice %arg8[%dma_start3A_679, %dma_start3A_680] : memref<5128x128xf32, #tpu.memory_space<vmem_shared>> -> memref<5128x128xf32, #tpu.memory_space<vmem_shared>>
    tpu.enqueue_indirect_dma source(%dma_start3A_675 : memref<128x128xf32, #tpu.memory_space<vmem>>) target(%dma_start3A_681 : memref<5128x128xf32, #tpu.memory_space<vmem_shared>>) offsets(%dma_start3A_678 : memref<128xi32, #tpu.memory_space<vmem>>) semaphore(%arg9 : memref<!tpu.dma_semaphore, #tpu.memory_space<semaphore_mem>>) {add = true}
    %dma_wait3A_682 = arith.constant 1 : i32
    %dma_wait3A_683 = arith.constant 1 : i32
    %dma_wait3A_684 = arith.constant 0 : i32
    %dma_wait3A_685 = arith.constant 0 : i32
    %dma_wait3A_686 = tpu.memref_slice %arg7[%dma_wait3A_682, %dma_wait3A_684, %dma_wait3A_685] : memref<2x128x128xf32, #tpu.memory_space<vmem>> -> memref<1x128x128xf32, #tpu.memory_space<vmem>>
    %dma_wait3A_687 = tpu.memref_squeeze %dma_wait3A_686 : memref<1x128x128xf32, #tpu.memory_space<vmem>> -> memref<128x128xf32, #tpu.memory_space<vmem>>
    %dma_wait3A_688 = arith.constant 0 : i32
    %dma_wait3A_689 = tpu.memref_slice %arg6[%dma_wait3A_683, %dma_wait3A_688] : memref<4x128xi32, #tpu.memory_space<vmem>> -> memref<1x128xi32, #tpu.memory_space<vmem>>
    %dma_wait3A_690 = tpu.memref_squeeze %dma_wait3A_689 : memref<1x128xi32, #tpu.memory_space<vmem>> -> memref<128xi32, #tpu.memory_space<vmem>>
    %dma_wait3A_691 = arith.constant 0 : i32
    %dma_wait3A_692 = arith.constant 0 : i32
    %dma_wait3A_693 = tpu.memref_slice %arg8[%dma_wait3A_691, %dma_wait3A_692] : memref<5128x128xf32, #tpu.memory_space<vmem_shared>> -> memref<5128x128xf32, #tpu.memory_space<vmem_shared>>
    tpu.wait_indirect_dma semaphore(%arg9 : memref<!tpu.dma_semaphore, #tpu.memory_space<semaphore_mem>>) src(%dma_wait3A_687 : memref<128x128xf32, #tpu.memory_space<vmem>>) dst(%dma_wait3A_693 : memref<5128x128xf32, #tpu.memory_space<vmem_shared>>)
    %mul3A_694 = arith.constant 512 : i32
    %mul3A_695 = arith.muli %arg1, %mul3A_694 : i32
    %add3A_696 = arith.constant 384 : i32
    %add3A_697 = arith.addi %mul3A_695, %add3A_696 : i32
    %dma_start3A_698 = arith.constant 1 : i32
    %dma_start3A_699 = arith.constant 0 : i32
    %dma_start3A_700 = arith.constant 0 : i32
    %dma_start3A_701 = tpu.memref_slice %arg7[%dma_start3A_698, %dma_start3A_699, %dma_start3A_700] : memref<2x128x128xf32, #tpu.memory_space<vmem>> -> memref<1x128x128xf32, #tpu.memory_space<vmem>>
    %dma_start3A_702 = tpu.memref_squeeze %dma_start3A_701 : memref<1x128x128xf32, #tpu.memory_space<vmem>> -> memref<128x128xf32, #tpu.memory_space<vmem>>
    %dma_start3A_703 = arith.constant 0 : i32
    %dma_start3A_704 = tpu.memref_slice %arg2[%add3A_697, %dma_start3A_703] : memref<8192x128xf32, #tpu.memory_space<hbm>> -> memref<128x128xf32, #tpu.memory_space<hbm>>
    %dma_start3A_705 = arith.constant 0 : i32
    %dma_start3A_706 = arith.constant 0 : i32
    %dma_start3A_707 = tpu.memref_slice %arg7[%dma_start3A_698, %dma_start3A_705, %dma_start3A_706] : memref<2x128x128xf32, #tpu.memory_space<vmem>> -> memref<1x128x128xf32, #tpu.memory_space<vmem>>
    %dma_start3A_708 = tpu.memref_squeeze %dma_start3A_707 : memref<1x128x128xf32, #tpu.memory_space<vmem>> -> memref<128x128xf32, #tpu.memory_space<vmem>>
    %dma_start3A_709 = arith.constant 0 : i32
    %dma_start3A_710 = tpu.memref_slice %arg2[%add3A_697, %dma_start3A_709] : memref<8192x128xf32, #tpu.memory_space<hbm>> -> memref<128x128xf32, #tpu.memory_space<hbm>>
    tpu.enqueue_dma source(%dma_start3A_710 : memref<128x128xf32, #tpu.memory_space<hbm>>) target(%dma_start3A_708 : memref<128x128xf32, #tpu.memory_space<vmem>>) target_semaphore(%arg11 : memref<!tpu.dma_semaphore, #tpu.memory_space<semaphore_mem>>)
    %dma_wait3A_711 = arith.constant 0 : i32
    %dma_wait3A_712 = arith.constant 0 : i32
    %dma_wait3A_713 = arith.constant 0 : i32
    %dma_wait3A_714 = tpu.memref_slice %arg7[%dma_wait3A_711, %dma_wait3A_712, %dma_wait3A_713] : memref<2x128x128xf32, #tpu.memory_space<vmem>> -> memref<1x128x128xf32, #tpu.memory_space<vmem>>
    %dma_wait3A_715 = tpu.memref_squeeze %dma_wait3A_714 : memref<1x128x128xf32, #tpu.memory_space<vmem>> -> memref<128x128xf32, #tpu.memory_space<vmem>>
    %dma_wait3A_716 = arith.constant 0 : i32
    %dma_wait3A_717 = tpu.memref_slice %arg2[%add3A_643, %dma_wait3A_716] : memref<8192x128xf32, #tpu.memory_space<hbm>> -> memref<128x128xf32, #tpu.memory_space<hbm>>
    %dma_wait3A_718 = arith.constant 0 : i32
    %dma_wait3A_719 = arith.constant 0 : i32
    %dma_wait3A_720 = tpu.memref_slice %arg7[%dma_wait3A_711, %dma_wait3A_718, %dma_wait3A_719] : memref<2x128x128xf32, #tpu.memory_space<vmem>> -> memref<1x128x128xf32, #tpu.memory_space<vmem>>
    %dma_wait3A_721 = tpu.memref_squeeze %dma_wait3A_720 : memref<1x128x128xf32, #tpu.memory_space<vmem>> -> memref<128x128xf32, #tpu.memory_space<vmem>>
    %dma_wait3A_722 = arith.constant 0 : i32
    %dma_wait3A_723 = tpu.memref_slice %arg2[%add3A_643, %dma_wait3A_722] : memref<8192x128xf32, #tpu.memory_space<hbm>> -> memref<128x128xf32, #tpu.memory_space<hbm>>
    tpu.wait_dma2 semaphore(%arg10 : memref<!tpu.dma_semaphore, #tpu.memory_space<semaphore_mem>>) src(%dma_wait3A_723 : memref<128x128xf32, #tpu.memory_space<hbm>>) dst(%dma_wait3A_721 : memref<128x128xf32, #tpu.memory_space<vmem>>)
    %dma_start3A_724 = arith.constant 0 : i32
    %dma_start3A_725 = arith.constant 2 : i32
    %dma_start3A_726 = arith.constant 0 : i32
    %dma_start3A_727 = arith.constant 0 : i32
    %dma_start3A_728 = tpu.memref_slice %arg7[%dma_start3A_724, %dma_start3A_726, %dma_start3A_727] : memref<2x128x128xf32, #tpu.memory_space<vmem>> -> memref<1x128x128xf32, #tpu.memory_space<vmem>>
    %dma_start3A_729 = tpu.memref_squeeze %dma_start3A_728 : memref<1x128x128xf32, #tpu.memory_space<vmem>> -> memref<128x128xf32, #tpu.memory_space<vmem>>
    %dma_start3A_730 = arith.constant 0 : i32
    %dma_start3A_731 = tpu.memref_slice %arg6[%dma_start3A_725, %dma_start3A_730] : memref<4x128xi32, #tpu.memory_space<vmem>> -> memref<1x128xi32, #tpu.memory_space<vmem>>
    %dma_start3A_732 = tpu.memref_squeeze %dma_start3A_731 : memref<1x128xi32, #tpu.memory_space<vmem>> -> memref<128xi32, #tpu.memory_space<vmem>>
    %dma_start3A_733 = arith.constant 0 : i32
    %dma_start3A_734 = arith.constant 0 : i32
    %dma_start3A_735 = tpu.memref_slice %arg8[%dma_start3A_733, %dma_start3A_734] : memref<5128x128xf32, #tpu.memory_space<vmem_shared>> -> memref<5128x128xf32, #tpu.memory_space<vmem_shared>>
    tpu.enqueue_indirect_dma source(%dma_start3A_729 : memref<128x128xf32, #tpu.memory_space<vmem>>) target(%dma_start3A_735 : memref<5128x128xf32, #tpu.memory_space<vmem_shared>>) offsets(%dma_start3A_732 : memref<128xi32, #tpu.memory_space<vmem>>) semaphore(%arg9 : memref<!tpu.dma_semaphore, #tpu.memory_space<semaphore_mem>>) {add = true}
    %dma_wait3A_736 = arith.constant 0 : i32
    %dma_wait3A_737 = arith.constant 2 : i32
    %dma_wait3A_738 = arith.constant 0 : i32
    %dma_wait3A_739 = arith.constant 0 : i32
    %dma_wait3A_740 = tpu.memref_slice %arg7[%dma_wait3A_736, %dma_wait3A_738, %dma_wait3A_739] : memref<2x128x128xf32, #tpu.memory_space<vmem>> -> memref<1x128x128xf32, #tpu.memory_space<vmem>>
    %dma_wait3A_741 = tpu.memref_squeeze %dma_wait3A_740 : memref<1x128x128xf32, #tpu.memory_space<vmem>> -> memref<128x128xf32, #tpu.memory_space<vmem>>
    %dma_wait3A_742 = arith.constant 0 : i32
    %dma_wait3A_743 = tpu.memref_slice %arg6[%dma_wait3A_737, %dma_wait3A_742] : memref<4x128xi32, #tpu.memory_space<vmem>> -> memref<1x128xi32, #tpu.memory_space<vmem>>
    %dma_wait3A_744 = tpu.memref_squeeze %dma_wait3A_743 : memref<1x128xi32, #tpu.memory_space<vmem>> -> memref<128xi32, #tpu.memory_space<vmem>>
    %dma_wait3A_745 = arith.constant 0 : i32
    %dma_wait3A_746 = arith.constant 0 : i32
    %dma_wait3A_747 = tpu.memref_slice %arg8[%dma_wait3A_745, %dma_wait3A_746] : memref<5128x128xf32, #tpu.memory_space<vmem_shared>> -> memref<5128x128xf32, #tpu.memory_space<vmem_shared>>
    tpu.wait_indirect_dma semaphore(%arg9 : memref<!tpu.dma_semaphore, #tpu.memory_space<semaphore_mem>>) src(%dma_wait3A_741 : memref<128x128xf32, #tpu.memory_space<vmem>>) dst(%dma_wait3A_747 : memref<5128x128xf32, #tpu.memory_space<vmem_shared>>)
    %dma_wait3A_748 = arith.constant 1 : i32
    %dma_wait3A_749 = arith.constant 0 : i32
    %dma_wait3A_750 = arith.constant 0 : i32
    %dma_wait3A_751 = tpu.memref_slice %arg7[%dma_wait3A_748, %dma_wait3A_749, %dma_wait3A_750] : memref<2x128x128xf32, #tpu.memory_space<vmem>> -> memref<1x128x128xf32, #tpu.memory_space<vmem>>
    %dma_wait3A_752 = tpu.memref_squeeze %dma_wait3A_751 : memref<1x128x128xf32, #tpu.memory_space<vmem>> -> memref<128x128xf32, #tpu.memory_space<vmem>>
    %dma_wait3A_753 = arith.constant 0 : i32
    %dma_wait3A_754 = tpu.memref_slice %arg2[%add3A_697, %dma_wait3A_753] : memref<8192x128xf32, #tpu.memory_space<hbm>> -> memref<128x128xf32, #tpu.memory_space<hbm>>
    %dma_wait3A_755 = arith.constant 0 : i32
    %dma_wait3A_756 = arith.constant 0 : i32
    %dma_wait3A_757 = tpu.memref_slice %arg7[%dma_wait3A_748, %dma_wait3A_755, %dma_wait3A_756] : memref<2x128x128xf32, #tpu.memory_space<vmem>> -> memref<1x128x128xf32, #tpu.memory_space<vmem>>
    %dma_wait3A_758 = tpu.memref_squeeze %dma_wait3A_757 : memref<1x128x128xf32, #tpu.memory_space<vmem>> -> memref<128x128xf32, #tpu.memory_space<vmem>>
    %dma_wait3A_759 = arith.constant 0 : i32
    %dma_wait3A_760 = tpu.memref_slice %arg2[%add3A_697, %dma_wait3A_759] : memref<8192x128xf32, #tpu.memory_space<hbm>> -> memref<128x128xf32, #tpu.memory_space<hbm>>
    tpu.wait_dma2 semaphore(%arg11 : memref<!tpu.dma_semaphore, #tpu.memory_space<semaphore_mem>>) src(%dma_wait3A_760 : memref<128x128xf32, #tpu.memory_space<hbm>>) dst(%dma_wait3A_758 : memref<128x128xf32, #tpu.memory_space<vmem>>)
    %dma_start3A_761 = arith.constant 1 : i32
    %dma_start3A_762 = arith.constant 3 : i32
    %dma_start3A_763 = arith.constant 0 : i32
    %dma_start3A_764 = arith.constant 0 : i32
    %dma_start3A_765 = tpu.memref_slice %arg7[%dma_start3A_761, %dma_start3A_763, %dma_start3A_764] : memref<2x128x128xf32, #tpu.memory_space<vmem>> -> memref<1x128x128xf32, #tpu.memory_space<vmem>>
    %dma_start3A_766 = tpu.memref_squeeze %dma_start3A_765 : memref<1x128x128xf32, #tpu.memory_space<vmem>> -> memref<128x128xf32, #tpu.memory_space<vmem>>
    %dma_start3A_767 = arith.constant 0 : i32
    %dma_start3A_768 = tpu.memref_slice %arg6[%dma_start3A_762, %dma_start3A_767] : memref<4x128xi32, #tpu.memory_space<vmem>> -> memref<1x128xi32, #tpu.memory_space<vmem>>
    %dma_start3A_769 = tpu.memref_squeeze %dma_start3A_768 : memref<1x128xi32, #tpu.memory_space<vmem>> -> memref<128xi32, #tpu.memory_space<vmem>>
    %dma_start3A_770 = arith.constant 0 : i32
    %dma_start3A_771 = arith.constant 0 : i32
    %dma_start3A_772 = tpu.memref_slice %arg8[%dma_start3A_770, %dma_start3A_771] : memref<5128x128xf32, #tpu.memory_space<vmem_shared>> -> memref<5128x128xf32, #tpu.memory_space<vmem_shared>>
    tpu.enqueue_indirect_dma source(%dma_start3A_766 : memref<128x128xf32, #tpu.memory_space<vmem>>) target(%dma_start3A_772 : memref<5128x128xf32, #tpu.memory_space<vmem_shared>>) offsets(%dma_start3A_769 : memref<128xi32, #tpu.memory_space<vmem>>) semaphore(%arg9 : memref<!tpu.dma_semaphore, #tpu.memory_space<semaphore_mem>>) {add = true}
    %dma_wait3A_773 = arith.constant 1 : i32
    %dma_wait3A_774 = arith.constant 3 : i32
    %dma_wait3A_775 = arith.constant 0 : i32
    %dma_wait3A_776 = arith.constant 0 : i32
    %dma_wait3A_777 = tpu.memref_slice %arg7[%dma_wait3A_773, %dma_wait3A_775, %dma_wait3A_776] : memref<2x128x128xf32, #tpu.memory_space<vmem>> -> memref<1x128x128xf32, #tpu.memory_space<vmem>>
    %dma_wait3A_778 = tpu.memref_squeeze %dma_wait3A_777 : memref<1x128x128xf32, #tpu.memory_space<vmem>> -> memref<128x128xf32, #tpu.memory_space<vmem>>
    %dma_wait3A_779 = arith.constant 0 : i32
    %dma_wait3A_780 = tpu.memref_slice %arg6[%dma_wait3A_774, %dma_wait3A_779] : memref<4x128xi32, #tpu.memory_space<vmem>> -> memref<1x128xi32, #tpu.memory_space<vmem>>
    %dma_wait3A_781 = tpu.memref_squeeze %dma_wait3A_780 : memref<1x128xi32, #tpu.memory_space<vmem>> -> memref<128xi32, #tpu.memory_space<vmem>>
    %dma_wait3A_782 = arith.constant 0 : i32
    %dma_wait3A_783 = arith.constant 0 : i32
    %dma_wait3A_784 = tpu.memref_slice %arg8[%dma_wait3A_782, %dma_wait3A_783] : memref<5128x128xf32, #tpu.memory_space<vmem_shared>> -> memref<5128x128xf32, #tpu.memory_space<vmem_shared>>
    tpu.wait_indirect_dma semaphore(%arg9 : memref<!tpu.dma_semaphore, #tpu.memory_space<semaphore_mem>>) src(%dma_wait3A_778 : memref<128x128xf32, #tpu.memory_space<vmem>>) dst(%dma_wait3A_784 : memref<5128x128xf32, #tpu.memory_space<vmem_shared>>)
    %barrier3A_785 = arith.constant 0 : index
    tpu.barrier barrier_id(%barrier3A_785)
    %mul3A_786 = arith.constant 320 : i32
    %mul3A_787 = arith.muli %arg1, %mul3A_786 : i32
    %mul3A_788 = arith.constant 5120 : i32
    %mul3A_789 = arith.muli %arg0, %mul3A_788 : i32
    %mul3A_790 = arith.constant 320 : i32
    %mul3A_791 = arith.muli %arg1, %mul3A_790 : i32
    %add3A_792 = arith.addi %mul3A_789, %mul3A_791 : i32
    "tpu.region"() ({
      %run_scoped3A = tpu.sem_alloc : memref<!tpu.dma_semaphore, #tpu.memory_space<semaphore_mem>>
      %dma_start3A_793 = arith.constant 0 : i32
      %dma_start3A_794 = tpu.memref_slice %arg5[%add3A_792, %dma_start3A_793] : memref<10240x128xf32, #tpu.memory_space<hbm>> -> memref<320x128xf32, #tpu.memory_space<hbm>>
      %dma_start3A_795 = arith.constant 0 : i32
      %dma_start3A_796 = tpu.memref_slice %arg8[%mul3A_787, %dma_start3A_795] : memref<5128x128xf32, #tpu.memory_space<vmem_shared>> -> memref<320x128xf32, #tpu.memory_space<vmem_shared>>
      tpu.enqueue_dma source(%dma_start3A_796 : memref<320x128xf32, #tpu.memory_space<vmem_shared>>) target(%dma_start3A_794 : memref<320x128xf32, #tpu.memory_space<hbm>>) target_semaphore(%run_scoped3A : memref<!tpu.dma_semaphore, #tpu.memory_space<semaphore_mem>>)
      %dma_wait3A_797 = arith.constant 0 : i32
      %dma_wait3A_798 = tpu.memref_slice %arg5[%add3A_792, %dma_wait3A_797] : memref<10240x128xf32, #tpu.memory_space<hbm>> -> memref<320x128xf32, #tpu.memory_space<hbm>>
      %dma_wait3A_799 = arith.constant 0 : i32
      %dma_wait3A_800 = tpu.memref_slice %arg8[%mul3A_787, %dma_wait3A_799] : memref<5128x128xf32, #tpu.memory_space<vmem_shared>> -> memref<320x128xf32, #tpu.memory_space<vmem_shared>>
      tpu.wait_dma2 semaphore(%run_scoped3A : memref<!tpu.dma_semaphore, #tpu.memory_space<semaphore_mem>>) src(%dma_wait3A_800 : memref<320x128xf32, #tpu.memory_space<vmem_shared>>) dst(%dma_wait3A_798 : memref<320x128xf32, #tpu.memory_space<hbm>>)
      tpu.yield
    }) : () -> ()
    return
  }
}

#map = affine_map<(d0, d1) -> (0, 0)>
#map1 = affine_map<(d0, d1) -> (0, 0, 0)>
module attributes {stable_mosaic.version = 14 : i64} {
  func.func @gk(%arg0: i32, %arg1: i32, %arg2: memref<10000x128xf32, #tpu.memory_space<hbm>>, %arg3: memref<32x2x128xi32, #tpu.memory_space<hbm>>, %arg4: memref<8192x128xf32, #tpu.memory_space<hbm>>, %arg5: memref<2x128xi32, #tpu.memory_space<vmem>>, %arg6: memref<256x128xf32, #tpu.memory_space<vmem>>, %arg7: memref<!tpu.dma_semaphore, #tpu.memory_space<semaphore_mem>>, %arg8: memref<!tpu.dma_semaphore, #tpu.memory_space<semaphore_mem>>) attributes {dimension_semantics = [#tpu.dimension_semantics<core_parallel>, #tpu.dimension_semantics<subcore_parallel>], iteration_bounds = array<i64: 2, 16>, scalar_prefetch = 0 : i64, scratch_operands = 4 : i64, tpu.core_type = #tpu.core_type<sc_vector_subcore>, window_params = [{transform_indices = #map}, {transform_indices = #map1}, {transform_indices = #map}]} {
    %mul3A = arith.constant 2 : i32
    %mul3A_0 = arith.muli %arg1, %mul3A : i32
    %add3A = arith.addi %mul3A_0, %arg0 : i32
    "tpu.region"() ({
      %run_scoped3A = tpu.sem_alloc : memref<!tpu.dma_semaphore, #tpu.memory_space<semaphore_mem>>
      %dma_start3A_87 = arith.constant 0 : i32
      %dma_start3A_88 = arith.constant 0 : i32
      %dma_start3A_89 = tpu.memref_slice %arg3[%add3A, %dma_start3A_87, %dma_start3A_88] : memref<32x2x128xi32, #tpu.memory_space<hbm>> -> memref<1x2x128xi32, #tpu.memory_space<hbm>>
      %dma_start3A_90 = tpu.memref_squeeze %dma_start3A_89 : memref<1x2x128xi32, #tpu.memory_space<hbm>> -> memref<2x128xi32, #tpu.memory_space<hbm>>
      %dma_start3A_91 = arith.constant 0 : i32
      %dma_start3A_92 = arith.constant 0 : i32
      %dma_start3A_93 = tpu.memref_slice %arg3[%add3A, %dma_start3A_91, %dma_start3A_92] : memref<32x2x128xi32, #tpu.memory_space<hbm>> -> memref<1x2x128xi32, #tpu.memory_space<hbm>>
      %dma_start3A_94 = tpu.memref_squeeze %dma_start3A_93 : memref<1x2x128xi32, #tpu.memory_space<hbm>> -> memref<2x128xi32, #tpu.memory_space<hbm>>
      tpu.enqueue_dma source(%dma_start3A_94 : memref<2x128xi32, #tpu.memory_space<hbm>>) target(%arg5 : memref<2x128xi32, #tpu.memory_space<vmem>>) target_semaphore(%run_scoped3A : memref<!tpu.dma_semaphore, #tpu.memory_space<semaphore_mem>>)
      %dma_wait3A_95 = arith.constant 0 : i32
      %dma_wait3A_96 = arith.constant 0 : i32
      %dma_wait3A_97 = tpu.memref_slice %arg3[%add3A, %dma_wait3A_95, %dma_wait3A_96] : memref<32x2x128xi32, #tpu.memory_space<hbm>> -> memref<1x2x128xi32, #tpu.memory_space<hbm>>
      %dma_wait3A_98 = tpu.memref_squeeze %dma_wait3A_97 : memref<1x2x128xi32, #tpu.memory_space<hbm>> -> memref<2x128xi32, #tpu.memory_space<hbm>>
      %dma_wait3A_99 = arith.constant 0 : i32
      %dma_wait3A_100 = arith.constant 0 : i32
      %dma_wait3A_101 = tpu.memref_slice %arg3[%add3A, %dma_wait3A_99, %dma_wait3A_100] : memref<32x2x128xi32, #tpu.memory_space<hbm>> -> memref<1x2x128xi32, #tpu.memory_space<hbm>>
      %dma_wait3A_102 = tpu.memref_squeeze %dma_wait3A_101 : memref<1x2x128xi32, #tpu.memory_space<hbm>> -> memref<2x128xi32, #tpu.memory_space<hbm>>
      tpu.wait_dma2 semaphore(%run_scoped3A : memref<!tpu.dma_semaphore, #tpu.memory_space<semaphore_mem>>) src(%dma_wait3A_102 : memref<2x128xi32, #tpu.memory_space<hbm>>) dst(%arg5 : memref<2x128xi32, #tpu.memory_space<vmem>>)
      tpu.yield
    }) : () -> ()
    %dma_start3A = arith.constant 0 : i32
    %dma_start3A_1 = arith.constant 0 : i32
    %dma_start3A_2 = arith.constant 0 : i32
    %dma_start3A_3 = tpu.memref_slice %arg6[%dma_start3A_1, %dma_start3A_2] : memref<256x128xf32, #tpu.memory_space<vmem>> -> memref<128x128xf32, #tpu.memory_space<vmem>>
    %dma_start3A_4 = arith.constant 0 : i32
    %dma_start3A_5 = tpu.memref_slice %arg5[%dma_start3A, %dma_start3A_4] : memref<2x128xi32, #tpu.memory_space<vmem>> -> memref<1x128xi32, #tpu.memory_space<vmem>>
    %dma_start3A_6 = tpu.memref_squeeze %dma_start3A_5 : memref<1x128xi32, #tpu.memory_space<vmem>> -> memref<128xi32, #tpu.memory_space<vmem>>
    %dma_start3A_7 = arith.constant 0 : i32
    %dma_start3A_8 = arith.constant 0 : i32
    %dma_start3A_9 = tpu.memref_slice %arg2[%dma_start3A_7, %dma_start3A_8] : memref<10000x128xf32, #tpu.memory_space<hbm>> -> memref<10000x128xf32, #tpu.memory_space<hbm>>
    tpu.enqueue_indirect_dma source(%dma_start3A_9 : memref<10000x128xf32, #tpu.memory_space<hbm>>) target(%dma_start3A_3 : memref<128x128xf32, #tpu.memory_space<vmem>>) offsets(%dma_start3A_6 : memref<128xi32, #tpu.memory_space<vmem>>) semaphore(%arg7 : memref<!tpu.dma_semaphore, #tpu.memory_space<semaphore_mem>>)
    %dma_start3A_10 = arith.constant 1 : i32
    %dma_start3A_11 = arith.constant 128 : i32
    %dma_start3A_12 = arith.constant 0 : i32
    %dma_start3A_13 = tpu.memref_slice %arg6[%dma_start3A_11, %dma_start3A_12] : memref<256x128xf32, #tpu.memory_space<vmem>> -> memref<128x128xf32, #tpu.memory_space<vmem>>
    %dma_start3A_14 = arith.constant 0 : i32
    %dma_start3A_15 = tpu.memref_slice %arg5[%dma_start3A_10, %dma_start3A_14] : memref<2x128xi32, #tpu.memory_space<vmem>> -> memref<1x128xi32, #tpu.memory_space<vmem>>
    %dma_start3A_16 = tpu.memref_squeeze %dma_start3A_15 : memref<1x128xi32, #tpu.memory_space<vmem>> -> memref<128xi32, #tpu.memory_space<vmem>>
    %dma_start3A_17 = arith.constant 0 : i32
    %dma_start3A_18 = arith.constant 0 : i32
    %dma_start3A_19 = tpu.memref_slice %arg2[%dma_start3A_17, %dma_start3A_18] : memref<10000x128xf32, #tpu.memory_space<hbm>> -> memref<10000x128xf32, #tpu.memory_space<hbm>>
    tpu.enqueue_indirect_dma source(%dma_start3A_19 : memref<10000x128xf32, #tpu.memory_space<hbm>>) target(%dma_start3A_13 : memref<128x128xf32, #tpu.memory_space<vmem>>) offsets(%dma_start3A_16 : memref<128xi32, #tpu.memory_space<vmem>>) semaphore(%arg7 : memref<!tpu.dma_semaphore, #tpu.memory_space<semaphore_mem>>)
    %dma_wait3A = arith.constant 0 : i32
    %dma_wait3A_20 = arith.constant 0 : i32
    %dma_wait3A_21 = arith.constant 0 : i32
    %dma_wait3A_22 = tpu.memref_slice %arg6[%dma_wait3A_20, %dma_wait3A_21] : memref<256x128xf32, #tpu.memory_space<vmem>> -> memref<128x128xf32, #tpu.memory_space<vmem>>
    %dma_wait3A_23 = arith.constant 0 : i32
    %dma_wait3A_24 = tpu.memref_slice %arg5[%dma_wait3A, %dma_wait3A_23] : memref<2x128xi32, #tpu.memory_space<vmem>> -> memref<1x128xi32, #tpu.memory_space<vmem>>
    %dma_wait3A_25 = tpu.memref_squeeze %dma_wait3A_24 : memref<1x128xi32, #tpu.memory_space<vmem>> -> memref<128xi32, #tpu.memory_space<vmem>>
    %dma_wait3A_26 = arith.constant 0 : i32
    %dma_wait3A_27 = arith.constant 0 : i32
    %dma_wait3A_28 = tpu.memref_slice %arg2[%dma_wait3A_26, %dma_wait3A_27] : memref<10000x128xf32, #tpu.memory_space<hbm>> -> memref<10000x128xf32, #tpu.memory_space<hbm>>
    tpu.wait_indirect_dma semaphore(%arg7 : memref<!tpu.dma_semaphore, #tpu.memory_space<semaphore_mem>>) src(%dma_wait3A_28 : memref<10000x128xf32, #tpu.memory_space<hbm>>) dst(%dma_wait3A_22 : memref<128x128xf32, #tpu.memory_space<vmem>>)
    %mul3A_29 = arith.constant 256 : i32
    %mul3A_30 = arith.muli %add3A, %mul3A_29 : i32
    %add3A_31 = arith.constant 0 : i32
    %add3A_32 = arith.addi %mul3A_30, %add3A_31 : i32
    %dma_start3A_33 = arith.constant 0 : i32
    %dma_start3A_34 = arith.constant 0 : i32
    %dma_start3A_35 = tpu.memref_slice %arg6[%dma_start3A_33, %dma_start3A_34] : memref<256x128xf32, #tpu.memory_space<vmem>> -> memref<128x128xf32, #tpu.memory_space<vmem>>
    %dma_start3A_36 = arith.constant 0 : i32
    %dma_start3A_37 = tpu.memref_slice %arg4[%add3A_32, %dma_start3A_36] : memref<8192x128xf32, #tpu.memory_space<hbm>> -> memref<128x128xf32, #tpu.memory_space<hbm>>
    %dma_start3A_38 = arith.constant 0 : i32
    %dma_start3A_39 = tpu.memref_slice %arg4[%add3A_32, %dma_start3A_38] : memref<8192x128xf32, #tpu.memory_space<hbm>> -> memref<128x128xf32, #tpu.memory_space<hbm>>
    %dma_start3A_40 = arith.constant 0 : i32
    %dma_start3A_41 = arith.constant 0 : i32
    %dma_start3A_42 = tpu.memref_slice %arg6[%dma_start3A_40, %dma_start3A_41] : memref<256x128xf32, #tpu.memory_space<vmem>> -> memref<128x128xf32, #tpu.memory_space<vmem>>
    tpu.enqueue_dma source(%dma_start3A_42 : memref<128x128xf32, #tpu.memory_space<vmem>>) target(%dma_start3A_39 : memref<128x128xf32, #tpu.memory_space<hbm>>) target_semaphore(%arg8 : memref<!tpu.dma_semaphore, #tpu.memory_space<semaphore_mem>>)
    %dma_wait3A_43 = arith.constant 1 : i32
    %dma_wait3A_44 = arith.constant 128 : i32
    %dma_wait3A_45 = arith.constant 0 : i32
    %dma_wait3A_46 = tpu.memref_slice %arg6[%dma_wait3A_44, %dma_wait3A_45] : memref<256x128xf32, #tpu.memory_space<vmem>> -> memref<128x128xf32, #tpu.memory_space<vmem>>
    %dma_wait3A_47 = arith.constant 0 : i32
    %dma_wait3A_48 = tpu.memref_slice %arg5[%dma_wait3A_43, %dma_wait3A_47] : memref<2x128xi32, #tpu.memory_space<vmem>> -> memref<1x128xi32, #tpu.memory_space<vmem>>
    %dma_wait3A_49 = tpu.memref_squeeze %dma_wait3A_48 : memref<1x128xi32, #tpu.memory_space<vmem>> -> memref<128xi32, #tpu.memory_space<vmem>>
    %dma_wait3A_50 = arith.constant 0 : i32
    %dma_wait3A_51 = arith.constant 0 : i32
    %dma_wait3A_52 = tpu.memref_slice %arg2[%dma_wait3A_50, %dma_wait3A_51] : memref<10000x128xf32, #tpu.memory_space<hbm>> -> memref<10000x128xf32, #tpu.memory_space<hbm>>
    tpu.wait_indirect_dma semaphore(%arg7 : memref<!tpu.dma_semaphore, #tpu.memory_space<semaphore_mem>>) src(%dma_wait3A_52 : memref<10000x128xf32, #tpu.memory_space<hbm>>) dst(%dma_wait3A_46 : memref<128x128xf32, #tpu.memory_space<vmem>>)
    %mul3A_53 = arith.constant 256 : i32
    %mul3A_54 = arith.muli %add3A, %mul3A_53 : i32
    %add3A_55 = arith.constant 128 : i32
    %add3A_56 = arith.addi %mul3A_54, %add3A_55 : i32
    %dma_start3A_57 = arith.constant 128 : i32
    %dma_start3A_58 = arith.constant 0 : i32
    %dma_start3A_59 = tpu.memref_slice %arg6[%dma_start3A_57, %dma_start3A_58] : memref<256x128xf32, #tpu.memory_space<vmem>> -> memref<128x128xf32, #tpu.memory_space<vmem>>
    %dma_start3A_60 = arith.constant 0 : i32
    %dma_start3A_61 = tpu.memref_slice %arg4[%add3A_56, %dma_start3A_60] : memref<8192x128xf32, #tpu.memory_space<hbm>> -> memref<128x128xf32, #tpu.memory_space<hbm>>
    %dma_start3A_62 = arith.constant 0 : i32
    %dma_start3A_63 = tpu.memref_slice %arg4[%add3A_56, %dma_start3A_62] : memref<8192x128xf32, #tpu.memory_space<hbm>> -> memref<128x128xf32, #tpu.memory_space<hbm>>
    %dma_start3A_64 = arith.constant 128 : i32
    %dma_start3A_65 = arith.constant 0 : i32
    %dma_start3A_66 = tpu.memref_slice %arg6[%dma_start3A_64, %dma_start3A_65] : memref<256x128xf32, #tpu.memory_space<vmem>> -> memref<128x128xf32, #tpu.memory_space<vmem>>
    tpu.enqueue_dma source(%dma_start3A_66 : memref<128x128xf32, #tpu.memory_space<vmem>>) target(%dma_start3A_63 : memref<128x128xf32, #tpu.memory_space<hbm>>) target_semaphore(%arg8 : memref<!tpu.dma_semaphore, #tpu.memory_space<semaphore_mem>>)
    %dma_wait3A_67 = arith.constant 0 : i32
    %dma_wait3A_68 = arith.constant 0 : i32
    %dma_wait3A_69 = tpu.memref_slice %arg6[%dma_wait3A_67, %dma_wait3A_68] : memref<256x128xf32, #tpu.memory_space<vmem>> -> memref<128x128xf32, #tpu.memory_space<vmem>>
    %dma_wait3A_70 = arith.constant 0 : i32
    %dma_wait3A_71 = tpu.memref_slice %arg4[%add3A_32, %dma_wait3A_70] : memref<8192x128xf32, #tpu.memory_space<hbm>> -> memref<128x128xf32, #tpu.memory_space<hbm>>
    %dma_wait3A_72 = arith.constant 0 : i32
    %dma_wait3A_73 = tpu.memref_slice %arg4[%add3A_32, %dma_wait3A_72] : memref<8192x128xf32, #tpu.memory_space<hbm>> -> memref<128x128xf32, #tpu.memory_space<hbm>>
    %dma_wait3A_74 = arith.constant 0 : i32
    %dma_wait3A_75 = arith.constant 0 : i32
    %dma_wait3A_76 = tpu.memref_slice %arg6[%dma_wait3A_74, %dma_wait3A_75] : memref<256x128xf32, #tpu.memory_space<vmem>> -> memref<128x128xf32, #tpu.memory_space<vmem>>
    tpu.wait_dma2 semaphore(%arg8 : memref<!tpu.dma_semaphore, #tpu.memory_space<semaphore_mem>>) src(%dma_wait3A_76 : memref<128x128xf32, #tpu.memory_space<vmem>>) dst(%dma_wait3A_73 : memref<128x128xf32, #tpu.memory_space<hbm>>)
    %dma_wait3A_77 = arith.constant 128 : i32
    %dma_wait3A_78 = arith.constant 0 : i32
    %dma_wait3A_79 = tpu.memref_slice %arg6[%dma_wait3A_77, %dma_wait3A_78] : memref<256x128xf32, #tpu.memory_space<vmem>> -> memref<128x128xf32, #tpu.memory_space<vmem>>
    %dma_wait3A_80 = arith.constant 0 : i32
    %dma_wait3A_81 = tpu.memref_slice %arg4[%add3A_56, %dma_wait3A_80] : memref<8192x128xf32, #tpu.memory_space<hbm>> -> memref<128x128xf32, #tpu.memory_space<hbm>>
    %dma_wait3A_82 = arith.constant 0 : i32
    %dma_wait3A_83 = tpu.memref_slice %arg4[%add3A_56, %dma_wait3A_82] : memref<8192x128xf32, #tpu.memory_space<hbm>> -> memref<128x128xf32, #tpu.memory_space<hbm>>
    %dma_wait3A_84 = arith.constant 128 : i32
    %dma_wait3A_85 = arith.constant 0 : i32
    %dma_wait3A_86 = tpu.memref_slice %arg6[%dma_wait3A_84, %dma_wait3A_85] : memref<256x128xf32, #tpu.memory_space<vmem>> -> memref<128x128xf32, #tpu.memory_space<vmem>>
    tpu.wait_dma2 semaphore(%arg8 : memref<!tpu.dma_semaphore, #tpu.memory_space<semaphore_mem>>) src(%dma_wait3A_86 : memref<128x128xf32, #tpu.memory_space<vmem>>) dst(%dma_wait3A_83 : memref<128x128xf32, #tpu.memory_space<hbm>>)
    return
  }
}

#map = affine_map<(d0, d1) -> (0, 0)>
#map1 = affine_map<(d0, d1) -> (0, 0, 0)>
module attributes {stable_mosaic.version = 14 : i64} {
  func.func @gk(%arg0: i32, %arg1: i32, %arg2: memref<10000x128xf32, #tpu.memory_space<hbm>>, %arg3: memref<32x1x128xi32, #tpu.memory_space<hbm>>, %arg4: memref<4096x128xf32, #tpu.memory_space<hbm>>, %arg5: memref<1x128xi32, #tpu.memory_space<vmem>>, %arg6: memref<128x128xf32, #tpu.memory_space<vmem>>, %arg7: memref<!tpu.dma_semaphore, #tpu.memory_space<semaphore_mem>>, %arg8: memref<!tpu.dma_semaphore, #tpu.memory_space<semaphore_mem>>) attributes {dimension_semantics = [#tpu.dimension_semantics<core_parallel>, #tpu.dimension_semantics<subcore_parallel>], iteration_bounds = array<i64: 2, 16>, scalar_prefetch = 0 : i64, scratch_operands = 4 : i64, tpu.core_type = #tpu.core_type<sc_vector_subcore>, window_params = [{transform_indices = #map}, {transform_indices = #map1}, {transform_indices = #map}]} {
    %mul3A = arith.constant 2 : i32
    %mul3A_0 = arith.muli %arg1, %mul3A : i32
    %add3A = arith.addi %mul3A_0, %arg0 : i32
    "tpu.region"() ({
      %run_scoped3A = tpu.sem_alloc : memref<!tpu.dma_semaphore, #tpu.memory_space<semaphore_mem>>
      %dma_start3A_43 = arith.constant 0 : i32
      %dma_start3A_44 = arith.constant 0 : i32
      %dma_start3A_45 = tpu.memref_slice %arg3[%add3A, %dma_start3A_43, %dma_start3A_44] : memref<32x1x128xi32, #tpu.memory_space<hbm>> -> memref<1x1x128xi32, #tpu.memory_space<hbm>>
      %dma_start3A_46 = tpu.memref_squeeze %dma_start3A_45 : memref<1x1x128xi32, #tpu.memory_space<hbm>> -> memref<1x128xi32, #tpu.memory_space<hbm>>
      %dma_start3A_47 = arith.constant 0 : i32
      %dma_start3A_48 = arith.constant 0 : i32
      %dma_start3A_49 = tpu.memref_slice %arg3[%add3A, %dma_start3A_47, %dma_start3A_48] : memref<32x1x128xi32, #tpu.memory_space<hbm>> -> memref<1x1x128xi32, #tpu.memory_space<hbm>>
      %dma_start3A_50 = tpu.memref_squeeze %dma_start3A_49 : memref<1x1x128xi32, #tpu.memory_space<hbm>> -> memref<1x128xi32, #tpu.memory_space<hbm>>
      tpu.enqueue_dma source(%dma_start3A_50 : memref<1x128xi32, #tpu.memory_space<hbm>>) target(%arg5 : memref<1x128xi32, #tpu.memory_space<vmem>>) target_semaphore(%run_scoped3A : memref<!tpu.dma_semaphore, #tpu.memory_space<semaphore_mem>>)
      %dma_wait3A_51 = arith.constant 0 : i32
      %dma_wait3A_52 = arith.constant 0 : i32
      %dma_wait3A_53 = tpu.memref_slice %arg3[%add3A, %dma_wait3A_51, %dma_wait3A_52] : memref<32x1x128xi32, #tpu.memory_space<hbm>> -> memref<1x1x128xi32, #tpu.memory_space<hbm>>
      %dma_wait3A_54 = tpu.memref_squeeze %dma_wait3A_53 : memref<1x1x128xi32, #tpu.memory_space<hbm>> -> memref<1x128xi32, #tpu.memory_space<hbm>>
      %dma_wait3A_55 = arith.constant 0 : i32
      %dma_wait3A_56 = arith.constant 0 : i32
      %dma_wait3A_57 = tpu.memref_slice %arg3[%add3A, %dma_wait3A_55, %dma_wait3A_56] : memref<32x1x128xi32, #tpu.memory_space<hbm>> -> memref<1x1x128xi32, #tpu.memory_space<hbm>>
      %dma_wait3A_58 = tpu.memref_squeeze %dma_wait3A_57 : memref<1x1x128xi32, #tpu.memory_space<hbm>> -> memref<1x128xi32, #tpu.memory_space<hbm>>
      tpu.wait_dma2 semaphore(%run_scoped3A : memref<!tpu.dma_semaphore, #tpu.memory_space<semaphore_mem>>) src(%dma_wait3A_58 : memref<1x128xi32, #tpu.memory_space<hbm>>) dst(%arg5 : memref<1x128xi32, #tpu.memory_space<vmem>>)
      tpu.yield
    }) : () -> ()
    %dma_start3A = arith.constant 0 : i32
    %dma_start3A_1 = arith.constant 0 : i32
    %dma_start3A_2 = arith.constant 0 : i32
    %dma_start3A_3 = tpu.memref_slice %arg6[%dma_start3A_1, %dma_start3A_2] : memref<128x128xf32, #tpu.memory_space<vmem>> -> memref<128x128xf32, #tpu.memory_space<vmem>>
    %dma_start3A_4 = arith.constant 0 : i32
    %dma_start3A_5 = tpu.memref_slice %arg5[%dma_start3A, %dma_start3A_4] : memref<1x128xi32, #tpu.memory_space<vmem>> -> memref<1x128xi32, #tpu.memory_space<vmem>>
    %dma_start3A_6 = tpu.memref_squeeze %dma_start3A_5 : memref<1x128xi32, #tpu.memory_space<vmem>> -> memref<128xi32, #tpu.memory_space<vmem>>
    %dma_start3A_7 = arith.constant 0 : i32
    %dma_start3A_8 = arith.constant 0 : i32
    %dma_start3A_9 = tpu.memref_slice %arg2[%dma_start3A_7, %dma_start3A_8] : memref<10000x128xf32, #tpu.memory_space<hbm>> -> memref<10000x128xf32, #tpu.memory_space<hbm>>
    tpu.enqueue_indirect_dma source(%dma_start3A_9 : memref<10000x128xf32, #tpu.memory_space<hbm>>) target(%dma_start3A_3 : memref<128x128xf32, #tpu.memory_space<vmem>>) offsets(%dma_start3A_6 : memref<128xi32, #tpu.memory_space<vmem>>) semaphore(%arg7 : memref<!tpu.dma_semaphore, #tpu.memory_space<semaphore_mem>>)
    %dma_wait3A = arith.constant 0 : i32
    %dma_wait3A_10 = arith.constant 0 : i32
    %dma_wait3A_11 = arith.constant 0 : i32
    %dma_wait3A_12 = tpu.memref_slice %arg6[%dma_wait3A_10, %dma_wait3A_11] : memref<128x128xf32, #tpu.memory_space<vmem>> -> memref<128x128xf32, #tpu.memory_space<vmem>>
    %dma_wait3A_13 = arith.constant 0 : i32
    %dma_wait3A_14 = tpu.memref_slice %arg5[%dma_wait3A, %dma_wait3A_13] : memref<1x128xi32, #tpu.memory_space<vmem>> -> memref<1x128xi32, #tpu.memory_space<vmem>>
    %dma_wait3A_15 = tpu.memref_squeeze %dma_wait3A_14 : memref<1x128xi32, #tpu.memory_space<vmem>> -> memref<128xi32, #tpu.memory_space<vmem>>
    %dma_wait3A_16 = arith.constant 0 : i32
    %dma_wait3A_17 = arith.constant 0 : i32
    %dma_wait3A_18 = tpu.memref_slice %arg2[%dma_wait3A_16, %dma_wait3A_17] : memref<10000x128xf32, #tpu.memory_space<hbm>> -> memref<10000x128xf32, #tpu.memory_space<hbm>>
    tpu.wait_indirect_dma semaphore(%arg7 : memref<!tpu.dma_semaphore, #tpu.memory_space<semaphore_mem>>) src(%dma_wait3A_18 : memref<10000x128xf32, #tpu.memory_space<hbm>>) dst(%dma_wait3A_12 : memref<128x128xf32, #tpu.memory_space<vmem>>)
    %mul3A_19 = arith.constant 128 : i32
    %mul3A_20 = arith.muli %add3A, %mul3A_19 : i32
    %add3A_21 = arith.constant 0 : i32
    %add3A_22 = arith.addi %mul3A_20, %add3A_21 : i32
    %dma_start3A_23 = arith.constant 0 : i32
    %dma_start3A_24 = arith.constant 0 : i32
    %dma_start3A_25 = tpu.memref_slice %arg6[%dma_start3A_23, %dma_start3A_24] : memref<128x128xf32, #tpu.memory_space<vmem>> -> memref<128x128xf32, #tpu.memory_space<vmem>>
    %dma_start3A_26 = arith.constant 0 : i32
    %dma_start3A_27 = tpu.memref_slice %arg4[%add3A_22, %dma_start3A_26] : memref<4096x128xf32, #tpu.memory_space<hbm>> -> memref<128x128xf32, #tpu.memory_space<hbm>>
    %dma_start3A_28 = arith.constant 0 : i32
    %dma_start3A_29 = tpu.memref_slice %arg4[%add3A_22, %dma_start3A_28] : memref<4096x128xf32, #tpu.memory_space<hbm>> -> memref<128x128xf32, #tpu.memory_space<hbm>>
    %dma_start3A_30 = arith.constant 0 : i32
    %dma_start3A_31 = arith.constant 0 : i32
    %dma_start3A_32 = tpu.memref_slice %arg6[%dma_start3A_30, %dma_start3A_31] : memref<128x128xf32, #tpu.memory_space<vmem>> -> memref<128x128xf32, #tpu.memory_space<vmem>>
    tpu.enqueue_dma source(%dma_start3A_32 : memref<128x128xf32, #tpu.memory_space<vmem>>) target(%dma_start3A_29 : memref<128x128xf32, #tpu.memory_space<hbm>>) target_semaphore(%arg8 : memref<!tpu.dma_semaphore, #tpu.memory_space<semaphore_mem>>)
    %dma_wait3A_33 = arith.constant 0 : i32
    %dma_wait3A_34 = arith.constant 0 : i32
    %dma_wait3A_35 = tpu.memref_slice %arg6[%dma_wait3A_33, %dma_wait3A_34] : memref<128x128xf32, #tpu.memory_space<vmem>> -> memref<128x128xf32, #tpu.memory_space<vmem>>
    %dma_wait3A_36 = arith.constant 0 : i32
    %dma_wait3A_37 = tpu.memref_slice %arg4[%add3A_22, %dma_wait3A_36] : memref<4096x128xf32, #tpu.memory_space<hbm>> -> memref<128x128xf32, #tpu.memory_space<hbm>>
    %dma_wait3A_38 = arith.constant 0 : i32
    %dma_wait3A_39 = tpu.memref_slice %arg4[%add3A_22, %dma_wait3A_38] : memref<4096x128xf32, #tpu.memory_space<hbm>> -> memref<128x128xf32, #tpu.memory_space<hbm>>
    %dma_wait3A_40 = arith.constant 0 : i32
    %dma_wait3A_41 = arith.constant 0 : i32
    %dma_wait3A_42 = tpu.memref_slice %arg6[%dma_wait3A_40, %dma_wait3A_41] : memref<128x128xf32, #tpu.memory_space<vmem>> -> memref<128x128xf32, #tpu.memory_space<vmem>>
    tpu.wait_dma2 semaphore(%arg8 : memref<!tpu.dma_semaphore, #tpu.memory_space<semaphore_mem>>) src(%dma_wait3A_42 : memref<128x128xf32, #tpu.memory_space<vmem>>) dst(%dma_wait3A_39 : memref<128x128xf32, #tpu.memory_space<hbm>>)
    return
  }
}

#map = affine_map<(d0, d1) -> (0, 0)>
#map1 = affine_map<(d0, d1) -> (0, 0, 0)>
module attributes {stable_mosaic.version = 14 : i64} {
  func.func @sk(%arg0: i32, %arg1: i32, %arg2: memref<8192x128xf32, #tpu.memory_space<hbm>>, %arg3: memref<16x4x128xi32, #tpu.memory_space<hbm>>, %arg4: memref<320x128xf32, #tpu.memory_space<hbm>>, %arg5: memref<10240x128xf32, #tpu.memory_space<hbm>>, %arg6: memref<4x128xi32, #tpu.memory_space<vmem>>, %arg7: memref<2x128x128xf32, #tpu.memory_space<vmem>>, %arg8: memref<5128x128xf32, #tpu.memory_space<vmem_shared>>, %arg9: memref<!tpu.dma_semaphore, #tpu.memory_space<semaphore_mem>>, %arg10: memref<!tpu.dma_semaphore, #tpu.memory_space<semaphore_mem>>, %arg11: memref<!tpu.dma_semaphore, #tpu.memory_space<semaphore_mem>>) attributes {dimension_semantics = [#tpu.dimension_semantics<core_parallel>, #tpu.dimension_semantics<subcore_parallel>], iteration_bounds = array<i64: 2, 16>, scalar_prefetch = 0 : i64, scratch_operands = 6 : i64, tpu.core_type = #tpu.core_type<sc_vector_subcore>, window_params = [{transform_indices = #map}, {transform_indices = #map1}, {transform_indices = #map}, {transform_indices = #map}]} {
    %mul3A = arith.constant 320 : i32
    %mul3A_0 = arith.muli %arg1, %mul3A : i32
    "tpu.region"() ({
      %run_scoped3A = tpu.sem_alloc : memref<!tpu.dma_semaphore, #tpu.memory_space<semaphore_mem>>
      %dma_start3A_793 = arith.constant 0 : i32
      %dma_start3A_794 = tpu.memref_slice %arg8[%mul3A_0, %dma_start3A_793] : memref<5128x128xf32, #tpu.memory_space<vmem_shared>> -> memref<320x128xf32, #tpu.memory_space<vmem_shared>>
      tpu.enqueue_dma source(%arg4 : memref<320x128xf32, #tpu.memory_space<hbm>>) target(%dma_start3A_794 : memref<320x128xf32, #tpu.memory_space<vmem_shared>>) target_semaphore(%run_scoped3A : memref<!tpu.dma_semaphore, #tpu.memory_space<semaphore_mem>>)
      %dma_wait3A_795 = arith.constant 0 : i32
      %dma_wait3A_796 = tpu.memref_slice %arg8[%mul3A_0, %dma_wait3A_795] : memref<5128x128xf32, #tpu.memory_space<vmem_shared>> -> memref<320x128xf32, #tpu.memory_space<vmem_shared>>
      tpu.wait_dma2 semaphore(%run_scoped3A : memref<!tpu.dma_semaphore, #tpu.memory_space<semaphore_mem>>) src(%arg4 : memref<320x128xf32, #tpu.memory_space<hbm>>) dst(%dma_wait3A_796 : memref<320x128xf32, #tpu.memory_space<vmem_shared>>)
      tpu.yield
    }) : () -> ()
    "tpu.region"() ({
      %run_scoped3A = tpu.sem_alloc : memref<!tpu.dma_semaphore, #tpu.memory_space<semaphore_mem>>
      %dma_start3A_793 = arith.constant 0 : i32
      %dma_start3A_794 = arith.constant 0 : i32
      %dma_start3A_795 = tpu.memref_slice %arg3[%arg1, %dma_start3A_793, %dma_start3A_794] : memref<16x4x128xi32, #tpu.memory_space<hbm>> -> memref<1x4x128xi32, #tpu.memory_space<hbm>>
      %dma_start3A_796 = tpu.memref_squeeze %dma_start3A_795 : memref<1x4x128xi32, #tpu.memory_space<hbm>> -> memref<4x128xi32, #tpu.memory_space<hbm>>
      %dma_start3A_797 = arith.constant 0 : i32
      %dma_start3A_798 = arith.constant 0 : i32
      %dma_start3A_799 = tpu.memref_slice %arg3[%arg1, %dma_start3A_797, %dma_start3A_798] : memref<16x4x128xi32, #tpu.memory_space<hbm>> -> memref<1x4x128xi32, #tpu.memory_space<hbm>>
      %dma_start3A_800 = tpu.memref_squeeze %dma_start3A_799 : memref<1x4x128xi32, #tpu.memory_space<hbm>> -> memref<4x128xi32, #tpu.memory_space<hbm>>
      tpu.enqueue_dma source(%dma_start3A_800 : memref<4x128xi32, #tpu.memory_space<hbm>>) target(%arg6 : memref<4x128xi32, #tpu.memory_space<vmem>>) target_semaphore(%run_scoped3A : memref<!tpu.dma_semaphore, #tpu.memory_space<semaphore_mem>>)
      %dma_wait3A_801 = arith.constant 0 : i32
      %dma_wait3A_802 = arith.constant 0 : i32
      %dma_wait3A_803 = tpu.memref_slice %arg3[%arg1, %dma_wait3A_801, %dma_wait3A_802] : memref<16x4x128xi32, #tpu.memory_space<hbm>> -> memref<1x4x128xi32, #tpu.memory_space<hbm>>
      %dma_wait3A_804 = tpu.memref_squeeze %dma_wait3A_803 : memref<1x4x128xi32, #tpu.memory_space<hbm>> -> memref<4x128xi32, #tpu.memory_space<hbm>>
      %dma_wait3A_805 = arith.constant 0 : i32
      %dma_wait3A_806 = arith.constant 0 : i32
      %dma_wait3A_807 = tpu.memref_slice %arg3[%arg1, %dma_wait3A_805, %dma_wait3A_806] : memref<16x4x128xi32, #tpu.memory_space<hbm>> -> memref<1x4x128xi32, #tpu.memory_space<hbm>>
      %dma_wait3A_808 = tpu.memref_squeeze %dma_wait3A_807 : memref<1x4x128xi32, #tpu.memory_space<hbm>> -> memref<4x128xi32, #tpu.memory_space<hbm>>
      tpu.wait_dma2 semaphore(%run_scoped3A : memref<!tpu.dma_semaphore, #tpu.memory_space<semaphore_mem>>) src(%dma_wait3A_808 : memref<4x128xi32, #tpu.memory_space<hbm>>) dst(%arg6 : memref<4x128xi32, #tpu.memory_space<vmem>>)
      tpu.yield
    }) : () -> ()
    %mul3A_1 = arith.constant 5120 : i32
    %mul3A_2 = arith.muli %arg0, %mul3A_1 : i32
    %broadcast_in_dim3A = vector.broadcast %mul3A_2 : i32 to vector<16xi32>
    %broadcast_in_dim3A_3 = arith.constant 5120 : i32
    %broadcast_in_dim3A_4 = vector.broadcast %broadcast_in_dim3A_3 : i32 to vector<16xi32>
    %get3A = arith.constant 0 : i32
    %get3A_5 = arith.index_cast %get3A : i32 to index
    %get3A_6 = arith.constant 0 : index
    %get3A_7 = tpu.vector_load %arg6[%get3A_5, %get3A_6] {strides = array<i32>} : memref<4x128xi32, #tpu.memory_space<vmem>>, vector<1x16xi32>,
    %get3A_8 = vector.shape_cast %get3A_7 : vector<1x16xi32> to vector<16xi32>
    %sub3A = arith.subi %get3A_8, %broadcast_in_dim3A : vector<16xi32>
    %ge3A = arith.cmpi sge, %get3A_8, %broadcast_in_dim3A : vector<16xi32>
    %lt3A = arith.constant 5120 : i32
    %lt3A_9 = vector.broadcast %lt3A : i32 to vector<16xi32>
    %lt3A_10 = arith.cmpi slt, %sub3A, %lt3A_9 : vector<16xi32>
    %and3A = arith.andi %ge3A, %lt3A_10 : vector<16xi1>
    %select_n3A = arith.select %and3A, %sub3A, %broadcast_in_dim3A_4 : vector<16xi1>, vector<16xi32>
    %swap3A = arith.constant 0 : i32
    %swap3A_11 = arith.index_cast %swap3A : i32 to index
    %swap3A_12 = arith.constant 0 : index
    %swap3A_13 = tpu.vector_load %arg6[%swap3A_11, %swap3A_12] {strides = array<i32>} : memref<4x128xi32, #tpu.memory_space<vmem>>, vector<1x16xi32>,
    %swap3A_14 = vector.shape_cast %swap3A_13 : vector<1x16xi32> to vector<16xi32>
    %swap3A_15 = vector.shape_cast %select_n3A : vector<16xi32> to vector<1x16xi32>
    tpu.vector_store %arg6[%swap3A_11, %swap3A_12], %swap3A_15 {strides = array<i32>} : memref<4x128xi32, #tpu.memory_space<vmem>>, vector<1x16xi32>,
    %get3A_16 = arith.constant 0 : i32
    %get3A_17 = arith.index_cast %get3A_16 : i32 to index
    %get3A_18 = arith.constant 16 : index
    %get3A_19 = tpu.vector_load %arg6[%get3A_17, %get3A_18] {strides = array<i32>} : memref<4x128xi32, #tpu.memory_space<vmem>>, vector<1x16xi32>,
    %get3A_20 = vector.shape_cast %get3A_19 : vector<1x16xi32> to vector<16xi32>
    %sub3A_21 = arith.subi %get3A_20, %broadcast_in_dim3A : vector<16xi32>
    %ge3A_22 = arith.cmpi sge, %get3A_20, %broadcast_in_dim3A : vector<16xi32>
    %lt3A_23 = arith.constant 5120 : i32
    %lt3A_24 = vector.broadcast %lt3A_23 : i32 to vector<16xi32>
    %lt3A_25 = arith.cmpi slt, %sub3A_21, %lt3A_24 : vector<16xi32>
    %and3A_26 = arith.andi %ge3A_22, %lt3A_25 : vector<16xi1>
    %select_n3A_27 = arith.select %and3A_26, %sub3A_21, %broadcast_in_dim3A_4 : vector<16xi1>, vector<16xi32>
    %swap3A_28 = arith.constant 0 : i32
    %swap3A_29 = arith.index_cast %swap3A_28 : i32 to index
    %swap3A_30 = arith.constant 16 : index
    %swap3A_31 = tpu.vector_load %arg6[%swap3A_29, %swap3A_30] {strides = array<i32>} : memref<4x128xi32, #tpu.memory_space<vmem>>, vector<1x16xi32>,
    %swap3A_32 = vector.shape_cast %swap3A_31 : vector<1x16xi32> to vector<16xi32>
    %swap3A_33 = vector.shape_cast %select_n3A_27 : vector<16xi32> to vector<1x16xi32>
    tpu.vector_store %arg6[%swap3A_29, %swap3A_30], %swap3A_33 {strides = array<i32>} : memref<4x128xi32, #tpu.memory_space<vmem>>, vector<1x16xi32>,
    %get3A_34 = arith.constant 0 : i32
    %get3A_35 = arith.index_cast %get3A_34 : i32 to index
    %get3A_36 = arith.constant 32 : index
    %get3A_37 = tpu.vector_load %arg6[%get3A_35, %get3A_36] {strides = array<i32>} : memref<4x128xi32, #tpu.memory_space<vmem>>, vector<1x16xi32>,
    %get3A_38 = vector.shape_cast %get3A_37 : vector<1x16xi32> to vector<16xi32>
    %sub3A_39 = arith.subi %get3A_38, %broadcast_in_dim3A : vector<16xi32>
    %ge3A_40 = arith.cmpi sge, %get3A_38, %broadcast_in_dim3A : vector<16xi32>
    %lt3A_41 = arith.constant 5120 : i32
    %lt3A_42 = vector.broadcast %lt3A_41 : i32 to vector<16xi32>
    %lt3A_43 = arith.cmpi slt, %sub3A_39, %lt3A_42 : vector<16xi32>
    %and3A_44 = arith.andi %ge3A_40, %lt3A_43 : vector<16xi1>
    %select_n3A_45 = arith.select %and3A_44, %sub3A_39, %broadcast_in_dim3A_4 : vector<16xi1>, vector<16xi32>
    %swap3A_46 = arith.constant 0 : i32
    %swap3A_47 = arith.index_cast %swap3A_46 : i32 to index
    %swap3A_48 = arith.constant 32 : index
    %swap3A_49 = tpu.vector_load %arg6[%swap3A_47, %swap3A_48] {strides = array<i32>} : memref<4x128xi32, #tpu.memory_space<vmem>>, vector<1x16xi32>,
    %swap3A_50 = vector.shape_cast %swap3A_49 : vector<1x16xi32> to vector<16xi32>
    %swap3A_51 = vector.shape_cast %select_n3A_45 : vector<16xi32> to vector<1x16xi32>
    tpu.vector_store %arg6[%swap3A_47, %swap3A_48], %swap3A_51 {strides = array<i32>} : memref<4x128xi32, #tpu.memory_space<vmem>>, vector<1x16xi32>,
    %get3A_52 = arith.constant 0 : i32
    %get3A_53 = arith.index_cast %get3A_52 : i32 to index
    %get3A_54 = arith.constant 48 : index
    %get3A_55 = tpu.vector_load %arg6[%get3A_53, %get3A_54] {strides = array<i32>} : memref<4x128xi32, #tpu.memory_space<vmem>>, vector<1x16xi32>,
    %get3A_56 = vector.shape_cast %get3A_55 : vector<1x16xi32> to vector<16xi32>
    %sub3A_57 = arith.subi %get3A_56, %broadcast_in_dim3A : vector<16xi32>
    %ge3A_58 = arith.cmpi sge, %get3A_56, %broadcast_in_dim3A : vector<16xi32>
    %lt3A_59 = arith.constant 5120 : i32
    %lt3A_60 = vector.broadcast %lt3A_59 : i32 to vector<16xi32>
    %lt3A_61 = arith.cmpi slt, %sub3A_57, %lt3A_60 : vector<16xi32>
    %and3A_62 = arith.andi %ge3A_58, %lt3A_61 : vector<16xi1>
    %select_n3A_63 = arith.select %and3A_62, %sub3A_57, %broadcast_in_dim3A_4 : vector<16xi1>, vector<16xi32>
    %swap3A_64 = arith.constant 0 : i32
    %swap3A_65 = arith.index_cast %swap3A_64 : i32 to index
    %swap3A_66 = arith.constant 48 : index
    %swap3A_67 = tpu.vector_load %arg6[%swap3A_65, %swap3A_66] {strides = array<i32>} : memref<4x128xi32, #tpu.memory_space<vmem>>, vector<1x16xi32>,
    %swap3A_68 = vector.shape_cast %swap3A_67 : vector<1x16xi32> to vector<16xi32>
    %swap3A_69 = vector.shape_cast %select_n3A_63 : vector<16xi32> to vector<1x16xi32>
    tpu.vector_store %arg6[%swap3A_65, %swap3A_66], %swap3A_69 {strides = array<i32>} : memref<4x128xi32, #tpu.memory_space<vmem>>, vector<1x16xi32>,
    %get3A_70 = arith.constant 0 : i32
    %get3A_71 = arith.index_cast %get3A_70 : i32 to index
    %get3A_72 = arith.constant 64 : index
    %get3A_73 = tpu.vector_load %arg6[%get3A_71, %get3A_72] {strides = array<i32>} : memref<4x128xi32, #tpu.memory_space<vmem>>, vector<1x16xi32>,
    %get3A_74 = vector.shape_cast %get3A_73 : vector<1x16xi32> to vector<16xi32>
    %sub3A_75 = arith.subi %get3A_74, %broadcast_in_dim3A : vector<16xi32>
    %ge3A_76 = arith.cmpi sge, %get3A_74, %broadcast_in_dim3A : vector<16xi32>
    %lt3A_77 = arith.constant 5120 : i32
    %lt3A_78 = vector.broadcast %lt3A_77 : i32 to vector<16xi32>
    %lt3A_79 = arith.cmpi slt, %sub3A_75, %lt3A_78 : vector<16xi32>
    %and3A_80 = arith.andi %ge3A_76, %lt3A_79 : vector<16xi1>
    %select_n3A_81 = arith.select %and3A_80, %sub3A_75, %broadcast_in_dim3A_4 : vector<16xi1>, vector<16xi32>
    %swap3A_82 = arith.constant 0 : i32
    %swap3A_83 = arith.index_cast %swap3A_82 : i32 to index
    %swap3A_84 = arith.constant 64 : index
    %swap3A_85 = tpu.vector_load %arg6[%swap3A_83, %swap3A_84] {strides = array<i32>} : memref<4x128xi32, #tpu.memory_space<vmem>>, vector<1x16xi32>,
    %swap3A_86 = vector.shape_cast %swap3A_85 : vector<1x16xi32> to vector<16xi32>
    %swap3A_87 = vector.shape_cast %select_n3A_81 : vector<16xi32> to vector<1x16xi32>
    tpu.vector_store %arg6[%swap3A_83, %swap3A_84], %swap3A_87 {strides = array<i32>} : memref<4x128xi32, #tpu.memory_space<vmem>>, vector<1x16xi32>,
    %get3A_88 = arith.constant 0 : i32
    %get3A_89 = arith.index_cast %get3A_88 : i32 to index
    %get3A_90 = arith.constant 80 : index
    %get3A_91 = tpu.vector_load %arg6[%get3A_89, %get3A_90] {strides = array<i32>} : memref<4x128xi32, #tpu.memory_space<vmem>>, vector<1x16xi32>,
    %get3A_92 = vector.shape_cast %get3A_91 : vector<1x16xi32> to vector<16xi32>
    %sub3A_93 = arith.subi %get3A_92, %broadcast_in_dim3A : vector<16xi32>
    %ge3A_94 = arith.cmpi sge, %get3A_92, %broadcast_in_dim3A : vector<16xi32>
    %lt3A_95 = arith.constant 5120 : i32
    %lt3A_96 = vector.broadcast %lt3A_95 : i32 to vector<16xi32>
    %lt3A_97 = arith.cmpi slt, %sub3A_93, %lt3A_96 : vector<16xi32>
    %and3A_98 = arith.andi %ge3A_94, %lt3A_97 : vector<16xi1>
    %select_n3A_99 = arith.select %and3A_98, %sub3A_93, %broadcast_in_dim3A_4 : vector<16xi1>, vector<16xi32>
    %swap3A_100 = arith.constant 0 : i32
    %swap3A_101 = arith.index_cast %swap3A_100 : i32 to index
    %swap3A_102 = arith.constant 80 : index
    %swap3A_103 = tpu.vector_load %arg6[%swap3A_101, %swap3A_102] {strides = array<i32>} : memref<4x128xi32, #tpu.memory_space<vmem>>, vector<1x16xi32>,
    %swap3A_104 = vector.shape_cast %swap3A_103 : vector<1x16xi32> to vector<16xi32>
    %swap3A_105 = vector.shape_cast %select_n3A_99 : vector<16xi32> to vector<1x16xi32>
    tpu.vector_store %arg6[%swap3A_101, %swap3A_102], %swap3A_105 {strides = array<i32>} : memref<4x128xi32, #tpu.memory_space<vmem>>, vector<1x16xi32>,
    %get3A_106 = arith.constant 0 : i32
    %get3A_107 = arith.index_cast %get3A_106 : i32 to index
    %get3A_108 = arith.constant 96 : index
    %get3A_109 = tpu.vector_load %arg6[%get3A_107, %get3A_108] {strides = array<i32>} : memref<4x128xi32, #tpu.memory_space<vmem>>, vector<1x16xi32>,
    %get3A_110 = vector.shape_cast %get3A_109 : vector<1x16xi32> to vector<16xi32>
    %sub3A_111 = arith.subi %get3A_110, %broadcast_in_dim3A : vector<16xi32>
    %ge3A_112 = arith.cmpi sge, %get3A_110, %broadcast_in_dim3A : vector<16xi32>
    %lt3A_113 = arith.constant 5120 : i32
    %lt3A_114 = vector.broadcast %lt3A_113 : i32 to vector<16xi32>
    %lt3A_115 = arith.cmpi slt, %sub3A_111, %lt3A_114 : vector<16xi32>
    %and3A_116 = arith.andi %ge3A_112, %lt3A_115 : vector<16xi1>
    %select_n3A_117 = arith.select %and3A_116, %sub3A_111, %broadcast_in_dim3A_4 : vector<16xi1>, vector<16xi32>
    %swap3A_118 = arith.constant 0 : i32
    %swap3A_119 = arith.index_cast %swap3A_118 : i32 to index
    %swap3A_120 = arith.constant 96 : index
    %swap3A_121 = tpu.vector_load %arg6[%swap3A_119, %swap3A_120] {strides = array<i32>} : memref<4x128xi32, #tpu.memory_space<vmem>>, vector<1x16xi32>,
    %swap3A_122 = vector.shape_cast %swap3A_121 : vector<1x16xi32> to vector<16xi32>
    %swap3A_123 = vector.shape_cast %select_n3A_117 : vector<16xi32> to vector<1x16xi32>
    tpu.vector_store %arg6[%swap3A_119, %swap3A_120], %swap3A_123 {strides = array<i32>} : memref<4x128xi32, #tpu.memory_space<vmem>>, vector<1x16xi32>,
    %get3A_124 = arith.constant 0 : i32
    %get3A_125 = arith.index_cast %get3A_124 : i32 to index
    %get3A_126 = arith.constant 112 : index
    %get3A_127 = tpu.vector_load %arg6[%get3A_125, %get3A_126] {strides = array<i32>} : memref<4x128xi32, #tpu.memory_space<vmem>>, vector<1x16xi32>,
    %get3A_128 = vector.shape_cast %get3A_127 : vector<1x16xi32> to vector<16xi32>
    %sub3A_129 = arith.subi %get3A_128, %broadcast_in_dim3A : vector<16xi32>
    %ge3A_130 = arith.cmpi sge, %get3A_128, %broadcast_in_dim3A : vector<16xi32>
    %lt3A_131 = arith.constant 5120 : i32
    %lt3A_132 = vector.broadcast %lt3A_131 : i32 to vector<16xi32>
    %lt3A_133 = arith.cmpi slt, %sub3A_129, %lt3A_132 : vector<16xi32>
    %and3A_134 = arith.andi %ge3A_130, %lt3A_133 : vector<16xi1>
    %select_n3A_135 = arith.select %and3A_134, %sub3A_129, %broadcast_in_dim3A_4 : vector<16xi1>, vector<16xi32>
    %swap3A_136 = arith.constant 0 : i32
    %swap3A_137 = arith.index_cast %swap3A_136 : i32 to index
    %swap3A_138 = arith.constant 112 : index
    %swap3A_139 = tpu.vector_load %arg6[%swap3A_137, %swap3A_138] {strides = array<i32>} : memref<4x128xi32, #tpu.memory_space<vmem>>, vector<1x16xi32>,
    %swap3A_140 = vector.shape_cast %swap3A_139 : vector<1x16xi32> to vector<16xi32>
    %swap3A_141 = vector.shape_cast %select_n3A_135 : vector<16xi32> to vector<1x16xi32>
    tpu.vector_store %arg6[%swap3A_137, %swap3A_138], %swap3A_141 {strides = array<i32>} : memref<4x128xi32, #tpu.memory_space<vmem>>, vector<1x16xi32>,
    %get3A_142 = arith.constant 1 : i32
    %get3A_143 = arith.index_cast %get3A_142 : i32 to index
    %get3A_144 = arith.constant 0 : index
    %get3A_145 = tpu.vector_load %arg6[%get3A_143, %get3A_144] {strides = array<i32>} : memref<4x128xi32, #tpu.memory_space<vmem>>, vector<1x16xi32>,
    %get3A_146 = vector.shape_cast %get3A_145 : vector<1x16xi32> to vector<16xi32>
    %sub3A_147 = arith.subi %get3A_146, %broadcast_in_dim3A : vector<16xi32>
    %ge3A_148 = arith.cmpi sge, %get3A_146, %broadcast_in_dim3A : vector<16xi32>
    %lt3A_149 = arith.constant 5120 : i32
    %lt3A_150 = vector.broadcast %lt3A_149 : i32 to vector<16xi32>
    %lt3A_151 = arith.cmpi slt, %sub3A_147, %lt3A_150 : vector<16xi32>
    %and3A_152 = arith.andi %ge3A_148, %lt3A_151 : vector<16xi1>
    %select_n3A_153 = arith.select %and3A_152, %sub3A_147, %broadcast_in_dim3A_4 : vector<16xi1>, vector<16xi32>
    %swap3A_154 = arith.constant 1 : i32
    %swap3A_155 = arith.index_cast %swap3A_154 : i32 to index
    %swap3A_156 = arith.constant 0 : index
    %swap3A_157 = tpu.vector_load %arg6[%swap3A_155, %swap3A_156] {strides = array<i32>} : memref<4x128xi32, #tpu.memory_space<vmem>>, vector<1x16xi32>,
    %swap3A_158 = vector.shape_cast %swap3A_157 : vector<1x16xi32> to vector<16xi32>
    %swap3A_159 = vector.shape_cast %select_n3A_153 : vector<16xi32> to vector<1x16xi32>
    tpu.vector_store %arg6[%swap3A_155, %swap3A_156], %swap3A_159 {strides = array<i32>} : memref<4x128xi32, #tpu.memory_space<vmem>>, vector<1x16xi32>,
    %get3A_160 = arith.constant 1 : i32
    %get3A_161 = arith.index_cast %get3A_160 : i32 to index
    %get3A_162 = arith.constant 16 : index
    %get3A_163 = tpu.vector_load %arg6[%get3A_161, %get3A_162] {strides = array<i32>} : memref<4x128xi32, #tpu.memory_space<vmem>>, vector<1x16xi32>,
    %get3A_164 = vector.shape_cast %get3A_163 : vector<1x16xi32> to vector<16xi32>
    %sub3A_165 = arith.subi %get3A_164, %broadcast_in_dim3A : vector<16xi32>
    %ge3A_166 = arith.cmpi sge, %get3A_164, %broadcast_in_dim3A : vector<16xi32>
    %lt3A_167 = arith.constant 5120 : i32
    %lt3A_168 = vector.broadcast %lt3A_167 : i32 to vector<16xi32>
    %lt3A_169 = arith.cmpi slt, %sub3A_165, %lt3A_168 : vector<16xi32>
    %and3A_170 = arith.andi %ge3A_166, %lt3A_169 : vector<16xi1>
    %select_n3A_171 = arith.select %and3A_170, %sub3A_165, %broadcast_in_dim3A_4 : vector<16xi1>, vector<16xi32>
    %swap3A_172 = arith.constant 1 : i32
    %swap3A_173 = arith.index_cast %swap3A_172 : i32 to index
    %swap3A_174 = arith.constant 16 : index
    %swap3A_175 = tpu.vector_load %arg6[%swap3A_173, %swap3A_174] {strides = array<i32>} : memref<4x128xi32, #tpu.memory_space<vmem>>, vector<1x16xi32>,
    %swap3A_176 = vector.shape_cast %swap3A_175 : vector<1x16xi32> to vector<16xi32>
    %swap3A_177 = vector.shape_cast %select_n3A_171 : vector<16xi32> to vector<1x16xi32>
    tpu.vector_store %arg6[%swap3A_173, %swap3A_174], %swap3A_177 {strides = array<i32>} : memref<4x128xi32, #tpu.memory_space<vmem>>, vector<1x16xi32>,
    %get3A_178 = arith.constant 1 : i32
    %get3A_179 = arith.index_cast %get3A_178 : i32 to index
    %get3A_180 = arith.constant 32 : index
    %get3A_181 = tpu.vector_load %arg6[%get3A_179, %get3A_180] {strides = array<i32>} : memref<4x128xi32, #tpu.memory_space<vmem>>, vector<1x16xi32>,
    %get3A_182 = vector.shape_cast %get3A_181 : vector<1x16xi32> to vector<16xi32>
    %sub3A_183 = arith.subi %get3A_182, %broadcast_in_dim3A : vector<16xi32>
    %ge3A_184 = arith.cmpi sge, %get3A_182, %broadcast_in_dim3A : vector<16xi32>
    %lt3A_185 = arith.constant 5120 : i32
    %lt3A_186 = vector.broadcast %lt3A_185 : i32 to vector<16xi32>
    %lt3A_187 = arith.cmpi slt, %sub3A_183, %lt3A_186 : vector<16xi32>
    %and3A_188 = arith.andi %ge3A_184, %lt3A_187 : vector<16xi1>
    %select_n3A_189 = arith.select %and3A_188, %sub3A_183, %broadcast_in_dim3A_4 : vector<16xi1>, vector<16xi32>
    %swap3A_190 = arith.constant 1 : i32
    %swap3A_191 = arith.index_cast %swap3A_190 : i32 to index
    %swap3A_192 = arith.constant 32 : index
    %swap3A_193 = tpu.vector_load %arg6[%swap3A_191, %swap3A_192] {strides = array<i32>} : memref<4x128xi32, #tpu.memory_space<vmem>>, vector<1x16xi32>,
    %swap3A_194 = vector.shape_cast %swap3A_193 : vector<1x16xi32> to vector<16xi32>
    %swap3A_195 = vector.shape_cast %select_n3A_189 : vector<16xi32> to vector<1x16xi32>
    tpu.vector_store %arg6[%swap3A_191, %swap3A_192], %swap3A_195 {strides = array<i32>} : memref<4x128xi32, #tpu.memory_space<vmem>>, vector<1x16xi32>,
    %get3A_196 = arith.constant 1 : i32
    %get3A_197 = arith.index_cast %get3A_196 : i32 to index
    %get3A_198 = arith.constant 48 : index
    %get3A_199 = tpu.vector_load %arg6[%get3A_197, %get3A_198] {strides = array<i32>} : memref<4x128xi32, #tpu.memory_space<vmem>>, vector<1x16xi32>,
    %get3A_200 = vector.shape_cast %get3A_199 : vector<1x16xi32> to vector<16xi32>
    %sub3A_201 = arith.subi %get3A_200, %broadcast_in_dim3A : vector<16xi32>
    %ge3A_202 = arith.cmpi sge, %get3A_200, %broadcast_in_dim3A : vector<16xi32>
    %lt3A_203 = arith.constant 5120 : i32
    %lt3A_204 = vector.broadcast %lt3A_203 : i32 to vector<16xi32>
    %lt3A_205 = arith.cmpi slt, %sub3A_201, %lt3A_204 : vector<16xi32>
    %and3A_206 = arith.andi %ge3A_202, %lt3A_205 : vector<16xi1>
    %select_n3A_207 = arith.select %and3A_206, %sub3A_201, %broadcast_in_dim3A_4 : vector<16xi1>, vector<16xi32>
    %swap3A_208 = arith.constant 1 : i32
    %swap3A_209 = arith.index_cast %swap3A_208 : i32 to index
    %swap3A_210 = arith.constant 48 : index
    %swap3A_211 = tpu.vector_load %arg6[%swap3A_209, %swap3A_210] {strides = array<i32>} : memref<4x128xi32, #tpu.memory_space<vmem>>, vector<1x16xi32>,
    %swap3A_212 = vector.shape_cast %swap3A_211 : vector<1x16xi32> to vector<16xi32>
    %swap3A_213 = vector.shape_cast %select_n3A_207 : vector<16xi32> to vector<1x16xi32>
    tpu.vector_store %arg6[%swap3A_209, %swap3A_210], %swap3A_213 {strides = array<i32>} : memref<4x128xi32, #tpu.memory_space<vmem>>, vector<1x16xi32>,
    %get3A_214 = arith.constant 1 : i32
    %get3A_215 = arith.index_cast %get3A_214 : i32 to index
    %get3A_216 = arith.constant 64 : index
    %get3A_217 = tpu.vector_load %arg6[%get3A_215, %get3A_216] {strides = array<i32>} : memref<4x128xi32, #tpu.memory_space<vmem>>, vector<1x16xi32>,
    %get3A_218 = vector.shape_cast %get3A_217 : vector<1x16xi32> to vector<16xi32>
    %sub3A_219 = arith.subi %get3A_218, %broadcast_in_dim3A : vector<16xi32>
    %ge3A_220 = arith.cmpi sge, %get3A_218, %broadcast_in_dim3A : vector<16xi32>
    %lt3A_221 = arith.constant 5120 : i32
    %lt3A_222 = vector.broadcast %lt3A_221 : i32 to vector<16xi32>
    %lt3A_223 = arith.cmpi slt, %sub3A_219, %lt3A_222 : vector<16xi32>
    %and3A_224 = arith.andi %ge3A_220, %lt3A_223 : vector<16xi1>
    %select_n3A_225 = arith.select %and3A_224, %sub3A_219, %broadcast_in_dim3A_4 : vector<16xi1>, vector<16xi32>
    %swap3A_226 = arith.constant 1 : i32
    %swap3A_227 = arith.index_cast %swap3A_226 : i32 to index
    %swap3A_228 = arith.constant 64 : index
    %swap3A_229 = tpu.vector_load %arg6[%swap3A_227, %swap3A_228] {strides = array<i32>} : memref<4x128xi32, #tpu.memory_space<vmem>>, vector<1x16xi32>,
    %swap3A_230 = vector.shape_cast %swap3A_229 : vector<1x16xi32> to vector<16xi32>
    %swap3A_231 = vector.shape_cast %select_n3A_225 : vector<16xi32> to vector<1x16xi32>
    tpu.vector_store %arg6[%swap3A_227, %swap3A_228], %swap3A_231 {strides = array<i32>} : memref<4x128xi32, #tpu.memory_space<vmem>>, vector<1x16xi32>,
    %get3A_232 = arith.constant 1 : i32
    %get3A_233 = arith.index_cast %get3A_232 : i32 to index
    %get3A_234 = arith.constant 80 : index
    %get3A_235 = tpu.vector_load %arg6[%get3A_233, %get3A_234] {strides = array<i32>} : memref<4x128xi32, #tpu.memory_space<vmem>>, vector<1x16xi32>,
    %get3A_236 = vector.shape_cast %get3A_235 : vector<1x16xi32> to vector<16xi32>
    %sub3A_237 = arith.subi %get3A_236, %broadcast_in_dim3A : vector<16xi32>
    %ge3A_238 = arith.cmpi sge, %get3A_236, %broadcast_in_dim3A : vector<16xi32>
    %lt3A_239 = arith.constant 5120 : i32
    %lt3A_240 = vector.broadcast %lt3A_239 : i32 to vector<16xi32>
    %lt3A_241 = arith.cmpi slt, %sub3A_237, %lt3A_240 : vector<16xi32>
    %and3A_242 = arith.andi %ge3A_238, %lt3A_241 : vector<16xi1>
    %select_n3A_243 = arith.select %and3A_242, %sub3A_237, %broadcast_in_dim3A_4 : vector<16xi1>, vector<16xi32>
    %swap3A_244 = arith.constant 1 : i32
    %swap3A_245 = arith.index_cast %swap3A_244 : i32 to index
    %swap3A_246 = arith.constant 80 : index
    %swap3A_247 = tpu.vector_load %arg6[%swap3A_245, %swap3A_246] {strides = array<i32>} : memref<4x128xi32, #tpu.memory_space<vmem>>, vector<1x16xi32>,
    %swap3A_248 = vector.shape_cast %swap3A_247 : vector<1x16xi32> to vector<16xi32>
    %swap3A_249 = vector.shape_cast %select_n3A_243 : vector<16xi32> to vector<1x16xi32>
    tpu.vector_store %arg6[%swap3A_245, %swap3A_246], %swap3A_249 {strides = array<i32>} : memref<4x128xi32, #tpu.memory_space<vmem>>, vector<1x16xi32>,
    %get3A_250 = arith.constant 1 : i32
    %get3A_251 = arith.index_cast %get3A_250 : i32 to index
    %get3A_252 = arith.constant 96 : index
    %get3A_253 = tpu.vector_load %arg6[%get3A_251, %get3A_252] {strides = array<i32>} : memref<4x128xi32, #tpu.memory_space<vmem>>, vector<1x16xi32>,
    %get3A_254 = vector.shape_cast %get3A_253 : vector<1x16xi32> to vector<16xi32>
    %sub3A_255 = arith.subi %get3A_254, %broadcast_in_dim3A : vector<16xi32>
    %ge3A_256 = arith.cmpi sge, %get3A_254, %broadcast_in_dim3A : vector<16xi32>
    %lt3A_257 = arith.constant 5120 : i32
    %lt3A_258 = vector.broadcast %lt3A_257 : i32 to vector<16xi32>
    %lt3A_259 = arith.cmpi slt, %sub3A_255, %lt3A_258 : vector<16xi32>
    %and3A_260 = arith.andi %ge3A_256, %lt3A_259 : vector<16xi1>
    %select_n3A_261 = arith.select %and3A_260, %sub3A_255, %broadcast_in_dim3A_4 : vector<16xi1>, vector<16xi32>
    %swap3A_262 = arith.constant 1 : i32
    %swap3A_263 = arith.index_cast %swap3A_262 : i32 to index
    %swap3A_264 = arith.constant 96 : index
    %swap3A_265 = tpu.vector_load %arg6[%swap3A_263, %swap3A_264] {strides = array<i32>} : memref<4x128xi32, #tpu.memory_space<vmem>>, vector<1x16xi32>,
    %swap3A_266 = vector.shape_cast %swap3A_265 : vector<1x16xi32> to vector<16xi32>
    %swap3A_267 = vector.shape_cast %select_n3A_261 : vector<16xi32> to vector<1x16xi32>
    tpu.vector_store %arg6[%swap3A_263, %swap3A_264], %swap3A_267 {strides = array<i32>} : memref<4x128xi32, #tpu.memory_space<vmem>>, vector<1x16xi32>,
    %get3A_268 = arith.constant 1 : i32
    %get3A_269 = arith.index_cast %get3A_268 : i32 to index
    %get3A_270 = arith.constant 112 : index
    %get3A_271 = tpu.vector_load %arg6[%get3A_269, %get3A_270] {strides = array<i32>} : memref<4x128xi32, #tpu.memory_space<vmem>>, vector<1x16xi32>,
    %get3A_272 = vector.shape_cast %get3A_271 : vector<1x16xi32> to vector<16xi32>
    %sub3A_273 = arith.subi %get3A_272, %broadcast_in_dim3A : vector<16xi32>
    %ge3A_274 = arith.cmpi sge, %get3A_272, %broadcast_in_dim3A : vector<16xi32>
    %lt3A_275 = arith.constant 5120 : i32
    %lt3A_276 = vector.broadcast %lt3A_275 : i32 to vector<16xi32>
    %lt3A_277 = arith.cmpi slt, %sub3A_273, %lt3A_276 : vector<16xi32>
    %and3A_278 = arith.andi %ge3A_274, %lt3A_277 : vector<16xi1>
    %select_n3A_279 = arith.select %and3A_278, %sub3A_273, %broadcast_in_dim3A_4 : vector<16xi1>, vector<16xi32>
    %swap3A_280 = arith.constant 1 : i32
    %swap3A_281 = arith.index_cast %swap3A_280 : i32 to index
    %swap3A_282 = arith.constant 112 : index
    %swap3A_283 = tpu.vector_load %arg6[%swap3A_281, %swap3A_282] {strides = array<i32>} : memref<4x128xi32, #tpu.memory_space<vmem>>, vector<1x16xi32>,
    %swap3A_284 = vector.shape_cast %swap3A_283 : vector<1x16xi32> to vector<16xi32>
    %swap3A_285 = vector.shape_cast %select_n3A_279 : vector<16xi32> to vector<1x16xi32>
    tpu.vector_store %arg6[%swap3A_281, %swap3A_282], %swap3A_285 {strides = array<i32>} : memref<4x128xi32, #tpu.memory_space<vmem>>, vector<1x16xi32>,
    %get3A_286 = arith.constant 2 : i32
    %get3A_287 = arith.index_cast %get3A_286 : i32 to index
    %get3A_288 = arith.constant 0 : index
    %get3A_289 = tpu.vector_load %arg6[%get3A_287, %get3A_288] {strides = array<i32>} : memref<4x128xi32, #tpu.memory_space<vmem>>, vector<1x16xi32>,
    %get3A_290 = vector.shape_cast %get3A_289 : vector<1x16xi32> to vector<16xi32>
    %sub3A_291 = arith.subi %get3A_290, %broadcast_in_dim3A : vector<16xi32>
    %ge3A_292 = arith.cmpi sge, %get3A_290, %broadcast_in_dim3A : vector<16xi32>
    %lt3A_293 = arith.constant 5120 : i32
    %lt3A_294 = vector.broadcast %lt3A_293 : i32 to vector<16xi32>
    %lt3A_295 = arith.cmpi slt, %sub3A_291, %lt3A_294 : vector<16xi32>
    %and3A_296 = arith.andi %ge3A_292, %lt3A_295 : vector<16xi1>
    %select_n3A_297 = arith.select %and3A_296, %sub3A_291, %broadcast_in_dim3A_4 : vector<16xi1>, vector<16xi32>
    %swap3A_298 = arith.constant 2 : i32
    %swap3A_299 = arith.index_cast %swap3A_298 : i32 to index
    %swap3A_300 = arith.constant 0 : index
    %swap3A_301 = tpu.vector_load %arg6[%swap3A_299, %swap3A_300] {strides = array<i32>} : memref<4x128xi32, #tpu.memory_space<vmem>>, vector<1x16xi32>,
    %swap3A_302 = vector.shape_cast %swap3A_301 : vector<1x16xi32> to vector<16xi32>
    %swap3A_303 = vector.shape_cast %select_n3A_297 : vector<16xi32> to vector<1x16xi32>
    tpu.vector_store %arg6[%swap3A_299, %swap3A_300], %swap3A_303 {strides = array<i32>} : memref<4x128xi32, #tpu.memory_space<vmem>>, vector<1x16xi32>,
    %get3A_304 = arith.constant 2 : i32
    %get3A_305 = arith.index_cast %get3A_304 : i32 to index
    %get3A_306 = arith.constant 16 : index
    %get3A_307 = tpu.vector_load %arg6[%get3A_305, %get3A_306] {strides = array<i32>} : memref<4x128xi32, #tpu.memory_space<vmem>>, vector<1x16xi32>,
    %get3A_308 = vector.shape_cast %get3A_307 : vector<1x16xi32> to vector<16xi32>
    %sub3A_309 = arith.subi %get3A_308, %broadcast_in_dim3A : vector<16xi32>
    %ge3A_310 = arith.cmpi sge, %get3A_308, %broadcast_in_dim3A : vector<16xi32>
    %lt3A_311 = arith.constant 5120 : i32
    %lt3A_312 = vector.broadcast %lt3A_311 : i32 to vector<16xi32>
    %lt3A_313 = arith.cmpi slt, %sub3A_309, %lt3A_312 : vector<16xi32>
    %and3A_314 = arith.andi %ge3A_310, %lt3A_313 : vector<16xi1>
    %select_n3A_315 = arith.select %and3A_314, %sub3A_309, %broadcast_in_dim3A_4 : vector<16xi1>, vector<16xi32>
    %swap3A_316 = arith.constant 2 : i32
    %swap3A_317 = arith.index_cast %swap3A_316 : i32 to index
    %swap3A_318 = arith.constant 16 : index
    %swap3A_319 = tpu.vector_load %arg6[%swap3A_317, %swap3A_318] {strides = array<i32>} : memref<4x128xi32, #tpu.memory_space<vmem>>, vector<1x16xi32>,
    %swap3A_320 = vector.shape_cast %swap3A_319 : vector<1x16xi32> to vector<16xi32>
    %swap3A_321 = vector.shape_cast %select_n3A_315 : vector<16xi32> to vector<1x16xi32>
    tpu.vector_store %arg6[%swap3A_317, %swap3A_318], %swap3A_321 {strides = array<i32>} : memref<4x128xi32, #tpu.memory_space<vmem>>, vector<1x16xi32>,
    %get3A_322 = arith.constant 2 : i32
    %get3A_323 = arith.index_cast %get3A_322 : i32 to index
    %get3A_324 = arith.constant 32 : index
    %get3A_325 = tpu.vector_load %arg6[%get3A_323, %get3A_324] {strides = array<i32>} : memref<4x128xi32, #tpu.memory_space<vmem>>, vector<1x16xi32>,
    %get3A_326 = vector.shape_cast %get3A_325 : vector<1x16xi32> to vector<16xi32>
    %sub3A_327 = arith.subi %get3A_326, %broadcast_in_dim3A : vector<16xi32>
    %ge3A_328 = arith.cmpi sge, %get3A_326, %broadcast_in_dim3A : vector<16xi32>
    %lt3A_329 = arith.constant 5120 : i32
    %lt3A_330 = vector.broadcast %lt3A_329 : i32 to vector<16xi32>
    %lt3A_331 = arith.cmpi slt, %sub3A_327, %lt3A_330 : vector<16xi32>
    %and3A_332 = arith.andi %ge3A_328, %lt3A_331 : vector<16xi1>
    %select_n3A_333 = arith.select %and3A_332, %sub3A_327, %broadcast_in_dim3A_4 : vector<16xi1>, vector<16xi32>
    %swap3A_334 = arith.constant 2 : i32
    %swap3A_335 = arith.index_cast %swap3A_334 : i32 to index
    %swap3A_336 = arith.constant 32 : index
    %swap3A_337 = tpu.vector_load %arg6[%swap3A_335, %swap3A_336] {strides = array<i32>} : memref<4x128xi32, #tpu.memory_space<vmem>>, vector<1x16xi32>,
    %swap3A_338 = vector.shape_cast %swap3A_337 : vector<1x16xi32> to vector<16xi32>
    %swap3A_339 = vector.shape_cast %select_n3A_333 : vector<16xi32> to vector<1x16xi32>
    tpu.vector_store %arg6[%swap3A_335, %swap3A_336], %swap3A_339 {strides = array<i32>} : memref<4x128xi32, #tpu.memory_space<vmem>>, vector<1x16xi32>,
    %get3A_340 = arith.constant 2 : i32
    %get3A_341 = arith.index_cast %get3A_340 : i32 to index
    %get3A_342 = arith.constant 48 : index
    %get3A_343 = tpu.vector_load %arg6[%get3A_341, %get3A_342] {strides = array<i32>} : memref<4x128xi32, #tpu.memory_space<vmem>>, vector<1x16xi32>,
    %get3A_344 = vector.shape_cast %get3A_343 : vector<1x16xi32> to vector<16xi32>
    %sub3A_345 = arith.subi %get3A_344, %broadcast_in_dim3A : vector<16xi32>
    %ge3A_346 = arith.cmpi sge, %get3A_344, %broadcast_in_dim3A : vector<16xi32>
    %lt3A_347 = arith.constant 5120 : i32
    %lt3A_348 = vector.broadcast %lt3A_347 : i32 to vector<16xi32>
    %lt3A_349 = arith.cmpi slt, %sub3A_345, %lt3A_348 : vector<16xi32>
    %and3A_350 = arith.andi %ge3A_346, %lt3A_349 : vector<16xi1>
    %select_n3A_351 = arith.select %and3A_350, %sub3A_345, %broadcast_in_dim3A_4 : vector<16xi1>, vector<16xi32>
    %swap3A_352 = arith.constant 2 : i32
    %swap3A_353 = arith.index_cast %swap3A_352 : i32 to index
    %swap3A_354 = arith.constant 48 : index
    %swap3A_355 = tpu.vector_load %arg6[%swap3A_353, %swap3A_354] {strides = array<i32>} : memref<4x128xi32, #tpu.memory_space<vmem>>, vector<1x16xi32>,
    %swap3A_356 = vector.shape_cast %swap3A_355 : vector<1x16xi32> to vector<16xi32>
    %swap3A_357 = vector.shape_cast %select_n3A_351 : vector<16xi32> to vector<1x16xi32>
    tpu.vector_store %arg6[%swap3A_353, %swap3A_354], %swap3A_357 {strides = array<i32>} : memref<4x128xi32, #tpu.memory_space<vmem>>, vector<1x16xi32>,
    %get3A_358 = arith.constant 2 : i32
    %get3A_359 = arith.index_cast %get3A_358 : i32 to index
    %get3A_360 = arith.constant 64 : index
    %get3A_361 = tpu.vector_load %arg6[%get3A_359, %get3A_360] {strides = array<i32>} : memref<4x128xi32, #tpu.memory_space<vmem>>, vector<1x16xi32>,
    %get3A_362 = vector.shape_cast %get3A_361 : vector<1x16xi32> to vector<16xi32>
    %sub3A_363 = arith.subi %get3A_362, %broadcast_in_dim3A : vector<16xi32>
    %ge3A_364 = arith.cmpi sge, %get3A_362, %broadcast_in_dim3A : vector<16xi32>
    %lt3A_365 = arith.constant 5120 : i32
    %lt3A_366 = vector.broadcast %lt3A_365 : i32 to vector<16xi32>
    %lt3A_367 = arith.cmpi slt, %sub3A_363, %lt3A_366 : vector<16xi32>
    %and3A_368 = arith.andi %ge3A_364, %lt3A_367 : vector<16xi1>
    %select_n3A_369 = arith.select %and3A_368, %sub3A_363, %broadcast_in_dim3A_4 : vector<16xi1>, vector<16xi32>
    %swap3A_370 = arith.constant 2 : i32
    %swap3A_371 = arith.index_cast %swap3A_370 : i32 to index
    %swap3A_372 = arith.constant 64 : index
    %swap3A_373 = tpu.vector_load %arg6[%swap3A_371, %swap3A_372] {strides = array<i32>} : memref<4x128xi32, #tpu.memory_space<vmem>>, vector<1x16xi32>,
    %swap3A_374 = vector.shape_cast %swap3A_373 : vector<1x16xi32> to vector<16xi32>
    %swap3A_375 = vector.shape_cast %select_n3A_369 : vector<16xi32> to vector<1x16xi32>
    tpu.vector_store %arg6[%swap3A_371, %swap3A_372], %swap3A_375 {strides = array<i32>} : memref<4x128xi32, #tpu.memory_space<vmem>>, vector<1x16xi32>,
    %get3A_376 = arith.constant 2 : i32
    %get3A_377 = arith.index_cast %get3A_376 : i32 to index
    %get3A_378 = arith.constant 80 : index
    %get3A_379 = tpu.vector_load %arg6[%get3A_377, %get3A_378] {strides = array<i32>} : memref<4x128xi32, #tpu.memory_space<vmem>>, vector<1x16xi32>,
    %get3A_380 = vector.shape_cast %get3A_379 : vector<1x16xi32> to vector<16xi32>
    %sub3A_381 = arith.subi %get3A_380, %broadcast_in_dim3A : vector<16xi32>
    %ge3A_382 = arith.cmpi sge, %get3A_380, %broadcast_in_dim3A : vector<16xi32>
    %lt3A_383 = arith.constant 5120 : i32
    %lt3A_384 = vector.broadcast %lt3A_383 : i32 to vector<16xi32>
    %lt3A_385 = arith.cmpi slt, %sub3A_381, %lt3A_384 : vector<16xi32>
    %and3A_386 = arith.andi %ge3A_382, %lt3A_385 : vector<16xi1>
    %select_n3A_387 = arith.select %and3A_386, %sub3A_381, %broadcast_in_dim3A_4 : vector<16xi1>, vector<16xi32>
    %swap3A_388 = arith.constant 2 : i32
    %swap3A_389 = arith.index_cast %swap3A_388 : i32 to index
    %swap3A_390 = arith.constant 80 : index
    %swap3A_391 = tpu.vector_load %arg6[%swap3A_389, %swap3A_390] {strides = array<i32>} : memref<4x128xi32, #tpu.memory_space<vmem>>, vector<1x16xi32>,
    %swap3A_392 = vector.shape_cast %swap3A_391 : vector<1x16xi32> to vector<16xi32>
    %swap3A_393 = vector.shape_cast %select_n3A_387 : vector<16xi32> to vector<1x16xi32>
    tpu.vector_store %arg6[%swap3A_389, %swap3A_390], %swap3A_393 {strides = array<i32>} : memref<4x128xi32, #tpu.memory_space<vmem>>, vector<1x16xi32>,
    %get3A_394 = arith.constant 2 : i32
    %get3A_395 = arith.index_cast %get3A_394 : i32 to index
    %get3A_396 = arith.constant 96 : index
    %get3A_397 = tpu.vector_load %arg6[%get3A_395, %get3A_396] {strides = array<i32>} : memref<4x128xi32, #tpu.memory_space<vmem>>, vector<1x16xi32>,
    %get3A_398 = vector.shape_cast %get3A_397 : vector<1x16xi32> to vector<16xi32>
    %sub3A_399 = arith.subi %get3A_398, %broadcast_in_dim3A : vector<16xi32>
    %ge3A_400 = arith.cmpi sge, %get3A_398, %broadcast_in_dim3A : vector<16xi32>
    %lt3A_401 = arith.constant 5120 : i32
    %lt3A_402 = vector.broadcast %lt3A_401 : i32 to vector<16xi32>
    %lt3A_403 = arith.cmpi slt, %sub3A_399, %lt3A_402 : vector<16xi32>
    %and3A_404 = arith.andi %ge3A_400, %lt3A_403 : vector<16xi1>
    %select_n3A_405 = arith.select %and3A_404, %sub3A_399, %broadcast_in_dim3A_4 : vector<16xi1>, vector<16xi32>
    %swap3A_406 = arith.constant 2 : i32
    %swap3A_407 = arith.index_cast %swap3A_406 : i32 to index
    %swap3A_408 = arith.constant 96 : index
    %swap3A_409 = tpu.vector_load %arg6[%swap3A_407, %swap3A_408] {strides = array<i32>} : memref<4x128xi32, #tpu.memory_space<vmem>>, vector<1x16xi32>,
    %swap3A_410 = vector.shape_cast %swap3A_409 : vector<1x16xi32> to vector<16xi32>
    %swap3A_411 = vector.shape_cast %select_n3A_405 : vector<16xi32> to vector<1x16xi32>
    tpu.vector_store %arg6[%swap3A_407, %swap3A_408], %swap3A_411 {strides = array<i32>} : memref<4x128xi32, #tpu.memory_space<vmem>>, vector<1x16xi32>,
    %get3A_412 = arith.constant 2 : i32
    %get3A_413 = arith.index_cast %get3A_412 : i32 to index
    %get3A_414 = arith.constant 112 : index
    %get3A_415 = tpu.vector_load %arg6[%get3A_413, %get3A_414] {strides = array<i32>} : memref<4x128xi32, #tpu.memory_space<vmem>>, vector<1x16xi32>,
    %get3A_416 = vector.shape_cast %get3A_415 : vector<1x16xi32> to vector<16xi32>
    %sub3A_417 = arith.subi %get3A_416, %broadcast_in_dim3A : vector<16xi32>
    %ge3A_418 = arith.cmpi sge, %get3A_416, %broadcast_in_dim3A : vector<16xi32>
    %lt3A_419 = arith.constant 5120 : i32
    %lt3A_420 = vector.broadcast %lt3A_419 : i32 to vector<16xi32>
    %lt3A_421 = arith.cmpi slt, %sub3A_417, %lt3A_420 : vector<16xi32>
    %and3A_422 = arith.andi %ge3A_418, %lt3A_421 : vector<16xi1>
    %select_n3A_423 = arith.select %and3A_422, %sub3A_417, %broadcast_in_dim3A_4 : vector<16xi1>, vector<16xi32>
    %swap3A_424 = arith.constant 2 : i32
    %swap3A_425 = arith.index_cast %swap3A_424 : i32 to index
    %swap3A_426 = arith.constant 112 : index
    %swap3A_427 = tpu.vector_load %arg6[%swap3A_425, %swap3A_426] {strides = array<i32>} : memref<4x128xi32, #tpu.memory_space<vmem>>, vector<1x16xi32>,
    %swap3A_428 = vector.shape_cast %swap3A_427 : vector<1x16xi32> to vector<16xi32>
    %swap3A_429 = vector.shape_cast %select_n3A_423 : vector<16xi32> to vector<1x16xi32>
    tpu.vector_store %arg6[%swap3A_425, %swap3A_426], %swap3A_429 {strides = array<i32>} : memref<4x128xi32, #tpu.memory_space<vmem>>, vector<1x16xi32>,
    %get3A_430 = arith.constant 3 : i32
    %get3A_431 = arith.index_cast %get3A_430 : i32 to index
    %get3A_432 = arith.constant 0 : index
    %get3A_433 = tpu.vector_load %arg6[%get3A_431, %get3A_432] {strides = array<i32>} : memref<4x128xi32, #tpu.memory_space<vmem>>, vector<1x16xi32>,
    %get3A_434 = vector.shape_cast %get3A_433 : vector<1x16xi32> to vector<16xi32>
    %sub3A_435 = arith.subi %get3A_434, %broadcast_in_dim3A : vector<16xi32>
    %ge3A_436 = arith.cmpi sge, %get3A_434, %broadcast_in_dim3A : vector<16xi32>
    %lt3A_437 = arith.constant 5120 : i32
    %lt3A_438 = vector.broadcast %lt3A_437 : i32 to vector<16xi32>
    %lt3A_439 = arith.cmpi slt, %sub3A_435, %lt3A_438 : vector<16xi32>
    %and3A_440 = arith.andi %ge3A_436, %lt3A_439 : vector<16xi1>
    %select_n3A_441 = arith.select %and3A_440, %sub3A_435, %broadcast_in_dim3A_4 : vector<16xi1>, vector<16xi32>
    %swap3A_442 = arith.constant 3 : i32
    %swap3A_443 = arith.index_cast %swap3A_442 : i32 to index
    %swap3A_444 = arith.constant 0 : index
    %swap3A_445 = tpu.vector_load %arg6[%swap3A_443, %swap3A_444] {strides = array<i32>} : memref<4x128xi32, #tpu.memory_space<vmem>>, vector<1x16xi32>,
    %swap3A_446 = vector.shape_cast %swap3A_445 : vector<1x16xi32> to vector<16xi32>
    %swap3A_447 = vector.shape_cast %select_n3A_441 : vector<16xi32> to vector<1x16xi32>
    tpu.vector_store %arg6[%swap3A_443, %swap3A_444], %swap3A_447 {strides = array<i32>} : memref<4x128xi32, #tpu.memory_space<vmem>>, vector<1x16xi32>,
    %get3A_448 = arith.constant 3 : i32
    %get3A_449 = arith.index_cast %get3A_448 : i32 to index
    %get3A_450 = arith.constant 16 : index
    %get3A_451 = tpu.vector_load %arg6[%get3A_449, %get3A_450] {strides = array<i32>} : memref<4x128xi32, #tpu.memory_space<vmem>>, vector<1x16xi32>,
    %get3A_452 = vector.shape_cast %get3A_451 : vector<1x16xi32> to vector<16xi32>
    %sub3A_453 = arith.subi %get3A_452, %broadcast_in_dim3A : vector<16xi32>
    %ge3A_454 = arith.cmpi sge, %get3A_452, %broadcast_in_dim3A : vector<16xi32>
    %lt3A_455 = arith.constant 5120 : i32
    %lt3A_456 = vector.broadcast %lt3A_455 : i32 to vector<16xi32>
    %lt3A_457 = arith.cmpi slt, %sub3A_453, %lt3A_456 : vector<16xi32>
    %and3A_458 = arith.andi %ge3A_454, %lt3A_457 : vector<16xi1>
    %select_n3A_459 = arith.select %and3A_458, %sub3A_453, %broadcast_in_dim3A_4 : vector<16xi1>, vector<16xi32>
    %swap3A_460 = arith.constant 3 : i32
    %swap3A_461 = arith.index_cast %swap3A_460 : i32 to index
    %swap3A_462 = arith.constant 16 : index
    %swap3A_463 = tpu.vector_load %arg6[%swap3A_461, %swap3A_462] {strides = array<i32>} : memref<4x128xi32, #tpu.memory_space<vmem>>, vector<1x16xi32>,
    %swap3A_464 = vector.shape_cast %swap3A_463 : vector<1x16xi32> to vector<16xi32>
    %swap3A_465 = vector.shape_cast %select_n3A_459 : vector<16xi32> to vector<1x16xi32>
    tpu.vector_store %arg6[%swap3A_461, %swap3A_462], %swap3A_465 {strides = array<i32>} : memref<4x128xi32, #tpu.memory_space<vmem>>, vector<1x16xi32>,
    %get3A_466 = arith.constant 3 : i32
    %get3A_467 = arith.index_cast %get3A_466 : i32 to index
    %get3A_468 = arith.constant 32 : index
    %get3A_469 = tpu.vector_load %arg6[%get3A_467, %get3A_468] {strides = array<i32>} : memref<4x128xi32, #tpu.memory_space<vmem>>, vector<1x16xi32>,
    %get3A_470 = vector.shape_cast %get3A_469 : vector<1x16xi32> to vector<16xi32>
    %sub3A_471 = arith.subi %get3A_470, %broadcast_in_dim3A : vector<16xi32>
    %ge3A_472 = arith.cmpi sge, %get3A_470, %broadcast_in_dim3A : vector<16xi32>
    %lt3A_473 = arith.constant 5120 : i32
    %lt3A_474 = vector.broadcast %lt3A_473 : i32 to vector<16xi32>
    %lt3A_475 = arith.cmpi slt, %sub3A_471, %lt3A_474 : vector<16xi32>
    %and3A_476 = arith.andi %ge3A_472, %lt3A_475 : vector<16xi1>
    %select_n3A_477 = arith.select %and3A_476, %sub3A_471, %broadcast_in_dim3A_4 : vector<16xi1>, vector<16xi32>
    %swap3A_478 = arith.constant 3 : i32
    %swap3A_479 = arith.index_cast %swap3A_478 : i32 to index
    %swap3A_480 = arith.constant 32 : index
    %swap3A_481 = tpu.vector_load %arg6[%swap3A_479, %swap3A_480] {strides = array<i32>} : memref<4x128xi32, #tpu.memory_space<vmem>>, vector<1x16xi32>,
    %swap3A_482 = vector.shape_cast %swap3A_481 : vector<1x16xi32> to vector<16xi32>
    %swap3A_483 = vector.shape_cast %select_n3A_477 : vector<16xi32> to vector<1x16xi32>
    tpu.vector_store %arg6[%swap3A_479, %swap3A_480], %swap3A_483 {strides = array<i32>} : memref<4x128xi32, #tpu.memory_space<vmem>>, vector<1x16xi32>,
    %get3A_484 = arith.constant 3 : i32
    %get3A_485 = arith.index_cast %get3A_484 : i32 to index
    %get3A_486 = arith.constant 48 : index
    %get3A_487 = tpu.vector_load %arg6[%get3A_485, %get3A_486] {strides = array<i32>} : memref<4x128xi32, #tpu.memory_space<vmem>>, vector<1x16xi32>,
    %get3A_488 = vector.shape_cast %get3A_487 : vector<1x16xi32> to vector<16xi32>
    %sub3A_489 = arith.subi %get3A_488, %broadcast_in_dim3A : vector<16xi32>
    %ge3A_490 = arith.cmpi sge, %get3A_488, %broadcast_in_dim3A : vector<16xi32>
    %lt3A_491 = arith.constant 5120 : i32
    %lt3A_492 = vector.broadcast %lt3A_491 : i32 to vector<16xi32>
    %lt3A_493 = arith.cmpi slt, %sub3A_489, %lt3A_492 : vector<16xi32>
    %and3A_494 = arith.andi %ge3A_490, %lt3A_493 : vector<16xi1>
    %select_n3A_495 = arith.select %and3A_494, %sub3A_489, %broadcast_in_dim3A_4 : vector<16xi1>, vector<16xi32>
    %swap3A_496 = arith.constant 3 : i32
    %swap3A_497 = arith.index_cast %swap3A_496 : i32 to index
    %swap3A_498 = arith.constant 48 : index
    %swap3A_499 = tpu.vector_load %arg6[%swap3A_497, %swap3A_498] {strides = array<i32>} : memref<4x128xi32, #tpu.memory_space<vmem>>, vector<1x16xi32>,
    %swap3A_500 = vector.shape_cast %swap3A_499 : vector<1x16xi32> to vector<16xi32>
    %swap3A_501 = vector.shape_cast %select_n3A_495 : vector<16xi32> to vector<1x16xi32>
    tpu.vector_store %arg6[%swap3A_497, %swap3A_498], %swap3A_501 {strides = array<i32>} : memref<4x128xi32, #tpu.memory_space<vmem>>, vector<1x16xi32>,
    %get3A_502 = arith.constant 3 : i32
    %get3A_503 = arith.index_cast %get3A_502 : i32 to index
    %get3A_504 = arith.constant 64 : index
    %get3A_505 = tpu.vector_load %arg6[%get3A_503, %get3A_504] {strides = array<i32>} : memref<4x128xi32, #tpu.memory_space<vmem>>, vector<1x16xi32>,
    %get3A_506 = vector.shape_cast %get3A_505 : vector<1x16xi32> to vector<16xi32>
    %sub3A_507 = arith.subi %get3A_506, %broadcast_in_dim3A : vector<16xi32>
    %ge3A_508 = arith.cmpi sge, %get3A_506, %broadcast_in_dim3A : vector<16xi32>
    %lt3A_509 = arith.constant 5120 : i32
    %lt3A_510 = vector.broadcast %lt3A_509 : i32 to vector<16xi32>
    %lt3A_511 = arith.cmpi slt, %sub3A_507, %lt3A_510 : vector<16xi32>
    %and3A_512 = arith.andi %ge3A_508, %lt3A_511 : vector<16xi1>
    %select_n3A_513 = arith.select %and3A_512, %sub3A_507, %broadcast_in_dim3A_4 : vector<16xi1>, vector<16xi32>
    %swap3A_514 = arith.constant 3 : i32
    %swap3A_515 = arith.index_cast %swap3A_514 : i32 to index
    %swap3A_516 = arith.constant 64 : index
    %swap3A_517 = tpu.vector_load %arg6[%swap3A_515, %swap3A_516] {strides = array<i32>} : memref<4x128xi32, #tpu.memory_space<vmem>>, vector<1x16xi32>,
    %swap3A_518 = vector.shape_cast %swap3A_517 : vector<1x16xi32> to vector<16xi32>
    %swap3A_519 = vector.shape_cast %select_n3A_513 : vector<16xi32> to vector<1x16xi32>
    tpu.vector_store %arg6[%swap3A_515, %swap3A_516], %swap3A_519 {strides = array<i32>} : memref<4x128xi32, #tpu.memory_space<vmem>>, vector<1x16xi32>,
    %get3A_520 = arith.constant 3 : i32
    %get3A_521 = arith.index_cast %get3A_520 : i32 to index
    %get3A_522 = arith.constant 80 : index
    %get3A_523 = tpu.vector_load %arg6[%get3A_521, %get3A_522] {strides = array<i32>} : memref<4x128xi32, #tpu.memory_space<vmem>>, vector<1x16xi32>,
    %get3A_524 = vector.shape_cast %get3A_523 : vector<1x16xi32> to vector<16xi32>
    %sub3A_525 = arith.subi %get3A_524, %broadcast_in_dim3A : vector<16xi32>
    %ge3A_526 = arith.cmpi sge, %get3A_524, %broadcast_in_dim3A : vector<16xi32>
    %lt3A_527 = arith.constant 5120 : i32
    %lt3A_528 = vector.broadcast %lt3A_527 : i32 to vector<16xi32>
    %lt3A_529 = arith.cmpi slt, %sub3A_525, %lt3A_528 : vector<16xi32>
    %and3A_530 = arith.andi %ge3A_526, %lt3A_529 : vector<16xi1>
    %select_n3A_531 = arith.select %and3A_530, %sub3A_525, %broadcast_in_dim3A_4 : vector<16xi1>, vector<16xi32>
    %swap3A_532 = arith.constant 3 : i32
    %swap3A_533 = arith.index_cast %swap3A_532 : i32 to index
    %swap3A_534 = arith.constant 80 : index
    %swap3A_535 = tpu.vector_load %arg6[%swap3A_533, %swap3A_534] {strides = array<i32>} : memref<4x128xi32, #tpu.memory_space<vmem>>, vector<1x16xi32>,
    %swap3A_536 = vector.shape_cast %swap3A_535 : vector<1x16xi32> to vector<16xi32>
    %swap3A_537 = vector.shape_cast %select_n3A_531 : vector<16xi32> to vector<1x16xi32>
    tpu.vector_store %arg6[%swap3A_533, %swap3A_534], %swap3A_537 {strides = array<i32>} : memref<4x128xi32, #tpu.memory_space<vmem>>, vector<1x16xi32>,
    %get3A_538 = arith.constant 3 : i32
    %get3A_539 = arith.index_cast %get3A_538 : i32 to index
    %get3A_540 = arith.constant 96 : index
    %get3A_541 = tpu.vector_load %arg6[%get3A_539, %get3A_540] {strides = array<i32>} : memref<4x128xi32, #tpu.memory_space<vmem>>, vector<1x16xi32>,
    %get3A_542 = vector.shape_cast %get3A_541 : vector<1x16xi32> to vector<16xi32>
    %sub3A_543 = arith.subi %get3A_542, %broadcast_in_dim3A : vector<16xi32>
    %ge3A_544 = arith.cmpi sge, %get3A_542, %broadcast_in_dim3A : vector<16xi32>
    %lt3A_545 = arith.constant 5120 : i32
    %lt3A_546 = vector.broadcast %lt3A_545 : i32 to vector<16xi32>
    %lt3A_547 = arith.cmpi slt, %sub3A_543, %lt3A_546 : vector<16xi32>
    %and3A_548 = arith.andi %ge3A_544, %lt3A_547 : vector<16xi1>
    %select_n3A_549 = arith.select %and3A_548, %sub3A_543, %broadcast_in_dim3A_4 : vector<16xi1>, vector<16xi32>
    %swap3A_550 = arith.constant 3 : i32
    %swap3A_551 = arith.index_cast %swap3A_550 : i32 to index
    %swap3A_552 = arith.constant 96 : index
    %swap3A_553 = tpu.vector_load %arg6[%swap3A_551, %swap3A_552] {strides = array<i32>} : memref<4x128xi32, #tpu.memory_space<vmem>>, vector<1x16xi32>,
    %swap3A_554 = vector.shape_cast %swap3A_553 : vector<1x16xi32> to vector<16xi32>
    %swap3A_555 = vector.shape_cast %select_n3A_549 : vector<16xi32> to vector<1x16xi32>
    tpu.vector_store %arg6[%swap3A_551, %swap3A_552], %swap3A_555 {strides = array<i32>} : memref<4x128xi32, #tpu.memory_space<vmem>>, vector<1x16xi32>,
    %get3A_556 = arith.constant 3 : i32
    %get3A_557 = arith.index_cast %get3A_556 : i32 to index
    %get3A_558 = arith.constant 112 : index
    %get3A_559 = tpu.vector_load %arg6[%get3A_557, %get3A_558] {strides = array<i32>} : memref<4x128xi32, #tpu.memory_space<vmem>>, vector<1x16xi32>,
    %get3A_560 = vector.shape_cast %get3A_559 : vector<1x16xi32> to vector<16xi32>
    %sub3A_561 = arith.subi %get3A_560, %broadcast_in_dim3A : vector<16xi32>
    %ge3A_562 = arith.cmpi sge, %get3A_560, %broadcast_in_dim3A : vector<16xi32>
    %lt3A_563 = arith.constant 5120 : i32
    %lt3A_564 = vector.broadcast %lt3A_563 : i32 to vector<16xi32>
    %lt3A_565 = arith.cmpi slt, %sub3A_561, %lt3A_564 : vector<16xi32>
    %and3A_566 = arith.andi %ge3A_562, %lt3A_565 : vector<16xi1>
    %select_n3A_567 = arith.select %and3A_566, %sub3A_561, %broadcast_in_dim3A_4 : vector<16xi1>, vector<16xi32>
    %swap3A_568 = arith.constant 3 : i32
    %swap3A_569 = arith.index_cast %swap3A_568 : i32 to index
    %swap3A_570 = arith.constant 112 : index
    %swap3A_571 = tpu.vector_load %arg6[%swap3A_569, %swap3A_570] {strides = array<i32>} : memref<4x128xi32, #tpu.memory_space<vmem>>, vector<1x16xi32>,
    %swap3A_572 = vector.shape_cast %swap3A_571 : vector<1x16xi32> to vector<16xi32>
    %swap3A_573 = vector.shape_cast %select_n3A_567 : vector<16xi32> to vector<1x16xi32>
    tpu.vector_store %arg6[%swap3A_569, %swap3A_570], %swap3A_573 {strides = array<i32>} : memref<4x128xi32, #tpu.memory_space<vmem>>, vector<1x16xi32>,
    %barrier3A = arith.constant 0 : index
    tpu.barrier barrier_id(%barrier3A)
    %mul3A_574 = arith.constant 512 : i32
    %mul3A_575 = arith.muli %arg1, %mul3A_574 : i32
    %dma_start3A = arith.constant 0 : i32
    %dma_start3A_576 = arith.constant 0 : i32
    %dma_start3A_577 = arith.constant 0 : i32
    %dma_start3A_578 = tpu.memref_slice %arg7[%dma_start3A, %dma_start3A_576, %dma_start3A_577] : memref<2x128x128xf32, #tpu.memory_space<vmem>> -> memref<1x128x128xf32, #tpu.memory_space<vmem>>
    %dma_start3A_579 = tpu.memref_squeeze %dma_start3A_578 : memref<1x128x128xf32, #tpu.memory_space<vmem>> -> memref<128x128xf32, #tpu.memory_space<vmem>>
    %dma_start3A_580 = arith.constant 0 : i32
    %dma_start3A_581 = tpu.memref_slice %arg2[%mul3A_575, %dma_start3A_580] : memref<8192x128xf32, #tpu.memory_space<hbm>> -> memref<128x128xf32, #tpu.memory_space<hbm>>
    %dma_start3A_582 = arith.constant 0 : i32
    %dma_start3A_583 = arith.constant 0 : i32
    %dma_start3A_584 = tpu.memref_slice %arg7[%dma_start3A, %dma_start3A_582, %dma_start3A_583] : memref<2x128x128xf32, #tpu.memory_space<vmem>> -> memref<1x128x128xf32, #tpu.memory_space<vmem>>
    %dma_start3A_585 = tpu.memref_squeeze %dma_start3A_584 : memref<1x128x128xf32, #tpu.memory_space<vmem>> -> memref<128x128xf32, #tpu.memory_space<vmem>>
    %dma_start3A_586 = arith.constant 0 : i32
    %dma_start3A_587 = tpu.memref_slice %arg2[%mul3A_575, %dma_start3A_586] : memref<8192x128xf32, #tpu.memory_space<hbm>> -> memref<128x128xf32, #tpu.memory_space<hbm>>
    tpu.enqueue_dma source(%dma_start3A_587 : memref<128x128xf32, #tpu.memory_space<hbm>>) target(%dma_start3A_585 : memref<128x128xf32, #tpu.memory_space<vmem>>) target_semaphore(%arg10 : memref<!tpu.dma_semaphore, #tpu.memory_space<semaphore_mem>>)
    %mul3A_588 = arith.constant 512 : i32
    %mul3A_589 = arith.muli %arg1, %mul3A_588 : i32
    %add3A = arith.constant 128 : i32
    %add3A_590 = arith.addi %mul3A_589, %add3A : i32
    %dma_start3A_591 = arith.constant 1 : i32
    %dma_start3A_592 = arith.constant 0 : i32
    %dma_start3A_593 = arith.constant 0 : i32
    %dma_start3A_594 = tpu.memref_slice %arg7[%dma_start3A_591, %dma_start3A_592, %dma_start3A_593] : memref<2x128x128xf32, #tpu.memory_space<vmem>> -> memref<1x128x128xf32, #tpu.memory_space<vmem>>
    %dma_start3A_595 = tpu.memref_squeeze %dma_start3A_594 : memref<1x128x128xf32, #tpu.memory_space<vmem>> -> memref<128x128xf32, #tpu.memory_space<vmem>>
    %dma_start3A_596 = arith.constant 0 : i32
    %dma_start3A_597 = tpu.memref_slice %arg2[%add3A_590, %dma_start3A_596] : memref<8192x128xf32, #tpu.memory_space<hbm>> -> memref<128x128xf32, #tpu.memory_space<hbm>>
    %dma_start3A_598 = arith.constant 0 : i32
    %dma_start3A_599 = arith.constant 0 : i32
    %dma_start3A_600 = tpu.memref_slice %arg7[%dma_start3A_591, %dma_start3A_598, %dma_start3A_599] : memref<2x128x128xf32, #tpu.memory_space<vmem>> -> memref<1x128x128xf32, #tpu.memory_space<vmem>>
    %dma_start3A_601 = tpu.memref_squeeze %dma_start3A_600 : memref<1x128x128xf32, #tpu.memory_space<vmem>> -> memref<128x128xf32, #tpu.memory_space<vmem>>
    %dma_start3A_602 = arith.constant 0 : i32
    %dma_start3A_603 = tpu.memref_slice %arg2[%add3A_590, %dma_start3A_602] : memref<8192x128xf32, #tpu.memory_space<hbm>> -> memref<128x128xf32, #tpu.memory_space<hbm>>
    tpu.enqueue_dma source(%dma_start3A_603 : memref<128x128xf32, #tpu.memory_space<hbm>>) target(%dma_start3A_601 : memref<128x128xf32, #tpu.memory_space<vmem>>) target_semaphore(%arg11 : memref<!tpu.dma_semaphore, #tpu.memory_space<semaphore_mem>>)
    %dma_wait3A = arith.constant 0 : i32
    %dma_wait3A_604 = arith.constant 0 : i32
    %dma_wait3A_605 = arith.constant 0 : i32
    %dma_wait3A_606 = tpu.memref_slice %arg7[%dma_wait3A, %dma_wait3A_604, %dma_wait3A_605] : memref<2x128x128xf32, #tpu.memory_space<vmem>> -> memref<1x128x128xf32, #tpu.memory_space<vmem>>
    %dma_wait3A_607 = tpu.memref_squeeze %dma_wait3A_606 : memref<1x128x128xf32, #tpu.memory_space<vmem>> -> memref<128x128xf32, #tpu.memory_space<vmem>>
    %dma_wait3A_608 = arith.constant 0 : i32
    %dma_wait3A_609 = tpu.memref_slice %arg2[%mul3A_575, %dma_wait3A_608] : memref<8192x128xf32, #tpu.memory_space<hbm>> -> memref<128x128xf32, #tpu.memory_space<hbm>>
    %dma_wait3A_610 = arith.constant 0 : i32
    %dma_wait3A_611 = arith.constant 0 : i32
    %dma_wait3A_612 = tpu.memref_slice %arg7[%dma_wait3A, %dma_wait3A_610, %dma_wait3A_611] : memref<2x128x128xf32, #tpu.memory_space<vmem>> -> memref<1x128x128xf32, #tpu.memory_space<vmem>>
    %dma_wait3A_613 = tpu.memref_squeeze %dma_wait3A_612 : memref<1x128x128xf32, #tpu.memory_space<vmem>> -> memref<128x128xf32, #tpu.memory_space<vmem>>
    %dma_wait3A_614 = arith.constant 0 : i32
    %dma_wait3A_615 = tpu.memref_slice %arg2[%mul3A_575, %dma_wait3A_614] : memref<8192x128xf32, #tpu.memory_space<hbm>> -> memref<128x128xf32, #tpu.memory_space<hbm>>
    tpu.wait_dma2 semaphore(%arg10 : memref<!tpu.dma_semaphore, #tpu.memory_space<semaphore_mem>>) src(%dma_wait3A_615 : memref<128x128xf32, #tpu.memory_space<hbm>>) dst(%dma_wait3A_613 : memref<128x128xf32, #tpu.memory_space<vmem>>)
    %dma_start3A_616 = arith.constant 0 : i32
    %dma_start3A_617 = arith.constant 0 : i32
    %dma_start3A_618 = arith.constant 0 : i32
    %dma_start3A_619 = arith.constant 0 : i32
    %dma_start3A_620 = tpu.memref_slice %arg7[%dma_start3A_616, %dma_start3A_618, %dma_start3A_619] : memref<2x128x128xf32, #tpu.memory_space<vmem>> -> memref<1x128x128xf32, #tpu.memory_space<vmem>>
    %dma_start3A_621 = tpu.memref_squeeze %dma_start3A_620 : memref<1x128x128xf32, #tpu.memory_space<vmem>> -> memref<128x128xf32, #tpu.memory_space<vmem>>
    %dma_start3A_622 = arith.constant 0 : i32
    %dma_start3A_623 = tpu.memref_slice %arg6[%dma_start3A_617, %dma_start3A_622] : memref<4x128xi32, #tpu.memory_space<vmem>> -> memref<1x128xi32, #tpu.memory_space<vmem>>
    %dma_start3A_624 = tpu.memref_squeeze %dma_start3A_623 : memref<1x128xi32, #tpu.memory_space<vmem>> -> memref<128xi32, #tpu.memory_space<vmem>>
    %dma_start3A_625 = arith.constant 0 : i32
    %dma_start3A_626 = arith.constant 0 : i32
    %dma_start3A_627 = tpu.memref_slice %arg8[%dma_start3A_625, %dma_start3A_626] : memref<5128x128xf32, #tpu.memory_space<vmem_shared>> -> memref<5128x128xf32, #tpu.memory_space<vmem_shared>>
    tpu.enqueue_indirect_dma source(%dma_start3A_621 : memref<128x128xf32, #tpu.memory_space<vmem>>) target(%dma_start3A_627 : memref<5128x128xf32, #tpu.memory_space<vmem_shared>>) offsets(%dma_start3A_624 : memref<128xi32, #tpu.memory_space<vmem>>) semaphore(%arg9 : memref<!tpu.dma_semaphore, #tpu.memory_space<semaphore_mem>>) {add = true}
    %dma_wait3A_628 = arith.constant 0 : i32
    %dma_wait3A_629 = arith.constant 0 : i32
    %dma_wait3A_630 = arith.constant 0 : i32
    %dma_wait3A_631 = arith.constant 0 : i32
    %dma_wait3A_632 = tpu.memref_slice %arg7[%dma_wait3A_628, %dma_wait3A_630, %dma_wait3A_631] : memref<2x128x128xf32, #tpu.memory_space<vmem>> -> memref<1x128x128xf32, #tpu.memory_space<vmem>>
    %dma_wait3A_633 = tpu.memref_squeeze %dma_wait3A_632 : memref<1x128x128xf32, #tpu.memory_space<vmem>> -> memref<128x128xf32, #tpu.memory_space<vmem>>
    %dma_wait3A_634 = arith.constant 0 : i32
    %dma_wait3A_635 = tpu.memref_slice %arg6[%dma_wait3A_629, %dma_wait3A_634] : memref<4x128xi32, #tpu.memory_space<vmem>> -> memref<1x128xi32, #tpu.memory_space<vmem>>
    %dma_wait3A_636 = tpu.memref_squeeze %dma_wait3A_635 : memref<1x128xi32, #tpu.memory_space<vmem>> -> memref<128xi32, #tpu.memory_space<vmem>>
    %dma_wait3A_637 = arith.constant 0 : i32
    %dma_wait3A_638 = arith.constant 0 : i32
    %dma_wait3A_639 = tpu.memref_slice %arg8[%dma_wait3A_637, %dma_wait3A_638] : memref<5128x128xf32, #tpu.memory_space<vmem_shared>> -> memref<5128x128xf32, #tpu.memory_space<vmem_shared>>
    tpu.wait_indirect_dma semaphore(%arg9 : memref<!tpu.dma_semaphore, #tpu.memory_space<semaphore_mem>>) src(%dma_wait3A_633 : memref<128x128xf32, #tpu.memory_space<vmem>>) dst(%dma_wait3A_639 : memref<5128x128xf32, #tpu.memory_space<vmem_shared>>)
    %mul3A_640 = arith.constant 512 : i32
    %mul3A_641 = arith.muli %arg1, %mul3A_640 : i32
    %add3A_642 = arith.constant 256 : i32
    %add3A_643 = arith.addi %mul3A_641, %add3A_642 : i32
    %dma_start3A_644 = arith.constant 0 : i32
    %dma_start3A_645 = arith.constant 0 : i32
    %dma_start3A_646 = arith.constant 0 : i32
    %dma_start3A_647 = tpu.memref_slice %arg7[%dma_start3A_644, %dma_start3A_645, %dma_start3A_646] : memref<2x128x128xf32, #tpu.memory_space<vmem>> -> memref<1x128x128xf32, #tpu.memory_space<vmem>>
    %dma_start3A_648 = tpu.memref_squeeze %dma_start3A_647 : memref<1x128x128xf32, #tpu.memory_space<vmem>> -> memref<128x128xf32, #tpu.memory_space<vmem>>
    %dma_start3A_649 = arith.constant 0 : i32
    %dma_start3A_650 = tpu.memref_slice %arg2[%add3A_643, %dma_start3A_649] : memref<8192x128xf32, #tpu.memory_space<hbm>> -> memref<128x128xf32, #tpu.memory_space<hbm>>
    %dma_start3A_651 = arith.constant 0 : i32
    %dma_start3A_652 = arith.constant 0 : i32
    %dma_start3A_653 = tpu.memref_slice %arg7[%dma_start3A_644, %dma_start3A_651, %dma_start3A_652] : memref<2x128x128xf32, #tpu.memory_space<vmem>> -> memref<1x128x128xf32, #tpu.memory_space<vmem>>
    %dma_start3A_654 = tpu.memref_squeeze %dma_start3A_653 : memref<1x128x128xf32, #tpu.memory_space<vmem>> -> memref<128x128xf32, #tpu.memory_space<vmem>>
    %dma_start3A_655 = arith.constant 0 : i32
    %dma_start3A_656 = tpu.memref_slice %arg2[%add3A_643, %dma_start3A_655] : memref<8192x128xf32, #tpu.memory_space<hbm>> -> memref<128x128xf32, #tpu.memory_space<hbm>>
    tpu.enqueue_dma source(%dma_start3A_656 : memref<128x128xf32, #tpu.memory_space<hbm>>) target(%dma_start3A_654 : memref<128x128xf32, #tpu.memory_space<vmem>>) target_semaphore(%arg10 : memref<!tpu.dma_semaphore, #tpu.memory_space<semaphore_mem>>)
    %dma_wait3A_657 = arith.constant 1 : i32
    %dma_wait3A_658 = arith.constant 0 : i32
    %dma_wait3A_659 = arith.constant 0 : i32
    %dma_wait3A_660 = tpu.memref_slice %arg7[%dma_wait3A_657, %dma_wait3A_658, %dma_wait3A_659] : memref<2x128x128xf32, #tpu.memory_space<vmem>> -> memref<1x128x128xf32, #tpu.memory_space<vmem>>
    %dma_wait3A_661 = tpu.memref_squeeze %dma_wait3A_660 : memref<1x128x128xf32, #tpu.memory_space<vmem>> -> memref<128x128xf32, #tpu.memory_space<vmem>>
    %dma_wait3A_662 = arith.constant 0 : i32
    %dma_wait3A_663 = tpu.memref_slice %arg2[%add3A_590, %dma_wait3A_662] : memref<8192x128xf32, #tpu.memory_space<hbm>> -> memref<128x128xf32, #tpu.memory_space<hbm>>
    %dma_wait3A_664 = arith.constant 0 : i32
    %dma_wait3A_665 = arith.constant 0 : i32
    %dma_wait3A_666 = tpu.memref_slice %arg7[%dma_wait3A_657, %dma_wait3A_664, %dma_wait3A_665] : memref<2x128x128xf32, #tpu.memory_space<vmem>> -> memref<1x128x128xf32, #tpu.memory_space<vmem>>
    %dma_wait3A_667 = tpu.memref_squeeze %dma_wait3A_666 : memref<1x128x128xf32, #tpu.memory_space<vmem>> -> memref<128x128xf32, #tpu.memory_space<vmem>>
    %dma_wait3A_668 = arith.constant 0 : i32
    %dma_wait3A_669 = tpu.memref_slice %arg2[%add3A_590, %dma_wait3A_668] : memref<8192x128xf32, #tpu.memory_space<hbm>> -> memref<128x128xf32, #tpu.memory_space<hbm>>
    tpu.wait_dma2 semaphore(%arg11 : memref<!tpu.dma_semaphore, #tpu.memory_space<semaphore_mem>>) src(%dma_wait3A_669 : memref<128x128xf32, #tpu.memory_space<hbm>>) dst(%dma_wait3A_667 : memref<128x128xf32, #tpu.memory_space<vmem>>)
    %dma_start3A_670 = arith.constant 1 : i32
    %dma_start3A_671 = arith.constant 1 : i32
    %dma_start3A_672 = arith.constant 0 : i32
    %dma_start3A_673 = arith.constant 0 : i32
    %dma_start3A_674 = tpu.memref_slice %arg7[%dma_start3A_670, %dma_start3A_672, %dma_start3A_673] : memref<2x128x128xf32, #tpu.memory_space<vmem>> -> memref<1x128x128xf32, #tpu.memory_space<vmem>>
    %dma_start3A_675 = tpu.memref_squeeze %dma_start3A_674 : memref<1x128x128xf32, #tpu.memory_space<vmem>> -> memref<128x128xf32, #tpu.memory_space<vmem>>
    %dma_start3A_676 = arith.constant 0 : i32
    %dma_start3A_677 = tpu.memref_slice %arg6[%dma_start3A_671, %dma_start3A_676] : memref<4x128xi32, #tpu.memory_space<vmem>> -> memref<1x128xi32, #tpu.memory_space<vmem>>
    %dma_start3A_678 = tpu.memref_squeeze %dma_start3A_677 : memref<1x128xi32, #tpu.memory_space<vmem>> -> memref<128xi32, #tpu.memory_space<vmem>>
    %dma_start3A_679 = arith.constant 0 : i32
    %dma_start3A_680 = arith.constant 0 : i32
    %dma_start3A_681 = tpu.memref_slice %arg8[%dma_start3A_679, %dma_start3A_680] : memref<5128x128xf32, #tpu.memory_space<vmem_shared>> -> memref<5128x128xf32, #tpu.memory_space<vmem_shared>>
    tpu.enqueue_indirect_dma source(%dma_start3A_675 : memref<128x128xf32, #tpu.memory_space<vmem>>) target(%dma_start3A_681 : memref<5128x128xf32, #tpu.memory_space<vmem_shared>>) offsets(%dma_start3A_678 : memref<128xi32, #tpu.memory_space<vmem>>) semaphore(%arg9 : memref<!tpu.dma_semaphore, #tpu.memory_space<semaphore_mem>>) {add = true}
    %dma_wait3A_682 = arith.constant 1 : i32
    %dma_wait3A_683 = arith.constant 1 : i32
    %dma_wait3A_684 = arith.constant 0 : i32
    %dma_wait3A_685 = arith.constant 0 : i32
    %dma_wait3A_686 = tpu.memref_slice %arg7[%dma_wait3A_682, %dma_wait3A_684, %dma_wait3A_685] : memref<2x128x128xf32, #tpu.memory_space<vmem>> -> memref<1x128x128xf32, #tpu.memory_space<vmem>>
    %dma_wait3A_687 = tpu.memref_squeeze %dma_wait3A_686 : memref<1x128x128xf32, #tpu.memory_space<vmem>> -> memref<128x128xf32, #tpu.memory_space<vmem>>
    %dma_wait3A_688 = arith.constant 0 : i32
    %dma_wait3A_689 = tpu.memref_slice %arg6[%dma_wait3A_683, %dma_wait3A_688] : memref<4x128xi32, #tpu.memory_space<vmem>> -> memref<1x128xi32, #tpu.memory_space<vmem>>
    %dma_wait3A_690 = tpu.memref_squeeze %dma_wait3A_689 : memref<1x128xi32, #tpu.memory_space<vmem>> -> memref<128xi32, #tpu.memory_space<vmem>>
    %dma_wait3A_691 = arith.constant 0 : i32
    %dma_wait3A_692 = arith.constant 0 : i32
    %dma_wait3A_693 = tpu.memref_slice %arg8[%dma_wait3A_691, %dma_wait3A_692] : memref<5128x128xf32, #tpu.memory_space<vmem_shared>> -> memref<5128x128xf32, #tpu.memory_space<vmem_shared>>
    tpu.wait_indirect_dma semaphore(%arg9 : memref<!tpu.dma_semaphore, #tpu.memory_space<semaphore_mem>>) src(%dma_wait3A_687 : memref<128x128xf32, #tpu.memory_space<vmem>>) dst(%dma_wait3A_693 : memref<5128x128xf32, #tpu.memory_space<vmem_shared>>)
    %mul3A_694 = arith.constant 512 : i32
    %mul3A_695 = arith.muli %arg1, %mul3A_694 : i32
    %add3A_696 = arith.constant 384 : i32
    %add3A_697 = arith.addi %mul3A_695, %add3A_696 : i32
    %dma_start3A_698 = arith.constant 1 : i32
    %dma_start3A_699 = arith.constant 0 : i32
    %dma_start3A_700 = arith.constant 0 : i32
    %dma_start3A_701 = tpu.memref_slice %arg7[%dma_start3A_698, %dma_start3A_699, %dma_start3A_700] : memref<2x128x128xf32, #tpu.memory_space<vmem>> -> memref<1x128x128xf32, #tpu.memory_space<vmem>>
    %dma_start3A_702 = tpu.memref_squeeze %dma_start3A_701 : memref<1x128x128xf32, #tpu.memory_space<vmem>> -> memref<128x128xf32, #tpu.memory_space<vmem>>
    %dma_start3A_703 = arith.constant 0 : i32
    %dma_start3A_704 = tpu.memref_slice %arg2[%add3A_697, %dma_start3A_703] : memref<8192x128xf32, #tpu.memory_space<hbm>> -> memref<128x128xf32, #tpu.memory_space<hbm>>
    %dma_start3A_705 = arith.constant 0 : i32
    %dma_start3A_706 = arith.constant 0 : i32
    %dma_start3A_707 = tpu.memref_slice %arg7[%dma_start3A_698, %dma_start3A_705, %dma_start3A_706] : memref<2x128x128xf32, #tpu.memory_space<vmem>> -> memref<1x128x128xf32, #tpu.memory_space<vmem>>
    %dma_start3A_708 = tpu.memref_squeeze %dma_start3A_707 : memref<1x128x128xf32, #tpu.memory_space<vmem>> -> memref<128x128xf32, #tpu.memory_space<vmem>>
    %dma_start3A_709 = arith.constant 0 : i32
    %dma_start3A_710 = tpu.memref_slice %arg2[%add3A_697, %dma_start3A_709] : memref<8192x128xf32, #tpu.memory_space<hbm>> -> memref<128x128xf32, #tpu.memory_space<hbm>>
    tpu.enqueue_dma source(%dma_start3A_710 : memref<128x128xf32, #tpu.memory_space<hbm>>) target(%dma_start3A_708 : memref<128x128xf32, #tpu.memory_space<vmem>>) target_semaphore(%arg11 : memref<!tpu.dma_semaphore, #tpu.memory_space<semaphore_mem>>)
    %dma_wait3A_711 = arith.constant 0 : i32
    %dma_wait3A_712 = arith.constant 0 : i32
    %dma_wait3A_713 = arith.constant 0 : i32
    %dma_wait3A_714 = tpu.memref_slice %arg7[%dma_wait3A_711, %dma_wait3A_712, %dma_wait3A_713] : memref<2x128x128xf32, #tpu.memory_space<vmem>> -> memref<1x128x128xf32, #tpu.memory_space<vmem>>
    %dma_wait3A_715 = tpu.memref_squeeze %dma_wait3A_714 : memref<1x128x128xf32, #tpu.memory_space<vmem>> -> memref<128x128xf32, #tpu.memory_space<vmem>>
    %dma_wait3A_716 = arith.constant 0 : i32
    %dma_wait3A_717 = tpu.memref_slice %arg2[%add3A_643, %dma_wait3A_716] : memref<8192x128xf32, #tpu.memory_space<hbm>> -> memref<128x128xf32, #tpu.memory_space<hbm>>
    %dma_wait3A_718 = arith.constant 0 : i32
    %dma_wait3A_719 = arith.constant 0 : i32
    %dma_wait3A_720 = tpu.memref_slice %arg7[%dma_wait3A_711, %dma_wait3A_718, %dma_wait3A_719] : memref<2x128x128xf32, #tpu.memory_space<vmem>> -> memref<1x128x128xf32, #tpu.memory_space<vmem>>
    %dma_wait3A_721 = tpu.memref_squeeze %dma_wait3A_720 : memref<1x128x128xf32, #tpu.memory_space<vmem>> -> memref<128x128xf32, #tpu.memory_space<vmem>>
    %dma_wait3A_722 = arith.constant 0 : i32
    %dma_wait3A_723 = tpu.memref_slice %arg2[%add3A_643, %dma_wait3A_722] : memref<8192x128xf32, #tpu.memory_space<hbm>> -> memref<128x128xf32, #tpu.memory_space<hbm>>
    tpu.wait_dma2 semaphore(%arg10 : memref<!tpu.dma_semaphore, #tpu.memory_space<semaphore_mem>>) src(%dma_wait3A_723 : memref<128x128xf32, #tpu.memory_space<hbm>>) dst(%dma_wait3A_721 : memref<128x128xf32, #tpu.memory_space<vmem>>)
    %dma_start3A_724 = arith.constant 0 : i32
    %dma_start3A_725 = arith.constant 2 : i32
    %dma_start3A_726 = arith.constant 0 : i32
    %dma_start3A_727 = arith.constant 0 : i32
    %dma_start3A_728 = tpu.memref_slice %arg7[%dma_start3A_724, %dma_start3A_726, %dma_start3A_727] : memref<2x128x128xf32, #tpu.memory_space<vmem>> -> memref<1x128x128xf32, #tpu.memory_space<vmem>>
    %dma_start3A_729 = tpu.memref_squeeze %dma_start3A_728 : memref<1x128x128xf32, #tpu.memory_space<vmem>> -> memref<128x128xf32, #tpu.memory_space<vmem>>
    %dma_start3A_730 = arith.constant 0 : i32
    %dma_start3A_731 = tpu.memref_slice %arg6[%dma_start3A_725, %dma_start3A_730] : memref<4x128xi32, #tpu.memory_space<vmem>> -> memref<1x128xi32, #tpu.memory_space<vmem>>
    %dma_start3A_732 = tpu.memref_squeeze %dma_start3A_731 : memref<1x128xi32, #tpu.memory_space<vmem>> -> memref<128xi32, #tpu.memory_space<vmem>>
    %dma_start3A_733 = arith.constant 0 : i32
    %dma_start3A_734 = arith.constant 0 : i32
    %dma_start3A_735 = tpu.memref_slice %arg8[%dma_start3A_733, %dma_start3A_734] : memref<5128x128xf32, #tpu.memory_space<vmem_shared>> -> memref<5128x128xf32, #tpu.memory_space<vmem_shared>>
    tpu.enqueue_indirect_dma source(%dma_start3A_729 : memref<128x128xf32, #tpu.memory_space<vmem>>) target(%dma_start3A_735 : memref<5128x128xf32, #tpu.memory_space<vmem_shared>>) offsets(%dma_start3A_732 : memref<128xi32, #tpu.memory_space<vmem>>) semaphore(%arg9 : memref<!tpu.dma_semaphore, #tpu.memory_space<semaphore_mem>>) {add = true}
    %dma_wait3A_736 = arith.constant 0 : i32
    %dma_wait3A_737 = arith.constant 2 : i32
    %dma_wait3A_738 = arith.constant 0 : i32
    %dma_wait3A_739 = arith.constant 0 : i32
    %dma_wait3A_740 = tpu.memref_slice %arg7[%dma_wait3A_736, %dma_wait3A_738, %dma_wait3A_739] : memref<2x128x128xf32, #tpu.memory_space<vmem>> -> memref<1x128x128xf32, #tpu.memory_space<vmem>>
    %dma_wait3A_741 = tpu.memref_squeeze %dma_wait3A_740 : memref<1x128x128xf32, #tpu.memory_space<vmem>> -> memref<128x128xf32, #tpu.memory_space<vmem>>
    %dma_wait3A_742 = arith.constant 0 : i32
    %dma_wait3A_743 = tpu.memref_slice %arg6[%dma_wait3A_737, %dma_wait3A_742] : memref<4x128xi32, #tpu.memory_space<vmem>> -> memref<1x128xi32, #tpu.memory_space<vmem>>
    %dma_wait3A_744 = tpu.memref_squeeze %dma_wait3A_743 : memref<1x128xi32, #tpu.memory_space<vmem>> -> memref<128xi32, #tpu.memory_space<vmem>>
    %dma_wait3A_745 = arith.constant 0 : i32
    %dma_wait3A_746 = arith.constant 0 : i32
    %dma_wait3A_747 = tpu.memref_slice %arg8[%dma_wait3A_745, %dma_wait3A_746] : memref<5128x128xf32, #tpu.memory_space<vmem_shared>> -> memref<5128x128xf32, #tpu.memory_space<vmem_shared>>
    tpu.wait_indirect_dma semaphore(%arg9 : memref<!tpu.dma_semaphore, #tpu.memory_space<semaphore_mem>>) src(%dma_wait3A_741 : memref<128x128xf32, #tpu.memory_space<vmem>>) dst(%dma_wait3A_747 : memref<5128x128xf32, #tpu.memory_space<vmem_shared>>)
    %dma_wait3A_748 = arith.constant 1 : i32
    %dma_wait3A_749 = arith.constant 0 : i32
    %dma_wait3A_750 = arith.constant 0 : i32
    %dma_wait3A_751 = tpu.memref_slice %arg7[%dma_wait3A_748, %dma_wait3A_749, %dma_wait3A_750] : memref<2x128x128xf32, #tpu.memory_space<vmem>> -> memref<1x128x128xf32, #tpu.memory_space<vmem>>
    %dma_wait3A_752 = tpu.memref_squeeze %dma_wait3A_751 : memref<1x128x128xf32, #tpu.memory_space<vmem>> -> memref<128x128xf32, #tpu.memory_space<vmem>>
    %dma_wait3A_753 = arith.constant 0 : i32
    %dma_wait3A_754 = tpu.memref_slice %arg2[%add3A_697, %dma_wait3A_753] : memref<8192x128xf32, #tpu.memory_space<hbm>> -> memref<128x128xf32, #tpu.memory_space<hbm>>
    %dma_wait3A_755 = arith.constant 0 : i32
    %dma_wait3A_756 = arith.constant 0 : i32
    %dma_wait3A_757 = tpu.memref_slice %arg7[%dma_wait3A_748, %dma_wait3A_755, %dma_wait3A_756] : memref<2x128x128xf32, #tpu.memory_space<vmem>> -> memref<1x128x128xf32, #tpu.memory_space<vmem>>
    %dma_wait3A_758 = tpu.memref_squeeze %dma_wait3A_757 : memref<1x128x128xf32, #tpu.memory_space<vmem>> -> memref<128x128xf32, #tpu.memory_space<vmem>>
    %dma_wait3A_759 = arith.constant 0 : i32
    %dma_wait3A_760 = tpu.memref_slice %arg2[%add3A_697, %dma_wait3A_759] : memref<8192x128xf32, #tpu.memory_space<hbm>> -> memref<128x128xf32, #tpu.memory_space<hbm>>
    tpu.wait_dma2 semaphore(%arg11 : memref<!tpu.dma_semaphore, #tpu.memory_space<semaphore_mem>>) src(%dma_wait3A_760 : memref<128x128xf32, #tpu.memory_space<hbm>>) dst(%dma_wait3A_758 : memref<128x128xf32, #tpu.memory_space<vmem>>)
    %dma_start3A_761 = arith.constant 1 : i32
    %dma_start3A_762 = arith.constant 3 : i32
    %dma_start3A_763 = arith.constant 0 : i32
    %dma_start3A_764 = arith.constant 0 : i32
    %dma_start3A_765 = tpu.memref_slice %arg7[%dma_start3A_761, %dma_start3A_763, %dma_start3A_764] : memref<2x128x128xf32, #tpu.memory_space<vmem>> -> memref<1x128x128xf32, #tpu.memory_space<vmem>>
    %dma_start3A_766 = tpu.memref_squeeze %dma_start3A_765 : memref<1x128x128xf32, #tpu.memory_space<vmem>> -> memref<128x128xf32, #tpu.memory_space<vmem>>
    %dma_start3A_767 = arith.constant 0 : i32
    %dma_start3A_768 = tpu.memref_slice %arg6[%dma_start3A_762, %dma_start3A_767] : memref<4x128xi32, #tpu.memory_space<vmem>> -> memref<1x128xi32, #tpu.memory_space<vmem>>
    %dma_start3A_769 = tpu.memref_squeeze %dma_start3A_768 : memref<1x128xi32, #tpu.memory_space<vmem>> -> memref<128xi32, #tpu.memory_space<vmem>>
    %dma_start3A_770 = arith.constant 0 : i32
    %dma_start3A_771 = arith.constant 0 : i32
    %dma_start3A_772 = tpu.memref_slice %arg8[%dma_start3A_770, %dma_start3A_771] : memref<5128x128xf32, #tpu.memory_space<vmem_shared>> -> memref<5128x128xf32, #tpu.memory_space<vmem_shared>>
    tpu.enqueue_indirect_dma source(%dma_start3A_766 : memref<128x128xf32, #tpu.memory_space<vmem>>) target(%dma_start3A_772 : memref<5128x128xf32, #tpu.memory_space<vmem_shared>>) offsets(%dma_start3A_769 : memref<128xi32, #tpu.memory_space<vmem>>) semaphore(%arg9 : memref<!tpu.dma_semaphore, #tpu.memory_space<semaphore_mem>>) {add = true}
    %dma_wait3A_773 = arith.constant 1 : i32
    %dma_wait3A_774 = arith.constant 3 : i32
    %dma_wait3A_775 = arith.constant 0 : i32
    %dma_wait3A_776 = arith.constant 0 : i32
    %dma_wait3A_777 = tpu.memref_slice %arg7[%dma_wait3A_773, %dma_wait3A_775, %dma_wait3A_776] : memref<2x128x128xf32, #tpu.memory_space<vmem>> -> memref<1x128x128xf32, #tpu.memory_space<vmem>>
    %dma_wait3A_778 = tpu.memref_squeeze %dma_wait3A_777 : memref<1x128x128xf32, #tpu.memory_space<vmem>> -> memref<128x128xf32, #tpu.memory_space<vmem>>
    %dma_wait3A_779 = arith.constant 0 : i32
    %dma_wait3A_780 = tpu.memref_slice %arg6[%dma_wait3A_774, %dma_wait3A_779] : memref<4x128xi32, #tpu.memory_space<vmem>> -> memref<1x128xi32, #tpu.memory_space<vmem>>
    %dma_wait3A_781 = tpu.memref_squeeze %dma_wait3A_780 : memref<1x128xi32, #tpu.memory_space<vmem>> -> memref<128xi32, #tpu.memory_space<vmem>>
    %dma_wait3A_782 = arith.constant 0 : i32
    %dma_wait3A_783 = arith.constant 0 : i32
    %dma_wait3A_784 = tpu.memref_slice %arg8[%dma_wait3A_782, %dma_wait3A_783] : memref<5128x128xf32, #tpu.memory_space<vmem_shared>> -> memref<5128x128xf32, #tpu.memory_space<vmem_shared>>
    tpu.wait_indirect_dma semaphore(%arg9 : memref<!tpu.dma_semaphore, #tpu.memory_space<semaphore_mem>>) src(%dma_wait3A_778 : memref<128x128xf32, #tpu.memory_space<vmem>>) dst(%dma_wait3A_784 : memref<5128x128xf32, #tpu.memory_space<vmem_shared>>)
    %barrier3A_785 = arith.constant 0 : index
    tpu.barrier barrier_id(%barrier3A_785)
    %mul3A_786 = arith.constant 320 : i32
    %mul3A_787 = arith.muli %arg1, %mul3A_786 : i32
    %mul3A_788 = arith.constant 5120 : i32
    %mul3A_789 = arith.muli %arg0, %mul3A_788 : i32
    %mul3A_790 = arith.constant 320 : i32
    %mul3A_791 = arith.muli %arg1, %mul3A_790 : i32
    %add3A_792 = arith.addi %mul3A_789, %mul3A_791 : i32
    "tpu.region"() ({
      %run_scoped3A = tpu.sem_alloc : memref<!tpu.dma_semaphore, #tpu.memory_space<semaphore_mem>>
      %dma_start3A_793 = arith.constant 0 : i32
      %dma_start3A_794 = tpu.memref_slice %arg5[%add3A_792, %dma_start3A_793] : memref<10240x128xf32, #tpu.memory_space<hbm>> -> memref<320x128xf32, #tpu.memory_space<hbm>>
      %dma_start3A_795 = arith.constant 0 : i32
      %dma_start3A_796 = tpu.memref_slice %arg8[%mul3A_787, %dma_start3A_795] : memref<5128x128xf32, #tpu.memory_space<vmem_shared>> -> memref<320x128xf32, #tpu.memory_space<vmem_shared>>
      tpu.enqueue_dma source(%dma_start3A_796 : memref<320x128xf32, #tpu.memory_space<vmem_shared>>) target(%dma_start3A_794 : memref<320x128xf32, #tpu.memory_space<hbm>>) target_semaphore(%run_scoped3A : memref<!tpu.dma_semaphore, #tpu.memory_space<semaphore_mem>>)
      %dma_wait3A_797 = arith.constant 0 : i32
      %dma_wait3A_798 = tpu.memref_slice %arg5[%add3A_792, %dma_wait3A_797] : memref<10240x128xf32, #tpu.memory_space<hbm>> -> memref<320x128xf32, #tpu.memory_space<hbm>>
      %dma_wait3A_799 = arith.constant 0 : i32
      %dma_wait3A_800 = tpu.memref_slice %arg8[%mul3A_787, %dma_wait3A_799] : memref<5128x128xf32, #tpu.memory_space<vmem_shared>> -> memref<320x128xf32, #tpu.memory_space<vmem_shared>>
      tpu.wait_dma2 semaphore(%run_scoped3A : memref<!tpu.dma_semaphore, #tpu.memory_space<semaphore_mem>>) src(%dma_wait3A_800 : memref<320x128xf32, #tpu.memory_space<vmem_shared>>) dst(%dma_wait3A_798 : memref<320x128xf32, #tpu.memory_space<hbm>>)
      tpu.yield
    }) : () -> ()
    return
  }
}

#map = affine_map<(d0, d1) -> (0, 0)>
#map1 = affine_map<(d0, d1) -> (0, 0, 0)>
module attributes {stable_mosaic.version = 14 : i64} {
  func.func @sk(%arg0: i32, %arg1: i32, %arg2: memref<4096x128xf32, #tpu.memory_space<hbm>>, %arg3: memref<16x2x128xi32, #tpu.memory_space<hbm>>, %arg4: memref<320x128xf32, #tpu.memory_space<hbm>>, %arg5: memref<10240x128xf32, #tpu.memory_space<hbm>>, %arg6: memref<2x128xi32, #tpu.memory_space<vmem>>, %arg7: memref<2x128x128xf32, #tpu.memory_space<vmem>>, %arg8: memref<5128x128xf32, #tpu.memory_space<vmem_shared>>, %arg9: memref<!tpu.dma_semaphore, #tpu.memory_space<semaphore_mem>>, %arg10: memref<!tpu.dma_semaphore, #tpu.memory_space<semaphore_mem>>, %arg11: memref<!tpu.dma_semaphore, #tpu.memory_space<semaphore_mem>>) attributes {dimension_semantics = [#tpu.dimension_semantics<core_parallel>, #tpu.dimension_semantics<subcore_parallel>], iteration_bounds = array<i64: 2, 16>, scalar_prefetch = 0 : i64, scratch_operands = 6 : i64, tpu.core_type = #tpu.core_type<sc_vector_subcore>, window_params = [{transform_indices = #map}, {transform_indices = #map1}, {transform_indices = #map}, {transform_indices = #map}]} {
    %mul3A = arith.constant 320 : i32
    %mul3A_0 = arith.muli %arg1, %mul3A : i32
    "tpu.region"() ({
      %run_scoped3A = tpu.sem_alloc : memref<!tpu.dma_semaphore, #tpu.memory_space<semaphore_mem>>
      %dma_start3A_397 = arith.constant 0 : i32
      %dma_start3A_398 = tpu.memref_slice %arg8[%mul3A_0, %dma_start3A_397] : memref<5128x128xf32, #tpu.memory_space<vmem_shared>> -> memref<320x128xf32, #tpu.memory_space<vmem_shared>>
      tpu.enqueue_dma source(%arg4 : memref<320x128xf32, #tpu.memory_space<hbm>>) target(%dma_start3A_398 : memref<320x128xf32, #tpu.memory_space<vmem_shared>>) target_semaphore(%run_scoped3A : memref<!tpu.dma_semaphore, #tpu.memory_space<semaphore_mem>>)
      %dma_wait3A_399 = arith.constant 0 : i32
      %dma_wait3A_400 = tpu.memref_slice %arg8[%mul3A_0, %dma_wait3A_399] : memref<5128x128xf32, #tpu.memory_space<vmem_shared>> -> memref<320x128xf32, #tpu.memory_space<vmem_shared>>
      tpu.wait_dma2 semaphore(%run_scoped3A : memref<!tpu.dma_semaphore, #tpu.memory_space<semaphore_mem>>) src(%arg4 : memref<320x128xf32, #tpu.memory_space<hbm>>) dst(%dma_wait3A_400 : memref<320x128xf32, #tpu.memory_space<vmem_shared>>)
      tpu.yield
    }) : () -> ()
    "tpu.region"() ({
      %run_scoped3A = tpu.sem_alloc : memref<!tpu.dma_semaphore, #tpu.memory_space<semaphore_mem>>
      %dma_start3A_397 = arith.constant 0 : i32
      %dma_start3A_398 = arith.constant 0 : i32
      %dma_start3A_399 = tpu.memref_slice %arg3[%arg1, %dma_start3A_397, %dma_start3A_398] : memref<16x2x128xi32, #tpu.memory_space<hbm>> -> memref<1x2x128xi32, #tpu.memory_space<hbm>>
      %dma_start3A_400 = tpu.memref_squeeze %dma_start3A_399 : memref<1x2x128xi32, #tpu.memory_space<hbm>> -> memref<2x128xi32, #tpu.memory_space<hbm>>
      %dma_start3A_401 = arith.constant 0 : i32
      %dma_start3A_402 = arith.constant 0 : i32
      %dma_start3A_403 = tpu.memref_slice %arg3[%arg1, %dma_start3A_401, %dma_start3A_402] : memref<16x2x128xi32, #tpu.memory_space<hbm>> -> memref<1x2x128xi32, #tpu.memory_space<hbm>>
      %dma_start3A_404 = tpu.memref_squeeze %dma_start3A_403 : memref<1x2x128xi32, #tpu.memory_space<hbm>> -> memref<2x128xi32, #tpu.memory_space<hbm>>
      tpu.enqueue_dma source(%dma_start3A_404 : memref<2x128xi32, #tpu.memory_space<hbm>>) target(%arg6 : memref<2x128xi32, #tpu.memory_space<vmem>>) target_semaphore(%run_scoped3A : memref<!tpu.dma_semaphore, #tpu.memory_space<semaphore_mem>>)
      %dma_wait3A_405 = arith.constant 0 : i32
      %dma_wait3A_406 = arith.constant 0 : i32
      %dma_wait3A_407 = tpu.memref_slice %arg3[%arg1, %dma_wait3A_405, %dma_wait3A_406] : memref<16x2x128xi32, #tpu.memory_space<hbm>> -> memref<1x2x128xi32, #tpu.memory_space<hbm>>
      %dma_wait3A_408 = tpu.memref_squeeze %dma_wait3A_407 : memref<1x2x128xi32, #tpu.memory_space<hbm>> -> memref<2x128xi32, #tpu.memory_space<hbm>>
      %dma_wait3A_409 = arith.constant 0 : i32
      %dma_wait3A_410 = arith.constant 0 : i32
      %dma_wait3A_411 = tpu.memref_slice %arg3[%arg1, %dma_wait3A_409, %dma_wait3A_410] : memref<16x2x128xi32, #tpu.memory_space<hbm>> -> memref<1x2x128xi32, #tpu.memory_space<hbm>>
      %dma_wait3A_412 = tpu.memref_squeeze %dma_wait3A_411 : memref<1x2x128xi32, #tpu.memory_space<hbm>> -> memref<2x128xi32, #tpu.memory_space<hbm>>
      tpu.wait_dma2 semaphore(%run_scoped3A : memref<!tpu.dma_semaphore, #tpu.memory_space<semaphore_mem>>) src(%dma_wait3A_412 : memref<2x128xi32, #tpu.memory_space<hbm>>) dst(%arg6 : memref<2x128xi32, #tpu.memory_space<vmem>>)
      tpu.yield
    }) : () -> ()
    %mul3A_1 = arith.constant 5120 : i32
    %mul3A_2 = arith.muli %arg0, %mul3A_1 : i32
    %broadcast_in_dim3A = vector.broadcast %mul3A_2 : i32 to vector<16xi32>
    %broadcast_in_dim3A_3 = arith.constant 5120 : i32
    %broadcast_in_dim3A_4 = vector.broadcast %broadcast_in_dim3A_3 : i32 to vector<16xi32>
    %get3A = arith.constant 0 : i32
    %get3A_5 = arith.index_cast %get3A : i32 to index
    %get3A_6 = arith.constant 0 : index
    %get3A_7 = tpu.vector_load %arg6[%get3A_5, %get3A_6] {strides = array<i32>} : memref<2x128xi32, #tpu.memory_space<vmem>>, vector<1x16xi32>,
    %get3A_8 = vector.shape_cast %get3A_7 : vector<1x16xi32> to vector<16xi32>
    %sub3A = arith.subi %get3A_8, %broadcast_in_dim3A : vector<16xi32>
    %ge3A = arith.cmpi sge, %get3A_8, %broadcast_in_dim3A : vector<16xi32>
    %lt3A = arith.constant 5120 : i32
    %lt3A_9 = vector.broadcast %lt3A : i32 to vector<16xi32>
    %lt3A_10 = arith.cmpi slt, %sub3A, %lt3A_9 : vector<16xi32>
    %and3A = arith.andi %ge3A, %lt3A_10 : vector<16xi1>
    %select_n3A = arith.select %and3A, %sub3A, %broadcast_in_dim3A_4 : vector<16xi1>, vector<16xi32>
    %swap3A = arith.constant 0 : i32
    %swap3A_11 = arith.index_cast %swap3A : i32 to index
    %swap3A_12 = arith.constant 0 : index
    %swap3A_13 = tpu.vector_load %arg6[%swap3A_11, %swap3A_12] {strides = array<i32>} : memref<2x128xi32, #tpu.memory_space<vmem>>, vector<1x16xi32>,
    %swap3A_14 = vector.shape_cast %swap3A_13 : vector<1x16xi32> to vector<16xi32>
    %swap3A_15 = vector.shape_cast %select_n3A : vector<16xi32> to vector<1x16xi32>
    tpu.vector_store %arg6[%swap3A_11, %swap3A_12], %swap3A_15 {strides = array<i32>} : memref<2x128xi32, #tpu.memory_space<vmem>>, vector<1x16xi32>,
    %get3A_16 = arith.constant 0 : i32
    %get3A_17 = arith.index_cast %get3A_16 : i32 to index
    %get3A_18 = arith.constant 16 : index
    %get3A_19 = tpu.vector_load %arg6[%get3A_17, %get3A_18] {strides = array<i32>} : memref<2x128xi32, #tpu.memory_space<vmem>>, vector<1x16xi32>,
    %get3A_20 = vector.shape_cast %get3A_19 : vector<1x16xi32> to vector<16xi32>
    %sub3A_21 = arith.subi %get3A_20, %broadcast_in_dim3A : vector<16xi32>
    %ge3A_22 = arith.cmpi sge, %get3A_20, %broadcast_in_dim3A : vector<16xi32>
    %lt3A_23 = arith.constant 5120 : i32
    %lt3A_24 = vector.broadcast %lt3A_23 : i32 to vector<16xi32>
    %lt3A_25 = arith.cmpi slt, %sub3A_21, %lt3A_24 : vector<16xi32>
    %and3A_26 = arith.andi %ge3A_22, %lt3A_25 : vector<16xi1>
    %select_n3A_27 = arith.select %and3A_26, %sub3A_21, %broadcast_in_dim3A_4 : vector<16xi1>, vector<16xi32>
    %swap3A_28 = arith.constant 0 : i32
    %swap3A_29 = arith.index_cast %swap3A_28 : i32 to index
    %swap3A_30 = arith.constant 16 : index
    %swap3A_31 = tpu.vector_load %arg6[%swap3A_29, %swap3A_30] {strides = array<i32>} : memref<2x128xi32, #tpu.memory_space<vmem>>, vector<1x16xi32>,
    %swap3A_32 = vector.shape_cast %swap3A_31 : vector<1x16xi32> to vector<16xi32>
    %swap3A_33 = vector.shape_cast %select_n3A_27 : vector<16xi32> to vector<1x16xi32>
    tpu.vector_store %arg6[%swap3A_29, %swap3A_30], %swap3A_33 {strides = array<i32>} : memref<2x128xi32, #tpu.memory_space<vmem>>, vector<1x16xi32>,
    %get3A_34 = arith.constant 0 : i32
    %get3A_35 = arith.index_cast %get3A_34 : i32 to index
    %get3A_36 = arith.constant 32 : index
    %get3A_37 = tpu.vector_load %arg6[%get3A_35, %get3A_36] {strides = array<i32>} : memref<2x128xi32, #tpu.memory_space<vmem>>, vector<1x16xi32>,
    %get3A_38 = vector.shape_cast %get3A_37 : vector<1x16xi32> to vector<16xi32>
    %sub3A_39 = arith.subi %get3A_38, %broadcast_in_dim3A : vector<16xi32>
    %ge3A_40 = arith.cmpi sge, %get3A_38, %broadcast_in_dim3A : vector<16xi32>
    %lt3A_41 = arith.constant 5120 : i32
    %lt3A_42 = vector.broadcast %lt3A_41 : i32 to vector<16xi32>
    %lt3A_43 = arith.cmpi slt, %sub3A_39, %lt3A_42 : vector<16xi32>
    %and3A_44 = arith.andi %ge3A_40, %lt3A_43 : vector<16xi1>
    %select_n3A_45 = arith.select %and3A_44, %sub3A_39, %broadcast_in_dim3A_4 : vector<16xi1>, vector<16xi32>
    %swap3A_46 = arith.constant 0 : i32
    %swap3A_47 = arith.index_cast %swap3A_46 : i32 to index
    %swap3A_48 = arith.constant 32 : index
    %swap3A_49 = tpu.vector_load %arg6[%swap3A_47, %swap3A_48] {strides = array<i32>} : memref<2x128xi32, #tpu.memory_space<vmem>>, vector<1x16xi32>,
    %swap3A_50 = vector.shape_cast %swap3A_49 : vector<1x16xi32> to vector<16xi32>
    %swap3A_51 = vector.shape_cast %select_n3A_45 : vector<16xi32> to vector<1x16xi32>
    tpu.vector_store %arg6[%swap3A_47, %swap3A_48], %swap3A_51 {strides = array<i32>} : memref<2x128xi32, #tpu.memory_space<vmem>>, vector<1x16xi32>,
    %get3A_52 = arith.constant 0 : i32
    %get3A_53 = arith.index_cast %get3A_52 : i32 to index
    %get3A_54 = arith.constant 48 : index
    %get3A_55 = tpu.vector_load %arg6[%get3A_53, %get3A_54] {strides = array<i32>} : memref<2x128xi32, #tpu.memory_space<vmem>>, vector<1x16xi32>,
    %get3A_56 = vector.shape_cast %get3A_55 : vector<1x16xi32> to vector<16xi32>
    %sub3A_57 = arith.subi %get3A_56, %broadcast_in_dim3A : vector<16xi32>
    %ge3A_58 = arith.cmpi sge, %get3A_56, %broadcast_in_dim3A : vector<16xi32>
    %lt3A_59 = arith.constant 5120 : i32
    %lt3A_60 = vector.broadcast %lt3A_59 : i32 to vector<16xi32>
    %lt3A_61 = arith.cmpi slt, %sub3A_57, %lt3A_60 : vector<16xi32>
    %and3A_62 = arith.andi %ge3A_58, %lt3A_61 : vector<16xi1>
    %select_n3A_63 = arith.select %and3A_62, %sub3A_57, %broadcast_in_dim3A_4 : vector<16xi1>, vector<16xi32>
    %swap3A_64 = arith.constant 0 : i32
    %swap3A_65 = arith.index_cast %swap3A_64 : i32 to index
    %swap3A_66 = arith.constant 48 : index
    %swap3A_67 = tpu.vector_load %arg6[%swap3A_65, %swap3A_66] {strides = array<i32>} : memref<2x128xi32, #tpu.memory_space<vmem>>, vector<1x16xi32>,
    %swap3A_68 = vector.shape_cast %swap3A_67 : vector<1x16xi32> to vector<16xi32>
    %swap3A_69 = vector.shape_cast %select_n3A_63 : vector<16xi32> to vector<1x16xi32>
    tpu.vector_store %arg6[%swap3A_65, %swap3A_66], %swap3A_69 {strides = array<i32>} : memref<2x128xi32, #tpu.memory_space<vmem>>, vector<1x16xi32>,
    %get3A_70 = arith.constant 0 : i32
    %get3A_71 = arith.index_cast %get3A_70 : i32 to index
    %get3A_72 = arith.constant 64 : index
    %get3A_73 = tpu.vector_load %arg6[%get3A_71, %get3A_72] {strides = array<i32>} : memref<2x128xi32, #tpu.memory_space<vmem>>, vector<1x16xi32>,
    %get3A_74 = vector.shape_cast %get3A_73 : vector<1x16xi32> to vector<16xi32>
    %sub3A_75 = arith.subi %get3A_74, %broadcast_in_dim3A : vector<16xi32>
    %ge3A_76 = arith.cmpi sge, %get3A_74, %broadcast_in_dim3A : vector<16xi32>
    %lt3A_77 = arith.constant 5120 : i32
    %lt3A_78 = vector.broadcast %lt3A_77 : i32 to vector<16xi32>
    %lt3A_79 = arith.cmpi slt, %sub3A_75, %lt3A_78 : vector<16xi32>
    %and3A_80 = arith.andi %ge3A_76, %lt3A_79 : vector<16xi1>
    %select_n3A_81 = arith.select %and3A_80, %sub3A_75, %broadcast_in_dim3A_4 : vector<16xi1>, vector<16xi32>
    %swap3A_82 = arith.constant 0 : i32
    %swap3A_83 = arith.index_cast %swap3A_82 : i32 to index
    %swap3A_84 = arith.constant 64 : index
    %swap3A_85 = tpu.vector_load %arg6[%swap3A_83, %swap3A_84] {strides = array<i32>} : memref<2x128xi32, #tpu.memory_space<vmem>>, vector<1x16xi32>,
    %swap3A_86 = vector.shape_cast %swap3A_85 : vector<1x16xi32> to vector<16xi32>
    %swap3A_87 = vector.shape_cast %select_n3A_81 : vector<16xi32> to vector<1x16xi32>
    tpu.vector_store %arg6[%swap3A_83, %swap3A_84], %swap3A_87 {strides = array<i32>} : memref<2x128xi32, #tpu.memory_space<vmem>>, vector<1x16xi32>,
    %get3A_88 = arith.constant 0 : i32
    %get3A_89 = arith.index_cast %get3A_88 : i32 to index
    %get3A_90 = arith.constant 80 : index
    %get3A_91 = tpu.vector_load %arg6[%get3A_89, %get3A_90] {strides = array<i32>} : memref<2x128xi32, #tpu.memory_space<vmem>>, vector<1x16xi32>,
    %get3A_92 = vector.shape_cast %get3A_91 : vector<1x16xi32> to vector<16xi32>
    %sub3A_93 = arith.subi %get3A_92, %broadcast_in_dim3A : vector<16xi32>
    %ge3A_94 = arith.cmpi sge, %get3A_92, %broadcast_in_dim3A : vector<16xi32>
    %lt3A_95 = arith.constant 5120 : i32
    %lt3A_96 = vector.broadcast %lt3A_95 : i32 to vector<16xi32>
    %lt3A_97 = arith.cmpi slt, %sub3A_93, %lt3A_96 : vector<16xi32>
    %and3A_98 = arith.andi %ge3A_94, %lt3A_97 : vector<16xi1>
    %select_n3A_99 = arith.select %and3A_98, %sub3A_93, %broadcast_in_dim3A_4 : vector<16xi1>, vector<16xi32>
    %swap3A_100 = arith.constant 0 : i32
    %swap3A_101 = arith.index_cast %swap3A_100 : i32 to index
    %swap3A_102 = arith.constant 80 : index
    %swap3A_103 = tpu.vector_load %arg6[%swap3A_101, %swap3A_102] {strides = array<i32>} : memref<2x128xi32, #tpu.memory_space<vmem>>, vector<1x16xi32>,
    %swap3A_104 = vector.shape_cast %swap3A_103 : vector<1x16xi32> to vector<16xi32>
    %swap3A_105 = vector.shape_cast %select_n3A_99 : vector<16xi32> to vector<1x16xi32>
    tpu.vector_store %arg6[%swap3A_101, %swap3A_102], %swap3A_105 {strides = array<i32>} : memref<2x128xi32, #tpu.memory_space<vmem>>, vector<1x16xi32>,
    %get3A_106 = arith.constant 0 : i32
    %get3A_107 = arith.index_cast %get3A_106 : i32 to index
    %get3A_108 = arith.constant 96 : index
    %get3A_109 = tpu.vector_load %arg6[%get3A_107, %get3A_108] {strides = array<i32>} : memref<2x128xi32, #tpu.memory_space<vmem>>, vector<1x16xi32>,
    %get3A_110 = vector.shape_cast %get3A_109 : vector<1x16xi32> to vector<16xi32>
    %sub3A_111 = arith.subi %get3A_110, %broadcast_in_dim3A : vector<16xi32>
    %ge3A_112 = arith.cmpi sge, %get3A_110, %broadcast_in_dim3A : vector<16xi32>
    %lt3A_113 = arith.constant 5120 : i32
    %lt3A_114 = vector.broadcast %lt3A_113 : i32 to vector<16xi32>
    %lt3A_115 = arith.cmpi slt, %sub3A_111, %lt3A_114 : vector<16xi32>
    %and3A_116 = arith.andi %ge3A_112, %lt3A_115 : vector<16xi1>
    %select_n3A_117 = arith.select %and3A_116, %sub3A_111, %broadcast_in_dim3A_4 : vector<16xi1>, vector<16xi32>
    %swap3A_118 = arith.constant 0 : i32
    %swap3A_119 = arith.index_cast %swap3A_118 : i32 to index
    %swap3A_120 = arith.constant 96 : index
    %swap3A_121 = tpu.vector_load %arg6[%swap3A_119, %swap3A_120] {strides = array<i32>} : memref<2x128xi32, #tpu.memory_space<vmem>>, vector<1x16xi32>,
    %swap3A_122 = vector.shape_cast %swap3A_121 : vector<1x16xi32> to vector<16xi32>
    %swap3A_123 = vector.shape_cast %select_n3A_117 : vector<16xi32> to vector<1x16xi32>
    tpu.vector_store %arg6[%swap3A_119, %swap3A_120], %swap3A_123 {strides = array<i32>} : memref<2x128xi32, #tpu.memory_space<vmem>>, vector<1x16xi32>,
    %get3A_124 = arith.constant 0 : i32
    %get3A_125 = arith.index_cast %get3A_124 : i32 to index
    %get3A_126 = arith.constant 112 : index
    %get3A_127 = tpu.vector_load %arg6[%get3A_125, %get3A_126] {strides = array<i32>} : memref<2x128xi32, #tpu.memory_space<vmem>>, vector<1x16xi32>,
    %get3A_128 = vector.shape_cast %get3A_127 : vector<1x16xi32> to vector<16xi32>
    %sub3A_129 = arith.subi %get3A_128, %broadcast_in_dim3A : vector<16xi32>
    %ge3A_130 = arith.cmpi sge, %get3A_128, %broadcast_in_dim3A : vector<16xi32>
    %lt3A_131 = arith.constant 5120 : i32
    %lt3A_132 = vector.broadcast %lt3A_131 : i32 to vector<16xi32>
    %lt3A_133 = arith.cmpi slt, %sub3A_129, %lt3A_132 : vector<16xi32>
    %and3A_134 = arith.andi %ge3A_130, %lt3A_133 : vector<16xi1>
    %select_n3A_135 = arith.select %and3A_134, %sub3A_129, %broadcast_in_dim3A_4 : vector<16xi1>, vector<16xi32>
    %swap3A_136 = arith.constant 0 : i32
    %swap3A_137 = arith.index_cast %swap3A_136 : i32 to index
    %swap3A_138 = arith.constant 112 : index
    %swap3A_139 = tpu.vector_load %arg6[%swap3A_137, %swap3A_138] {strides = array<i32>} : memref<2x128xi32, #tpu.memory_space<vmem>>, vector<1x16xi32>,
    %swap3A_140 = vector.shape_cast %swap3A_139 : vector<1x16xi32> to vector<16xi32>
    %swap3A_141 = vector.shape_cast %select_n3A_135 : vector<16xi32> to vector<1x16xi32>
    tpu.vector_store %arg6[%swap3A_137, %swap3A_138], %swap3A_141 {strides = array<i32>} : memref<2x128xi32, #tpu.memory_space<vmem>>, vector<1x16xi32>,
    %get3A_142 = arith.constant 1 : i32
    %get3A_143 = arith.index_cast %get3A_142 : i32 to index
    %get3A_144 = arith.constant 0 : index
    %get3A_145 = tpu.vector_load %arg6[%get3A_143, %get3A_144] {strides = array<i32>} : memref<2x128xi32, #tpu.memory_space<vmem>>, vector<1x16xi32>,
    %get3A_146 = vector.shape_cast %get3A_145 : vector<1x16xi32> to vector<16xi32>
    %sub3A_147 = arith.subi %get3A_146, %broadcast_in_dim3A : vector<16xi32>
    %ge3A_148 = arith.cmpi sge, %get3A_146, %broadcast_in_dim3A : vector<16xi32>
    %lt3A_149 = arith.constant 5120 : i32
    %lt3A_150 = vector.broadcast %lt3A_149 : i32 to vector<16xi32>
    %lt3A_151 = arith.cmpi slt, %sub3A_147, %lt3A_150 : vector<16xi32>
    %and3A_152 = arith.andi %ge3A_148, %lt3A_151 : vector<16xi1>
    %select_n3A_153 = arith.select %and3A_152, %sub3A_147, %broadcast_in_dim3A_4 : vector<16xi1>, vector<16xi32>
    %swap3A_154 = arith.constant 1 : i32
    %swap3A_155 = arith.index_cast %swap3A_154 : i32 to index
    %swap3A_156 = arith.constant 0 : index
    %swap3A_157 = tpu.vector_load %arg6[%swap3A_155, %swap3A_156] {strides = array<i32>} : memref<2x128xi32, #tpu.memory_space<vmem>>, vector<1x16xi32>,
    %swap3A_158 = vector.shape_cast %swap3A_157 : vector<1x16xi32> to vector<16xi32>
    %swap3A_159 = vector.shape_cast %select_n3A_153 : vector<16xi32> to vector<1x16xi32>
    tpu.vector_store %arg6[%swap3A_155, %swap3A_156], %swap3A_159 {strides = array<i32>} : memref<2x128xi32, #tpu.memory_space<vmem>>, vector<1x16xi32>,
    %get3A_160 = arith.constant 1 : i32
    %get3A_161 = arith.index_cast %get3A_160 : i32 to index
    %get3A_162 = arith.constant 16 : index
    %get3A_163 = tpu.vector_load %arg6[%get3A_161, %get3A_162] {strides = array<i32>} : memref<2x128xi32, #tpu.memory_space<vmem>>, vector<1x16xi32>,
    %get3A_164 = vector.shape_cast %get3A_163 : vector<1x16xi32> to vector<16xi32>
    %sub3A_165 = arith.subi %get3A_164, %broadcast_in_dim3A : vector<16xi32>
    %ge3A_166 = arith.cmpi sge, %get3A_164, %broadcast_in_dim3A : vector<16xi32>
    %lt3A_167 = arith.constant 5120 : i32
    %lt3A_168 = vector.broadcast %lt3A_167 : i32 to vector<16xi32>
    %lt3A_169 = arith.cmpi slt, %sub3A_165, %lt3A_168 : vector<16xi32>
    %and3A_170 = arith.andi %ge3A_166, %lt3A_169 : vector<16xi1>
    %select_n3A_171 = arith.select %and3A_170, %sub3A_165, %broadcast_in_dim3A_4 : vector<16xi1>, vector<16xi32>
    %swap3A_172 = arith.constant 1 : i32
    %swap3A_173 = arith.index_cast %swap3A_172 : i32 to index
    %swap3A_174 = arith.constant 16 : index
    %swap3A_175 = tpu.vector_load %arg6[%swap3A_173, %swap3A_174] {strides = array<i32>} : memref<2x128xi32, #tpu.memory_space<vmem>>, vector<1x16xi32>,
    %swap3A_176 = vector.shape_cast %swap3A_175 : vector<1x16xi32> to vector<16xi32>
    %swap3A_177 = vector.shape_cast %select_n3A_171 : vector<16xi32> to vector<1x16xi32>
    tpu.vector_store %arg6[%swap3A_173, %swap3A_174], %swap3A_177 {strides = array<i32>} : memref<2x128xi32, #tpu.memory_space<vmem>>, vector<1x16xi32>,
    %get3A_178 = arith.constant 1 : i32
    %get3A_179 = arith.index_cast %get3A_178 : i32 to index
    %get3A_180 = arith.constant 32 : index
    %get3A_181 = tpu.vector_load %arg6[%get3A_179, %get3A_180] {strides = array<i32>} : memref<2x128xi32, #tpu.memory_space<vmem>>, vector<1x16xi32>,
    %get3A_182 = vector.shape_cast %get3A_181 : vector<1x16xi32> to vector<16xi32>
    %sub3A_183 = arith.subi %get3A_182, %broadcast_in_dim3A : vector<16xi32>
    %ge3A_184 = arith.cmpi sge, %get3A_182, %broadcast_in_dim3A : vector<16xi32>
    %lt3A_185 = arith.constant 5120 : i32
    %lt3A_186 = vector.broadcast %lt3A_185 : i32 to vector<16xi32>
    %lt3A_187 = arith.cmpi slt, %sub3A_183, %lt3A_186 : vector<16xi32>
    %and3A_188 = arith.andi %ge3A_184, %lt3A_187 : vector<16xi1>
    %select_n3A_189 = arith.select %and3A_188, %sub3A_183, %broadcast_in_dim3A_4 : vector<16xi1>, vector<16xi32>
    %swap3A_190 = arith.constant 1 : i32
    %swap3A_191 = arith.index_cast %swap3A_190 : i32 to index
    %swap3A_192 = arith.constant 32 : index
    %swap3A_193 = tpu.vector_load %arg6[%swap3A_191, %swap3A_192] {strides = array<i32>} : memref<2x128xi32, #tpu.memory_space<vmem>>, vector<1x16xi32>,
    %swap3A_194 = vector.shape_cast %swap3A_193 : vector<1x16xi32> to vector<16xi32>
    %swap3A_195 = vector.shape_cast %select_n3A_189 : vector<16xi32> to vector<1x16xi32>
    tpu.vector_store %arg6[%swap3A_191, %swap3A_192], %swap3A_195 {strides = array<i32>} : memref<2x128xi32, #tpu.memory_space<vmem>>, vector<1x16xi32>,
    %get3A_196 = arith.constant 1 : i32
    %get3A_197 = arith.index_cast %get3A_196 : i32 to index
    %get3A_198 = arith.constant 48 : index
    %get3A_199 = tpu.vector_load %arg6[%get3A_197, %get3A_198] {strides = array<i32>} : memref<2x128xi32, #tpu.memory_space<vmem>>, vector<1x16xi32>,
    %get3A_200 = vector.shape_cast %get3A_199 : vector<1x16xi32> to vector<16xi32>
    %sub3A_201 = arith.subi %get3A_200, %broadcast_in_dim3A : vector<16xi32>
    %ge3A_202 = arith.cmpi sge, %get3A_200, %broadcast_in_dim3A : vector<16xi32>
    %lt3A_203 = arith.constant 5120 : i32
    %lt3A_204 = vector.broadcast %lt3A_203 : i32 to vector<16xi32>
    %lt3A_205 = arith.cmpi slt, %sub3A_201, %lt3A_204 : vector<16xi32>
    %and3A_206 = arith.andi %ge3A_202, %lt3A_205 : vector<16xi1>
    %select_n3A_207 = arith.select %and3A_206, %sub3A_201, %broadcast_in_dim3A_4 : vector<16xi1>, vector<16xi32>
    %swap3A_208 = arith.constant 1 : i32
    %swap3A_209 = arith.index_cast %swap3A_208 : i32 to index
    %swap3A_210 = arith.constant 48 : index
    %swap3A_211 = tpu.vector_load %arg6[%swap3A_209, %swap3A_210] {strides = array<i32>} : memref<2x128xi32, #tpu.memory_space<vmem>>, vector<1x16xi32>,
    %swap3A_212 = vector.shape_cast %swap3A_211 : vector<1x16xi32> to vector<16xi32>
    %swap3A_213 = vector.shape_cast %select_n3A_207 : vector<16xi32> to vector<1x16xi32>
    tpu.vector_store %arg6[%swap3A_209, %swap3A_210], %swap3A_213 {strides = array<i32>} : memref<2x128xi32, #tpu.memory_space<vmem>>, vector<1x16xi32>,
    %get3A_214 = arith.constant 1 : i32
    %get3A_215 = arith.index_cast %get3A_214 : i32 to index
    %get3A_216 = arith.constant 64 : index
    %get3A_217 = tpu.vector_load %arg6[%get3A_215, %get3A_216] {strides = array<i32>} : memref<2x128xi32, #tpu.memory_space<vmem>>, vector<1x16xi32>,
    %get3A_218 = vector.shape_cast %get3A_217 : vector<1x16xi32> to vector<16xi32>
    %sub3A_219 = arith.subi %get3A_218, %broadcast_in_dim3A : vector<16xi32>
    %ge3A_220 = arith.cmpi sge, %get3A_218, %broadcast_in_dim3A : vector<16xi32>
    %lt3A_221 = arith.constant 5120 : i32
    %lt3A_222 = vector.broadcast %lt3A_221 : i32 to vector<16xi32>
    %lt3A_223 = arith.cmpi slt, %sub3A_219, %lt3A_222 : vector<16xi32>
    %and3A_224 = arith.andi %ge3A_220, %lt3A_223 : vector<16xi1>
    %select_n3A_225 = arith.select %and3A_224, %sub3A_219, %broadcast_in_dim3A_4 : vector<16xi1>, vector<16xi32>
    %swap3A_226 = arith.constant 1 : i32
    %swap3A_227 = arith.index_cast %swap3A_226 : i32 to index
    %swap3A_228 = arith.constant 64 : index
    %swap3A_229 = tpu.vector_load %arg6[%swap3A_227, %swap3A_228] {strides = array<i32>} : memref<2x128xi32, #tpu.memory_space<vmem>>, vector<1x16xi32>,
    %swap3A_230 = vector.shape_cast %swap3A_229 : vector<1x16xi32> to vector<16xi32>
    %swap3A_231 = vector.shape_cast %select_n3A_225 : vector<16xi32> to vector<1x16xi32>
    tpu.vector_store %arg6[%swap3A_227, %swap3A_228], %swap3A_231 {strides = array<i32>} : memref<2x128xi32, #tpu.memory_space<vmem>>, vector<1x16xi32>,
    %get3A_232 = arith.constant 1 : i32
    %get3A_233 = arith.index_cast %get3A_232 : i32 to index
    %get3A_234 = arith.constant 80 : index
    %get3A_235 = tpu.vector_load %arg6[%get3A_233, %get3A_234] {strides = array<i32>} : memref<2x128xi32, #tpu.memory_space<vmem>>, vector<1x16xi32>,
    %get3A_236 = vector.shape_cast %get3A_235 : vector<1x16xi32> to vector<16xi32>
    %sub3A_237 = arith.subi %get3A_236, %broadcast_in_dim3A : vector<16xi32>
    %ge3A_238 = arith.cmpi sge, %get3A_236, %broadcast_in_dim3A : vector<16xi32>
    %lt3A_239 = arith.constant 5120 : i32
    %lt3A_240 = vector.broadcast %lt3A_239 : i32 to vector<16xi32>
    %lt3A_241 = arith.cmpi slt, %sub3A_237, %lt3A_240 : vector<16xi32>
    %and3A_242 = arith.andi %ge3A_238, %lt3A_241 : vector<16xi1>
    %select_n3A_243 = arith.select %and3A_242, %sub3A_237, %broadcast_in_dim3A_4 : vector<16xi1>, vector<16xi32>
    %swap3A_244 = arith.constant 1 : i32
    %swap3A_245 = arith.index_cast %swap3A_244 : i32 to index
    %swap3A_246 = arith.constant 80 : index
    %swap3A_247 = tpu.vector_load %arg6[%swap3A_245, %swap3A_246] {strides = array<i32>} : memref<2x128xi32, #tpu.memory_space<vmem>>, vector<1x16xi32>,
    %swap3A_248 = vector.shape_cast %swap3A_247 : vector<1x16xi32> to vector<16xi32>
    %swap3A_249 = vector.shape_cast %select_n3A_243 : vector<16xi32> to vector<1x16xi32>
    tpu.vector_store %arg6[%swap3A_245, %swap3A_246], %swap3A_249 {strides = array<i32>} : memref<2x128xi32, #tpu.memory_space<vmem>>, vector<1x16xi32>,
    %get3A_250 = arith.constant 1 : i32
    %get3A_251 = arith.index_cast %get3A_250 : i32 to index
    %get3A_252 = arith.constant 96 : index
    %get3A_253 = tpu.vector_load %arg6[%get3A_251, %get3A_252] {strides = array<i32>} : memref<2x128xi32, #tpu.memory_space<vmem>>, vector<1x16xi32>,
    %get3A_254 = vector.shape_cast %get3A_253 : vector<1x16xi32> to vector<16xi32>
    %sub3A_255 = arith.subi %get3A_254, %broadcast_in_dim3A : vector<16xi32>
    %ge3A_256 = arith.cmpi sge, %get3A_254, %broadcast_in_dim3A : vector<16xi32>
    %lt3A_257 = arith.constant 5120 : i32
    %lt3A_258 = vector.broadcast %lt3A_257 : i32 to vector<16xi32>
    %lt3A_259 = arith.cmpi slt, %sub3A_255, %lt3A_258 : vector<16xi32>
    %and3A_260 = arith.andi %ge3A_256, %lt3A_259 : vector<16xi1>
    %select_n3A_261 = arith.select %and3A_260, %sub3A_255, %broadcast_in_dim3A_4 : vector<16xi1>, vector<16xi32>
    %swap3A_262 = arith.constant 1 : i32
    %swap3A_263 = arith.index_cast %swap3A_262 : i32 to index
    %swap3A_264 = arith.constant 96 : index
    %swap3A_265 = tpu.vector_load %arg6[%swap3A_263, %swap3A_264] {strides = array<i32>} : memref<2x128xi32, #tpu.memory_space<vmem>>, vector<1x16xi32>,
    %swap3A_266 = vector.shape_cast %swap3A_265 : vector<1x16xi32> to vector<16xi32>
    %swap3A_267 = vector.shape_cast %select_n3A_261 : vector<16xi32> to vector<1x16xi32>
    tpu.vector_store %arg6[%swap3A_263, %swap3A_264], %swap3A_267 {strides = array<i32>} : memref<2x128xi32, #tpu.memory_space<vmem>>, vector<1x16xi32>,
    %get3A_268 = arith.constant 1 : i32
    %get3A_269 = arith.index_cast %get3A_268 : i32 to index
    %get3A_270 = arith.constant 112 : index
    %get3A_271 = tpu.vector_load %arg6[%get3A_269, %get3A_270] {strides = array<i32>} : memref<2x128xi32, #tpu.memory_space<vmem>>, vector<1x16xi32>,
    %get3A_272 = vector.shape_cast %get3A_271 : vector<1x16xi32> to vector<16xi32>
    %sub3A_273 = arith.subi %get3A_272, %broadcast_in_dim3A : vector<16xi32>
    %ge3A_274 = arith.cmpi sge, %get3A_272, %broadcast_in_dim3A : vector<16xi32>
    %lt3A_275 = arith.constant 5120 : i32
    %lt3A_276 = vector.broadcast %lt3A_275 : i32 to vector<16xi32>
    %lt3A_277 = arith.cmpi slt, %sub3A_273, %lt3A_276 : vector<16xi32>
    %and3A_278 = arith.andi %ge3A_274, %lt3A_277 : vector<16xi1>
    %select_n3A_279 = arith.select %and3A_278, %sub3A_273, %broadcast_in_dim3A_4 : vector<16xi1>, vector<16xi32>
    %swap3A_280 = arith.constant 1 : i32
    %swap3A_281 = arith.index_cast %swap3A_280 : i32 to index
    %swap3A_282 = arith.constant 112 : index
    %swap3A_283 = tpu.vector_load %arg6[%swap3A_281, %swap3A_282] {strides = array<i32>} : memref<2x128xi32, #tpu.memory_space<vmem>>, vector<1x16xi32>,
    %swap3A_284 = vector.shape_cast %swap3A_283 : vector<1x16xi32> to vector<16xi32>
    %swap3A_285 = vector.shape_cast %select_n3A_279 : vector<16xi32> to vector<1x16xi32>
    tpu.vector_store %arg6[%swap3A_281, %swap3A_282], %swap3A_285 {strides = array<i32>} : memref<2x128xi32, #tpu.memory_space<vmem>>, vector<1x16xi32>,
    %barrier3A = arith.constant 0 : index
    tpu.barrier barrier_id(%barrier3A)
    %mul3A_286 = arith.constant 256 : i32
    %mul3A_287 = arith.muli %arg1, %mul3A_286 : i32
    %dma_start3A = arith.constant 0 : i32
    %dma_start3A_288 = arith.constant 0 : i32
    %dma_start3A_289 = arith.constant 0 : i32
    %dma_start3A_290 = tpu.memref_slice %arg7[%dma_start3A, %dma_start3A_288, %dma_start3A_289] : memref<2x128x128xf32, #tpu.memory_space<vmem>> -> memref<1x128x128xf32, #tpu.memory_space<vmem>>
    %dma_start3A_291 = tpu.memref_squeeze %dma_start3A_290 : memref<1x128x128xf32, #tpu.memory_space<vmem>> -> memref<128x128xf32, #tpu.memory_space<vmem>>
    %dma_start3A_292 = arith.constant 0 : i32
    %dma_start3A_293 = tpu.memref_slice %arg2[%mul3A_287, %dma_start3A_292] : memref<4096x128xf32, #tpu.memory_space<hbm>> -> memref<128x128xf32, #tpu.memory_space<hbm>>
    %dma_start3A_294 = arith.constant 0 : i32
    %dma_start3A_295 = arith.constant 0 : i32
    %dma_start3A_296 = tpu.memref_slice %arg7[%dma_start3A, %dma_start3A_294, %dma_start3A_295] : memref<2x128x128xf32, #tpu.memory_space<vmem>> -> memref<1x128x128xf32, #tpu.memory_space<vmem>>
    %dma_start3A_297 = tpu.memref_squeeze %dma_start3A_296 : memref<1x128x128xf32, #tpu.memory_space<vmem>> -> memref<128x128xf32, #tpu.memory_space<vmem>>
    %dma_start3A_298 = arith.constant 0 : i32
    %dma_start3A_299 = tpu.memref_slice %arg2[%mul3A_287, %dma_start3A_298] : memref<4096x128xf32, #tpu.memory_space<hbm>> -> memref<128x128xf32, #tpu.memory_space<hbm>>
    tpu.enqueue_dma source(%dma_start3A_299 : memref<128x128xf32, #tpu.memory_space<hbm>>) target(%dma_start3A_297 : memref<128x128xf32, #tpu.memory_space<vmem>>) target_semaphore(%arg10 : memref<!tpu.dma_semaphore, #tpu.memory_space<semaphore_mem>>)
    %mul3A_300 = arith.constant 256 : i32
    %mul3A_301 = arith.muli %arg1, %mul3A_300 : i32
    %add3A = arith.constant 128 : i32
    %add3A_302 = arith.addi %mul3A_301, %add3A : i32
    %dma_start3A_303 = arith.constant 1 : i32
    %dma_start3A_304 = arith.constant 0 : i32
    %dma_start3A_305 = arith.constant 0 : i32
    %dma_start3A_306 = tpu.memref_slice %arg7[%dma_start3A_303, %dma_start3A_304, %dma_start3A_305] : memref<2x128x128xf32, #tpu.memory_space<vmem>> -> memref<1x128x128xf32, #tpu.memory_space<vmem>>
    %dma_start3A_307 = tpu.memref_squeeze %dma_start3A_306 : memref<1x128x128xf32, #tpu.memory_space<vmem>> -> memref<128x128xf32, #tpu.memory_space<vmem>>
    %dma_start3A_308 = arith.constant 0 : i32
    %dma_start3A_309 = tpu.memref_slice %arg2[%add3A_302, %dma_start3A_308] : memref<4096x128xf32, #tpu.memory_space<hbm>> -> memref<128x128xf32, #tpu.memory_space<hbm>>
    %dma_start3A_310 = arith.constant 0 : i32
    %dma_start3A_311 = arith.constant 0 : i32
    %dma_start3A_312 = tpu.memref_slice %arg7[%dma_start3A_303, %dma_start3A_310, %dma_start3A_311] : memref<2x128x128xf32, #tpu.memory_space<vmem>> -> memref<1x128x128xf32, #tpu.memory_space<vmem>>
    %dma_start3A_313 = tpu.memref_squeeze %dma_start3A_312 : memref<1x128x128xf32, #tpu.memory_space<vmem>> -> memref<128x128xf32, #tpu.memory_space<vmem>>
    %dma_start3A_314 = arith.constant 0 : i32
    %dma_start3A_315 = tpu.memref_slice %arg2[%add3A_302, %dma_start3A_314] : memref<4096x128xf32, #tpu.memory_space<hbm>> -> memref<128x128xf32, #tpu.memory_space<hbm>>
    tpu.enqueue_dma source(%dma_start3A_315 : memref<128x128xf32, #tpu.memory_space<hbm>>) target(%dma_start3A_313 : memref<128x128xf32, #tpu.memory_space<vmem>>) target_semaphore(%arg11 : memref<!tpu.dma_semaphore, #tpu.memory_space<semaphore_mem>>)
    %dma_wait3A = arith.constant 0 : i32
    %dma_wait3A_316 = arith.constant 0 : i32
    %dma_wait3A_317 = arith.constant 0 : i32
    %dma_wait3A_318 = tpu.memref_slice %arg7[%dma_wait3A, %dma_wait3A_316, %dma_wait3A_317] : memref<2x128x128xf32, #tpu.memory_space<vmem>> -> memref<1x128x128xf32, #tpu.memory_space<vmem>>
    %dma_wait3A_319 = tpu.memref_squeeze %dma_wait3A_318 : memref<1x128x128xf32, #tpu.memory_space<vmem>> -> memref<128x128xf32, #tpu.memory_space<vmem>>
    %dma_wait3A_320 = arith.constant 0 : i32
    %dma_wait3A_321 = tpu.memref_slice %arg2[%mul3A_287, %dma_wait3A_320] : memref<4096x128xf32, #tpu.memory_space<hbm>> -> memref<128x128xf32, #tpu.memory_space<hbm>>
    %dma_wait3A_322 = arith.constant 0 : i32
    %dma_wait3A_323 = arith.constant 0 : i32
    %dma_wait3A_324 = tpu.memref_slice %arg7[%dma_wait3A, %dma_wait3A_322, %dma_wait3A_323] : memref<2x128x128xf32, #tpu.memory_space<vmem>> -> memref<1x128x128xf32, #tpu.memory_space<vmem>>
    %dma_wait3A_325 = tpu.memref_squeeze %dma_wait3A_324 : memref<1x128x128xf32, #tpu.memory_space<vmem>> -> memref<128x128xf32, #tpu.memory_space<vmem>>
    %dma_wait3A_326 = arith.constant 0 : i32
    %dma_wait3A_327 = tpu.memref_slice %arg2[%mul3A_287, %dma_wait3A_326] : memref<4096x128xf32, #tpu.memory_space<hbm>> -> memref<128x128xf32, #tpu.memory_space<hbm>>
    tpu.wait_dma2 semaphore(%arg10 : memref<!tpu.dma_semaphore, #tpu.memory_space<semaphore_mem>>) src(%dma_wait3A_327 : memref<128x128xf32, #tpu.memory_space<hbm>>) dst(%dma_wait3A_325 : memref<128x128xf32, #tpu.memory_space<vmem>>)
    %dma_start3A_328 = arith.constant 0 : i32
    %dma_start3A_329 = arith.constant 0 : i32
    %dma_start3A_330 = arith.constant 0 : i32
    %dma_start3A_331 = arith.constant 0 : i32
    %dma_start3A_332 = tpu.memref_slice %arg7[%dma_start3A_328, %dma_start3A_330, %dma_start3A_331] : memref<2x128x128xf32, #tpu.memory_space<vmem>> -> memref<1x128x128xf32, #tpu.memory_space<vmem>>
    %dma_start3A_333 = tpu.memref_squeeze %dma_start3A_332 : memref<1x128x128xf32, #tpu.memory_space<vmem>> -> memref<128x128xf32, #tpu.memory_space<vmem>>
    %dma_start3A_334 = arith.constant 0 : i32
    %dma_start3A_335 = tpu.memref_slice %arg6[%dma_start3A_329, %dma_start3A_334] : memref<2x128xi32, #tpu.memory_space<vmem>> -> memref<1x128xi32, #tpu.memory_space<vmem>>
    %dma_start3A_336 = tpu.memref_squeeze %dma_start3A_335 : memref<1x128xi32, #tpu.memory_space<vmem>> -> memref<128xi32, #tpu.memory_space<vmem>>
    %dma_start3A_337 = arith.constant 0 : i32
    %dma_start3A_338 = arith.constant 0 : i32
    %dma_start3A_339 = tpu.memref_slice %arg8[%dma_start3A_337, %dma_start3A_338] : memref<5128x128xf32, #tpu.memory_space<vmem_shared>> -> memref<5128x128xf32, #tpu.memory_space<vmem_shared>>
    tpu.enqueue_indirect_dma source(%dma_start3A_333 : memref<128x128xf32, #tpu.memory_space<vmem>>) target(%dma_start3A_339 : memref<5128x128xf32, #tpu.memory_space<vmem_shared>>) offsets(%dma_start3A_336 : memref<128xi32, #tpu.memory_space<vmem>>) semaphore(%arg9 : memref<!tpu.dma_semaphore, #tpu.memory_space<semaphore_mem>>) {add = true}
    %dma_wait3A_340 = arith.constant 0 : i32
    %dma_wait3A_341 = arith.constant 0 : i32
    %dma_wait3A_342 = arith.constant 0 : i32
    %dma_wait3A_343 = arith.constant 0 : i32
    %dma_wait3A_344 = tpu.memref_slice %arg7[%dma_wait3A_340, %dma_wait3A_342, %dma_wait3A_343] : memref<2x128x128xf32, #tpu.memory_space<vmem>> -> memref<1x128x128xf32, #tpu.memory_space<vmem>>
    %dma_wait3A_345 = tpu.memref_squeeze %dma_wait3A_344 : memref<1x128x128xf32, #tpu.memory_space<vmem>> -> memref<128x128xf32, #tpu.memory_space<vmem>>
    %dma_wait3A_346 = arith.constant 0 : i32
    %dma_wait3A_347 = tpu.memref_slice %arg6[%dma_wait3A_341, %dma_wait3A_346] : memref<2x128xi32, #tpu.memory_space<vmem>> -> memref<1x128xi32, #tpu.memory_space<vmem>>
    %dma_wait3A_348 = tpu.memref_squeeze %dma_wait3A_347 : memref<1x128xi32, #tpu.memory_space<vmem>> -> memref<128xi32, #tpu.memory_space<vmem>>
    %dma_wait3A_349 = arith.constant 0 : i32
    %dma_wait3A_350 = arith.constant 0 : i32
    %dma_wait3A_351 = tpu.memref_slice %arg8[%dma_wait3A_349, %dma_wait3A_350] : memref<5128x128xf32, #tpu.memory_space<vmem_shared>> -> memref<5128x128xf32, #tpu.memory_space<vmem_shared>>
    tpu.wait_indirect_dma semaphore(%arg9 : memref<!tpu.dma_semaphore, #tpu.memory_space<semaphore_mem>>) src(%dma_wait3A_345 : memref<128x128xf32, #tpu.memory_space<vmem>>) dst(%dma_wait3A_351 : memref<5128x128xf32, #tpu.memory_space<vmem_shared>>)
    %dma_wait3A_352 = arith.constant 1 : i32
    %dma_wait3A_353 = arith.constant 0 : i32
    %dma_wait3A_354 = arith.constant 0 : i32
    %dma_wait3A_355 = tpu.memref_slice %arg7[%dma_wait3A_352, %dma_wait3A_353, %dma_wait3A_354] : memref<2x128x128xf32, #tpu.memory_space<vmem>> -> memref<1x128x128xf32, #tpu.memory_space<vmem>>
    %dma_wait3A_356 = tpu.memref_squeeze %dma_wait3A_355 : memref<1x128x128xf32, #tpu.memory_space<vmem>> -> memref<128x128xf32, #tpu.memory_space<vmem>>
    %dma_wait3A_357 = arith.constant 0 : i32
    %dma_wait3A_358 = tpu.memref_slice %arg2[%add3A_302, %dma_wait3A_357] : memref<4096x128xf32, #tpu.memory_space<hbm>> -> memref<128x128xf32, #tpu.memory_space<hbm>>
    %dma_wait3A_359 = arith.constant 0 : i32
    %dma_wait3A_360 = arith.constant 0 : i32
    %dma_wait3A_361 = tpu.memref_slice %arg7[%dma_wait3A_352, %dma_wait3A_359, %dma_wait3A_360] : memref<2x128x128xf32, #tpu.memory_space<vmem>> -> memref<1x128x128xf32, #tpu.memory_space<vmem>>
    %dma_wait3A_362 = tpu.memref_squeeze %dma_wait3A_361 : memref<1x128x128xf32, #tpu.memory_space<vmem>> -> memref<128x128xf32, #tpu.memory_space<vmem>>
    %dma_wait3A_363 = arith.constant 0 : i32
    %dma_wait3A_364 = tpu.memref_slice %arg2[%add3A_302, %dma_wait3A_363] : memref<4096x128xf32, #tpu.memory_space<hbm>> -> memref<128x128xf32, #tpu.memory_space<hbm>>
    tpu.wait_dma2 semaphore(%arg11 : memref<!tpu.dma_semaphore, #tpu.memory_space<semaphore_mem>>) src(%dma_wait3A_364 : memref<128x128xf32, #tpu.memory_space<hbm>>) dst(%dma_wait3A_362 : memref<128x128xf32, #tpu.memory_space<vmem>>)
    %dma_start3A_365 = arith.constant 1 : i32
    %dma_start3A_366 = arith.constant 1 : i32
    %dma_start3A_367 = arith.constant 0 : i32
    %dma_start3A_368 = arith.constant 0 : i32
    %dma_start3A_369 = tpu.memref_slice %arg7[%dma_start3A_365, %dma_start3A_367, %dma_start3A_368] : memref<2x128x128xf32, #tpu.memory_space<vmem>> -> memref<1x128x128xf32, #tpu.memory_space<vmem>>
    %dma_start3A_370 = tpu.memref_squeeze %dma_start3A_369 : memref<1x128x128xf32, #tpu.memory_space<vmem>> -> memref<128x128xf32, #tpu.memory_space<vmem>>
    %dma_start3A_371 = arith.constant 0 : i32
    %dma_start3A_372 = tpu.memref_slice %arg6[%dma_start3A_366, %dma_start3A_371] : memref<2x128xi32, #tpu.memory_space<vmem>> -> memref<1x128xi32, #tpu.memory_space<vmem>>
    %dma_start3A_373 = tpu.memref_squeeze %dma_start3A_372 : memref<1x128xi32, #tpu.memory_space<vmem>> -> memref<128xi32, #tpu.memory_space<vmem>>
    %dma_start3A_374 = arith.constant 0 : i32
    %dma_start3A_375 = arith.constant 0 : i32
    %dma_start3A_376 = tpu.memref_slice %arg8[%dma_start3A_374, %dma_start3A_375] : memref<5128x128xf32, #tpu.memory_space<vmem_shared>> -> memref<5128x128xf32, #tpu.memory_space<vmem_shared>>
    tpu.enqueue_indirect_dma source(%dma_start3A_370 : memref<128x128xf32, #tpu.memory_space<vmem>>) target(%dma_start3A_376 : memref<5128x128xf32, #tpu.memory_space<vmem_shared>>) offsets(%dma_start3A_373 : memref<128xi32, #tpu.memory_space<vmem>>) semaphore(%arg9 : memref<!tpu.dma_semaphore, #tpu.memory_space<semaphore_mem>>) {add = true}
    %dma_wait3A_377 = arith.constant 1 : i32
    %dma_wait3A_378 = arith.constant 1 : i32
    %dma_wait3A_379 = arith.constant 0 : i32
    %dma_wait3A_380 = arith.constant 0 : i32
    %dma_wait3A_381 = tpu.memref_slice %arg7[%dma_wait3A_377, %dma_wait3A_379, %dma_wait3A_380] : memref<2x128x128xf32, #tpu.memory_space<vmem>> -> memref<1x128x128xf32, #tpu.memory_space<vmem>>
    %dma_wait3A_382 = tpu.memref_squeeze %dma_wait3A_381 : memref<1x128x128xf32, #tpu.memory_space<vmem>> -> memref<128x128xf32, #tpu.memory_space<vmem>>
    %dma_wait3A_383 = arith.constant 0 : i32
    %dma_wait3A_384 = tpu.memref_slice %arg6[%dma_wait3A_378, %dma_wait3A_383] : memref<2x128xi32, #tpu.memory_space<vmem>> -> memref<1x128xi32, #tpu.memory_space<vmem>>
    %dma_wait3A_385 = tpu.memref_squeeze %dma_wait3A_384 : memref<1x128xi32, #tpu.memory_space<vmem>> -> memref<128xi32, #tpu.memory_space<vmem>>
    %dma_wait3A_386 = arith.constant 0 : i32
    %dma_wait3A_387 = arith.constant 0 : i32
    %dma_wait3A_388 = tpu.memref_slice %arg8[%dma_wait3A_386, %dma_wait3A_387] : memref<5128x128xf32, #tpu.memory_space<vmem_shared>> -> memref<5128x128xf32, #tpu.memory_space<vmem_shared>>
    tpu.wait_indirect_dma semaphore(%arg9 : memref<!tpu.dma_semaphore, #tpu.memory_space<semaphore_mem>>) src(%dma_wait3A_382 : memref<128x128xf32, #tpu.memory_space<vmem>>) dst(%dma_wait3A_388 : memref<5128x128xf32, #tpu.memory_space<vmem_shared>>)
    %barrier3A_389 = arith.constant 0 : index
    tpu.barrier barrier_id(%barrier3A_389)
    %mul3A_390 = arith.constant 320 : i32
    %mul3A_391 = arith.muli %arg1, %mul3A_390 : i32
    %mul3A_392 = arith.constant 5120 : i32
    %mul3A_393 = arith.muli %arg0, %mul3A_392 : i32
    %mul3A_394 = arith.constant 320 : i32
    %mul3A_395 = arith.muli %arg1, %mul3A_394 : i32
    %add3A_396 = arith.addi %mul3A_393, %mul3A_395 : i32
    "tpu.region"() ({
      %run_scoped3A = tpu.sem_alloc : memref<!tpu.dma_semaphore, #tpu.memory_space<semaphore_mem>>
      %dma_start3A_397 = arith.constant 0 : i32
      %dma_start3A_398 = tpu.memref_slice %arg5[%add3A_396, %dma_start3A_397] : memref<10240x128xf32, #tpu.memory_space<hbm>> -> memref<320x128xf32, #tpu.memory_space<hbm>>
      %dma_start3A_399 = arith.constant 0 : i32
      %dma_start3A_400 = tpu.memref_slice %arg8[%mul3A_391, %dma_start3A_399] : memref<5128x128xf32, #tpu.memory_space<vmem_shared>> -> memref<320x128xf32, #tpu.memory_space<vmem_shared>>
      tpu.enqueue_dma source(%dma_start3A_400 : memref<320x128xf32, #tpu.memory_space<vmem_shared>>) target(%dma_start3A_398 : memref<320x128xf32, #tpu.memory_space<hbm>>) target_semaphore(%run_scoped3A : memref<!tpu.dma_semaphore, #tpu.memory_space<semaphore_mem>>)
      %dma_wait3A_401 = arith.constant 0 : i32
      %dma_wait3A_402 = tpu.memref_slice %arg5[%add3A_396, %dma_wait3A_401] : memref<10240x128xf32, #tpu.memory_space<hbm>> -> memref<320x128xf32, #tpu.memory_space<hbm>>
      %dma_wait3A_403 = arith.constant 0 : i32
      %dma_wait3A_404 = tpu.memref_slice %arg8[%mul3A_391, %dma_wait3A_403] : memref<5128x128xf32, #tpu.memory_space<vmem_shared>> -> memref<320x128xf32, #tpu.memory_space<vmem_shared>>
      tpu.wait_dma2 semaphore(%run_scoped3A : memref<!tpu.dma_semaphore, #tpu.memory_space<semaphore_mem>>) src(%dma_wait3A_404 : memref<320x128xf32, #tpu.memory_space<vmem_shared>>) dst(%dma_wait3A_402 : memref<320x128xf32, #tpu.memory_space<hbm>>)
      tpu.yield
    }) : () -> ()
    return
  }
}

module attributes {stable_mosaic.version = 14 : i64} {
  func.func @_edge_msg_body(%arg0: i32, %arg1: memref<256x4xf32, #tpu.memory_space<vmem>>, %arg2: memref<256x128xf32, #tpu.memory_space<vmem>>, %arg3: memref<4x64xf32, #tpu.memory_space<vmem>>, %arg4: memref<1x64xf32, #tpu.memory_space<vmem>>, %arg5: memref<64x4096xf32, #tpu.memory_space<vmem>>, %arg6: memref<64x64xf32, #tpu.memory_space<vmem>>, %arg7: memref<64x4096xf32, #tpu.memory_space<vmem>>, %arg8: memref<4096x64xf32, #tpu.memory_space<vmem>>, %arg9: memref<256x128xf32, #tpu.memory_space<vmem>>) attributes {dimension_semantics = [#tpu.dimension_semantics<arbitrary>], iteration_bounds = array<i64: 32>, scalar_prefetch = 0 : i64, scratch_operands = 0 : i64, tpu.core_type = #tpu.core_type<tc>, window_params = [{transform_indices = @transform_0, window_bounds = array<i64: 256, 4>}, {transform_indices = @transform_1, window_bounds = array<i64: 256, 128>}, {pipeline_mode = #tpu.pipeline_mode<synchronous>, transform_indices = @transform_2, window_bounds = array<i64: 4, 64>}, {pipeline_mode = #tpu.pipeline_mode<synchronous>, transform_indices = @transform_3, window_bounds = array<i64: 1, 64>}, {pipeline_mode = #tpu.pipeline_mode<synchronous>, transform_indices = @transform_4, window_bounds = array<i64: 64, 4096>}, {pipeline_mode = #tpu.pipeline_mode<synchronous>, transform_indices = @transform_5, window_bounds = array<i64: 64, 64>}, {pipeline_mode = #tpu.pipeline_mode<synchronous>, transform_indices = @transform_6, window_bounds = array<i64: 64, 4096>}, {pipeline_mode = #tpu.pipeline_mode<synchronous>, transform_indices = @transform_7, window_bounds = array<i64: 4096, 64>}, {transform_indices = @transform_8, window_bounds = array<i64: 256, 128>}]} {
    %get3A = arith.constant 0 : index
    %get3A_0 = arith.constant 0 : index
    %get3A_1 = vector.load %arg1[%get3A, %get3A_0] : memref<256x4xf32, #tpu.memory_space<vmem>>, vector<256x4xf32>
    %get3A_2 = arith.constant 0 : index
    %get3A_3 = arith.constant 0 : index
    %get3A_4 = vector.load %arg3[%get3A_2, %get3A_3] : memref<4x64xf32, #tpu.memory_space<vmem>>, vector<4x64xf32>
    %dot_general3A = arith.constant dense<0.000000e+00> : vector<256x64xf32>
    %dot_general3A_5 = tpu.matmul %get3A_1, %get3A_4, %dot_general3A {dimension_numbers = #tpu.dot_dimension_numbers<[1], [0], [0], [1], [0, 0, 1, 1], [], []>, transpose_lhs_hint = false} : vector<256x4xf32>, vector<4x64xf32>, vector<256x64xf32> -> vector<256x64xf32>
    %get3A_6 = arith.constant 0 : index
    %get3A_7 = arith.constant 0 : index
    %get3A_8 = vector.load %arg4[%get3A_6, %get3A_7] : memref<1x64xf32, #tpu.memory_space<vmem>>, vector<1x64xf32>
    %add3A = vector.broadcast %get3A_8 : vector<1x64xf32> to vector<256x64xf32>
    %add3A_9 = arith.addf %dot_general3A_5, %add3A : vector<256x64xf32>
    %max3A = arith.constant 0.000000e+00 : f32
    %max3A_10 = vector.broadcast %max3A : f32 to vector<256x64xf32>
    %max3A_11 = arith.maximumf %add3A_9, %max3A_10 : vector<256x64xf32>
    %get3A_12 = arith.constant 0 : index
    %get3A_13 = arith.constant 0 : index
    %get3A_14 = vector.load %arg2[%get3A_12, %get3A_13] : memref<256x128xf32, #tpu.memory_space<vmem>>, vector<256x64xf32>
    %convert_element_type3A = arith.truncf %max3A_11 : vector<256x64xf32> to vector<256x64xbf16>
    %get3A_15 = arith.constant 0 : index
    %get3A_16 = arith.constant 0 : index
    %get3A_17 = vector.load %arg5[%get3A_15, %get3A_16] : memref<64x4096xf32, #tpu.memory_space<vmem>>, vector<64x4096xf32>
    %convert_element_type3A_18 = arith.truncf %get3A_17 : vector<64x4096xf32> to vector<64x4096xbf16>
    %dot_general3A_19 = arith.constant dense<0.000000e+00> : vector<256x4096xf32>
    %dot_general3A_20 = tpu.matmul %convert_element_type3A, %convert_element_type3A_18, %dot_general3A_19 {dimension_numbers = #tpu.dot_dimension_numbers<[1], [0], [0], [1], [0, 0, 1, 1], [], []>, transpose_lhs_hint = false} : vector<256x64xbf16>, vector<64x4096xbf16>, vector<256x4096xf32> -> vector<256x4096xf32>
    %convert_element_type3A_21 = arith.truncf %get3A_14 : vector<256x64xf32> to vector<256x64xbf16>
    %get3A_22 = arith.constant 0 : index
    %get3A_23 = arith.constant 0 : index
    %get3A_24 = vector.load %arg7[%get3A_22, %get3A_23] : memref<64x4096xf32, #tpu.memory_space<vmem>>, vector<64x4096xf32>
    %convert_element_type3A_25 = arith.truncf %get3A_24 : vector<64x4096xf32> to vector<64x4096xbf16>
    %dot_general3A_26 = arith.constant dense<0.000000e+00> : vector<256x4096xf32>
    %dot_general3A_27 = tpu.matmul %convert_element_type3A_21, %convert_element_type3A_25, %dot_general3A_26 {dimension_numbers = #tpu.dot_dimension_numbers<[1], [0], [0], [1], [0, 0, 1, 1], [], []>, transpose_lhs_hint = false} : vector<256x64xbf16>, vector<64x4096xbf16>, vector<256x4096xf32> -> vector<256x4096xf32>
    %mul3A = arith.mulf %dot_general3A_20, %dot_general3A_27 : vector<256x4096xf32>
    %convert_element_type3A_28 = arith.truncf %mul3A : vector<256x4096xf32> to vector<256x4096xbf16>
    %get3A_29 = arith.constant 0 : index
    %get3A_30 = arith.constant 0 : index
    %get3A_31 = vector.load %arg8[%get3A_29, %get3A_30] : memref<4096x64xf32, #tpu.memory_space<vmem>>, vector<4096x64xf32>
    %convert_element_type3A_32 = arith.truncf %get3A_31 : vector<4096x64xf32> to vector<4096x64xbf16>
    %dot_general3A_33 = arith.constant dense<0.000000e+00> : vector<256x64xf32>
    %dot_general3A_34 = tpu.matmul %convert_element_type3A_28, %convert_element_type3A_32, %dot_general3A_33 {dimension_numbers = #tpu.dot_dimension_numbers<[1], [0], [0], [1], [0, 0, 1, 1], [], []>, transpose_lhs_hint = false} : vector<256x4096xbf16>, vector<4096x64xbf16>, vector<256x64xf32> -> vector<256x64xf32>
    %get3A_35 = arith.constant 0 : index
    %get3A_36 = arith.constant 0 : index
    %get3A_37 = vector.load %arg6[%get3A_35, %get3A_36] : memref<64x64xf32, #tpu.memory_space<vmem>>, vector<64x64xf32>
    %dot_general3A_38 = arith.constant dense<0.000000e+00> : vector<256x64xf32>
    %dot_general3A_39 = tpu.matmul %get3A_14, %get3A_37, %dot_general3A_38 {dimension_numbers = #tpu.dot_dimension_numbers<[1], [0], [0], [1], [0, 0, 1, 1], [], []>, transpose_lhs_hint = false} : vector<256x64xf32>, vector<64x64xf32>, vector<256x64xf32> -> vector<256x64xf32>
    %add3A_40 = arith.addf %dot_general3A_34, %dot_general3A_39 : vector<256x64xf32>
    %mul3A_41 = arith.constant 256 : i32
    %mul3A_42 = arith.muli %arg0, %mul3A_41 : i32
    %add3A_43 = arith.constant 0 : i32
    %add3A_44 = arith.addi %add3A_43, %mul3A_42 : i32
    %iota3A = tpu.iota {dimensions = array<i32: 0>} : vector<256x1xi32>
    %add3A_45 = vector.broadcast %add3A_44 : i32 to vector<256x1xi32>
    %add3A_46 = arith.addi %add3A_45, %iota3A : vector<256x1xi32>
    %lt3A = arith.constant 20000 : i32
    %lt3A_47 = vector.broadcast %lt3A : i32 to vector<256x1xi32>
    %lt3A_48 = arith.cmpi slt, %add3A_46, %lt3A_47 : vector<256x1xi32>
    %jit3A = arith.constant 0.000000e+00 : f32
    %broadcast_in_dim3A = vector.shape_cast %lt3A_48 : vector<256x1xi1> to vector<256x1xi1>
    %broadcast_in_dim3A_49 = vector.broadcast %broadcast_in_dim3A : vector<256x1xi1> to vector<256x64xi1>
    %broadcast_in_dim3A_50 = vector.broadcast %jit3A : f32 to vector<256x64xf32>
    %select_n3A = arith.select %broadcast_in_dim3A_49, %add3A_40, %broadcast_in_dim3A_50 : vector<256x64xi1>, vector<256x64xf32>
    %swap3A = arith.constant 0 : index
    %swap3A_51 = arith.constant 0 : index
    %swap3A_52 = vector.load %arg9[%swap3A, %swap3A_51] : memref<256x128xf32, #tpu.memory_space<vmem>>, vector<256x64xf32>
    tpu.vector_store %arg9[%swap3A, %swap3A_51], %select_n3A {strides = array<i32>} : memref<256x128xf32, #tpu.memory_space<vmem>>, vector<256x64xf32>,
    %broadcast_in_dim3A_53 = arith.constant 0.000000e+00 : f32
    %broadcast_in_dim3A_54 = vector.broadcast %broadcast_in_dim3A_53 : f32 to vector<256x64xf32>
    %swap3A_55 = arith.constant 0 : index
    %swap3A_56 = arith.constant 64 : index
    %swap3A_57 = vector.load %arg9[%swap3A_55, %swap3A_56] : memref<256x128xf32, #tpu.memory_space<vmem>>, vector<256x64xf32>
    tpu.vector_store %arg9[%swap3A_55, %swap3A_56], %broadcast_in_dim3A_54 {strides = array<i32>} : memref<256x128xf32, #tpu.memory_space<vmem>>, vector<256x64xf32>,
    return
  }
  func.func @transform_0(%arg0: i32) -> (i32, i32) {
    %c0_i32 = arith.constant 0 : i32
    %c0_i32_0 = arith.constant 0 : i32
    return %arg0, %c0_i32 : i32, i32
  }
  func.func @transform_1(%arg0: i32) -> (i32, i32) {
    %c0_i32 = arith.constant 0 : i32
    %c0_i32_0 = arith.constant 0 : i32
    return %arg0, %c0_i32 : i32, i32
  }
  func.func @transform_2(%arg0: i32) -> (i32, i32) {
    %c0_i32 = arith.constant 0 : i32
    %c0_i32_0 = arith.constant 0 : i32
    %c0_i32_1 = arith.constant 0 : i32
    return %c0_i32, %c0_i32_0 : i32, i32
  }
  func.func @transform_3(%arg0: i32) -> (i32, i32) {
    %c0_i32 = arith.constant 0 : i32
    %c0_i32_0 = arith.constant 0 : i32
    %c0_i32_1 = arith.constant 0 : i32
    return %c0_i32, %c0_i32_0 : i32, i32
  }
  func.func @transform_4(%arg0: i32) -> (i32, i32) {
    %c0_i32 = arith.constant 0 : i32
    %c0_i32_0 = arith.constant 0 : i32
    %c0_i32_1 = arith.constant 0 : i32
    return %c0_i32, %c0_i32_0 : i32, i32
  }
  func.func @transform_5(%arg0: i32) -> (i32, i32) {
    %c0_i32 = arith.constant 0 : i32
    %c0_i32_0 = arith.constant 0 : i32
    %c0_i32_1 = arith.constant 0 : i32
    return %c0_i32, %c0_i32_0 : i32, i32
  }
  func.func @transform_6(%arg0: i32) -> (i32, i32) {
    %c0_i32 = arith.constant 0 : i32
    %c0_i32_0 = arith.constant 0 : i32
    %c0_i32_1 = arith.constant 0 : i32
    return %c0_i32, %c0_i32_0 : i32, i32
  }
  func.func @transform_7(%arg0: i32) -> (i32, i32) {
    %c0_i32 = arith.constant 0 : i32
    %c0_i32_0 = arith.constant 0 : i32
    %c0_i32_1 = arith.constant 0 : i32
    return %c0_i32, %c0_i32_0 : i32, i32
  }
  func.func @transform_8(%arg0: i32) -> (i32, i32) {
    %c0_i32 = arith.constant 0 : i32
    %c0_i32_0 = arith.constant 0 : i32
    return %arg0, %c0_i32 : i32, i32
  }
}

module attributes {stable_mosaic.version = 14 : i64} {
  func.func @_edge_msg_body(%arg0: i32, %arg1: memref<256x4xf32, #tpu.memory_space<vmem>>, %arg2: memref<256x128xf32, #tpu.memory_space<vmem>>, %arg3: memref<4x64xf32, #tpu.memory_space<vmem>>, %arg4: memref<1x64xf32, #tpu.memory_space<vmem>>, %arg5: memref<64x4096xf32, #tpu.memory_space<vmem>>, %arg6: memref<64x64xf32, #tpu.memory_space<vmem>>, %arg7: memref<64x4096xf32, #tpu.memory_space<vmem>>, %arg8: memref<4096x64xf32, #tpu.memory_space<vmem>>, %arg9: memref<256x128xf32, #tpu.memory_space<vmem>>) attributes {dimension_semantics = [#tpu.dimension_semantics<arbitrary>], iteration_bounds = array<i64: 32>, scalar_prefetch = 0 : i64, scratch_operands = 0 : i64, tpu.core_type = #tpu.core_type<tc>, window_params = [{transform_indices = @transform_0, window_bounds = array<i64: 256, 4>}, {transform_indices = @transform_1, window_bounds = array<i64: 256, 128>}, {pipeline_mode = #tpu.pipeline_mode<synchronous>, transform_indices = @transform_2, window_bounds = array<i64: 4, 64>}, {pipeline_mode = #tpu.pipeline_mode<synchronous>, transform_indices = @transform_3, window_bounds = array<i64: 1, 64>}, {pipeline_mode = #tpu.pipeline_mode<synchronous>, transform_indices = @transform_4, window_bounds = array<i64: 64, 4096>}, {pipeline_mode = #tpu.pipeline_mode<synchronous>, transform_indices = @transform_5, window_bounds = array<i64: 64, 64>}, {pipeline_mode = #tpu.pipeline_mode<synchronous>, transform_indices = @transform_6, window_bounds = array<i64: 64, 4096>}, {pipeline_mode = #tpu.pipeline_mode<synchronous>, transform_indices = @transform_7, window_bounds = array<i64: 4096, 64>}, {transform_indices = @transform_8, window_bounds = array<i64: 256, 128>}]} {
    %get3A = arith.constant 0 : index
    %get3A_0 = arith.constant 0 : index
    %get3A_1 = vector.load %arg1[%get3A, %get3A_0] : memref<256x4xf32, #tpu.memory_space<vmem>>, vector<256x4xf32>
    %get3A_2 = arith.constant 0 : index
    %get3A_3 = arith.constant 0 : index
    %get3A_4 = vector.load %arg3[%get3A_2, %get3A_3] : memref<4x64xf32, #tpu.memory_space<vmem>>, vector<4x64xf32>
    %dot_general3A = arith.constant dense<0.000000e+00> : vector<256x64xf32>
    %dot_general3A_5 = tpu.matmul %get3A_1, %get3A_4, %dot_general3A {dimension_numbers = #tpu.dot_dimension_numbers<[1], [0], [0], [1], [0, 0, 1, 1], [], []>, transpose_lhs_hint = false} : vector<256x4xf32>, vector<4x64xf32>, vector<256x64xf32> -> vector<256x64xf32>
    %get3A_6 = arith.constant 0 : index
    %get3A_7 = arith.constant 0 : index
    %get3A_8 = vector.load %arg4[%get3A_6, %get3A_7] : memref<1x64xf32, #tpu.memory_space<vmem>>, vector<1x64xf32>
    %add3A = vector.broadcast %get3A_8 : vector<1x64xf32> to vector<256x64xf32>
    %add3A_9 = arith.addf %dot_general3A_5, %add3A : vector<256x64xf32>
    %max3A = arith.constant 0.000000e+00 : f32
    %max3A_10 = vector.broadcast %max3A : f32 to vector<256x64xf32>
    %max3A_11 = arith.maximumf %add3A_9, %max3A_10 : vector<256x64xf32>
    %get3A_12 = arith.constant 0 : index
    %get3A_13 = arith.constant 0 : index
    %get3A_14 = vector.load %arg2[%get3A_12, %get3A_13] : memref<256x128xf32, #tpu.memory_space<vmem>>, vector<256x64xf32>
    %convert_element_type3A = arith.truncf %max3A_11 : vector<256x64xf32> to vector<256x64xbf16>
    %get3A_15 = arith.constant 0 : index
    %get3A_16 = arith.constant 0 : index
    %get3A_17 = vector.load %arg5[%get3A_15, %get3A_16] : memref<64x4096xf32, #tpu.memory_space<vmem>>, vector<64x4096xf32>
    %convert_element_type3A_18 = arith.truncf %get3A_17 : vector<64x4096xf32> to vector<64x4096xbf16>
    %dot_general3A_19 = arith.constant dense<0.000000e+00> : vector<256x4096xf32>
    %dot_general3A_20 = tpu.matmul %convert_element_type3A, %convert_element_type3A_18, %dot_general3A_19 {dimension_numbers = #tpu.dot_dimension_numbers<[1], [0], [0], [1], [0, 0, 1, 1], [], []>, transpose_lhs_hint = false} : vector<256x64xbf16>, vector<64x4096xbf16>, vector<256x4096xf32> -> vector<256x4096xf32>
    %convert_element_type3A_21 = arith.truncf %get3A_14 : vector<256x64xf32> to vector<256x64xbf16>
    %get3A_22 = arith.constant 0 : index
    %get3A_23 = arith.constant 0 : index
    %get3A_24 = vector.load %arg7[%get3A_22, %get3A_23] : memref<64x4096xf32, #tpu.memory_space<vmem>>, vector<64x4096xf32>
    %convert_element_type3A_25 = arith.truncf %get3A_24 : vector<64x4096xf32> to vector<64x4096xbf16>
    %dot_general3A_26 = arith.constant dense<0.000000e+00> : vector<256x4096xf32>
    %dot_general3A_27 = tpu.matmul %convert_element_type3A_21, %convert_element_type3A_25, %dot_general3A_26 {dimension_numbers = #tpu.dot_dimension_numbers<[1], [0], [0], [1], [0, 0, 1, 1], [], []>, transpose_lhs_hint = false} : vector<256x64xbf16>, vector<64x4096xbf16>, vector<256x4096xf32> -> vector<256x4096xf32>
    %mul3A = arith.mulf %dot_general3A_20, %dot_general3A_27 : vector<256x4096xf32>
    %convert_element_type3A_28 = arith.truncf %mul3A : vector<256x4096xf32> to vector<256x4096xbf16>
    %get3A_29 = arith.constant 0 : index
    %get3A_30 = arith.constant 0 : index
    %get3A_31 = vector.load %arg8[%get3A_29, %get3A_30] : memref<4096x64xf32, #tpu.memory_space<vmem>>, vector<4096x64xf32>
    %convert_element_type3A_32 = arith.truncf %get3A_31 : vector<4096x64xf32> to vector<4096x64xbf16>
    %dot_general3A_33 = arith.constant dense<0.000000e+00> : vector<256x64xf32>
    %dot_general3A_34 = tpu.matmul %convert_element_type3A_28, %convert_element_type3A_32, %dot_general3A_33 {dimension_numbers = #tpu.dot_dimension_numbers<[1], [0], [0], [1], [0, 0, 1, 1], [], []>, transpose_lhs_hint = false} : vector<256x4096xbf16>, vector<4096x64xbf16>, vector<256x64xf32> -> vector<256x64xf32>
    %get3A_35 = arith.constant 0 : index
    %get3A_36 = arith.constant 0 : index
    %get3A_37 = vector.load %arg6[%get3A_35, %get3A_36] : memref<64x64xf32, #tpu.memory_space<vmem>>, vector<64x64xf32>
    %dot_general3A_38 = arith.constant dense<0.000000e+00> : vector<256x64xf32>
    %dot_general3A_39 = tpu.matmul %get3A_14, %get3A_37, %dot_general3A_38 {dimension_numbers = #tpu.dot_dimension_numbers<[1], [0], [0], [1], [0, 0, 1, 1], [], []>, transpose_lhs_hint = false} : vector<256x64xf32>, vector<64x64xf32>, vector<256x64xf32> -> vector<256x64xf32>
    %add3A_40 = arith.addf %dot_general3A_34, %dot_general3A_39 : vector<256x64xf32>
    %mul3A_41 = arith.constant 256 : i32
    %mul3A_42 = arith.muli %arg0, %mul3A_41 : i32
    %add3A_43 = arith.constant 8192 : i32
    %add3A_44 = arith.addi %add3A_43, %mul3A_42 : i32
    %iota3A = tpu.iota {dimensions = array<i32: 0>} : vector<256x1xi32>
    %add3A_45 = vector.broadcast %add3A_44 : i32 to vector<256x1xi32>
    %add3A_46 = arith.addi %add3A_45, %iota3A : vector<256x1xi32>
    %lt3A = arith.constant 20000 : i32
    %lt3A_47 = vector.broadcast %lt3A : i32 to vector<256x1xi32>
    %lt3A_48 = arith.cmpi slt, %add3A_46, %lt3A_47 : vector<256x1xi32>
    %jit3A = arith.constant 0.000000e+00 : f32
    %broadcast_in_dim3A = vector.shape_cast %lt3A_48 : vector<256x1xi1> to vector<256x1xi1>
    %broadcast_in_dim3A_49 = vector.broadcast %broadcast_in_dim3A : vector<256x1xi1> to vector<256x64xi1>
    %broadcast_in_dim3A_50 = vector.broadcast %jit3A : f32 to vector<256x64xf32>
    %select_n3A = arith.select %broadcast_in_dim3A_49, %add3A_40, %broadcast_in_dim3A_50 : vector<256x64xi1>, vector<256x64xf32>
    %swap3A = arith.constant 0 : index
    %swap3A_51 = arith.constant 0 : index
    %swap3A_52 = vector.load %arg9[%swap3A, %swap3A_51] : memref<256x128xf32, #tpu.memory_space<vmem>>, vector<256x64xf32>
    tpu.vector_store %arg9[%swap3A, %swap3A_51], %select_n3A {strides = array<i32>} : memref<256x128xf32, #tpu.memory_space<vmem>>, vector<256x64xf32>,
    %broadcast_in_dim3A_53 = arith.constant 0.000000e+00 : f32
    %broadcast_in_dim3A_54 = vector.broadcast %broadcast_in_dim3A_53 : f32 to vector<256x64xf32>
    %swap3A_55 = arith.constant 0 : index
    %swap3A_56 = arith.constant 64 : index
    %swap3A_57 = vector.load %arg9[%swap3A_55, %swap3A_56] : memref<256x128xf32, #tpu.memory_space<vmem>>, vector<256x64xf32>
    tpu.vector_store %arg9[%swap3A_55, %swap3A_56], %broadcast_in_dim3A_54 {strides = array<i32>} : memref<256x128xf32, #tpu.memory_space<vmem>>, vector<256x64xf32>,
    return
  }
  func.func @transform_0(%arg0: i32) -> (i32, i32) {
    %c0_i32 = arith.constant 0 : i32
    %c0_i32_0 = arith.constant 0 : i32
    return %arg0, %c0_i32 : i32, i32
  }
  func.func @transform_1(%arg0: i32) -> (i32, i32) {
    %c0_i32 = arith.constant 0 : i32
    %c0_i32_0 = arith.constant 0 : i32
    return %arg0, %c0_i32 : i32, i32
  }
  func.func @transform_2(%arg0: i32) -> (i32, i32) {
    %c0_i32 = arith.constant 0 : i32
    %c0_i32_0 = arith.constant 0 : i32
    %c0_i32_1 = arith.constant 0 : i32
    return %c0_i32, %c0_i32_0 : i32, i32
  }
  func.func @transform_3(%arg0: i32) -> (i32, i32) {
    %c0_i32 = arith.constant 0 : i32
    %c0_i32_0 = arith.constant 0 : i32
    %c0_i32_1 = arith.constant 0 : i32
    return %c0_i32, %c0_i32_0 : i32, i32
  }
  func.func @transform_4(%arg0: i32) -> (i32, i32) {
    %c0_i32 = arith.constant 0 : i32
    %c0_i32_0 = arith.constant 0 : i32
    %c0_i32_1 = arith.constant 0 : i32
    return %c0_i32, %c0_i32_0 : i32, i32
  }
  func.func @transform_5(%arg0: i32) -> (i32, i32) {
    %c0_i32 = arith.constant 0 : i32
    %c0_i32_0 = arith.constant 0 : i32
    %c0_i32_1 = arith.constant 0 : i32
    return %c0_i32, %c0_i32_0 : i32, i32
  }
  func.func @transform_6(%arg0: i32) -> (i32, i32) {
    %c0_i32 = arith.constant 0 : i32
    %c0_i32_0 = arith.constant 0 : i32
    %c0_i32_1 = arith.constant 0 : i32
    return %c0_i32, %c0_i32_0 : i32, i32
  }
  func.func @transform_7(%arg0: i32) -> (i32, i32) {
    %c0_i32 = arith.constant 0 : i32
    %c0_i32_0 = arith.constant 0 : i32
    %c0_i32_1 = arith.constant 0 : i32
    return %c0_i32, %c0_i32_0 : i32, i32
  }
  func.func @transform_8(%arg0: i32) -> (i32, i32) {
    %c0_i32 = arith.constant 0 : i32
    %c0_i32_0 = arith.constant 0 : i32
    return %arg0, %c0_i32 : i32, i32
  }
}

module attributes {stable_mosaic.version = 14 : i64} {
  func.func @_edge_msg_body(%arg0: i32, %arg1: memref<256x4xf32, #tpu.memory_space<vmem>>, %arg2: memref<256x128xf32, #tpu.memory_space<vmem>>, %arg3: memref<4x64xf32, #tpu.memory_space<vmem>>, %arg4: memref<1x64xf32, #tpu.memory_space<vmem>>, %arg5: memref<64x4096xf32, #tpu.memory_space<vmem>>, %arg6: memref<64x64xf32, #tpu.memory_space<vmem>>, %arg7: memref<64x4096xf32, #tpu.memory_space<vmem>>, %arg8: memref<4096x64xf32, #tpu.memory_space<vmem>>, %arg9: memref<256x128xf32, #tpu.memory_space<vmem>>) attributes {dimension_semantics = [#tpu.dimension_semantics<arbitrary>], iteration_bounds = array<i64: 16>, scalar_prefetch = 0 : i64, scratch_operands = 0 : i64, tpu.core_type = #tpu.core_type<tc>, window_params = [{transform_indices = @transform_0, window_bounds = array<i64: 256, 4>}, {transform_indices = @transform_1, window_bounds = array<i64: 256, 128>}, {pipeline_mode = #tpu.pipeline_mode<synchronous>, transform_indices = @transform_2, window_bounds = array<i64: 4, 64>}, {pipeline_mode = #tpu.pipeline_mode<synchronous>, transform_indices = @transform_3, window_bounds = array<i64: 1, 64>}, {pipeline_mode = #tpu.pipeline_mode<synchronous>, transform_indices = @transform_4, window_bounds = array<i64: 64, 4096>}, {pipeline_mode = #tpu.pipeline_mode<synchronous>, transform_indices = @transform_5, window_bounds = array<i64: 64, 64>}, {pipeline_mode = #tpu.pipeline_mode<synchronous>, transform_indices = @transform_6, window_bounds = array<i64: 64, 4096>}, {pipeline_mode = #tpu.pipeline_mode<synchronous>, transform_indices = @transform_7, window_bounds = array<i64: 4096, 64>}, {transform_indices = @transform_8, window_bounds = array<i64: 256, 128>}]} {
    %get3A = arith.constant 0 : index
    %get3A_0 = arith.constant 0 : index
    %get3A_1 = vector.load %arg1[%get3A, %get3A_0] : memref<256x4xf32, #tpu.memory_space<vmem>>, vector<256x4xf32>
    %get3A_2 = arith.constant 0 : index
    %get3A_3 = arith.constant 0 : index
    %get3A_4 = vector.load %arg3[%get3A_2, %get3A_3] : memref<4x64xf32, #tpu.memory_space<vmem>>, vector<4x64xf32>
    %dot_general3A = arith.constant dense<0.000000e+00> : vector<256x64xf32>
    %dot_general3A_5 = tpu.matmul %get3A_1, %get3A_4, %dot_general3A {dimension_numbers = #tpu.dot_dimension_numbers<[1], [0], [0], [1], [0, 0, 1, 1], [], []>, transpose_lhs_hint = false} : vector<256x4xf32>, vector<4x64xf32>, vector<256x64xf32> -> vector<256x64xf32>
    %get3A_6 = arith.constant 0 : index
    %get3A_7 = arith.constant 0 : index
    %get3A_8 = vector.load %arg4[%get3A_6, %get3A_7] : memref<1x64xf32, #tpu.memory_space<vmem>>, vector<1x64xf32>
    %add3A = vector.broadcast %get3A_8 : vector<1x64xf32> to vector<256x64xf32>
    %add3A_9 = arith.addf %dot_general3A_5, %add3A : vector<256x64xf32>
    %max3A = arith.constant 0.000000e+00 : f32
    %max3A_10 = vector.broadcast %max3A : f32 to vector<256x64xf32>
    %max3A_11 = arith.maximumf %add3A_9, %max3A_10 : vector<256x64xf32>
    %get3A_12 = arith.constant 0 : index
    %get3A_13 = arith.constant 0 : index
    %get3A_14 = vector.load %arg2[%get3A_12, %get3A_13] : memref<256x128xf32, #tpu.memory_space<vmem>>, vector<256x64xf32>
    %convert_element_type3A = arith.truncf %max3A_11 : vector<256x64xf32> to vector<256x64xbf16>
    %get3A_15 = arith.constant 0 : index
    %get3A_16 = arith.constant 0 : index
    %get3A_17 = vector.load %arg5[%get3A_15, %get3A_16] : memref<64x4096xf32, #tpu.memory_space<vmem>>, vector<64x4096xf32>
    %convert_element_type3A_18 = arith.truncf %get3A_17 : vector<64x4096xf32> to vector<64x4096xbf16>
    %dot_general3A_19 = arith.constant dense<0.000000e+00> : vector<256x4096xf32>
    %dot_general3A_20 = tpu.matmul %convert_element_type3A, %convert_element_type3A_18, %dot_general3A_19 {dimension_numbers = #tpu.dot_dimension_numbers<[1], [0], [0], [1], [0, 0, 1, 1], [], []>, transpose_lhs_hint = false} : vector<256x64xbf16>, vector<64x4096xbf16>, vector<256x4096xf32> -> vector<256x4096xf32>
    %convert_element_type3A_21 = arith.truncf %get3A_14 : vector<256x64xf32> to vector<256x64xbf16>
    %get3A_22 = arith.constant 0 : index
    %get3A_23 = arith.constant 0 : index
    %get3A_24 = vector.load %arg7[%get3A_22, %get3A_23] : memref<64x4096xf32, #tpu.memory_space<vmem>>, vector<64x4096xf32>
    %convert_element_type3A_25 = arith.truncf %get3A_24 : vector<64x4096xf32> to vector<64x4096xbf16>
    %dot_general3A_26 = arith.constant dense<0.000000e+00> : vector<256x4096xf32>
    %dot_general3A_27 = tpu.matmul %convert_element_type3A_21, %convert_element_type3A_25, %dot_general3A_26 {dimension_numbers = #tpu.dot_dimension_numbers<[1], [0], [0], [1], [0, 0, 1, 1], [], []>, transpose_lhs_hint = false} : vector<256x64xbf16>, vector<64x4096xbf16>, vector<256x4096xf32> -> vector<256x4096xf32>
    %mul3A = arith.mulf %dot_general3A_20, %dot_general3A_27 : vector<256x4096xf32>
    %convert_element_type3A_28 = arith.truncf %mul3A : vector<256x4096xf32> to vector<256x4096xbf16>
    %get3A_29 = arith.constant 0 : index
    %get3A_30 = arith.constant 0 : index
    %get3A_31 = vector.load %arg8[%get3A_29, %get3A_30] : memref<4096x64xf32, #tpu.memory_space<vmem>>, vector<4096x64xf32>
    %convert_element_type3A_32 = arith.truncf %get3A_31 : vector<4096x64xf32> to vector<4096x64xbf16>
    %dot_general3A_33 = arith.constant dense<0.000000e+00> : vector<256x64xf32>
    %dot_general3A_34 = tpu.matmul %convert_element_type3A_28, %convert_element_type3A_32, %dot_general3A_33 {dimension_numbers = #tpu.dot_dimension_numbers<[1], [0], [0], [1], [0, 0, 1, 1], [], []>, transpose_lhs_hint = false} : vector<256x4096xbf16>, vector<4096x64xbf16>, vector<256x64xf32> -> vector<256x64xf32>
    %get3A_35 = arith.constant 0 : index
    %get3A_36 = arith.constant 0 : index
    %get3A_37 = vector.load %arg6[%get3A_35, %get3A_36] : memref<64x64xf32, #tpu.memory_space<vmem>>, vector<64x64xf32>
    %dot_general3A_38 = arith.constant dense<0.000000e+00> : vector<256x64xf32>
    %dot_general3A_39 = tpu.matmul %get3A_14, %get3A_37, %dot_general3A_38 {dimension_numbers = #tpu.dot_dimension_numbers<[1], [0], [0], [1], [0, 0, 1, 1], [], []>, transpose_lhs_hint = false} : vector<256x64xf32>, vector<64x64xf32>, vector<256x64xf32> -> vector<256x64xf32>
    %add3A_40 = arith.addf %dot_general3A_34, %dot_general3A_39 : vector<256x64xf32>
    %mul3A_41 = arith.constant 256 : i32
    %mul3A_42 = arith.muli %arg0, %mul3A_41 : i32
    %add3A_43 = arith.constant 16384 : i32
    %add3A_44 = arith.addi %add3A_43, %mul3A_42 : i32
    %iota3A = tpu.iota {dimensions = array<i32: 0>} : vector<256x1xi32>
    %add3A_45 = vector.broadcast %add3A_44 : i32 to vector<256x1xi32>
    %add3A_46 = arith.addi %add3A_45, %iota3A : vector<256x1xi32>
    %lt3A = arith.constant 20000 : i32
    %lt3A_47 = vector.broadcast %lt3A : i32 to vector<256x1xi32>
    %lt3A_48 = arith.cmpi slt, %add3A_46, %lt3A_47 : vector<256x1xi32>
    %jit3A = arith.constant 0.000000e+00 : f32
    %broadcast_in_dim3A = vector.shape_cast %lt3A_48 : vector<256x1xi1> to vector<256x1xi1>
    %broadcast_in_dim3A_49 = vector.broadcast %broadcast_in_dim3A : vector<256x1xi1> to vector<256x64xi1>
    %broadcast_in_dim3A_50 = vector.broadcast %jit3A : f32 to vector<256x64xf32>
    %select_n3A = arith.select %broadcast_in_dim3A_49, %add3A_40, %broadcast_in_dim3A_50 : vector<256x64xi1>, vector<256x64xf32>
    %swap3A = arith.constant 0 : index
    %swap3A_51 = arith.constant 0 : index
    %swap3A_52 = vector.load %arg9[%swap3A, %swap3A_51] : memref<256x128xf32, #tpu.memory_space<vmem>>, vector<256x64xf32>
    tpu.vector_store %arg9[%swap3A, %swap3A_51], %select_n3A {strides = array<i32>} : memref<256x128xf32, #tpu.memory_space<vmem>>, vector<256x64xf32>,
    %broadcast_in_dim3A_53 = arith.constant 0.000000e+00 : f32
    %broadcast_in_dim3A_54 = vector.broadcast %broadcast_in_dim3A_53 : f32 to vector<256x64xf32>
    %swap3A_55 = arith.constant 0 : index
    %swap3A_56 = arith.constant 64 : index
    %swap3A_57 = vector.load %arg9[%swap3A_55, %swap3A_56] : memref<256x128xf32, #tpu.memory_space<vmem>>, vector<256x64xf32>
    tpu.vector_store %arg9[%swap3A_55, %swap3A_56], %broadcast_in_dim3A_54 {strides = array<i32>} : memref<256x128xf32, #tpu.memory_space<vmem>>, vector<256x64xf32>,
    return
  }
  func.func @transform_0(%arg0: i32) -> (i32, i32) {
    %c0_i32 = arith.constant 0 : i32
    %c0_i32_0 = arith.constant 0 : i32
    return %arg0, %c0_i32 : i32, i32
  }
  func.func @transform_1(%arg0: i32) -> (i32, i32) {
    %c0_i32 = arith.constant 0 : i32
    %c0_i32_0 = arith.constant 0 : i32
    return %arg0, %c0_i32 : i32, i32
  }
  func.func @transform_2(%arg0: i32) -> (i32, i32) {
    %c0_i32 = arith.constant 0 : i32
    %c0_i32_0 = arith.constant 0 : i32
    %c0_i32_1 = arith.constant 0 : i32
    return %c0_i32, %c0_i32_0 : i32, i32
  }
  func.func @transform_3(%arg0: i32) -> (i32, i32) {
    %c0_i32 = arith.constant 0 : i32
    %c0_i32_0 = arith.constant 0 : i32
    %c0_i32_1 = arith.constant 0 : i32
    return %c0_i32, %c0_i32_0 : i32, i32
  }
  func.func @transform_4(%arg0: i32) -> (i32, i32) {
    %c0_i32 = arith.constant 0 : i32
    %c0_i32_0 = arith.constant 0 : i32
    %c0_i32_1 = arith.constant 0 : i32
    return %c0_i32, %c0_i32_0 : i32, i32
  }
  func.func @transform_5(%arg0: i32) -> (i32, i32) {
    %c0_i32 = arith.constant 0 : i32
    %c0_i32_0 = arith.constant 0 : i32
    %c0_i32_1 = arith.constant 0 : i32
    return %c0_i32, %c0_i32_0 : i32, i32
  }
  func.func @transform_6(%arg0: i32) -> (i32, i32) {
    %c0_i32 = arith.constant 0 : i32
    %c0_i32_0 = arith.constant 0 : i32
    %c0_i32_1 = arith.constant 0 : i32
    return %c0_i32, %c0_i32_0 : i32, i32
  }
  func.func @transform_7(%arg0: i32) -> (i32, i32) {
    %c0_i32 = arith.constant 0 : i32
    %c0_i32_0 = arith.constant 0 : i32
    %c0_i32_1 = arith.constant 0 : i32
    return %c0_i32, %c0_i32_0 : i32, i32
  }
  func.func @transform_8(%arg0: i32) -> (i32, i32) {
    %c0_i32 = arith.constant 0 : i32
    %c0_i32_0 = arith.constant 0 : i32
    return %arg0, %c0_i32 : i32, i32
  }
}

module attributes {stable_mosaic.version = 14 : i64} {
  func.func @_final_body(%arg0: memref<10240x128xf32, #tpu.memory_space<vmem>>, %arg1: memref<10240x128xf32, #tpu.memory_space<vmem>>, %arg2: memref<10240x128xf32, #tpu.memory_space<vmem>>, %arg3: memref<10000x64xf32, #tpu.memory_space<vmem>>, %arg4: memref<64x64xf32, #tpu.memory_space<vmem>>, %arg5: memref<1x64xf32, #tpu.memory_space<vmem>>, %arg6: memref<1x64xf32, #tpu.memory_space<vmem>>, %arg7: memref<1x64xf32, #tpu.memory_space<vmem>>, %arg8: memref<10000x64xf32, #tpu.memory_space<vmem>>) attributes {dimension_semantics = [], scalar_prefetch = 0 : i64, scratch_operands = 0 : i64, tpu.core_type = #tpu.core_type<tc>} {
    %get3A = arith.constant 0 : index
    %get3A_0 = arith.constant 0 : index
    %get3A_1 = vector.load %arg0[%get3A, %get3A_0] : memref<10240x128xf32, #tpu.memory_space<vmem>>, vector<10000x64xf32>
    %get3A_2 = arith.constant 0 : index
    %get3A_3 = arith.constant 0 : index
    %get3A_4 = vector.load %arg1[%get3A_2, %get3A_3] : memref<10240x128xf32, #tpu.memory_space<vmem>>, vector<10000x64xf32>
    %add3A = arith.addf %get3A_1, %get3A_4 : vector<10000x64xf32>
    %get3A_5 = arith.constant 0 : index
    %get3A_6 = arith.constant 0 : index
    %get3A_7 = vector.load %arg2[%get3A_5, %get3A_6] : memref<10240x128xf32, #tpu.memory_space<vmem>>, vector<10000x64xf32>
    %add3A_8 = arith.addf %add3A, %get3A_7 : vector<10000x64xf32>
    %get3A_9 = arith.constant 0 : index
    %get3A_10 = arith.constant 0 : index
    %get3A_11 = vector.load %arg3[%get3A_9, %get3A_10] : memref<10000x64xf32, #tpu.memory_space<vmem>>, vector<10000x64xf32>
    %get3A_12 = arith.constant 0 : index
    %get3A_13 = arith.constant 0 : index
    %get3A_14 = vector.load %arg4[%get3A_12, %get3A_13] : memref<64x64xf32, #tpu.memory_space<vmem>>, vector<64x64xf32>
    %dot_general3A = arith.constant dense<0.000000e+00> : vector<10000x64xf32>
    %dot_general3A_15 = tpu.matmul %get3A_11, %get3A_14, %dot_general3A {dimension_numbers = #tpu.dot_dimension_numbers<[1], [0], [0], [1], [0, 0, 1, 1], [], []>, transpose_lhs_hint = false} : vector<10000x64xf32>, vector<64x64xf32>, vector<10000x64xf32> -> vector<10000x64xf32>
    %add3A_16 = arith.addf %add3A_8, %dot_general3A_15 : vector<10000x64xf32>
    %get3A_17 = arith.constant 0 : index
    %get3A_18 = arith.constant 0 : index
    %get3A_19 = vector.load %arg5[%get3A_17, %get3A_18] : memref<1x64xf32, #tpu.memory_space<vmem>>, vector<1x64xf32>
    %add3A_20 = vector.broadcast %get3A_19 : vector<1x64xf32> to vector<10000x64xf32>
    %add3A_21 = arith.addf %add3A_16, %add3A_20 : vector<10000x64xf32>
    %reduce_sum3A = arith.constant dense<0.000000e+00> : vector<64xf32>
    %reduce_sum3A_22 = vector.multi_reduction <add>, %add3A_21, %reduce_sum3A [0] : vector<10000x64xf32> to vector<64xf32>
    %broadcast_in_dim3A = vector.shape_cast %reduce_sum3A_22 : vector<64xf32> to vector<1x64xf32>
    %div3A = arith.constant 1.000000e+04 : f32
    %div3A_23 = vector.broadcast %div3A : f32 to vector<1x64xf32>
    %div3A_24 = arith.divf %broadcast_in_dim3A, %div3A_23 : vector<1x64xf32>
    %sub3A = vector.broadcast %div3A_24 : vector<1x64xf32> to vector<10000x64xf32>
    %sub3A_25 = arith.subf %add3A_21, %sub3A : vector<10000x64xf32>
    %mul3A = arith.mulf %sub3A_25, %sub3A_25 : vector<10000x64xf32>
    %reduce_sum3A_26 = arith.constant dense<0.000000e+00> : vector<64xf32>
    %reduce_sum3A_27 = vector.multi_reduction <add>, %mul3A, %reduce_sum3A_26 [0] : vector<10000x64xf32> to vector<64xf32>
    %broadcast_in_dim3A_28 = vector.shape_cast %reduce_sum3A_27 : vector<64xf32> to vector<1x64xf32>
    %div3A_29 = arith.constant 1.000000e+04 : f32
    %div3A_30 = vector.broadcast %div3A_29 : f32 to vector<1x64xf32>
    %div3A_31 = arith.divf %broadcast_in_dim3A_28, %div3A_30 : vector<1x64xf32>
    %add3A_32 = arith.constant 9.99999974E-6 : f32
    %add3A_33 = vector.broadcast %add3A_32 : f32 to vector<1x64xf32>
    %add3A_34 = arith.addf %div3A_31, %add3A_33 : vector<1x64xf32>
    %rsqrt3A = math.rsqrt %add3A_34 : vector<1x64xf32>
    %mul3A_35 = vector.broadcast %rsqrt3A : vector<1x64xf32> to vector<10000x64xf32>
    %mul3A_36 = arith.mulf %sub3A_25, %mul3A_35 : vector<10000x64xf32>
    %get3A_37 = arith.constant 0 : index
    %get3A_38 = arith.constant 0 : index
    %get3A_39 = vector.load %arg6[%get3A_37, %get3A_38] : memref<1x64xf32, #tpu.memory_space<vmem>>, vector<1x64xf32>
    %mul3A_40 = vector.broadcast %get3A_39 : vector<1x64xf32> to vector<10000x64xf32>
    %mul3A_41 = arith.mulf %mul3A_36, %mul3A_40 : vector<10000x64xf32>
    %get3A_42 = arith.constant 0 : index
    %get3A_43 = arith.constant 0 : index
    %get3A_44 = vector.load %arg7[%get3A_42, %get3A_43] : memref<1x64xf32, #tpu.memory_space<vmem>>, vector<1x64xf32>
    %add3A_45 = vector.broadcast %get3A_44 : vector<1x64xf32> to vector<10000x64xf32>
    %add3A_46 = arith.addf %mul3A_41, %add3A_45 : vector<10000x64xf32>
    %get3A_47 = arith.constant 0 : index
    %get3A_48 = arith.constant 0 : index
    %get3A_49 = vector.load %arg3[%get3A_47, %get3A_48] : memref<10000x64xf32, #tpu.memory_space<vmem>>, vector<10000x64xf32>
    %max3A = arith.constant 0.000000e+00 : f32
    %max3A_50 = vector.broadcast %max3A : f32 to vector<10000x64xf32>
    %max3A_51 = arith.maximumf %add3A_46, %max3A_50 : vector<10000x64xf32>
    %add3A_52 = arith.addf %get3A_49, %max3A_51 : vector<10000x64xf32>
    %swap3A = arith.constant 0 : index
    %swap3A_53 = arith.constant 0 : index
    %swap3A_54 = vector.load %arg8[%swap3A, %swap3A_53] : memref<10000x64xf32, #tpu.memory_space<vmem>>, vector<10000x64xf32>
    tpu.vector_store %arg8[%swap3A, %swap3A_53], %add3A_52 {strides = array<i32>} : memref<10000x64xf32, #tpu.memory_space<vmem>>, vector<10000x64xf32>,
    return
  }
}

</mosaic_0001>

<sc_bundles>
// kernel: kernel.12.cloned.1.call-start
scs
__scs_entry_jumppad:
0x0: {  	(pc) =	sbr.rel $0x88, $3  }
0x1: {  	(tag) =	ssettag $0x0;
	lr =	simm.s32 $0x1  }
0x2: {  	[smem:$0x3F96] =	sst lr;
	_ =	strace $0xD0000000  }
0x3: {  	_ = 	snop  }
0x4: {  	_ = 	snop  }
0x5: {  	_ = 	snop  }
0x6: {  	_ = 	snop  }
0x7: {  	_ = 	snop  }
__scs_overlays_trampoline_lowered:
0x8: {  	[smem:$0x3FA5] =	sst s0  }
0x9: {  	[smem:$0x3FA6] =	sst s1  }
0xa: {  	[smem:$0x3FA7] =	sst s2  }
0xb: {  	[smem:$0x3FA8] =	sst s3  }
0xc: {  	[smem:$0x3FA9] =	sst s4  }
0xd: {  	[smem:$0x3FAA] =	sst s5  }
0xe: {  	[smem:$0x3FAB] =	sst s6  }
0xf: {  	[smem:$0x3FAC] =	sst s7  }
0x10: {  	[smem:$0x3FAD] =	sst s8  }
0x11: {  	[smem:$0x3FAE] =	sst s9;
	s0 =	simm.s32 @!p0 $0x0  }
0x12: {  	s1 =	sld [smem:$0x3F94];
	s0 =	simm.s32 @p0 $0x1  }
0x13: {  	[smem:$0x3FAF] =	sst s0;
	s0 =	simm.s32 @!p1 $0x0  }
0x14: {  	s2 =	sld [smem:$0x3F93];
	s0 =	simm.s32 @p1 $0x1  }
0x15: {  	[smem:$0x3FB0] =	sst s0;
	s0 =	simm.s32 @!p2 $0x0  }
0x16: {  	s3 =	sld [smem:$0x3FDB];
	s0 =	simm.s32 @p2 $0x1  }
0x17: {  	s4 =	simm.s32 $0x1BF5;
	[smem:$0x3FB2] =	sst s0  }
0x18: {  	s0 =	sld [smem:$0x3F95];
	_ =	swait.ge [sflag:s4], $0x0  }
0x19: {  	s7 =	sld [smem:$0x3F96]  }
0x1a: {  	s8 =	sadd.s32 $0xFFFFE003, lr  }
0x1b: {  	s9 =	sadd.s32 $0xFFFFFEF7, lr;
	s5 =	simm.s32 $0xFFFFFFFF;
	p2 =	slt.u32 s8, $0xFFFFF086  }
0x1c: {  	p1 =	slt.u32 s9, $0xF7A;
	s5 =	simm.s32 @!p2 $0x0  }
0x1d: {  	s5 =	simm.s32 @p1 $0x1;
	p0 =	seq.s32 s7, s2  }
0x1e: {  	s7 =	smul.u32 @!p0 $0xF7A, s2;
	p2 =	seq.s32 @!p0 s5, $0x0  }
0x1f: {  	s9 =	smul.u32 $0xF7A, s1;
	s8 =	simm.s32 @!p0 $0x1BF5;
	p2 =	por !p2, p0  }
0x20: {  	[sflag:s8] =	ssyncset.s32 @!p0 $0xFFFFF086;
	s6 =	sadd.s32 @!p0 s3, s7;
	s7 =	simm.s32 @!p0 $0x108  }
0x21: {  	s3 =	sadd.s32 s3, s9;
	s6 =	sadd.s32 @!p0 $0x88, s6;
	s7 =	simm.s32 @p2 $0x1082  }
0x22: {  	[simem:s7], [sflag:s8] =	dma.local @!p0 [hbm:s6], $0xF7A  }
0x23: {  	s9 =	sor.u32 $0xD0000000, s2;
	s6 =	simm.s32 $0x108;
	_ =	swait.ge @!p0 [sflag:s8], $0x0  }
0x24: {  	s3 =	sadd.s32 $0x88, s3;
	s6 =	simm.s32 @!p1 $0x1082;
	[sflag:s4] =	ssyncset.s32 $0xFFFFF086  }
0x25: {  	[simem:s6], [sflag:s4] =	dma.local [hbm:s3], $0xF7A  }
0x26: {  	[smem:$0x3F96] =	sst s1;
	(tag) =	ssettag s2;
	_ =	strace s9  }
0x27: {  	s1 =	sld [smem:$0x3FA6]  }
0x28: {  	s2 =	sld [smem:$0x3FA7]  }
0x29: {  	s4 =	sld [smem:$0x3FA9]  }
0x2a: {  	p0 =	seq.s32 s5, $0x0;
	s5 =	sld [smem:$0x3FAA]  }
0x2b: {  	s6 =	sld [smem:$0x3FAB]  }
0x2c: {  	s7 =	sld [smem:$0x3FAC]  }
0x2d: {  	s3 =	simm.s32 $0x108;
	s8 =	sld [smem:$0x3FAD]  }
0x2e: {  	s3 =	simm.s32 @!p0 $0x1082;
	s9 =	sld [smem:$0x3FAE]  }
0x2f: {  	lr =	sadd.s32 s0, s3;
	s0 =	sld [smem:$0x3FA5]  }
0x30: {  	s3 =	sld [smem:$0x3FA8]  }
0x31: {  	[smem:$0x3FB1] =	sst s10  }
0x32: {  	s10 =	sld [smem:$0x3FAF];
	_ =	sdelay $0x3  }
0x33: {  	p0 =	seq.s32 s10, $0x1;
	s10 =	sld [smem:$0x3FB1];
	_ =	sdelay $0x3  }
0x34: {  	[smem:$0x3FB1] =	sst s10  }
0x35: {  	s10 =	sld [smem:$0x3FB0];
	_ =	sdelay $0x3  }
0x36: {  	p1 =	seq.s32 s10, $0x1;
	s10 =	sld [smem:$0x3FB1];
	_ =	sdelay $0x3  }
0x37: {  	[smem:$0x3FB1] =	sst s10  }
0x38: {  	s10 =	sld [smem:$0x3FB2]  }
0x39: {  	_ = 	snop;
	(pc) =	sbr.ind lr, $3  }
0x3a: {  	_ = 	snop  }
0x3b: {  	_ = 	snop  }
0x3c: {  	p2 =	seq.s32 s10, $0x1;
	s10 =	sld [smem:$0x3FB1]  }
0x3d: {  	_ =	shalt  }
0x3e: {  	_ =	shalt  }
0x3f: {  	_ =	shalt  }
0x40: {  	_ =	shalt  }
0x41: {  	_ =	shalt  }
0x42: {  	_ =	shalt  }
0x43: {  	_ =	shalt  }
0x44: {  	_ =	shalt  }
0x45: {  	_ =	shalt  }
0x46: {  	_ =	shalt  }
0x47: {  	_ =	shalt  }
0x48: {  	_ =	shalt  }
0x49: {  	_ =	shalt  }
0x4a: {  	_ =	shalt  }
0x4b: {  	_ =	shalt  }
0x4c: {  	_ =	shalt  }
0x4d: {  	_ =	shalt  }
0x4e: {  	_ =	shalt  }
0x4f: {  	_ =	shalt  }
0x50: {  	_ =	shalt  }
0x51: {  	_ =	shalt  }
0x52: {  	_ =	shalt  }
0x53: {  	_ =	shalt  }
0x54: {  	_ =	shalt  }
0x55: {  	_ =	shalt  }
0x56: {  	_ =	shalt  }
0x57: {  	_ =	shalt  }
0x58: {  	_ =	shalt  }
0x59: {  	_ =	shalt  }
0x5a: {  	_ =	shalt  }
0x5b: {  	_ =	shalt  }
0x5c: {  	_ =	shalt  }
0x5d: {  	_ =	shalt  }
0x5e: {  	_ =	shalt  }
0x5f: {  	_ =	shalt  }
0x60: {  	_ =	shalt  }
0x61: {  	_ =	shalt  }
0x62: {  	_ =	shalt  }
0x63: {  	_ =	shalt  }
0x64: {  	_ =	shalt  }
0x65: {  	_ =	shalt  }
0x66: {  	_ =	shalt  }
0x67: {  	_ =	shalt  }
0x68: {  	_ =	shalt  }
0x69: {  	_ =	shalt  }
0x6a: {  	_ =	shalt  }
0x6b: {  	_ =	shalt  }
0x6c: {  	_ =	shalt  }
0x6d: {  	_ =	shalt  }
0x6e: {  	_ =	shalt  }
0x6f: {  	_ =	shalt  }
0x70: {  	_ =	shalt  }
0x71: {  	_ =	shalt  }
0x72: {  	_ =	shalt  }
0x73: {  	_ =	shalt  }
0x74: {  	_ =	shalt  }
0x75: {  	_ =	shalt  }
0x76: {  	_ =	shalt  }
0x77: {  	_ =	shalt  }
0x78: {  	_ =	shalt  }
0x79: {  	_ =	shalt  }
0x7a: {  	_ =	shalt  }
0x7b: {  	_ =	shalt  }
0x7c: {  	_ =	shalt  }
0x7d: {  	_ =	shalt  }
0x7e: {  	_ =	shalt  }
0x7f: {  	_ =	shalt  }
0x80: {  	_ =	shalt  }
0x81: {  	_ =	shalt  }
0x82: {  	_ =	shalt  }
0x83: {  	_ =	shalt  }
0x84: {  	_ =	shalt  }
0x85: {  	_ =	shalt  }
0x86: {  	_ =	shalt  }
0x87: {  	_ =	shalt  }
.Lfunc_end0:
.L_simem_size_0:
called_computation_lowered:
.L_overlay_start_0:
0x88: {  	s2 =	sld [smem:$0x3FD9]  }
0x89: {  	s3 =	sld [smem:$0x3FFE];
	_ =	sdelay $0x1  }
0x8a: {  	s1 =	srdreg.scid  }
0x8b: {  	s0 =	sand.u32 $0x1, s1  }
0x8c: {  	s16 =	sshll.u32 s0, $0xA;
	s2 =	sadd.s32 s3, s2  }
0x8d: {  	s2 =	sadd.s32 s2, s16  }
0x8e: {  	[smem:$0x3FBD] =	sst s2  }
0x8f: {  	_ = 	snop  }
0x90: {  	(tm) =	ssettm $0x1  }
0x91: {  	s17 =	sld [smem:$0x3FFB];
	_ =	sdelay $0x3  }
0x92: {  	_ =	strace s17  }
0x93: {  	s2 =	sld [smem:$0x3FFC];
	_ =	sdelay $0x3  }
0x94: {  	_ =	strace s2  }
0x95: {  	s2 =	sld [smem:$0x3FFD];
	_ =	sdelay $0x3  }
0x96: {  	_ =	strace s2  }
0x97: {  	_ =	strace $0x8FFFFFFF  }
0x98: {  	s18 =	sld [smem:$0x3FDB];
	_ =	sdelay $0x1  }
0x99: {  	s19 =	simm.s32 $_scs_section_size  }
0x9a: {  	s4 =	simm.s32 $_size__tile_overlayer_lowered;
	s5 =	simm.s32 $_tile_overlayer_lowered  }
0x9b: {  	s22 =	simm.s32 $0x1BFF;
	s21 =	sshll.u32 s5, $0x1;
	s2 =	sadd.s32 s19, s18  }
0x9c: {  	s6 =	simm.s32 $0x0;
	s20 =	sshll.u32 s4, $0x1;
	s4 =	sadd.s32 s21, s2  }
0x9d: {  	[timem:s6], [sflag:s22] =	dma.local [hbm:s4], s20  }
0x9e: {  	_ =	swait.ge [sflag:s22], s20  }
0x9f: {  	s3 =	ssub.s32 $0x0, s20;
	[sflag:s22] =	ssyncset.done $0x0  }
0xa0: {  	[sflag:s22] =	ssyncadd.s32 s3;
	_ =	sdelay $0x1  }
0xa1: {  	s23 =	simm.s32 $0x1B8B  }
0xa2: {  	_ =	swait.ge [sflag:s23], $0x1  }
0xa3: {  	[sflag:s23] =	ssyncset.done $0x0  }
0xa4: {  	s25 =	simm.s32 $0x1B8E;
	s24 =	sld [smem:$0x3FFE];
	[sflag:s23] =	ssyncadd.s32 $0xFFFFFFFF  }
0xa5: {  	s26 =	simm.s32 $execute0_lowered;
	[smem:$0x3FD2] =	sst s25  }
0xa6: {  	s4 =	sshll.u32 s26, $0x1;
	_ =	strace $0x80000046;
	[dreg:$0x1] =	wrdreg $0xFFFFFFFF  }
0xa7: {  	s28 =	simm.s32 $_size_execute0_lowered;
	s2 =	sadd.s32 s2, s4;
	[dreg:$0x0] =	wrdreg $0x0  }
0xa8: {  	s4 =	sshll.u32 s28, $0x1;
	[dreg:$0x2] =	wrdreg s2  }
0xa9: {  	[dreg:$0x3] =	wrdreg s4  }
0xaa: {  	[dreg:$0x4] =	wrdreg $0xC0  }
0xab: {  	_ =	task [dreg:s6], $0x5FFFF  }
0xac: {  	[dreg:$0x1] =	wrdreg $0xFFFFFFFF  }
0xad: {  	[dreg:$0x0] =	wrdreg $0x60  }
0xae: {  	[dreg:$0x2] =	wrdreg s24  }
0xaf: {  	[dreg:$0x3] =	wrdreg $0x9  }
0xb0: {  	_ =	task.clear_ibuf [dreg:s6], $0x4FFFF;
	_ =	strace $0x90000046  }
0xb1: {  	s29 =	simm.s32 $0x9;
	_ =	strace $0x80000048  }
0xb2: {  	_ =	swait.ge [sflag:s29], $0x1  }
0xb3: {  	[sflag:s29] =	ssyncadd.s32 $0xFFFFFFFF  }
0xb4: {  	_ =	strace $0x90000048  }
0xb5: {  	_ =	sfence  }
0xb6: {  	s30 =	sld [smem:$0x0];
	_ =	sdelay $0x2  }
0xb7: {  	s31 =	sshll.u32 s1, $0xD;
	s1 =	sshrl.u32 s1, $0x2  }
0xb8: {  	s3 =	sand.u32 $0x4000, s31;
	s1 =	sadd.s32 s1, s30  }
0xb9: {  	s0 =	sor.u32 s3, s0;
	s1 =	sshll.u32 s1, $0x11  }
0xba: {  	s0 =	sor.u32 s1, s0  }
0xbb: {  	s0 =	sadd.s32 $0x8F2B, s0  }
0xbc: {  	[sflag:s0] =	ssyncadd.remote.s32 $0x1  }
0xbd: {  	_ =	sfence.sel $0xFFFF  }
0xbe: {  	[dreg:$0x0] =	wrdreg $0xFFFFFFFF;
	(pc) =	sbr.abs _section_cstart, $3  }
0xbf: {  	[dreg:$0x1] =	wrdreg $0xFFFFFFFF  }
0xc0: {  	_ =	task.clear_ibuf [dreg:s6], $0x2FFFF;
	_ =	strace $0x9FFFFFFF  }
0xc1: {  	(tm) =	ssettm $0x7FFFFFFF  }
tec
execute0_lowered:
.L_overlay_start_1:
0x0: {  	(tag) =	ssettag $0x1  }
0x1: {  	s1 =	srdreg.scid  }
0x2: {  	s0 =	stileid.u32;
	s11 =	sand.u32 $0x1, s1  }
0x3: {  	s31 =	sshll.u32 s0, $0x9;
	s2 =	sshll.u32 s11, $0x8  }
0x4: {  	s12 =	sor.u32 s2, s31  }
0x5: {  	s10 =	rddreg [dreg:$0x0];
	s2 =	simm.s32 $0x0;
	s3 =	sshrl.u32 s12, $0x3  }
0x6: {  	s4 =	simm.s32 $0x3;
	[smem:$0x7FF] =	sst s2;
	s3 =	sadd.s32 s3, s10  }
0x7: {  	s1 =	rddreg [dreg:$0x1];
	_ =	strace $0x80000047;
	s3 =	sadd.s32 $0x4600, s3  }
0x8: {  	[tilespmem:s2], [sflag:$0x3] =	stream.linear.gather [hbm4b:s3+s2], $0x100, $0x38;
	[tilespmem:$0x8100] =	vst v63  }
0x9: {  	_ =	swait.ge [sflag:s4], $0x100  }
0xa: {  	s6 =	simm.s32 $0x80;
	[sflag:s4] =	ssyncset.done $0x0  }
0xb: {  	s7 =	simm.s32 $0x100;
	s5 =	sadd.s32 $0x4E00, s10;
	[sflag:s4] =	ssyncadd.s32 $0xFFFFFF00  }
0xc: {  	[tilespmem:s7], [sflag:$0x1] =	stream.indirect.gather [hbm4b:s5+s6], $0x80, s2, s6, $0xb8;
	[tilespmem:$0x8100] =	vst v63  }
0xd: {  	s8 =	simm.s32 $0x4100;
	s9 =	simm.s32 $0x1  }
0xe: {  	[tilespmem:s8], [sflag:$0x1] =	stream.indirect.gather [hbm4b:s5+s6], $0x80, s6, s6, $0xb8;
	[tilespmem:$0x8100] =	vst v63  }
0xf: {  	s12 =	sshll.u32 s12, $0x4;
	_ =	swait.ge [sflag:s9], $0x4000  }
0x10: {  	s13 =	ssub.s32 $0x2, s11;
	s12 =	sadd.s32 s12, s10;
	[sflag:s9] =	ssyncset.done $0x0  }
0x11: {  	s14 =	sshrl.u32 s13, $0x1;
	s10 =	sadd.s32 $0x2C000, s12;
	[sflag:s9] =	ssyncadd.s32 $0xFFFFC000  }
0x12: {  	[hbm4b:s10+s2] =	stream.linear.scatter [tilespmem:s7], [sflag:$0x2], $0x4000, $0x38;
	[tilespmem:$0x8100] =	vst v63  }
0x13: {  	s13 =	ssub.s32 s13, s14;
	_ =	swait.ge [sflag:s9], $0x4000  }
0x14: {  	s11 =	simm.s32 $0x2;
	s13 =	smax.u32 s13, $0x1;
	[sflag:s9] =	ssyncset.done $0x0  }
0x15: {  	s12 =	sadd.s32 $0x2C800, s12;
	p0 =	sne.s32 s13, $0x1;
	[sflag:s9] =	ssyncadd.s32 $0xFFFFC000  }
0x16: {  	[hbm4b:s12+s2] =	stream.linear.scatter [tilespmem:s8], [sflag:$0x2], $0x4000, $0x38;
	[tilespmem:$0x8100] =	vst v63  }
.Ltmp0:
0x17: {  	_ =	swait.ge [sflag:s11], $0x4000;
	(pc) =	sbr.rel @!p0 .LBB2_2-.Ltmp0, $4  }
0x18: {  	[sflag:s11] =	ssyncset.done $0x0  }
0x19: {  	[sflag:s11] =	ssyncadd.s32 $0xFFFFC000  }
0x1a: {  	_ =	swait.ge [sflag:s11], $0x4000  }
0x1b: {  	s13 =	sadd.s32 $0xFFFFFFFF, s13;
	[sflag:s11] =	ssyncset.done $0x0  }
.LBB2_1:
0x1c: {  	p0 =	sne.s32 s13, $0x1;
	s13 =	sadd.s32 $0xFFFFFFFF, s13;
	[sflag:s11] =	ssyncadd.s32 $0xFFFFC000  }
0x1d: {  	[tilespmem:s2], [sflag:$0x3] =	stream.linear.gather [hbm4b:s3+s2], $0x100, $0x38;
	[tilespmem:$0x8100] =	vst v63  }
0x1e: {  	_ =	swait.ge [sflag:s4], $0x100  }
0x1f: {  	[sflag:s4] =	ssyncset.done $0x0  }
0x20: {  	[sflag:s4] =	ssyncadd.s32 $0xFFFFFF00  }
0x21: {  	[tilespmem:s7], [sflag:$0x1] =	stream.indirect.gather [hbm4b:s5+s6], $0x80, s2, s6, $0xb8;
	[tilespmem:$0x8100] =	vst v63  }
0x22: {  	_ = 	snop  }
0x23: {  	[tilespmem:s8], [sflag:$0x1] =	stream.indirect.gather [hbm4b:s5+s6], $0x80, s6, s6, $0xb8;
	[tilespmem:$0x8100] =	vst v63  }
0x24: {  	_ =	swait.ge [sflag:s9], $0x4000  }
0x25: {  	[sflag:s9] =	ssyncset.done $0x0  }
0x26: {  	[sflag:s9] =	ssyncadd.s32 $0xFFFFC000  }
0x27: {  	[hbm4b:s10+s2] =	stream.linear.scatter [tilespmem:s7], [sflag:$0x2], $0x4000, $0x38;
	[tilespmem:$0x8100] =	vst v63  }
0x28: {  	_ =	swait.ge [sflag:s9], $0x4000  }
0x29: {  	[sflag:s9] =	ssyncset.done $0x0  }
0x2a: {  	[sflag:s9] =	ssyncadd.s32 $0xFFFFC000  }
0x2b: {  	[hbm4b:s12+s2] =	stream.linear.scatter [tilespmem:s8], [sflag:$0x2], $0x4000, $0x38;
	[tilespmem:$0x8100] =	vst v63  }
.Ltmp1:
0x2c: {  	_ =	swait.ge [sflag:s11], $0x4000;
	(pc) =	sbr.rel @p0 .LBB2_1-.Ltmp1, $4  }
0x2d: {  	[sflag:s11] =	ssyncset.done $0x0  }
0x2e: {  	[sflag:s11] =	ssyncadd.s32 $0xFFFFC000  }
0x2f: {  	_ =	swait.ge [sflag:s11], $0x4000  }
0x30: {  	[sflag:s11] =	ssyncset.done $0x0  }
.LBB2_2:
0x31: {  	[sflag:s11] =	ssyncadd.s32 $0xFFFFC000  }
0x32: {  	_ =	sfence.sel $0x180000  }
0x33: {  	[bflag:$0x0] =	sbarrier.arrive $0xFFFF  }
0x34: {  	p0 =	sne.s32 s0, $0x0;
	_ =	strace $0x90000047  }
0x35: {  	s0 =	sadd.s32 @!p0 $0x100000, s1;
	[bflag:$0x2] =	sbarrier.arrive $0xFFFF  }
0x36: {  	[sflag:s0] =	ssyncadd.tile.s32 @!p0 $0x1;
	_ =	shalt  }
.Lfunc_end2:
_tile_overlayer_lowered:
.L_overlay_start_2:
0x37: {  	(tag) =	ssettag $0x2  }
0x38: {  	s0 =	rddreg [dreg:$0x0];
	s2 =	stileid.u32  }
0x39: {  	s1 =	rddreg [dreg:$0x1];
	p0 =	sne.s32 s2, $0x0  }
0x3a: {  	s3 =	rddreg [dreg:$0x2];
	[bflag:$0x3] =	sbarrier.arrive $0xFFFF;
	s2 =	simm.s32 @!p0 $0x1C03  }
0x3b: {  	[timem:s3], [sflag:s2] =	dma.local @!p0 [hbm:s0], s1  }
0x3c: {  	s0 =	simm.s32 @!p0 $0x3  }
0x3d: {  	_ =	swait.ge @!p0 [sflag:s0], s1  }
0x3e: {  	s1 =	ssub.s32 @!p0 $0x0, s1;
	[sflag:s0] =	ssyncset.done @!p0 $0x0  }
0x3f: {  	[sflag:s0] =	ssyncadd.s32 @!p0 s1  }
0x40: {  	[bflag:$0x3] =	sbarrier.arrive $0xFFFF  }
0x41: {  	_ =	shalt  }

// kernel: kernel.15.cloned.1.call-start
scs
__scs_entry_jumppad:
0x0: {  	(pc) =	sbr.rel $0x88, $3  }
0x1: {  	(tag) =	ssettag $0x0;
	lr =	simm.s32 $0x1  }
0x2: {  	[smem:$0x3F96] =	sst lr;
	_ =	strace $0xD0000000  }
0x3: {  	_ = 	snop  }
0x4: {  	_ = 	snop  }
0x5: {  	_ = 	snop  }
0x6: {  	_ = 	snop  }
0x7: {  	_ = 	snop  }
__scs_overlays_trampoline_lowered:
0x8: {  	[smem:$0x3FA5] =	sst s0  }
0x9: {  	[smem:$0x3FA6] =	sst s1  }
0xa: {  	[smem:$0x3FA7] =	sst s2  }
0xb: {  	[smem:$0x3FA8] =	sst s3  }
0xc: {  	[smem:$0x3FA9] =	sst s4  }
0xd: {  	[smem:$0x3FAA] =	sst s5  }
0xe: {  	[smem:$0x3FAB] =	sst s6  }
0xf: {  	[smem:$0x3FAC] =	sst s7  }
0x10: {  	[smem:$0x3FAD] =	sst s8  }
0x11: {  	[smem:$0x3FAE] =	sst s9;
	s0 =	simm.s32 @!p0 $0x0  }
0x12: {  	s1 =	sld [smem:$0x3F94];
	s0 =	simm.s32 @p0 $0x1  }
0x13: {  	[smem:$0x3FAF] =	sst s0;
	s0 =	simm.s32 @!p1 $0x0  }
0x14: {  	s2 =	sld [smem:$0x3F93];
	s0 =	simm.s32 @p1 $0x1  }
0x15: {  	[smem:$0x3FB0] =	sst s0;
	s0 =	simm.s32 @!p2 $0x0  }
0x16: {  	s3 =	sld [smem:$0x3FDB];
	s0 =	simm.s32 @p2 $0x1  }
0x17: {  	s4 =	simm.s32 $0x1BF5;
	[smem:$0x3FB2] =	sst s0  }
0x18: {  	s0 =	sld [smem:$0x3F95];
	_ =	swait.ge [sflag:s4], $0x0  }
0x19: {  	s7 =	sld [smem:$0x3F96]  }
0x1a: {  	s8 =	sadd.s32 $0xFFFFE003, lr  }
0x1b: {  	s9 =	sadd.s32 $0xFFFFFEF7, lr;
	s5 =	simm.s32 $0xFFFFFFFF;
	p2 =	slt.u32 s8, $0xFFFFF086  }
0x1c: {  	p1 =	slt.u32 s9, $0xF7A;
	s5 =	simm.s32 @!p2 $0x0  }
0x1d: {  	s5 =	simm.s32 @p1 $0x1;
	p0 =	seq.s32 s7, s2  }
0x1e: {  	s7 =	smul.u32 @!p0 $0xF7A, s2;
	p2 =	seq.s32 @!p0 s5, $0x0  }
0x1f: {  	s9 =	smul.u32 $0xF7A, s1;
	s8 =	simm.s32 @!p0 $0x1BF5;
	p2 =	por !p2, p0  }
0x20: {  	[sflag:s8] =	ssyncset.s32 @!p0 $0xFFFFF086;
	s6 =	sadd.s32 @!p0 s3, s7;
	s7 =	simm.s32 @!p0 $0x108  }
0x21: {  	s3 =	sadd.s32 s3, s9;
	s6 =	sadd.s32 @!p0 $0x88, s6;
	s7 =	simm.s32 @p2 $0x1082  }
0x22: {  	[simem:s7], [sflag:s8] =	dma.local @!p0 [hbm:s6], $0xF7A  }
0x23: {  	s9 =	sor.u32 $0xD0000000, s2;
	s6 =	simm.s32 $0x108;
	_ =	swait.ge @!p0 [sflag:s8], $0x0  }
0x24: {  	s3 =	sadd.s32 $0x88, s3;
	s6 =	simm.s32 @!p1 $0x1082;
	[sflag:s4] =	ssyncset.s32 $0xFFFFF086  }
0x25: {  	[simem:s6], [sflag:s4] =	dma.local [hbm:s3], $0xF7A  }
0x26: {  	[smem:$0x3F96] =	sst s1;
	(tag) =	ssettag s2;
	_ =	strace s9  }
0x27: {  	s1 =	sld [smem:$0x3FA6]  }
0x28: {  	s2 =	sld [smem:$0x3FA7]  }
0x29: {  	s4 =	sld [smem:$0x3FA9]  }
0x2a: {  	p0 =	seq.s32 s5, $0x0;
	s5 =	sld [smem:$0x3FAA]  }
0x2b: {  	s6 =	sld [smem:$0x3FAB]  }
0x2c: {  	s7 =	sld [smem:$0x3FAC]  }
0x2d: {  	s3 =	simm.s32 $0x108;
	s8 =	sld [smem:$0x3FAD]  }
0x2e: {  	s3 =	simm.s32 @!p0 $0x1082;
	s9 =	sld [smem:$0x3FAE]  }
0x2f: {  	lr =	sadd.s32 s0, s3;
	s0 =	sld [smem:$0x3FA5]  }
0x30: {  	s3 =	sld [smem:$0x3FA8]  }
0x31: {  	[smem:$0x3FB1] =	sst s10  }
0x32: {  	s10 =	sld [smem:$0x3FAF];
	_ =	sdelay $0x3  }
0x33: {  	p0 =	seq.s32 s10, $0x1;
	s10 =	sld [smem:$0x3FB1];
	_ =	sdelay $0x3  }
0x34: {  	[smem:$0x3FB1] =	sst s10  }
0x35: {  	s10 =	sld [smem:$0x3FB0];
	_ =	sdelay $0x3  }
0x36: {  	p1 =	seq.s32 s10, $0x1;
	s10 =	sld [smem:$0x3FB1];
	_ =	sdelay $0x3  }
0x37: {  	[smem:$0x3FB1] =	sst s10  }
0x38: {  	s10 =	sld [smem:$0x3FB2]  }
0x39: {  	_ = 	snop;
	(pc) =	sbr.ind lr, $3  }
0x3a: {  	_ = 	snop  }
0x3b: {  	_ = 	snop  }
0x3c: {  	p2 =	seq.s32 s10, $0x1;
	s10 =	sld [smem:$0x3FB1]  }
0x3d: {  	_ =	shalt  }
0x3e: {  	_ =	shalt  }
0x3f: {  	_ =	shalt  }
0x40: {  	_ =	shalt  }
0x41: {  	_ =	shalt  }
0x42: {  	_ =	shalt  }
0x43: {  	_ =	shalt  }
0x44: {  	_ =	shalt  }
0x45: {  	_ =	shalt  }
0x46: {  	_ =	shalt  }
0x47: {  	_ =	shalt  }
0x48: {  	_ =	shalt  }
0x49: {  	_ =	shalt  }
0x4a: {  	_ =	shalt  }
0x4b: {  	_ =	shalt  }
0x4c: {  	_ =	shalt  }
0x4d: {  	_ =	shalt  }
0x4e: {  	_ =	shalt  }
0x4f: {  	_ =	shalt  }
0x50: {  	_ =	shalt  }
0x51: {  	_ =	shalt  }
0x52: {  	_ =	shalt  }
0x53: {  	_ =	shalt  }
0x54: {  	_ =	shalt  }
0x55: {  	_ =	shalt  }
0x56: {  	_ =	shalt  }
0x57: {  	_ =	shalt  }
0x58: {  	_ =	shalt  }
0x59: {  	_ =	shalt  }
0x5a: {  	_ =	shalt  }
0x5b: {  	_ =	shalt  }
0x5c: {  	_ =	shalt  }
0x5d: {  	_ =	shalt  }
0x5e: {  	_ =	shalt  }
0x5f: {  	_ =	shalt  }
0x60: {  	_ =	shalt  }
0x61: {  	_ =	shalt  }
0x62: {  	_ =	shalt  }
0x63: {  	_ =	shalt  }
0x64: {  	_ =	shalt  }
0x65: {  	_ =	shalt  }
0x66: {  	_ =	shalt  }
0x67: {  	_ =	shalt  }
0x68: {  	_ =	shalt  }
0x69: {  	_ =	shalt  }
0x6a: {  	_ =	shalt  }
0x6b: {  	_ =	shalt  }
0x6c: {  	_ =	shalt  }
0x6d: {  	_ =	shalt  }
0x6e: {  	_ =	shalt  }
0x6f: {  	_ =	shalt  }
0x70: {  	_ =	shalt  }
0x71: {  	_ =	shalt  }
0x72: {  	_ =	shalt  }
0x73: {  	_ =	shalt  }
0x74: {  	_ =	shalt  }
0x75: {  	_ =	shalt  }
0x76: {  	_ =	shalt  }
0x77: {  	_ =	shalt  }
0x78: {  	_ =	shalt  }
0x79: {  	_ =	shalt  }
0x7a: {  	_ =	shalt  }
0x7b: {  	_ =	shalt  }
0x7c: {  	_ =	shalt  }
0x7d: {  	_ =	shalt  }
0x7e: {  	_ =	shalt  }
0x7f: {  	_ =	shalt  }
0x80: {  	_ =	shalt  }
0x81: {  	_ =	shalt  }
0x82: {  	_ =	shalt  }
0x83: {  	_ =	shalt  }
0x84: {  	_ =	shalt  }
0x85: {  	_ =	shalt  }
0x86: {  	_ =	shalt  }
0x87: {  	_ =	shalt  }
.Lfunc_end0:
.L_simem_size_0:
called_computation.1_lowered:
.L_overlay_start_0:
0x88: {  	s2 =	sld [smem:$0x3FD9]  }
0x89: {  	s3 =	sld [smem:$0x3FFE];
	_ =	sdelay $0x1  }
0x8a: {  	s1 =	srdreg.scid  }
0x8b: {  	s0 =	sand.u32 $0x1, s1  }
0x8c: {  	s17 =	sshll.u32 s0, $0xA;
	s2 =	sadd.s32 s3, s2  }
0x8d: {  	s2 =	sadd.s32 s2, s17  }
0x8e: {  	[smem:$0x3FBD] =	sst s2  }
0x8f: {  	_ = 	snop  }
0x90: {  	(tm) =	ssettm $0x1  }
0x91: {  	s18 =	sld [smem:$0x3FFB];
	_ =	sdelay $0x3  }
0x92: {  	_ =	strace s18  }
0x93: {  	s2 =	sld [smem:$0x3FFC];
	_ =	sdelay $0x3  }
0x94: {  	_ =	strace s2  }
0x95: {  	s2 =	sld [smem:$0x3FFD];
	_ =	sdelay $0x3  }
0x96: {  	_ =	strace s2  }
0x97: {  	_ =	strace $0x8FFFFFFF  }
0x98: {  	s19 =	sld [smem:$0x3FDB];
	_ =	sdelay $0x1  }
0x99: {  	s20 =	simm.s32 $_scs_section_size  }
0x9a: {  	s4 =	simm.s32 $_size__tile_overlayer_lowered;
	s5 =	simm.s32 $_tile_overlayer_lowered  }
0x9b: {  	s6 =	simm.s32 $0x1BFF;
	s21 =	sshll.u32 s5, $0x1;
	s3 =	sadd.s32 s20, s19  }
0x9c: {  	s22 =	simm.s32 $0x0;
	s4 =	sshll.u32 s4, $0x1;
	s5 =	sadd.s32 s21, s3  }
0x9d: {  	[timem:s22], [sflag:s6] =	dma.local [hbm:s5], s4  }
0x9e: {  	_ =	swait.ge [sflag:s6], s4  }
0x9f: {  	s4 =	ssub.s32 $0x0, s4;
	[sflag:s6] =	ssyncset.done $0x0  }
0xa0: {  	[sflag:s6] =	ssyncadd.s32 s4;
	_ =	sdelay $0x1  }
0xa1: {  	s23 =	simm.s32 $0x1B8B  }
0xa2: {  	_ =	swait.ge [sflag:s23], $0x1  }
0xa3: {  	[sflag:s23] =	ssyncset.done $0x0  }
0xa4: {  	[sflag:s23] =	ssyncadd.s32 $0xFFFFFFFF  }
0xa5: {  	s4 =	sld [smem:$0x0]  }
0xa6: {  	s5 =	sand.u32 $0xFFFFFFFE, s1  }
0xa7: {  	p0 =	sne.s32 s1, s5  }
0xa8: {  	s5 =	sshll.u32 @p0 s5, $0xE  }
0xa9: {  	s5 =	sadd.s32 @p0 $0x11B8D, s5;
	s6 =	sshll.u32 @p0 s4, $0x11  }
0xaa: {  	s5 =	sor.u32 @p0 s6, s5  }
0xab: {  	[sflag:s5] =	ssyncadd.remote.s32 @p0 $0x1;
	_ =	sdelay $0x1  }
0xac: {  	s5 =	simm.s32 @p0 $0x1B8D  }
0xad: {  	_ =	swait.eq @p0 [sflag:s5], $0x1  }
0xae: {  	[sflag:s5] =	ssyncadd.s32 @p0 $0xFFFFFFFF  }
0xaf: {  	s6 =	sshll.u32 @!p0 s1, $0xE  }
0xb0: {  	s6 =	sor.u32 @!p0 $0x4000, s6;
	s5 =	simm.s32 @!p0 $0x1B8D  }
0xb1: {  	s4 =	sshll.u32 @!p0 s4, $0x11;
	s6 =	sadd.s32 @!p0 $0x11B8D, s6;
	_ =	swait.eq @!p0 [sflag:s5], $0x1  }
0xb2: {  	s4 =	sor.u32 @!p0 s4, s6;
	[sflag:s5] =	ssyncadd.s32 @!p0 $0xFFFFFFFF  }
0xb3: {  	s25 =	simm.s32 $0x1B8E;
	s24 =	sld [smem:$0x3FFE];
	[sflag:s4] =	ssyncadd.remote.s32 @!p0 $0x1  }
0xb4: {  	s26 =	simm.s32 $execute0_lowered;
	[smem:$0x3FD2] =	sst s25  }
0xb5: {  	s5 =	sshll.u32 s26, $0x1;
	_ =	strace $0x8000004F;
	[dreg:$0x1] =	wrdreg $0xFFFFFFFF  }
0xb6: {  	s28 =	simm.s32 $_size_execute0_lowered;
	s3 =	sadd.s32 s3, s5;
	[dreg:$0x0] =	wrdreg $0x0  }
0xb7: {  	s5 =	sshll.u32 s28, $0x1;
	[dreg:$0x2] =	wrdreg s3  }
0xb8: {  	[dreg:$0x3] =	wrdreg s5  }
0xb9: {  	[dreg:$0x4] =	wrdreg $0xC0  }
0xba: {  	_ =	task [dreg:s22], $0x5FFFF  }
0xbb: {  	[dreg:$0x1] =	wrdreg $0xFFFFFFFF  }
0xbc: {  	[dreg:$0x0] =	wrdreg $0x60  }
0xbd: {  	[dreg:$0x2] =	wrdreg s24  }
0xbe: {  	[dreg:$0x3] =	wrdreg $0x82000  }
0xbf: {  	[dreg:$0x4] =	wrdreg $0x9  }
0xc0: {  	_ =	task.clear_ibuf [dreg:s22], $0x5FFFF;
	_ =	strace $0x9000004F  }
0xc1: {  	s29 =	simm.s32 $0x9;
	_ =	strace $0x80000051  }
0xc2: {  	_ =	swait.ge [sflag:s29], $0x1  }
0xc3: {  	[sflag:s29] =	ssyncadd.s32 $0xFFFFFFFF  }
0xc4: {  	_ =	strace $0x90000051  }
0xc5: {  	_ =	sfence  }
0xc6: {  	s30 =	sld [smem:$0x0];
	_ =	sdelay $0x2  }
0xc7: {  	s31 =	sshll.u32 s1, $0xD;
	s1 =	sshrl.u32 s1, $0x2  }
0xc8: {  	s4 =	sand.u32 $0x4000, s31;
	s1 =	sadd.s32 s1, s30  }
0xc9: {  	s0 =	sor.u32 s4, s0;
	s1 =	sshll.u32 s1, $0x11  }
0xca: {  	s0 =	sor.u32 s1, s0  }
0xcb: {  	s0 =	sadd.s32 $0x8F2B, s0  }
0xcc: {  	[sflag:s0] =	ssyncadd.remote.s32 $0x1  }
0xcd: {  	_ =	sfence.sel $0xFFFF  }
0xce: {  	[dreg:$0x0] =	wrdreg $0xFFFFFFFF;
	(pc) =	sbr.abs _section_cstart, $3  }
0xcf: {  	[dreg:$0x1] =	wrdreg $0xFFFFFFFF  }
0xd0: {  	_ =	task.clear_ibuf [dreg:s22], $0x2FFFF;
	_ =	strace $0x9FFFFFFF  }
0xd1: {  	(tm) =	ssettm $0x7FFFFFFF  }
tec
execute0_lowered:
.L_overlay_start_1:
0x0: {  	(tag) =	ssettag $0x1  }
0x1: {  	s9 =	rddreg [dreg:$0x0];
	s1 =	stileid.u32  }
0x2: {  	s2 =	rddreg [dreg:$0x1];
	s3 =	smul.u32 $0x28000, s1  }
0x3: {  	s0 =	rddreg [dreg:$0x2];
	s6 =	simm.s32 $0x0  }
0x4: {  	[smem:$0x7FF] =	sst s6;
	s8 =	sshll.u32 s1, $0x6;
	s3 =	sshrl.u32 s3, $0x2  }
0x5: {  	s7 =	sadd.s32 $0xBA800, s9;
	_ =	strace $0x80000050;
	s3 =	sadd.s32 s3, s2  }
0x6: {  	s4 =	sor.u32 $0x1C04, s8;
	s5 =	sshrl.u32 s3, $0x3;
	s3 =	simm.s32 $0x4  }
0x7: {  	[spmem:s5], [sflag:s4] =	dma.local [hbm:s7], $0x1400  }
0x8: {  	_ =	swait.ge [sflag:s3], $0x1400  }
0x9: {  	s8 =	sadd.s32 s8, s9;
	[sflag:s3] =	ssyncset.done $0x0  }
0xa: {  	s8 =	sadd.s32 $0x4A00, s8;
	[sflag:s3] =	ssyncadd.s32 $0xFFFFEC00  }
0xb: {  	[tilespmem:s6], [sflag:$0x4] =	stream.linear.gather [hbm4b:s8+s6], $0x200, $0x38;
	[tilespmem:$0x12240] =	vst v63  }
0xc: {  	_ =	swait.ge [sflag:s3], $0x200  }
0xd: {  	[sflag:s3] =	ssyncset.done $0x0  }
0xe: {  	[sflag:s3] =	ssyncadd.s32 $0xFFFFFE00  }
0xf: {  	v1 =	vld [tilespmem:$0x50]  }
0x10: {  	v2 =	vld [tilespmem:$0x40]  }
0x11: {  	v3 =	vld [tilespmem:$0x10]  }
0x12: {  	v4 =	vld [tilespmem:$0x0]  }
0x13: {  	s10 =	srdreg.scid;
	v5 =	vld [tilespmem:$0x1B0]  }
0x14: {  	s10 =	sand.u32 $0x1, s10;
	v6 =	vld [tilespmem:$0x60]  }
0x15: {  	s11 =	smul.u32 $0x1400, s10;
	v14 =	vld [tilespmem:$0xC0]  }
0x16: {  	v15 =	vld [tilespmem:$0xF0]  }
0x17: {  	v0 =	vmov s11;
	v16 =	vld [tilespmem:$0x100]  }
0x18: {  	v24 =	vld [tilespmem:$0x140];
	v7 =	vsub.s32 v3, v0;
	vm3 =	vlt.s32 v3, v0;
	v3 =	vsub.s32 v2, v0  }
0x19: {  	v8 =	vsub.s32 v4, v0;
	vm4 =	vlt.s32 v4, v0;
	vm1 =	vlt.s32 v1, v0  }
0x1a: {  	vm0 =	vlt.s32 v2, v0;
	v2 =	vsub.s32 v5, v0;
	v9 =	vsub.s32 v6, v0  }
0x1b: {  	vm6 =	vlt.s32 v6, v0;
	v1 =	vsub.s32 v1, v0;
	vm9 =	vlt.s32 v14, v0  }
0x1c: {  	v10 =	vld [tilespmem:$0x90];
	v21 =	vsub.s32 v15, v0;
	vm13 =	vlt.s32 v16, v0;
	vm10 =	vlt.s32 v15, v0  }
0x1d: {  	v4 =	vld [tilespmem:$0xA0];
	v27 =	vsub.s32 v24, v0;
	vm2 =	vlt.s32 v3, $0x1400;
	vm5 =	vlt.s32 v2, $0x1400  }
0x1e: {  	v6 =	vld [tilespmem:$0xD0];
	vm7 =	vlt.s32 v9, $0x1400;
	v11 =	vnsel vm5, $0x1400, v2;
	vm5 =	vlt.s32 v7, $0x1400  }
0x1f: {  	v18 =	vld [tilespmem:$0x80];
	v2 =	vnsel vm2, $0x1400, v3;
	v3 =	vnsel vm7, $0x1400, v9;
	vm2 =	vlt.s32 v8, $0x1400  }
0x20: {  	v29 =	vld [tilespmem:$0x110];
	v12 =	vsel vm0, $0x1400, v2;
	v13 =	vsel vm6, $0x1400, v3;
	vm0 =	vlt.s32 v1, $0x1400  }
0x21: {  	v8 =	vnsel vm2, $0x1400, v8;
	v7 =	vnsel vm5, $0x1400, v7;
	v1 =	vnsel vm0, $0x1400, v1  }
0x22: {  	v8 =	vsel vm4, $0x1400, v8;
	vm4 =	vlt.s32 v21, $0x1400;
	v7 =	vsel vm3, $0x1400, v7  }
0x23: {  	v9 =	vld [tilespmem:$0x30];
	v2 =	vsub.s32 v4, v0;
	vm2 =	vlt.s32 v4, v0;
	vm6 =	vlt.s32 v6, v0  }
0x24: {  	v3 =	vsub.s32 v6, v0;
	v6 =	vsub.s32 v10, v0;
	v23 =	vsel vm1, $0x1400, v1  }
0x25: {  	v22 =	vld [tilespmem:$0x120];
	v15 =	vnsel vm4, $0x1400, v21;
	v21 =	vsub.s32 v18, v0;
	[tilespmem:$0x0] =	vst v8;
	v8 =	vsub.s32 v29, v0  }
0x26: {  	v17 =	vld [tilespmem:$0x130];
	[tilespmem:$0x40] =	vst v12;
	vm7 =	vlt.s32 v2, $0x1400;
	vm8 =	vlt.s32 v3, $0x1400;
	v12 =	vsel vm10, $0x1400, v15  }
0x27: {  	vm3 =	vlt.s32 v21, $0x1400;
	v2 =	vnsel vm7, $0x1400, v2;
	vm7 =	vlt.s32 v6, $0x1400  }
0x28: {  	v4 =	vld [tilespmem:$0xE0];
	v3 =	vnsel vm8, $0x1400, v3;
	vm8 =	vlt.s32 v5, v0;
	v5 =	vsub.s32 v9, v0  }
0x29: {  	vm1 =	vlt.s32 v9, v0;
	v15 =	vnsel vm3, $0x1400, v21;
	vm3 =	vlt.s32 v18, v0  }
0x2a: {  	v18 =	vsub.s32 v22, v0;
	v6 =	vnsel vm7, $0x1400, v6;
	v19 =	vsel vm2, $0x1400, v2  }
0x2b: {  	v28 =	vld [tilespmem:$0x1A0];
	v20 =	vsel vm6, $0x1400, v3;
	vm6 =	vlt.s32 v5, $0x1400;
	v2 =	vsub.s32 v17, v0  }
0x2c: {  	v9 =	vld [tilespmem:$0x170];
	vm7 =	vlt.s32 v10, v0;
	v5 =	vnsel vm6, $0x1400, v5;
	vm4 =	vlt.s32 v2, $0x1400  }
0x2d: {  	v3 =	vld [tilespmem:$0x150];
	v6 =	vsel vm7, $0x1400, v6;
	vm7 =	vlt.s32 v18, $0x1400;
	vm11 =	vlt.s32 v4, v0  }
0x2e: {  	v1 =	vsub.s32 v4, v0;
	v25 =	vsel vm1, $0x1400, v5;
	v5 =	vsel vm8, $0x1400, v11  }
0x2f: {  	v26 =	vld [tilespmem:$0x190];
	v11 =	vsub.s32 v14, v0;
	vm8 =	vlt.s32 v22, v0;
	v22 =	vsel vm3, $0x1400, v15  }
0x30: {  	[tilespmem:$0xD0] =	vst v20;
	v20 =	vld [tilespmem:$0x180];
	vm3 =	vlt.s32 v28, v0;
	v15 =	vsub.s32 v16, v0;
	vm5 =	vlt.s32 v11, $0x1400  }
0x31: {  	[tilespmem:$0x60] =	vst v13;
	v4 =	vld [tilespmem:$0x160];
	vm12 =	vlt.s32 v1, $0x1400;
	v11 =	vnsel vm5, $0x1400, v11;
	vm6 =	vlt.s32 v9, v0  }
0x32: {  	s10 =	ssub.s32 $0x2, s10;
	[tilespmem:$0xA0] =	vst v19;
	vm5 =	vlt.s32 v27, $0x1400;
	v19 =	vsub.s32 v9, v0;
	v10 =	vsub.s32 v3, v0  }
0x33: {  	s30 =	sshrl.u32 s10, $0x1;
	[tilespmem:$0x1B0] =	vst v5;
	v5 =	vld [tilespmem:$0x1F0];
	v30 =	vsel vm9, $0x1400, v11;
	v13 =	vnsel vm5, $0x1400, v27;
	vm9 =	vlt.s32 v24, v0  }
0x34: {  	s17 =	simm.s32 $0x2;
	s15 =	simm.s32 $0x1;
	s31 =	ssub.s32 s10, s30;
	[tilespmem:$0x10] =	vst v7;
	v11 =	vsub.s32 v26, v0;
	vm5 =	vlt.s32 v17, v0;
	v17 =	vld [tilespmem:$0x1C0];
	v16 =	vsel vm9, $0x1400, v13  }
0x35: {  	s18 =	simm.s32 $0x3;
	s21 =	simm.s32 $0x100;
	s22 =	smax.u32 s31, $0x1;
	[tilespmem:$0x50] =	vst v23;
	v13 =	vnsel vm7, $0x1400, v18;
	vm7 =	vlt.s32 v8, $0x1400;
	v18 =	vsub.s32 v20, v0  }
0x36: {  	s12 =	smul.u32 $0x140, s1;
	s13 =	sshll.u32 s1, $0xD;
	p0 =	sne.s32 s22, $0x1;
	[tilespmem:$0xF0] =	vst v12;
	v14 =	vsub.s32 v4, v0;
	v23 =	vsel vm8, $0x1400, v13;
	vm8 =	vlt.s32 v18, $0x1400  }
.Ltmp0:
0x37: {  	s20 =	simm.s32 $0x180;
	s29 =	sadd.s32 s13, s9;
	v12 =	vld [tilespmem:$0x1D0];
	[tilespmem:$0x90] =	vst v6;
	v8 =	vnsel vm7, $0x1400, v8;
	v7 =	vnsel vm8, $0x1400, v18;
	vm8 =	vlt.s32 v19, $0x1400;
	(pc) =	sbr.rel @!p0 .LBB2_2-.Ltmp0, $4  }
0x38: {  	s13 =	simm.s32 $0x80;
	s16 =	sadd.s32 $0x2C000, s29;
	s11 =	sadd.s32 s12, s11;
	v6 =	vld [tilespmem:$0xB0];
	[tilespmem:$0x30] =	vst v25;
	v13 =	vsub.s32 v5, v0;
	v63 =	vnsel vm8, $0x1400, v19;
	vm8 =	vlt.s32 v20, v0  }
0x39: {  	s19 =	sadd.s32 $0x2C800, s29;
	s14 =	sadd.s32 $0x2D000, s29;
	s11 =	sshll.u32 s11, $0x4;
	[tilespmem:$0x80] =	vst v22;
	v9 =	vld [tilespmem:$0x1E0];
	vm7 =	vlt.s32 v17, v0;
	v19 =	vsel vm8, $0x1400, v7;
	vm8 =	vlt.s32 v29, v0  }
0x3a: {  	s10 =	sadd.s32 $0x2D800, s29;
	s12 =	simm.s32 $0x200;
	s9 =	sadd.s32 s11, s9;
	[tilespmem:$0xC0] =	vst v30;
	v7 =	vld [tilespmem:$0x70];
	v18 =	vsub.s32 v17, v0;
	v17 =	vsub.s32 v28, v0;
	v20 =	vsel vm6, $0x1400, v63  }
0x3b: {  	s11 =	simm.s32 $0x4200;
	s22 =	sadd.s32 $0xFFFFFFFF, s22;
	s9 =	sadd.s32 $0xBBC00, s9;
	[tilespmem:$0x120] =	vst v23;
	vm6 =	vlt.s32 v14, $0x1400;
	v21 =	vsel vm8, $0x1400, v8;
	vm8 =	vlt.s32 v26, v0;
	v8 =	vld [tilespmem:$0x20]  }
.LBB2_1:
0x3c: {  	vm9 =	vlt.s32 v10, $0x1400;
	vm10 =	vlt.s32 v4, v0;
	v4 =	vnsel vm6, $0x1400, v14  }
0x3d: {  	[tilespmem:$0x110] =	vst v21;
	vm6 =	vlt.s32 v3, v0;
	v2 =	vnsel vm4, $0x1400, v2;
	vm2 =	vlt.s32 v11, $0x1400  }
0x3e: {  	[tilespmem:$0x170] =	vst v20;
	v1 =	vnsel vm12, $0x1400, v1;
	v3 =	vnsel vm9, $0x1400, v10;
	v4 =	vsel vm10, $0x1400, v4  }
0x3f: {  	[tilespmem:$0x180] =	vst v19;
	vm9 =	vlt.s32 v15, $0x1400;
	v2 =	vsel vm5, $0x1400, v2;
	v1 =	vsel vm11, $0x1400, v1  }
0x40: {  	v3 =	vsel vm6, $0x1400, v3;
	[tilespmem:$0x160] =	vst v4;
	vm6 =	vlt.s32 v18, $0x1400;
	v4 =	vnsel vm9, $0x1400, v15  }
0x41: {  	vm9 =	vlt.s32 v17, $0x1400;
	[tilespmem:$0x150] =	vst v3;
	v3 =	vnsel vm6, $0x1400, v18;
	v4 =	vsel vm13, $0x1400, v4  }
0x42: {  	v3 =	vsel vm7, $0x1400, v3;
	v10 =	vsub.s32 v12, v0;
	[tilespmem:$0x100] =	vst v4;
	v4 =	vnsel vm2, $0x1400, v11  }
0x43: {  	[tilespmem:$0x140] =	vst v16;
	vm2 =	vlt.s32 v12, v0;
	v11 =	vsub.s32 v8, v0;
	vm5 =	vlt.s32 v9, v0  }
0x44: {  	vm4 =	vlt.s32 v10, $0x1400;
	v4 =	vsel vm8, $0x1400, v4;
	vm1 =	vlt.s32 v11, $0x1400;
	[tilespmem:$0x1C0] =	vst v3  }
0x45: {  	v3 =	vsub.s32 v9, v0;
	v10 =	vnsel vm4, $0x1400, v10;
	[tilespmem:$0x190] =	vst v4;
	v4 =	vnsel vm9, $0x1400, v17  }
0x46: {  	[tilespmem:$0x130] =	vst v2;
	vm4 =	vlt.s32 v13, $0x1400;
	v10 =	vsel vm2, $0x1400, v10;
	v4 =	vsel vm3, $0x1400, v4  }
0x47: {  	[tilespmem:$0xE0] =	vst v1;
	vm2 =	vlt.s32 v3, $0x1400;
	vm3 =	vlt.s32 v5, v0;
	v5 =	vsub.s32 v6, v0  }
0x48: {  	v2 =	vnsel vm2, $0x1400, v3;
	v3 =	vnsel vm4, $0x1400, v13;
	[tilespmem:$0x1A0] =	vst v4;
	v4 =	vsub.s32 v7, v0  }
0x49: {  	[tilespmem:$0x1D0] =	vst v10;
	vm2 =	vlt.s32 v5, $0x1400;
	v2 =	vsel vm5, $0x1400, v2;
	v3 =	vsel vm3, $0x1400, v3  }
0x4a: {  	vm0 =	vlt.s32 v4, $0x1400;
	vm3 =	vlt.s32 v6, v0;
	[tilespmem:$0x1F0] =	vst v3;
	v3 =	vnsel vm2, $0x1400, v5  }
0x4b: {  	vm2 =	vlt.s32 v7, v0;
	v1 =	vnsel vm0, $0x1400, v4;
	[tilespmem:$0x1E0] =	vst v2;
	v3 =	vsel vm3, $0x1400, v3  }
0x4c: {  	vm0 =	vlt.s32 v8, v0;
	v2 =	vnsel vm1, $0x1400, v11;
	v1 =	vsel vm2, $0x1400, v1;
	[tilespmem:$0xB0] =	vst v3  }
0x4d: {  	v2 =	vsel vm0, $0x1400, v2;
	[tilespmem:$0x70] =	vst v1  }
0x4e: {  	[tilespmem:$0x20] =	vst v2  }
0x4f: {  	[bflag:$0x0] =	sbarrier.arrive $0xFFFF  }
0x50: {  	[tilespmem:s12], [sflag:$0x2] =	stream.linear.gather [hbm4b:s16+s6], $0x4000, $0x38;
	[tilespmem:$0x12240] =	vst v63  }
0x51: {  	_ = 	snop  }
0x52: {  	[tilespmem:s11], [sflag:$0x3] =	stream.linear.gather [hbm4b:s19+s6], $0x4000, $0x38;
	[tilespmem:$0x12240] =	vst v63  }
0x53: {  	_ =	swait.ge [sflag:s17], $0x4000  }
0x54: {  	[sflag:s17] =	ssyncset.done $0x0  }
0x55: {  	[sflag:s17] =	ssyncadd.s32 $0xFFFFC000  }
0x56: {  	[spmem:s2] =	stream.indirect.scatter.add.f32 [tilespmem:s12], [sflag:$0x1], $0x80, s6, s13, $0xb8;
	[tilespmem:$0x12240] =	vst v63  }
0x57: {  	_ =	swait.ge [sflag:s15], $0x4000  }
0x58: {  	[sflag:s15] =	ssyncset.done $0x0  }
0x59: {  	[sflag:s15] =	ssyncadd.s32 $0xFFFFC000  }
0x5a: {  	[tilespmem:s12], [sflag:$0x2] =	stream.linear.gather [hbm4b:s14+s6], $0x4000, $0x38;
	[tilespmem:$0x12240] =	vst v63  }
0x5b: {  	_ =	swait.ge [sflag:s18], $0x4000  }
0x5c: {  	[sflag:s18] =	ssyncset.done $0x0  }
0x5d: {  	[sflag:s18] =	ssyncadd.s32 $0xFFFFC000  }
0x5e: {  	[spmem:s2] =	stream.indirect.scatter.add.f32 [tilespmem:s11], [sflag:$0x1], $0x80, s13, s13, $0xb8;
	[tilespmem:$0x12240] =	vst v63  }
0x5f: {  	_ =	swait.ge [sflag:s15], $0x4000  }
0x60: {  	[sflag:s15] =	ssyncset.done $0x0  }
0x61: {  	[sflag:s15] =	ssyncadd.s32 $0xFFFFC000  }
0x62: {  	[tilespmem:s11], [sflag:$0x3] =	stream.linear.gather [hbm4b:s10+s6], $0x4000, $0x38;
	[tilespmem:$0x12240] =	vst v63  }
0x63: {  	_ =	swait.ge [sflag:s17], $0x4000  }
0x64: {  	[sflag:s17] =	ssyncset.done $0x0  }
0x65: {  	[sflag:s17] =	ssyncadd.s32 $0xFFFFC000  }
0x66: {  	[spmem:s2] =	stream.indirect.scatter.add.f32 [tilespmem:s12], [sflag:$0x1], $0x80, s21, s13, $0xb8;
	[tilespmem:$0x12240] =	vst v63  }
0x67: {  	_ =	swait.ge [sflag:s15], $0x4000  }
0x68: {  	[sflag:s15] =	ssyncset.done $0x0  }
0x69: {  	[sflag:s15] =	ssyncadd.s32 $0xFFFFC000  }
0x6a: {  	_ =	swait.ge [sflag:s18], $0x4000  }
0x6b: {  	[sflag:s18] =	ssyncset.done $0x0  }
0x6c: {  	[sflag:s18] =	ssyncadd.s32 $0xFFFFC000  }
0x6d: {  	[spmem:s2] =	stream.indirect.scatter.add.f32 [tilespmem:s11], [sflag:$0x1], $0x80, s20, s13, $0xb8;
	[tilespmem:$0x12240] =	vst v63  }
0x6e: {  	_ =	swait.ge [sflag:s15], $0x4000  }
0x6f: {  	[sflag:s15] =	ssyncset.done $0x0  }
0x70: {  	[sflag:s15] =	ssyncadd.s32 $0xFFFFC000  }
0x71: {  	[bflag:$0x0] =	sbarrier.arrive $0xFFFF  }
0x72: {  	[hbm:s9], [sflag:s4] =	dma.local [spmem:s5], $0x1400  }
0x73: {  	_ =	swait.ge [sflag:s3], $0x1400  }
0x74: {  	[sflag:s3] =	ssyncset.done $0x0  }
0x75: {  	[sflag:s3] =	ssyncadd.s32 $0xFFFFEC00  }
0x76: {  	[spmem:s5], [sflag:s4] =	dma.local [hbm:s7], $0x1400  }
0x77: {  	_ =	swait.ge [sflag:s3], $0x1400  }
0x78: {  	[sflag:s3] =	ssyncset.done $0x0  }
0x79: {  	[sflag:s3] =	ssyncadd.s32 $0xFFFFEC00  }
0x7a: {  	[tilespmem:s6], [sflag:$0x4] =	stream.linear.gather [hbm4b:s8+s6], $0x200, $0x38;
	[tilespmem:$0x12240] =	vst v63  }
0x7b: {  	_ =	swait.ge [sflag:s3], $0x200  }
0x7c: {  	[sflag:s3] =	ssyncset.done $0x0  }
0x7d: {  	[sflag:s3] =	ssyncadd.s32 $0xFFFFFE00  }
0x7e: {  	v1 =	vld [tilespmem:$0x60]  }
0x7f: {  	v2 =	vld [tilespmem:$0x50]  }
0x80: {  	v3 =	vld [tilespmem:$0x40]  }
0x81: {  	v4 =	vld [tilespmem:$0x10]  }
0x82: {  	v5 =	vld [tilespmem:$0x0]  }
0x83: {  	v16 =	vld [tilespmem:$0x80]  }
0x84: {  	v11 =	vld [tilespmem:$0xC0]  }
0x85: {  	v21 =	vld [tilespmem:$0x140]  }
0x86: {  	v20 =	vld [tilespmem:$0x130]  }
0x87: {  	v6 =	vld [tilespmem:$0x1B0];
	v8 =	vsub.s32 v4, v0;
	vm0 =	vlt.s32 v4, v0;
	v4 =	vimm.s32 $0x0  }
0x88: {  	v10 =	vsub.s32 v5, v0;
	vm3 =	vlt.s32 v5, v0;
	vm1 =	vlt.s32 v2, v0  }
0x89: {  	v18 =	vld [tilespmem:$0x110];
	v12 =	vsub.s32 v1, v0;
	vm5 =	vlt.s32 v1, v0;
	v2 =	vsub.s32 v2, v0  }
0x8a: {  	v29 =	vsub.s32 v11, v0;
	v31 =	vsub.s32 v16, v0;
	vm14 =	vlt.s32 v21, v0  }
0x8b: {  	v26 =	vld [tilespmem:$0x190];
	vm6 =	vlt.s32 v20, v0;
	v4 =	vsel vm0, $0xFFFFFFFF, v4;
	vm0 =	vlt.s32 v3, v0  }
0x8c: {  	v5 =	vld [tilespmem:$0xA0];
	vm13 =	vlt.s32 v8, $0x1400;
	[tilespmem:$0x1FFD0] =	vst v4;
	v4 =	vsub.s32 v3, v0;
	v3 =	vsub.s32 v6, v0  }
0x8d: {  	v1 =	vld [tilespmem:$0xD0];
	vm7 =	vlt.s32 v12, $0x1400;
	v30 =	vnsel vm13, $0x1400, v8;
	vm4 =	vlt.s32 v3, $0x1400  }
0x8e: {  	v7 =	vld [tilespmem:$0x30];
	vm13 =	vlt.s32 v18, v0;
	vm2 =	vlt.s32 v4, $0x1400;
	v14 =	vnsel vm4, $0x1400, v3  }
0x8f: {  	v3 =	vnsel vm2, $0x1400, v4;
	v4 =	vnsel vm7, $0x1400, v12;
	vm2 =	vlt.s32 v10, $0x1400  }
0x90: {  	v13 =	vld [tilespmem:$0xE0];
	vm4 =	vlt.s32 v11, v0;
	v11 =	vsub.s32 v26, v0;
	v3 =	vsel vm0, $0x1400, v3  }
0x91: {  	v4 =	vsel vm5, $0x1400, v4;
	v17 =	vnsel vm2, $0x1400, v10;
	vm0 =	vlt.s32 v2, $0x1400  }
0x92: {  	vm2 =	vlt.s32 v5, v0;
	vm7 =	vlt.s32 v1, v0;
	vm5 =	vlt.s32 v6, v0  }
0x93: {  	v9 =	vld [tilespmem:$0x90];
	v1 =	vsub.s32 v1, v0;
	[tilespmem:$0x40] =	vst v3;
	v3 =	vsub.s32 v5, v0;
	v5 =	vsub.s32 v7, v0  }
0x94: {  	[tilespmem:$0x60] =	vst v4;
	v4 =	vimm.s32 $0x0;
	vm10 =	vlt.s32 v1, $0x1400;
	v10 =	vnsel vm0, $0x1400, v2  }
0x95: {  	v12 =	vld [tilespmem:$0xF0];
	vm0 =	vlt.s32 v13, v0;
	v2 =	vsub.s32 v20, v0;
	v20 =	vsub.s32 v18, v0  }
0x96: {  	v15 =	vld [tilespmem:$0x100];
	v4 =	vsel vm4, $0xFFFFFFFF, v4;
	vm9 =	vlt.s32 v3, $0x1400;
	v1 =	vnsel vm10, $0x1400, v1  }
0x97: {  	v28 =	vld [tilespmem:$0x1C0];
	vm10 =	vlt.s32 v7, v0;
	vm4 =	vlt.s32 v2, $0x1400;
	vm15 =	vlt.s32 v20, $0x1400  }
0x98: {  	v19 =	vld [tilespmem:$0x120];
	[tilespmem:$0x1FFC0] =	vst v4;
	v4 =	vsub.s32 v9, v0;
	v6 =	vnsel vm9, $0x1400, v3;
	v1 =	vsel vm7, $0x1400, v1  }
0x99: {  	vm9 =	vlt.s32 v9, v0;
	vm7 =	vlt.s32 v5, $0x1400;
	v20 =	vnsel vm15, $0x1400, v20  }
0x9a: {  	vm11 =	vlt.s32 v4, $0x1400;
	v6 =	vsel vm2, $0x1400, v6;
	v23 =	vsub.s32 v12, v0  }
0x9b: {  	[tilespmem:$0xD0] =	vst v1;
	v1 =	vimm.s32 $0x0;
	v5 =	vnsel vm7, $0x1400, v5;
	vm12 =	vlt.s32 v12, v0  }
0x9c: {  	v25 =	vld [tilespmem:$0x180];
	vm7 =	vlt.s32 v28, v0;
	v22 =	vnsel vm11, $0x1400, v4;
	v1 =	vsel vm0, $0xFFFFFFFF, v1  }
0x9d: {  	[tilespmem:$0xA0] =	vst v6;
	vm0 =	vlt.s32 v15, v0;
	v6 =	vsel vm1, $0x1400, v10;
	vm11 =	vlt.s32 v19, v0  }
0x9e: {  	v62 =	vld [tilespmem:$0x1FFD0];
	v19 =	vsub.s32 v19, v0;
	v15 =	vsub.s32 v15, v0;
	vm1 =	vlt.s32 v23, $0x1400;
	[tilespmem:$0x1FFE0] =	vst v1  }
0x9f: {  	v24 =	vld [tilespmem:$0x170];
	v1 =	vimm.s32 $0x0;
	[tilespmem:$0x50] =	vst v6;
	v6 =	vsel vm3, $0x1400, v17;
	v17 =	vsub.s32 v21, v0  }
0xa0: {  	v3 =	vld [tilespmem:$0x150];
	vm2 =	vlt.s32 v19, $0x1400;
	vm3 =	vlt.s32 v29, $0x1400;
	v18 =	vnsel vm1, $0x1400, v23  }
0xa1: {  	v60 =	vld [tilespmem:$0x1FFC0];
	v21 =	vsub.s32 v25, v0;
	v22 =	vsel vm9, $0x1400, v22;
	v1 =	vsel vm0, $0xFFFFFFFF, v1  }
0xa2: {  	vm0 =	vlt.s32 v17, $0x1400;
	v23 =	vnsel vm3, $0x1400, v29;
	v59 =	vsel vm12, $0x1400, v18  }
0xa3: {  	v18 =	vsub.s32 v28, v0;
	vm3 =	vnez.u8 v62;
	[tilespmem:$0x90] =	vst v22;
	v19 =	vnsel vm2, $0x1400, v19  }
0xa4: {  	v27 =	vld [tilespmem:$0x1A0];
	v22 =	vsub.s32 v24, v0;
	[tilespmem:$0x1FFF0] =	vst v1;
	v1 =	vsub.s32 v13, v0;
	v13 =	vsel vm10, $0x1400, v5  }
0xa5: {  	v10 =	vsub.s32 v3, v0;
	v5 =	vsel vm5, $0x1400, v14;
	vm10 =	vlt.s32 v24, v0  }
0xa6: {  	v61 =	vnsel vm0, $0x1400, v17;
	vm0 =	vlt.s32 v25, v0;
	vm1 =	vnez.u8 v60  }
0xa7: {  	v4 =	vld [tilespmem:$0x160];
	v25 =	vsel vm3, $0x1400, v30;
	v23 =	vsel vm1, $0x1400, v23;
	vm1 =	vlt.s32 v31, $0x1400  }
0xa8: {  	vm3 =	vlt.s32 v16, v0;
	[tilespmem:$0x1B0] =	vst v5;
	v5 =	vld [tilespmem:$0x1F0];
	v16 =	vnsel vm1, $0x1400, v31;
	vm1 =	vlt.s32 v21, $0x1400  }
0xa9: {  	vm5 =	vlt.s32 v27, v0;
	v19 =	vsel vm11, $0x1400, v19;
	[tilespmem:$0xC0] =	vst v23;
	v23 =	vld [tilespmem:$0x1FFE0];
	v21 =	vnsel vm1, $0x1400, v21  }
0xaa: {  	p0 =	sne.s32 s22, $0x1;
	vm2 =	vlt.s32 v22, $0x1400;
	[tilespmem:$0x120] =	vst v19;
	v19 =	vsel vm0, $0x1400, v21;
	v21 =	vsel vm13, $0x1400, v20;
	v20 =	vld [tilespmem:$0x1FFF0]  }
.Ltmp1:
0xab: {  	v8 =	vld [tilespmem:$0x20];
	[tilespmem:$0x0] =	vst v6;
	v17 =	vsub.s32 v27, v0;
	vm8 =	vlt.s32 v1, $0x1400;
	v22 =	vnsel vm2, $0x1400, v22;
	(pc) =	sbr.rel @p0 .LBB2_1-.Ltmp1, $4  }
0xac: {  	v7 =	vld [tilespmem:$0x70];
	[tilespmem:$0xF0] =	vst v59;
	v14 =	vsub.s32 v4, v0;
	vm12 =	vmmov vm8;
	vm8 =	vlt.s32 v26, v0  }
0xad: {  	v9 =	vld [tilespmem:$0x1E0];
	[tilespmem:$0x30] =	vst v13;
	v63 =	vsel vm3, $0x1400, v16;
	vm3 =	vmmov vm5;
	vm5 =	vmmov vm6  }
0xae: {  	v12 =	vld [tilespmem:$0x1D0];
	[tilespmem:$0x10] =	vst v25;
	v16 =	vsel vm14, $0x1400, v61;
	vm6 =	vlt.s32 v14, $0x1400;
	v13 =	vsub.s32 v5, v0  }
0xaf: {  	s22 =	sadd.s32 $0xFFFFFFFF, s22;
	v6 =	vld [tilespmem:$0xB0];
	[tilespmem:$0x80] =	vst v63;
	vm11 =	vnez.u8 v23;
	vm13 =	vnez.u8 v20;
	v20 =	vsel vm10, $0x1400, v22  }
.LBB2_2:
0xb0: {  	v14 =	vnsel vm6, $0x1400, v14;
	vm0 =	vlt.s32 v10, $0x1400;
	vm1 =	vlt.s32 v4, v0  }
0xb1: {  	[tilespmem:$0x110] =	vst v21;
	vm2 =	vlt.s32 v3, v0;
	vm14 =	vlt.s32 v15, $0x1400;
	vm15 =	vlt.s32 v18, $0x1400  }
0xb2: {  	[tilespmem:$0x170] =	vst v20;
	vm6 =	vlt.s32 v17, $0x1400;
	v2 =	vnsel vm4, $0x1400, v2;
	vm9 =	vlt.s32 v11, $0x1400  }
0xb3: {  	[tilespmem:$0x180] =	vst v19;
	v1 =	vnsel vm12, $0x1400, v1;
	v46 =	vnsel vm0, $0x1400, v10;
	v4 =	vsel vm1, $0x1400, v14  }
0xb4: {  	[tilespmem:$0x140] =	vst v16;
	v47 =	vnsel vm14, $0x1400, v15;
	v48 =	vnsel vm15, $0x1400, v18;
	v52 =	vnsel vm9, $0x1400, v11  }
0xb5: {  	v2 =	vsel vm5, $0x1400, v2;
	v54 =	vnsel vm6, $0x1400, v17;
	vm15 =	vlt.s32 v5, v0;
	[tilespmem:$0x160] =	vst v4  }
0xb6: {  	v1 =	vsel vm11, $0x1400, v1;
	v3 =	vsel vm2, $0x1400, v46;
	v49 =	vsel vm13, $0x1400, v47;
	[tilespmem:$0x130] =	vst v2  }
0xb7: {  	v50 =	vsel vm7, $0x1400, v48;
	v55 =	vsub.s32 v9, v0;
	vm9 =	vlt.s32 v9, v0;
	[tilespmem:$0xE0] =	vst v1  }
0xb8: {  	[tilespmem:$0x150] =	vst v3;
	v51 =	vsub.s32 v12, v0;
	vm13 =	vlt.s32 v12, v0;
	v3 =	vsel vm8, $0x1400, v52  }
0xb9: {  	[tilespmem:$0x100] =	vst v49;
	vm14 =	vlt.s32 v55, $0x1400;
	vm8 =	vlt.s32 v13, $0x1400;
	v60 =	vsub.s32 v7, v0  }
0xba: {  	vm10 =	vlt.s32 v51, $0x1400;
	v53 =	vsub.s32 v8, v0;
	[tilespmem:$0x190] =	vst v3;
	v3 =	vsel vm3, $0x1400, v54  }
0xbb: {  	[tilespmem:$0x1C0] =	vst v50;
	v56 =	vnsel vm14, $0x1400, v55;
	v57 =	vnsel vm8, $0x1400, v13;
	v58 =	vsub.s32 v6, v0  }
0xbc: {  	vm12 =	vlt.s32 v60, $0x1400;
	vm14 =	vlt.s32 v7, v0;
	[tilespmem:$0x1A0] =	vst v3;
	v59 =	vsel vm15, $0x1400, v57  }
0xbd: {  	v10 =	vnsel vm10, $0x1400, v51;
	vm0 =	vlt.s32 v53, $0x1400;
	v2 =	vsel vm9, $0x1400, v56;
	[tilespmem:$0x1F0] =	vst v59  }
0xbe: {  	vm10 =	vlt.s32 v58, $0x1400;
	v62 =	vnsel vm12, $0x1400, v60;
	v10 =	vsel vm13, $0x1400, v10;
	[tilespmem:$0x1E0] =	vst v2  }
0xbf: {  	vm13 =	vlt.s32 v6, v0;
	v61 =	vnsel vm10, $0x1400, v58;
	v1 =	vsel vm14, $0x1400, v62;
	[tilespmem:$0x1D0] =	vst v10  }
0xc0: {  	vm15 =	vlt.s32 v8, v0;
	v63 =	vnsel vm0, $0x1400, v53;
	v3 =	vsel vm13, $0x1400, v61;
	[tilespmem:$0x70] =	vst v1  }
0xc1: {  	v0 =	vsel vm15, $0x1400, v63;
	[tilespmem:$0xB0] =	vst v3  }
0xc2: {  	[tilespmem:$0x20] =	vst v0  }
0xc3: {  	[bflag:$0x0] =	sbarrier.arrive $0xFFFF  }
0xc4: {  	[tilespmem:s12], [sflag:$0x2] =	stream.linear.gather [hbm4b:s16+s6], $0x4000, $0x38;
	[tilespmem:$0x12240] =	vst v63  }
0xc5: {  	_ = 	snop  }
0xc6: {  	[tilespmem:s11], [sflag:$0x3] =	stream.linear.gather [hbm4b:s19+s6], $0x4000, $0x38;
	[tilespmem:$0x12240] =	vst v63  }
0xc7: {  	_ =	swait.ge [sflag:s17], $0x4000  }
0xc8: {  	[sflag:s17] =	ssyncset.done $0x0  }
0xc9: {  	[sflag:s17] =	ssyncadd.s32 $0xFFFFC000  }
0xca: {  	[spmem:s2] =	stream.indirect.scatter.add.f32 [tilespmem:s12], [sflag:$0x1], $0x80, s6, s13, $0xb8;
	[tilespmem:$0x12240] =	vst v63  }
0xcb: {  	_ =	swait.ge [sflag:s15], $0x4000  }
0xcc: {  	[sflag:s15] =	ssyncset.done $0x0  }
0xcd: {  	[sflag:s15] =	ssyncadd.s32 $0xFFFFC000  }
0xce: {  	[tilespmem:s12], [sflag:$0x2] =	stream.linear.gather [hbm4b:s14+s6], $0x4000, $0x38;
	[tilespmem:$0x12240] =	vst v63  }
0xcf: {  	_ =	swait.ge [sflag:s18], $0x4000  }
0xd0: {  	[sflag:s18] =	ssyncset.done $0x0  }
0xd1: {  	[sflag:s18] =	ssyncadd.s32 $0xFFFFC000  }
0xd2: {  	[spmem:s2] =	stream.indirect.scatter.add.f32 [tilespmem:s11], [sflag:$0x1], $0x80, s13, s13, $0xb8;
	[tilespmem:$0x12240] =	vst v63  }
0xd3: {  	_ =	swait.ge [sflag:s15], $0x4000  }
0xd4: {  	[sflag:s15] =	ssyncset.done $0x0  }
0xd5: {  	[sflag:s15] =	ssyncadd.s32 $0xFFFFC000  }
0xd6: {  	[tilespmem:s11], [sflag:$0x3] =	stream.linear.gather [hbm4b:s10+s6], $0x4000, $0x38;
	[tilespmem:$0x12240] =	vst v63  }
0xd7: {  	_ =	swait.ge [sflag:s17], $0x4000  }
0xd8: {  	[sflag:s17] =	ssyncset.done $0x0  }
0xd9: {  	[sflag:s17] =	ssyncadd.s32 $0xFFFFC000  }
0xda: {  	[spmem:s2] =	stream.indirect.scatter.add.f32 [tilespmem:s12], [sflag:$0x1], $0x80, s21, s13, $0xb8;
	[tilespmem:$0x12240] =	vst v63  }
0xdb: {  	_ =	swait.ge [sflag:s15], $0x4000  }
0xdc: {  	[sflag:s15] =	ssyncset.done $0x0  }
0xdd: {  	[sflag:s15] =	ssyncadd.s32 $0xFFFFC000  }
0xde: {  	_ =	swait.ge [sflag:s18], $0x4000  }
0xdf: {  	[sflag:s18] =	ssyncset.done $0x0  }
0xe0: {  	[sflag:s18] =	ssyncadd.s32 $0xFFFFC000  }
0xe1: {  	[spmem:s2] =	stream.indirect.scatter.add.f32 [tilespmem:s11], [sflag:$0x1], $0x80, s20, s13, $0xb8;
	[tilespmem:$0x12240] =	vst v63  }
0xe2: {  	_ =	swait.ge [sflag:s15], $0x4000  }
0xe3: {  	[sflag:s15] =	ssyncset.done $0x0  }
0xe4: {  	[sflag:s15] =	ssyncadd.s32 $0xFFFFC000  }
0xe5: {  	[bflag:$0x0] =	sbarrier.arrive $0xFFFF  }
0xe6: {  	[hbm:s9], [sflag:s4] =	dma.local [spmem:s5], $0x1400  }
0xe7: {  	_ =	swait.ge [sflag:s3], $0x1400  }
0xe8: {  	[sflag:s3] =	ssyncset.done $0x0  }
0xe9: {  	[sflag:s3] =	ssyncadd.s32 $0xFFFFEC00  }
0xea: {  	_ =	sfence.sel $0x180000  }
0xeb: {  	[bflag:$0x0] =	sbarrier.arrive $0xFFFF  }
0xec: {  	p0 =	sne.s32 s1, $0x0;
	_ =	strace $0x90000050  }
0xed: {  	s0 =	sadd.s32 @!p0 $0x100000, s0;
	[bflag:$0x2] =	sbarrier.arrive $0xFFFF  }
0xee: {  	[sflag:s0] =	ssyncadd.tile.s32 @!p0 $0x1;
	_ =	shalt  }
.Lfunc_end2:
_tile_overlayer_lowered:
.L_overlay_start_2:
0xef: {  	(tag) =	ssettag $0x2  }
0xf0: {  	s0 =	rddreg [dreg:$0x0];
	s2 =	stileid.u32  }
0xf1: {  	s1 =	rddreg [dreg:$0x1];
	p0 =	sne.s32 s2, $0x0  }
0xf2: {  	s3 =	rddreg [dreg:$0x2];
	[bflag:$0x3] =	sbarrier.arrive $0xFFFF;
	s2 =	simm.s32 @!p0 $0x1C04  }
0xf3: {  	[timem:s3], [sflag:s2] =	dma.local @!p0 [hbm:s0], s1  }
0xf4: {  	s0 =	simm.s32 @!p0 $0x4  }
0xf5: {  	_ =	swait.ge @!p0 [sflag:s0], s1  }
0xf6: {  	s1 =	ssub.s32 @!p0 $0x0, s1;
	[sflag:s0] =	ssyncset.done @!p0 $0x0  }
0xf7: {  	[sflag:s0] =	ssyncadd.s32 @!p0 s1  }
0xf8: {  	[bflag:$0x3] =	sbarrier.arrive $0xFFFF  }
0xf9: {  	_ =	shalt  }

// kernel: kernel.18.cloned.1.call-start
scs
__scs_entry_jumppad:
0x0: {  	(pc) =	sbr.rel $0x88, $3  }
0x1: {  	(tag) =	ssettag $0x0;
	lr =	simm.s32 $0x1  }
0x2: {  	[smem:$0x3F96] =	sst lr;
	_ =	strace $0xD0000000  }
0x3: {  	_ = 	snop  }
0x4: {  	_ = 	snop  }
0x5: {  	_ = 	snop  }
0x6: {  	_ = 	snop  }
0x7: {  	_ = 	snop  }
__scs_overlays_trampoline_lowered:
0x8: {  	[smem:$0x3FA5] =	sst s0  }
0x9: {  	[smem:$0x3FA6] =	sst s1  }
0xa: {  	[smem:$0x3FA7] =	sst s2  }
0xb: {  	[smem:$0x3FA8] =	sst s3  }
0xc: {  	[smem:$0x3FA9] =	sst s4  }
0xd: {  	[smem:$0x3FAA] =	sst s5  }
0xe: {  	[smem:$0x3FAB] =	sst s6  }
0xf: {  	[smem:$0x3FAC] =	sst s7  }
0x10: {  	[smem:$0x3FAD] =	sst s8  }
0x11: {  	[smem:$0x3FAE] =	sst s9;
	s0 =	simm.s32 @!p0 $0x0  }
0x12: {  	s1 =	sld [smem:$0x3F94];
	s0 =	simm.s32 @p0 $0x1  }
0x13: {  	[smem:$0x3FAF] =	sst s0;
	s0 =	simm.s32 @!p1 $0x0  }
0x14: {  	s2 =	sld [smem:$0x3F93];
	s0 =	simm.s32 @p1 $0x1  }
0x15: {  	[smem:$0x3FB0] =	sst s0;
	s0 =	simm.s32 @!p2 $0x0  }
0x16: {  	s3 =	sld [smem:$0x3FDB];
	s0 =	simm.s32 @p2 $0x1  }
0x17: {  	s4 =	simm.s32 $0x1BF5;
	[smem:$0x3FB2] =	sst s0  }
0x18: {  	s0 =	sld [smem:$0x3F95];
	_ =	swait.ge [sflag:s4], $0x0  }
0x19: {  	s7 =	sld [smem:$0x3F96]  }
0x1a: {  	s8 =	sadd.s32 $0xFFFFE003, lr  }
0x1b: {  	s9 =	sadd.s32 $0xFFFFFEF7, lr;
	s5 =	simm.s32 $0xFFFFFFFF;
	p2 =	slt.u32 s8, $0xFFFFF086  }
0x1c: {  	p1 =	slt.u32 s9, $0xF7A;
	s5 =	simm.s32 @!p2 $0x0  }
0x1d: {  	s5 =	simm.s32 @p1 $0x1;
	p0 =	seq.s32 s7, s2  }
0x1e: {  	s7 =	smul.u32 @!p0 $0xF7A, s2;
	p2 =	seq.s32 @!p0 s5, $0x0  }
0x1f: {  	s9 =	smul.u32 $0xF7A, s1;
	s8 =	simm.s32 @!p0 $0x1BF5;
	p2 =	por !p2, p0  }
0x20: {  	[sflag:s8] =	ssyncset.s32 @!p0 $0xFFFFF086;
	s6 =	sadd.s32 @!p0 s3, s7;
	s7 =	simm.s32 @!p0 $0x108  }
0x21: {  	s3 =	sadd.s32 s3, s9;
	s6 =	sadd.s32 @!p0 $0x88, s6;
	s7 =	simm.s32 @p2 $0x1082  }
0x22: {  	[simem:s7], [sflag:s8] =	dma.local @!p0 [hbm:s6], $0xF7A  }
0x23: {  	s9 =	sor.u32 $0xD0000000, s2;
	s6 =	simm.s32 $0x108;
	_ =	swait.ge @!p0 [sflag:s8], $0x0  }
0x24: {  	s3 =	sadd.s32 $0x88, s3;
	s6 =	simm.s32 @!p1 $0x1082;
	[sflag:s4] =	ssyncset.s32 $0xFFFFF086  }
0x25: {  	[simem:s6], [sflag:s4] =	dma.local [hbm:s3], $0xF7A  }
0x26: {  	[smem:$0x3F96] =	sst s1;
	(tag) =	ssettag s2;
	_ =	strace s9  }
0x27: {  	s1 =	sld [smem:$0x3FA6]  }
0x28: {  	s2 =	sld [smem:$0x3FA7]  }
0x29: {  	s4 =	sld [smem:$0x3FA9]  }
0x2a: {  	p0 =	seq.s32 s5, $0x0;
	s5 =	sld [smem:$0x3FAA]  }
0x2b: {  	s6 =	sld [smem:$0x3FAB]  }
0x2c: {  	s7 =	sld [smem:$0x3FAC]  }
0x2d: {  	s3 =	simm.s32 $0x108;
	s8 =	sld [smem:$0x3FAD]  }
0x2e: {  	s3 =	simm.s32 @!p0 $0x1082;
	s9 =	sld [smem:$0x3FAE]  }
0x2f: {  	lr =	sadd.s32 s0, s3;
	s0 =	sld [smem:$0x3FA5]  }
0x30: {  	s3 =	sld [smem:$0x3FA8]  }
0x31: {  	[smem:$0x3FB1] =	sst s10  }
0x32: {  	s10 =	sld [smem:$0x3FAF];
	_ =	sdelay $0x3  }
0x33: {  	p0 =	seq.s32 s10, $0x1;
	s10 =	sld [smem:$0x3FB1];
	_ =	sdelay $0x3  }
0x34: {  	[smem:$0x3FB1] =	sst s10  }
0x35: {  	s10 =	sld [smem:$0x3FB0];
	_ =	sdelay $0x3  }
0x36: {  	p1 =	seq.s32 s10, $0x1;
	s10 =	sld [smem:$0x3FB1];
	_ =	sdelay $0x3  }
0x37: {  	[smem:$0x3FB1] =	sst s10  }
0x38: {  	s10 =	sld [smem:$0x3FB2]  }
0x39: {  	_ = 	snop;
	(pc) =	sbr.ind lr, $3  }
0x3a: {  	_ = 	snop  }
0x3b: {  	_ = 	snop  }
0x3c: {  	p2 =	seq.s32 s10, $0x1;
	s10 =	sld [smem:$0x3FB1]  }
0x3d: {  	_ =	shalt  }
0x3e: {  	_ =	shalt  }
0x3f: {  	_ =	shalt  }
0x40: {  	_ =	shalt  }
0x41: {  	_ =	shalt  }
0x42: {  	_ =	shalt  }
0x43: {  	_ =	shalt  }
0x44: {  	_ =	shalt  }
0x45: {  	_ =	shalt  }
0x46: {  	_ =	shalt  }
0x47: {  	_ =	shalt  }
0x48: {  	_ =	shalt  }
0x49: {  	_ =	shalt  }
0x4a: {  	_ =	shalt  }
0x4b: {  	_ =	shalt  }
0x4c: {  	_ =	shalt  }
0x4d: {  	_ =	shalt  }
0x4e: {  	_ =	shalt  }
0x4f: {  	_ =	shalt  }
0x50: {  	_ =	shalt  }
0x51: {  	_ =	shalt  }
0x52: {  	_ =	shalt  }
0x53: {  	_ =	shalt  }
0x54: {  	_ =	shalt  }
0x55: {  	_ =	shalt  }
0x56: {  	_ =	shalt  }
0x57: {  	_ =	shalt  }
0x58: {  	_ =	shalt  }
0x59: {  	_ =	shalt  }
0x5a: {  	_ =	shalt  }
0x5b: {  	_ =	shalt  }
0x5c: {  	_ =	shalt  }
0x5d: {  	_ =	shalt  }
0x5e: {  	_ =	shalt  }
0x5f: {  	_ =	shalt  }
0x60: {  	_ =	shalt  }
0x61: {  	_ =	shalt  }
0x62: {  	_ =	shalt  }
0x63: {  	_ =	shalt  }
0x64: {  	_ =	shalt  }
0x65: {  	_ =	shalt  }
0x66: {  	_ =	shalt  }
0x67: {  	_ =	shalt  }
0x68: {  	_ =	shalt  }
0x69: {  	_ =	shalt  }
0x6a: {  	_ =	shalt  }
0x6b: {  	_ =	shalt  }
0x6c: {  	_ =	shalt  }
0x6d: {  	_ =	shalt  }
0x6e: {  	_ =	shalt  }
0x6f: {  	_ =	shalt  }
0x70: {  	_ =	shalt  }
0x71: {  	_ =	shalt  }
0x72: {  	_ =	shalt  }
0x73: {  	_ =	shalt  }
0x74: {  	_ =	shalt  }
0x75: {  	_ =	shalt  }
0x76: {  	_ =	shalt  }
0x77: {  	_ =	shalt  }
0x78: {  	_ =	shalt  }
0x79: {  	_ =	shalt  }
0x7a: {  	_ =	shalt  }
0x7b: {  	_ =	shalt  }
0x7c: {  	_ =	shalt  }
0x7d: {  	_ =	shalt  }
0x7e: {  	_ =	shalt  }
0x7f: {  	_ =	shalt  }
0x80: {  	_ =	shalt  }
0x81: {  	_ =	shalt  }
0x82: {  	_ =	shalt  }
0x83: {  	_ =	shalt  }
0x84: {  	_ =	shalt  }
0x85: {  	_ =	shalt  }
0x86: {  	_ =	shalt  }
0x87: {  	_ =	shalt  }
.Lfunc_end0:
.L_simem_size_0:
called_computation.2_lowered:
.L_overlay_start_0:
0x88: {  	s2 =	sld [smem:$0x3FD9]  }
0x89: {  	s3 =	sld [smem:$0x3FFE];
	_ =	sdelay $0x1  }
0x8a: {  	s1 =	srdreg.scid  }
0x8b: {  	s0 =	sand.u32 $0x1, s1  }
0x8c: {  	s17 =	sshll.u32 s0, $0xA;
	s2 =	sadd.s32 s3, s2  }
0x8d: {  	s2 =	sadd.s32 s2, s17  }
0x8e: {  	[smem:$0x3FBD] =	sst s2  }
0x8f: {  	_ = 	snop  }
0x90: {  	(tm) =	ssettm $0x1  }
0x91: {  	s18 =	sld [smem:$0x3FFB];
	_ =	sdelay $0x3  }
0x92: {  	_ =	strace s18  }
0x93: {  	s2 =	sld [smem:$0x3FFC];
	_ =	sdelay $0x3  }
0x94: {  	_ =	strace s2  }
0x95: {  	s2 =	sld [smem:$0x3FFD];
	_ =	sdelay $0x3  }
0x96: {  	_ =	strace s2  }
0x97: {  	_ =	strace $0x8FFFFFFF  }
0x98: {  	s19 =	sld [smem:$0x3FDB];
	_ =	sdelay $0x1  }
0x99: {  	s20 =	simm.s32 $_scs_section_size  }
0x9a: {  	s4 =	simm.s32 $_size__tile_overlayer_lowered;
	s5 =	simm.s32 $_tile_overlayer_lowered  }
0x9b: {  	s6 =	simm.s32 $0x1BFF;
	s21 =	sshll.u32 s5, $0x1;
	s3 =	sadd.s32 s20, s19  }
0x9c: {  	s22 =	simm.s32 $0x0;
	s4 =	sshll.u32 s4, $0x1;
	s5 =	sadd.s32 s21, s3  }
0x9d: {  	[timem:s22], [sflag:s6] =	dma.local [hbm:s5], s4  }
0x9e: {  	_ =	swait.ge [sflag:s6], s4  }
0x9f: {  	s4 =	ssub.s32 $0x0, s4;
	[sflag:s6] =	ssyncset.done $0x0  }
0xa0: {  	[sflag:s6] =	ssyncadd.s32 s4;
	_ =	sdelay $0x1  }
0xa1: {  	s23 =	simm.s32 $0x1B8B  }
0xa2: {  	_ =	swait.ge [sflag:s23], $0x1  }
0xa3: {  	[sflag:s23] =	ssyncset.done $0x0  }
0xa4: {  	[sflag:s23] =	ssyncadd.s32 $0xFFFFFFFF  }
0xa5: {  	s4 =	sld [smem:$0x0]  }
0xa6: {  	s5 =	sand.u32 $0xFFFFFFFE, s1  }
0xa7: {  	p0 =	sne.s32 s1, s5  }
0xa8: {  	s5 =	sshll.u32 @p0 s5, $0xE  }
0xa9: {  	s5 =	sadd.s32 @p0 $0x11B8D, s5;
	s6 =	sshll.u32 @p0 s4, $0x11  }
0xaa: {  	s5 =	sor.u32 @p0 s6, s5  }
0xab: {  	[sflag:s5] =	ssyncadd.remote.s32 @p0 $0x1;
	_ =	sdelay $0x1  }
0xac: {  	s5 =	simm.s32 @p0 $0x1B8D  }
0xad: {  	_ =	swait.eq @p0 [sflag:s5], $0x1  }
0xae: {  	[sflag:s5] =	ssyncadd.s32 @p0 $0xFFFFFFFF  }
0xaf: {  	s6 =	sshll.u32 @!p0 s1, $0xE  }
0xb0: {  	s6 =	sor.u32 @!p0 $0x4000, s6;
	s5 =	simm.s32 @!p0 $0x1B8D  }
0xb1: {  	s4 =	sshll.u32 @!p0 s4, $0x11;
	s6 =	sadd.s32 @!p0 $0x11B8D, s6;
	_ =	swait.eq @!p0 [sflag:s5], $0x1  }
0xb2: {  	s4 =	sor.u32 @!p0 s4, s6;
	[sflag:s5] =	ssyncadd.s32 @!p0 $0xFFFFFFFF  }
0xb3: {  	s25 =	simm.s32 $0x1B8E;
	s24 =	sld [smem:$0x3FFE];
	[sflag:s4] =	ssyncadd.remote.s32 @!p0 $0x1  }
0xb4: {  	s26 =	simm.s32 $execute0_lowered;
	[smem:$0x3FD2] =	sst s25  }
0xb5: {  	s5 =	sshll.u32 s26, $0x1;
	_ =	strace $0x80000049;
	[dreg:$0x1] =	wrdreg $0xFFFFFFFF  }
0xb6: {  	s28 =	simm.s32 $_size_execute0_lowered;
	s3 =	sadd.s32 s3, s5;
	[dreg:$0x0] =	wrdreg $0x0  }
0xb7: {  	s5 =	sshll.u32 s28, $0x1;
	[dreg:$0x2] =	wrdreg s3  }
0xb8: {  	[dreg:$0x3] =	wrdreg s5  }
0xb9: {  	[dreg:$0x4] =	wrdreg $0xC0  }
0xba: {  	_ =	task [dreg:s22], $0x5FFFF  }
0xbb: {  	[dreg:$0x1] =	wrdreg $0xFFFFFFFF  }
0xbc: {  	[dreg:$0x0] =	wrdreg $0x60  }
0xbd: {  	[dreg:$0x2] =	wrdreg s24  }
0xbe: {  	[dreg:$0x3] =	wrdreg $0xB  }
0xbf: {  	_ =	task.clear_ibuf [dreg:s22], $0x4FFFF;
	_ =	strace $0x90000049  }
0xc0: {  	s29 =	simm.s32 $0xB;
	_ =	strace $0x8000004B  }
0xc1: {  	_ =	swait.ge [sflag:s29], $0x1  }
0xc2: {  	[sflag:s29] =	ssyncadd.s32 $0xFFFFFFFF  }
0xc3: {  	_ =	strace $0x9000004B  }
0xc4: {  	_ =	sfence  }
0xc5: {  	s30 =	sld [smem:$0x0];
	_ =	sdelay $0x2  }
0xc6: {  	s31 =	sshll.u32 s1, $0xD;
	s1 =	sshrl.u32 s1, $0x2  }
0xc7: {  	s4 =	sand.u32 $0x4000, s31;
	s1 =	sadd.s32 s1, s30  }
0xc8: {  	s0 =	sor.u32 s4, s0;
	s1 =	sshll.u32 s1, $0x11  }
0xc9: {  	s0 =	sor.u32 s1, s0  }
0xca: {  	s0 =	sadd.s32 $0x8F2B, s0  }
0xcb: {  	[sflag:s0] =	ssyncadd.remote.s32 $0x1  }
0xcc: {  	_ =	sfence.sel $0xFFFF  }
0xcd: {  	[dreg:$0x0] =	wrdreg $0xFFFFFFFF;
	(pc) =	sbr.abs _section_cstart, $3  }
0xce: {  	[dreg:$0x1] =	wrdreg $0xFFFFFFFF  }
0xcf: {  	_ =	task.clear_ibuf [dreg:s22], $0x2FFFF;
	_ =	strace $0x9FFFFFFF  }
0xd0: {  	(tm) =	ssettm $0x7FFFFFFF  }
0xd1: {  	_ =	shalt  }
tec
execute0_lowered:
.L_overlay_start_1:
0x0: {  	(tag) =	ssettag $0x1  }
0x1: {  	s1 =	srdreg.scid  }
0x2: {  	s0 =	stileid.u32;
	s11 =	sand.u32 $0x1, s1  }
0x3: {  	s31 =	sshll.u32 s0, $0x9;
	s2 =	sshll.u32 s11, $0x8  }
0x4: {  	s12 =	sor.u32 s2, s31  }
0x5: {  	s10 =	rddreg [dreg:$0x0];
	s2 =	simm.s32 $0x0;
	s3 =	sshrl.u32 s12, $0x3  }
0x6: {  	s4 =	simm.s32 $0x3;
	[smem:$0x7FF] =	sst s2;
	s3 =	sadd.s32 s3, s10  }
0x7: {  	s1 =	rddreg [dreg:$0x1];
	_ =	strace $0x8000004A;
	s3 =	sadd.s32 $0x4C000, s3  }
0x8: {  	[tilespmem:s2], [sflag:$0x3] =	stream.linear.gather [hbm4b:s3+s2], $0x100, $0x38;
	[tilespmem:$0x8100] =	vst v63  }
0x9: {  	_ =	swait.ge [sflag:s4], $0x100  }
0xa: {  	s6 =	simm.s32 $0x80;
	[sflag:s4] =	ssyncset.done $0x0  }
0xb: {  	s7 =	simm.s32 $0x100;
	s5 =	sadd.s32 $0x4E00, s10;
	[sflag:s4] =	ssyncadd.s32 $0xFFFFFF00  }
0xc: {  	[tilespmem:s7], [sflag:$0x1] =	stream.indirect.gather [hbm4b:s5+s6], $0x80, s2, s6, $0xb8;
	[tilespmem:$0x8100] =	vst v63  }
0xd: {  	s8 =	simm.s32 $0x4100;
	s9 =	simm.s32 $0x1  }
0xe: {  	[tilespmem:s8], [sflag:$0x1] =	stream.indirect.gather [hbm4b:s5+s6], $0x80, s6, s6, $0xb8;
	[tilespmem:$0x8100] =	vst v63  }
0xf: {  	s12 =	sshll.u32 s12, $0x4;
	_ =	swait.ge [sflag:s9], $0x4000  }
0x10: {  	s13 =	ssub.s32 $0x2, s11;
	s12 =	sadd.s32 s12, s10;
	[sflag:s9] =	ssyncset.done $0x0  }
0x11: {  	s14 =	sshrl.u32 s13, $0x1;
	s10 =	sadd.s32 $0x4C400, s12;
	[sflag:s9] =	ssyncadd.s32 $0xFFFFC000  }
0x12: {  	[hbm4b:s10+s2] =	stream.linear.scatter [tilespmem:s7], [sflag:$0x2], $0x4000, $0x38;
	[tilespmem:$0x8100] =	vst v63  }
0x13: {  	s13 =	ssub.s32 s13, s14;
	_ =	swait.ge [sflag:s9], $0x4000  }
0x14: {  	s11 =	simm.s32 $0x2;
	s13 =	smax.u32 s13, $0x1;
	[sflag:s9] =	ssyncset.done $0x0  }
0x15: {  	s12 =	sadd.s32 $0x4CC00, s12;
	p0 =	sne.s32 s13, $0x1;
	[sflag:s9] =	ssyncadd.s32 $0xFFFFC000  }
0x16: {  	[hbm4b:s12+s2] =	stream.linear.scatter [tilespmem:s8], [sflag:$0x2], $0x4000, $0x38;
	[tilespmem:$0x8100] =	vst v63  }
.Ltmp0:
0x17: {  	_ =	swait.ge [sflag:s11], $0x4000;
	(pc) =	sbr.rel @!p0 .LBB2_2-.Ltmp0, $4  }
0x18: {  	[sflag:s11] =	ssyncset.done $0x0  }
0x19: {  	[sflag:s11] =	ssyncadd.s32 $0xFFFFC000  }
0x1a: {  	_ =	swait.ge [sflag:s11], $0x4000  }
0x1b: {  	s13 =	sadd.s32 $0xFFFFFFFF, s13;
	[sflag:s11] =	ssyncset.done $0x0  }
.LBB2_1:
0x1c: {  	p0 =	sne.s32 s13, $0x1;
	s13 =	sadd.s32 $0xFFFFFFFF, s13;
	[sflag:s11] =	ssyncadd.s32 $0xFFFFC000  }
0x1d: {  	[tilespmem:s2], [sflag:$0x3] =	stream.linear.gather [hbm4b:s3+s2], $0x100, $0x38;
	[tilespmem:$0x8100] =	vst v63  }
0x1e: {  	_ =	swait.ge [sflag:s4], $0x100  }
0x1f: {  	[sflag:s4] =	ssyncset.done $0x0  }
0x20: {  	[sflag:s4] =	ssyncadd.s32 $0xFFFFFF00  }
0x21: {  	[tilespmem:s7], [sflag:$0x1] =	stream.indirect.gather [hbm4b:s5+s6], $0x80, s2, s6, $0xb8;
	[tilespmem:$0x8100] =	vst v63  }
0x22: {  	_ = 	snop  }
0x23: {  	[tilespmem:s8], [sflag:$0x1] =	stream.indirect.gather [hbm4b:s5+s6], $0x80, s6, s6, $0xb8;
	[tilespmem:$0x8100] =	vst v63  }
0x24: {  	_ =	swait.ge [sflag:s9], $0x4000  }
0x25: {  	[sflag:s9] =	ssyncset.done $0x0  }
0x26: {  	[sflag:s9] =	ssyncadd.s32 $0xFFFFC000  }
0x27: {  	[hbm4b:s10+s2] =	stream.linear.scatter [tilespmem:s7], [sflag:$0x2], $0x4000, $0x38;
	[tilespmem:$0x8100] =	vst v63  }
0x28: {  	_ =	swait.ge [sflag:s9], $0x4000  }
0x29: {  	[sflag:s9] =	ssyncset.done $0x0  }
0x2a: {  	[sflag:s9] =	ssyncadd.s32 $0xFFFFC000  }
0x2b: {  	[hbm4b:s12+s2] =	stream.linear.scatter [tilespmem:s8], [sflag:$0x2], $0x4000, $0x38;
	[tilespmem:$0x8100] =	vst v63  }
.Ltmp1:
0x2c: {  	_ =	swait.ge [sflag:s11], $0x4000;
	(pc) =	sbr.rel @p0 .LBB2_1-.Ltmp1, $4  }
0x2d: {  	[sflag:s11] =	ssyncset.done $0x0  }
0x2e: {  	[sflag:s11] =	ssyncadd.s32 $0xFFFFC000  }
0x2f: {  	_ =	swait.ge [sflag:s11], $0x4000  }
0x30: {  	[sflag:s11] =	ssyncset.done $0x0  }
.LBB2_2:
0x31: {  	[sflag:s11] =	ssyncadd.s32 $0xFFFFC000  }
0x32: {  	_ =	sfence.sel $0x180000  }
0x33: {  	[bflag:$0x0] =	sbarrier.arrive $0xFFFF  }
0x34: {  	p0 =	sne.s32 s0, $0x0;
	_ =	strace $0x9000004A  }
0x35: {  	s0 =	sadd.s32 @!p0 $0x100000, s1;
	[bflag:$0x2] =	sbarrier.arrive $0xFFFF  }
0x36: {  	[sflag:s0] =	ssyncadd.tile.s32 @!p0 $0x1;
	_ =	shalt  }
.Lfunc_end2:
_tile_overlayer_lowered:
.L_overlay_start_2:
0x37: {  	(tag) =	ssettag $0x2  }
0x38: {  	s0 =	rddreg [dreg:$0x0];
	s2 =	stileid.u32  }
0x39: {  	s1 =	rddreg [dreg:$0x1];
	p0 =	sne.s32 s2, $0x0  }
0x3a: {  	s3 =	rddreg [dreg:$0x2];
	[bflag:$0x3] =	sbarrier.arrive $0xFFFF;
	s2 =	simm.s32 @!p0 $0x1C03  }
0x3b: {  	[timem:s3], [sflag:s2] =	dma.local @!p0 [hbm:s0], s1  }
0x3c: {  	s0 =	simm.s32 @!p0 $0x3  }
0x3d: {  	_ =	swait.ge @!p0 [sflag:s0], s1  }
0x3e: {  	s1 =	ssub.s32 @!p0 $0x0, s1;
	[sflag:s0] =	ssyncset.done @!p0 $0x0  }
0x3f: {  	[sflag:s0] =	ssyncadd.s32 @!p0 s1  }
0x40: {  	[bflag:$0x3] =	sbarrier.arrive $0xFFFF  }
0x41: {  	_ =	shalt  }

// kernel: kernel.21.cloned.1.call-start
scs
__scs_entry_jumppad:
0x0: {  	(pc) =	sbr.rel $0x88, $3  }
0x1: {  	(tag) =	ssettag $0x0;
	lr =	simm.s32 $0x1  }
0x2: {  	[smem:$0x3F96] =	sst lr;
	_ =	strace $0xD0000000  }
0x3: {  	_ = 	snop  }
0x4: {  	_ = 	snop  }
0x5: {  	_ = 	snop  }
0x6: {  	_ = 	snop  }
0x7: {  	_ = 	snop  }
__scs_overlays_trampoline_lowered:
0x8: {  	[smem:$0x3FA5] =	sst s0  }
0x9: {  	[smem:$0x3FA6] =	sst s1  }
0xa: {  	[smem:$0x3FA7] =	sst s2  }
0xb: {  	[smem:$0x3FA8] =	sst s3  }
0xc: {  	[smem:$0x3FA9] =	sst s4  }
0xd: {  	[smem:$0x3FAA] =	sst s5  }
0xe: {  	[smem:$0x3FAB] =	sst s6  }
0xf: {  	[smem:$0x3FAC] =	sst s7  }
0x10: {  	[smem:$0x3FAD] =	sst s8  }
0x11: {  	[smem:$0x3FAE] =	sst s9;
	s0 =	simm.s32 @!p0 $0x0  }
0x12: {  	s1 =	sld [smem:$0x3F94];
	s0 =	simm.s32 @p0 $0x1  }
0x13: {  	[smem:$0x3FAF] =	sst s0;
	s0 =	simm.s32 @!p1 $0x0  }
0x14: {  	s2 =	sld [smem:$0x3F93];
	s0 =	simm.s32 @p1 $0x1  }
0x15: {  	[smem:$0x3FB0] =	sst s0;
	s0 =	simm.s32 @!p2 $0x0  }
0x16: {  	s3 =	sld [smem:$0x3FDB];
	s0 =	simm.s32 @p2 $0x1  }
0x17: {  	s4 =	simm.s32 $0x1BF5;
	[smem:$0x3FB2] =	sst s0  }
0x18: {  	s0 =	sld [smem:$0x3F95];
	_ =	swait.ge [sflag:s4], $0x0  }
0x19: {  	s7 =	sld [smem:$0x3F96]  }
0x1a: {  	s8 =	sadd.s32 $0xFFFFE003, lr  }
0x1b: {  	s9 =	sadd.s32 $0xFFFFFEF7, lr;
	s5 =	simm.s32 $0xFFFFFFFF;
	p2 =	slt.u32 s8, $0xFFFFF086  }
0x1c: {  	p1 =	slt.u32 s9, $0xF7A;
	s5 =	simm.s32 @!p2 $0x0  }
0x1d: {  	s5 =	simm.s32 @p1 $0x1;
	p0 =	seq.s32 s7, s2  }
0x1e: {  	s7 =	smul.u32 @!p0 $0xF7A, s2;
	p2 =	seq.s32 @!p0 s5, $0x0  }
0x1f: {  	s9 =	smul.u32 $0xF7A, s1;
	s8 =	simm.s32 @!p0 $0x1BF5;
	p2 =	por !p2, p0  }
0x20: {  	[sflag:s8] =	ssyncset.s32 @!p0 $0xFFFFF086;
	s6 =	sadd.s32 @!p0 s3, s7;
	s7 =	simm.s32 @!p0 $0x108  }
0x21: {  	s3 =	sadd.s32 s3, s9;
	s6 =	sadd.s32 @!p0 $0x88, s6;
	s7 =	simm.s32 @p2 $0x1082  }
0x22: {  	[simem:s7], [sflag:s8] =	dma.local @!p0 [hbm:s6], $0xF7A  }
0x23: {  	s9 =	sor.u32 $0xD0000000, s2;
	s6 =	simm.s32 $0x108;
	_ =	swait.ge @!p0 [sflag:s8], $0x0  }
0x24: {  	s3 =	sadd.s32 $0x88, s3;
	s6 =	simm.s32 @!p1 $0x1082;
	[sflag:s4] =	ssyncset.s32 $0xFFFFF086  }
0x25: {  	[simem:s6], [sflag:s4] =	dma.local [hbm:s3], $0xF7A  }
0x26: {  	[smem:$0x3F96] =	sst s1;
	(tag) =	ssettag s2;
	_ =	strace s9  }
0x27: {  	s1 =	sld [smem:$0x3FA6]  }
0x28: {  	s2 =	sld [smem:$0x3FA7]  }
0x29: {  	s4 =	sld [smem:$0x3FA9]  }
0x2a: {  	p0 =	seq.s32 s5, $0x0;
	s5 =	sld [smem:$0x3FAA]  }
0x2b: {  	s6 =	sld [smem:$0x3FAB]  }
0x2c: {  	s7 =	sld [smem:$0x3FAC]  }
0x2d: {  	s3 =	simm.s32 $0x108;
	s8 =	sld [smem:$0x3FAD]  }
0x2e: {  	s3 =	simm.s32 @!p0 $0x1082;
	s9 =	sld [smem:$0x3FAE]  }
0x2f: {  	lr =	sadd.s32 s0, s3;
	s0 =	sld [smem:$0x3FA5]  }
0x30: {  	s3 =	sld [smem:$0x3FA8]  }
0x31: {  	[smem:$0x3FB1] =	sst s10  }
0x32: {  	s10 =	sld [smem:$0x3FAF];
	_ =	sdelay $0x3  }
0x33: {  	p0 =	seq.s32 s10, $0x1;
	s10 =	sld [smem:$0x3FB1];
	_ =	sdelay $0x3  }
0x34: {  	[smem:$0x3FB1] =	sst s10  }
0x35: {  	s10 =	sld [smem:$0x3FB0];
	_ =	sdelay $0x3  }
0x36: {  	p1 =	seq.s32 s10, $0x1;
	s10 =	sld [smem:$0x3FB1];
	_ =	sdelay $0x3  }
0x37: {  	[smem:$0x3FB1] =	sst s10  }
0x38: {  	s10 =	sld [smem:$0x3FB2]  }
0x39: {  	_ = 	snop;
	(pc) =	sbr.ind lr, $3  }
0x3a: {  	_ = 	snop  }
0x3b: {  	_ = 	snop  }
0x3c: {  	p2 =	seq.s32 s10, $0x1;
	s10 =	sld [smem:$0x3FB1]  }
0x3d: {  	_ =	shalt  }
0x3e: {  	_ =	shalt  }
0x3f: {  	_ =	shalt  }
0x40: {  	_ =	shalt  }
0x41: {  	_ =	shalt  }
0x42: {  	_ =	shalt  }
0x43: {  	_ =	shalt  }
0x44: {  	_ =	shalt  }
0x45: {  	_ =	shalt  }
0x46: {  	_ =	shalt  }
0x47: {  	_ =	shalt  }
0x48: {  	_ =	shalt  }
0x49: {  	_ =	shalt  }
0x4a: {  	_ =	shalt  }
0x4b: {  	_ =	shalt  }
0x4c: {  	_ =	shalt  }
0x4d: {  	_ =	shalt  }
0x4e: {  	_ =	shalt  }
0x4f: {  	_ =	shalt  }
0x50: {  	_ =	shalt  }
0x51: {  	_ =	shalt  }
0x52: {  	_ =	shalt  }
0x53: {  	_ =	shalt  }
0x54: {  	_ =	shalt  }
0x55: {  	_ =	shalt  }
0x56: {  	_ =	shalt  }
0x57: {  	_ =	shalt  }
0x58: {  	_ =	shalt  }
0x59: {  	_ =	shalt  }
0x5a: {  	_ =	shalt  }
0x5b: {  	_ =	shalt  }
0x5c: {  	_ =	shalt  }
0x5d: {  	_ =	shalt  }
0x5e: {  	_ =	shalt  }
0x5f: {  	_ =	shalt  }
0x60: {  	_ =	shalt  }
0x61: {  	_ =	shalt  }
0x62: {  	_ =	shalt  }
0x63: {  	_ =	shalt  }
0x64: {  	_ =	shalt  }
0x65: {  	_ =	shalt  }
0x66: {  	_ =	shalt  }
0x67: {  	_ =	shalt  }
0x68: {  	_ =	shalt  }
0x69: {  	_ =	shalt  }
0x6a: {  	_ =	shalt  }
0x6b: {  	_ =	shalt  }
0x6c: {  	_ =	shalt  }
0x6d: {  	_ =	shalt  }
0x6e: {  	_ =	shalt  }
0x6f: {  	_ =	shalt  }
0x70: {  	_ =	shalt  }
0x71: {  	_ =	shalt  }
0x72: {  	_ =	shalt  }
0x73: {  	_ =	shalt  }
0x74: {  	_ =	shalt  }
0x75: {  	_ =	shalt  }
0x76: {  	_ =	shalt  }
0x77: {  	_ =	shalt  }
0x78: {  	_ =	shalt  }
0x79: {  	_ =	shalt  }
0x7a: {  	_ =	shalt  }
0x7b: {  	_ =	shalt  }
0x7c: {  	_ =	shalt  }
0x7d: {  	_ =	shalt  }
0x7e: {  	_ =	shalt  }
0x7f: {  	_ =	shalt  }
0x80: {  	_ =	shalt  }
0x81: {  	_ =	shalt  }
0x82: {  	_ =	shalt  }
0x83: {  	_ =	shalt  }
0x84: {  	_ =	shalt  }
0x85: {  	_ =	shalt  }
0x86: {  	_ =	shalt  }
0x87: {  	_ =	shalt  }
.Lfunc_end0:
.L_simem_size_0:
called_computation.3_lowered:
.L_overlay_start_0:
0x88: {  	s2 =	sld [smem:$0x3FD9]  }
0x89: {  	s3 =	sld [smem:$0x3FFE];
	_ =	sdelay $0x1  }
0x8a: {  	s1 =	srdreg.scid  }
0x8b: {  	s0 =	sand.u32 $0x1, s1  }
0x8c: {  	s17 =	sshll.u32 s0, $0xA;
	s2 =	sadd.s32 s3, s2  }
0x8d: {  	s2 =	sadd.s32 s2, s17  }
0x8e: {  	[smem:$0x3FBD] =	sst s2  }
0x8f: {  	_ = 	snop  }
0x90: {  	(tm) =	ssettm $0x1  }
0x91: {  	s18 =	sld [smem:$0x3FFB];
	_ =	sdelay $0x3  }
0x92: {  	_ =	strace s18  }
0x93: {  	s2 =	sld [smem:$0x3FFC];
	_ =	sdelay $0x3  }
0x94: {  	_ =	strace s2  }
0x95: {  	s2 =	sld [smem:$0x3FFD];
	_ =	sdelay $0x3  }
0x96: {  	_ =	strace s2  }
0x97: {  	_ =	strace $0x8FFFFFFF  }
0x98: {  	s19 =	sld [smem:$0x3FDB];
	_ =	sdelay $0x1  }
0x99: {  	s20 =	simm.s32 $_scs_section_size  }
0x9a: {  	s4 =	simm.s32 $_size__tile_overlayer_lowered;
	s5 =	simm.s32 $_tile_overlayer_lowered  }
0x9b: {  	s6 =	simm.s32 $0x1BFF;
	s21 =	sshll.u32 s5, $0x1;
	s3 =	sadd.s32 s20, s19  }
0x9c: {  	s22 =	simm.s32 $0x0;
	s4 =	sshll.u32 s4, $0x1;
	s5 =	sadd.s32 s21, s3  }
0x9d: {  	[timem:s22], [sflag:s6] =	dma.local [hbm:s5], s4  }
0x9e: {  	_ =	swait.ge [sflag:s6], s4  }
0x9f: {  	s4 =	ssub.s32 $0x0, s4;
	[sflag:s6] =	ssyncset.done $0x0  }
0xa0: {  	[sflag:s6] =	ssyncadd.s32 s4;
	_ =	sdelay $0x1  }
0xa1: {  	s23 =	simm.s32 $0x1B8B  }
0xa2: {  	_ =	swait.ge [sflag:s23], $0x1  }
0xa3: {  	[sflag:s23] =	ssyncset.done $0x0  }
0xa4: {  	[sflag:s23] =	ssyncadd.s32 $0xFFFFFFFF  }
0xa5: {  	s4 =	sld [smem:$0x0]  }
0xa6: {  	s5 =	sand.u32 $0xFFFFFFFE, s1  }
0xa7: {  	p0 =	sne.s32 s1, s5  }
0xa8: {  	s5 =	sshll.u32 @p0 s5, $0xE  }
0xa9: {  	s5 =	sadd.s32 @p0 $0x11B8D, s5;
	s6 =	sshll.u32 @p0 s4, $0x11  }
0xaa: {  	s5 =	sor.u32 @p0 s6, s5  }
0xab: {  	[sflag:s5] =	ssyncadd.remote.s32 @p0 $0x1;
	_ =	sdelay $0x1  }
0xac: {  	s5 =	simm.s32 @p0 $0x1B8D  }
0xad: {  	_ =	swait.eq @p0 [sflag:s5], $0x1  }
0xae: {  	[sflag:s5] =	ssyncadd.s32 @p0 $0xFFFFFFFF  }
0xaf: {  	s6 =	sshll.u32 @!p0 s1, $0xE  }
0xb0: {  	s6 =	sor.u32 @!p0 $0x4000, s6;
	s5 =	simm.s32 @!p0 $0x1B8D  }
0xb1: {  	s4 =	sshll.u32 @!p0 s4, $0x11;
	s6 =	sadd.s32 @!p0 $0x11B8D, s6;
	_ =	swait.eq @!p0 [sflag:s5], $0x1  }
0xb2: {  	s4 =	sor.u32 @!p0 s4, s6;
	[sflag:s5] =	ssyncadd.s32 @!p0 $0xFFFFFFFF  }
0xb3: {  	s25 =	simm.s32 $0x1B8E;
	s24 =	sld [smem:$0x3FFE];
	[sflag:s4] =	ssyncadd.remote.s32 @!p0 $0x1  }
0xb4: {  	s26 =	simm.s32 $execute0_lowered;
	[smem:$0x3FD2] =	sst s25  }
0xb5: {  	s5 =	sshll.u32 s26, $0x1;
	_ =	strace $0x80000052;
	[dreg:$0x1] =	wrdreg $0xFFFFFFFF  }
0xb6: {  	s28 =	simm.s32 $_size_execute0_lowered;
	s3 =	sadd.s32 s3, s5;
	[dreg:$0x0] =	wrdreg $0x0  }
0xb7: {  	s5 =	sshll.u32 s28, $0x1;
	[dreg:$0x2] =	wrdreg s3  }
0xb8: {  	[dreg:$0x3] =	wrdreg s5  }
0xb9: {  	[dreg:$0x4] =	wrdreg $0xC0  }
0xba: {  	_ =	task [dreg:s22], $0x5FFFF  }
0xbb: {  	[dreg:$0x1] =	wrdreg $0xFFFFFFFF  }
0xbc: {  	[dreg:$0x0] =	wrdreg $0x60  }
0xbd: {  	[dreg:$0x2] =	wrdreg s24  }
0xbe: {  	[dreg:$0x3] =	wrdreg $0x82000  }
0xbf: {  	[dreg:$0x4] =	wrdreg $0xB  }
0xc0: {  	_ =	task.clear_ibuf [dreg:s22], $0x5FFFF;
	_ =	strace $0x90000052  }
0xc1: {  	s29 =	simm.s32 $0xB;
	_ =	strace $0x80000054  }
0xc2: {  	_ =	swait.ge [sflag:s29], $0x1  }
0xc3: {  	[sflag:s29] =	ssyncadd.s32 $0xFFFFFFFF  }
0xc4: {  	_ =	strace $0x90000054  }
0xc5: {  	_ =	sfence  }
0xc6: {  	s30 =	sld [smem:$0x0];
	_ =	sdelay $0x2  }
0xc7: {  	s31 =	sshll.u32 s1, $0xD;
	s1 =	sshrl.u32 s1, $0x2  }
0xc8: {  	s4 =	sand.u32 $0x4000, s31;
	s1 =	sadd.s32 s1, s30  }
0xc9: {  	s0 =	sor.u32 s4, s0;
	s1 =	sshll.u32 s1, $0x11  }
0xca: {  	s0 =	sor.u32 s1, s0  }
0xcb: {  	s0 =	sadd.s32 $0x8F2B, s0  }
0xcc: {  	[sflag:s0] =	ssyncadd.remote.s32 $0x1  }
0xcd: {  	_ =	sfence.sel $0xFFFF  }
0xce: {  	[dreg:$0x0] =	wrdreg $0xFFFFFFFF;
	(pc) =	sbr.abs _section_cstart, $3  }
0xcf: {  	[dreg:$0x1] =	wrdreg $0xFFFFFFFF  }
0xd0: {  	_ =	task.clear_ibuf [dreg:s22], $0x2FFFF;
	_ =	strace $0x9FFFFFFF  }
0xd1: {  	(tm) =	ssettm $0x7FFFFFFF  }
tec
execute0_lowered:
.L_overlay_start_1:
0x0: {  	(tag) =	ssettag $0x1  }
0x1: {  	s9 =	rddreg [dreg:$0x0];
	s1 =	stileid.u32  }
0x2: {  	s2 =	rddreg [dreg:$0x1];
	s3 =	smul.u32 $0x28000, s1  }
0x3: {  	s0 =	rddreg [dreg:$0x2];
	s6 =	simm.s32 $0x0  }
0x4: {  	[smem:$0x7FF] =	sst s6;
	s8 =	sshll.u32 s1, $0x6;
	s3 =	sshrl.u32 s3, $0x2  }
0x5: {  	s7 =	sadd.s32 $0xBA800, s9;
	_ =	strace $0x80000053;
	s3 =	sadd.s32 s3, s2  }
0x6: {  	s4 =	sor.u32 $0x1C04, s8;
	s5 =	sshrl.u32 s3, $0x3;
	s3 =	simm.s32 $0x4  }
0x7: {  	[spmem:s5], [sflag:s4] =	dma.local [hbm:s7], $0x1400  }
0x8: {  	_ =	swait.ge [sflag:s3], $0x1400  }
0x9: {  	s8 =	sadd.s32 s8, s9;
	[sflag:s3] =	ssyncset.done $0x0  }
0xa: {  	s8 =	sadd.s32 $0x4600, s8;
	[sflag:s3] =	ssyncadd.s32 $0xFFFFEC00  }
0xb: {  	[tilespmem:s6], [sflag:$0x4] =	stream.linear.gather [hbm4b:s8+s6], $0x200, $0x38;
	[tilespmem:$0x12240] =	vst v63  }
0xc: {  	_ =	swait.ge [sflag:s3], $0x200  }
0xd: {  	[sflag:s3] =	ssyncset.done $0x0  }
0xe: {  	[sflag:s3] =	ssyncadd.s32 $0xFFFFFE00  }
0xf: {  	v1 =	vld [tilespmem:$0x50]  }
0x10: {  	v2 =	vld [tilespmem:$0x40]  }
0x11: {  	v3 =	vld [tilespmem:$0x10]  }
0x12: {  	v4 =	vld [tilespmem:$0x0]  }
0x13: {  	s10 =	srdreg.scid;
	v5 =	vld [tilespmem:$0x1B0]  }
0x14: {  	s10 =	sand.u32 $0x1, s10;
	v6 =	vld [tilespmem:$0x60]  }
0x15: {  	s11 =	smul.u32 $0x1400, s10;
	v14 =	vld [tilespmem:$0xC0]  }
0x16: {  	v15 =	vld [tilespmem:$0xF0]  }
0x17: {  	v0 =	vmov s11;
	v16 =	vld [tilespmem:$0x100]  }
0x18: {  	v24 =	vld [tilespmem:$0x140];
	v7 =	vsub.s32 v3, v0;
	vm3 =	vlt.s32 v3, v0;
	v3 =	vsub.s32 v2, v0  }
0x19: {  	v8 =	vsub.s32 v4, v0;
	vm4 =	vlt.s32 v4, v0;
	vm1 =	vlt.s32 v1, v0  }
0x1a: {  	vm0 =	vlt.s32 v2, v0;
	v2 =	vsub.s32 v5, v0;
	v9 =	vsub.s32 v6, v0  }
0x1b: {  	vm6 =	vlt.s32 v6, v0;
	v1 =	vsub.s32 v1, v0;
	vm9 =	vlt.s32 v14, v0  }
0x1c: {  	v10 =	vld [tilespmem:$0x90];
	v21 =	vsub.s32 v15, v0;
	vm13 =	vlt.s32 v16, v0;
	vm10 =	vlt.s32 v15, v0  }
0x1d: {  	v4 =	vld [tilespmem:$0xA0];
	v27 =	vsub.s32 v24, v0;
	vm2 =	vlt.s32 v3, $0x1400;
	vm5 =	vlt.s32 v2, $0x1400  }
0x1e: {  	v6 =	vld [tilespmem:$0xD0];
	vm7 =	vlt.s32 v9, $0x1400;
	v11 =	vnsel vm5, $0x1400, v2;
	vm5 =	vlt.s32 v7, $0x1400  }
0x1f: {  	v18 =	vld [tilespmem:$0x80];
	v2 =	vnsel vm2, $0x1400, v3;
	v3 =	vnsel vm7, $0x1400, v9;
	vm2 =	vlt.s32 v8, $0x1400  }
0x20: {  	v29 =	vld [tilespmem:$0x110];
	v12 =	vsel vm0, $0x1400, v2;
	v13 =	vsel vm6, $0x1400, v3;
	vm0 =	vlt.s32 v1, $0x1400  }
0x21: {  	v8 =	vnsel vm2, $0x1400, v8;
	v7 =	vnsel vm5, $0x1400, v7;
	v1 =	vnsel vm0, $0x1400, v1  }
0x22: {  	v8 =	vsel vm4, $0x1400, v8;
	vm4 =	vlt.s32 v21, $0x1400;
	v7 =	vsel vm3, $0x1400, v7  }
0x23: {  	v9 =	vld [tilespmem:$0x30];
	v2 =	vsub.s32 v4, v0;
	vm2 =	vlt.s32 v4, v0;
	vm6 =	vlt.s32 v6, v0  }
0x24: {  	v3 =	vsub.s32 v6, v0;
	v6 =	vsub.s32 v10, v0;
	v23 =	vsel vm1, $0x1400, v1  }
0x25: {  	v22 =	vld [tilespmem:$0x120];
	v15 =	vnsel vm4, $0x1400, v21;
	v21 =	vsub.s32 v18, v0;
	[tilespmem:$0x0] =	vst v8;
	v8 =	vsub.s32 v29, v0  }
0x26: {  	v17 =	vld [tilespmem:$0x130];
	[tilespmem:$0x40] =	vst v12;
	vm7 =	vlt.s32 v2, $0x1400;
	vm8 =	vlt.s32 v3, $0x1400;
	v12 =	vsel vm10, $0x1400, v15  }
0x27: {  	vm3 =	vlt.s32 v21, $0x1400;
	v2 =	vnsel vm7, $0x1400, v2;
	vm7 =	vlt.s32 v6, $0x1400  }
0x28: {  	v4 =	vld [tilespmem:$0xE0];
	v3 =	vnsel vm8, $0x1400, v3;
	vm8 =	vlt.s32 v5, v0;
	v5 =	vsub.s32 v9, v0  }
0x29: {  	vm1 =	vlt.s32 v9, v0;
	v15 =	vnsel vm3, $0x1400, v21;
	vm3 =	vlt.s32 v18, v0  }
0x2a: {  	v18 =	vsub.s32 v22, v0;
	v6 =	vnsel vm7, $0x1400, v6;
	v19 =	vsel vm2, $0x1400, v2  }
0x2b: {  	v28 =	vld [tilespmem:$0x1A0];
	v20 =	vsel vm6, $0x1400, v3;
	vm6 =	vlt.s32 v5, $0x1400;
	v2 =	vsub.s32 v17, v0  }
0x2c: {  	v9 =	vld [tilespmem:$0x170];
	vm7 =	vlt.s32 v10, v0;
	v5 =	vnsel vm6, $0x1400, v5;
	vm4 =	vlt.s32 v2, $0x1400  }
0x2d: {  	v3 =	vld [tilespmem:$0x150];
	v6 =	vsel vm7, $0x1400, v6;
	vm7 =	vlt.s32 v18, $0x1400;
	vm11 =	vlt.s32 v4, v0  }
0x2e: {  	v1 =	vsub.s32 v4, v0;
	v25 =	vsel vm1, $0x1400, v5;
	v5 =	vsel vm8, $0x1400, v11  }
0x2f: {  	v26 =	vld [tilespmem:$0x190];
	v11 =	vsub.s32 v14, v0;
	vm8 =	vlt.s32 v22, v0;
	v22 =	vsel vm3, $0x1400, v15  }
0x30: {  	[tilespmem:$0xD0] =	vst v20;
	v20 =	vld [tilespmem:$0x180];
	vm3 =	vlt.s32 v28, v0;
	v15 =	vsub.s32 v16, v0;
	vm5 =	vlt.s32 v11, $0x1400  }
0x31: {  	[tilespmem:$0x60] =	vst v13;
	v4 =	vld [tilespmem:$0x160];
	vm12 =	vlt.s32 v1, $0x1400;
	v11 =	vnsel vm5, $0x1400, v11;
	vm6 =	vlt.s32 v9, v0  }
0x32: {  	s10 =	ssub.s32 $0x2, s10;
	[tilespmem:$0xA0] =	vst v19;
	vm5 =	vlt.s32 v27, $0x1400;
	v19 =	vsub.s32 v9, v0;
	v10 =	vsub.s32 v3, v0  }
0x33: {  	s30 =	sshrl.u32 s10, $0x1;
	[tilespmem:$0x1B0] =	vst v5;
	v5 =	vld [tilespmem:$0x1F0];
	v30 =	vsel vm9, $0x1400, v11;
	v13 =	vnsel vm5, $0x1400, v27;
	vm9 =	vlt.s32 v24, v0  }
0x34: {  	s17 =	simm.s32 $0x2;
	s15 =	simm.s32 $0x1;
	s31 =	ssub.s32 s10, s30;
	[tilespmem:$0x10] =	vst v7;
	v11 =	vsub.s32 v26, v0;
	vm5 =	vlt.s32 v17, v0;
	v17 =	vld [tilespmem:$0x1C0];
	v16 =	vsel vm9, $0x1400, v13  }
0x35: {  	s18 =	simm.s32 $0x3;
	s21 =	simm.s32 $0x100;
	s22 =	smax.u32 s31, $0x1;
	[tilespmem:$0x50] =	vst v23;
	v13 =	vnsel vm7, $0x1400, v18;
	vm7 =	vlt.s32 v8, $0x1400;
	v18 =	vsub.s32 v20, v0  }
0x36: {  	s12 =	smul.u32 $0x140, s1;
	s13 =	sshll.u32 s1, $0xD;
	p0 =	sne.s32 s22, $0x1;
	[tilespmem:$0xF0] =	vst v12;
	v14 =	vsub.s32 v4, v0;
	v23 =	vsel vm8, $0x1400, v13;
	vm8 =	vlt.s32 v18, $0x1400  }
.Ltmp0:
0x37: {  	s20 =	simm.s32 $0x180;
	s29 =	sadd.s32 s13, s9;
	v12 =	vld [tilespmem:$0x1D0];
	[tilespmem:$0x90] =	vst v6;
	v8 =	vnsel vm7, $0x1400, v8;
	v7 =	vnsel vm8, $0x1400, v18;
	vm8 =	vlt.s32 v19, $0x1400;
	(pc) =	sbr.rel @!p0 .LBB2_2-.Ltmp0, $4  }
0x38: {  	s13 =	simm.s32 $0x80;
	s16 =	sadd.s32 $0x4C000, s29;
	s11 =	sadd.s32 s12, s11;
	v6 =	vld [tilespmem:$0xB0];
	[tilespmem:$0x30] =	vst v25;
	v13 =	vsub.s32 v5, v0;
	v63 =	vnsel vm8, $0x1400, v19;
	vm8 =	vlt.s32 v20, v0  }
0x39: {  	s19 =	sadd.s32 $0x4C800, s29;
	s14 =	sadd.s32 $0x4D000, s29;
	s11 =	sshll.u32 s11, $0x4;
	[tilespmem:$0x80] =	vst v22;
	v9 =	vld [tilespmem:$0x1E0];
	vm7 =	vlt.s32 v17, v0;
	v19 =	vsel vm8, $0x1400, v7;
	vm8 =	vlt.s32 v29, v0  }
0x3a: {  	s10 =	sadd.s32 $0x4D800, s29;
	s12 =	simm.s32 $0x200;
	s9 =	sadd.s32 s11, s9;
	[tilespmem:$0xC0] =	vst v30;
	v7 =	vld [tilespmem:$0x70];
	v18 =	vsub.s32 v17, v0;
	v17 =	vsub.s32 v28, v0;
	v20 =	vsel vm6, $0x1400, v63  }
0x3b: {  	s11 =	simm.s32 $0x4200;
	s22 =	sadd.s32 $0xFFFFFFFF, s22;
	s9 =	sadd.s32 $0xE3C00, s9;
	[tilespmem:$0x120] =	vst v23;
	vm6 =	vlt.s32 v14, $0x1400;
	v21 =	vsel vm8, $0x1400, v8;
	vm8 =	vlt.s32 v26, v0;
	v8 =	vld [tilespmem:$0x20]  }
.LBB2_1:
0x3c: {  	vm9 =	vlt.s32 v10, $0x1400;
	vm10 =	vlt.s32 v4, v0;
	v4 =	vnsel vm6, $0x1400, v14  }
0x3d: {  	[tilespmem:$0x110] =	vst v21;
	vm6 =	vlt.s32 v3, v0;
	v2 =	vnsel vm4, $0x1400, v2;
	vm2 =	vlt.s32 v11, $0x1400  }
0x3e: {  	[tilespmem:$0x170] =	vst v20;
	v1 =	vnsel vm12, $0x1400, v1;
	v3 =	vnsel vm9, $0x1400, v10;
	v4 =	vsel vm10, $0x1400, v4  }
0x3f: {  	[tilespmem:$0x180] =	vst v19;
	vm9 =	vlt.s32 v15, $0x1400;
	v2 =	vsel vm5, $0x1400, v2;
	v1 =	vsel vm11, $0x1400, v1  }
0x40: {  	v3 =	vsel vm6, $0x1400, v3;
	[tilespmem:$0x160] =	vst v4;
	vm6 =	vlt.s32 v18, $0x1400;
	v4 =	vnsel vm9, $0x1400, v15  }
0x41: {  	vm9 =	vlt.s32 v17, $0x1400;
	[tilespmem:$0x150] =	vst v3;
	v3 =	vnsel vm6, $0x1400, v18;
	v4 =	vsel vm13, $0x1400, v4  }
0x42: {  	v3 =	vsel vm7, $0x1400, v3;
	v10 =	vsub.s32 v12, v0;
	[tilespmem:$0x100] =	vst v4;
	v4 =	vnsel vm2, $0x1400, v11  }
0x43: {  	[tilespmem:$0x140] =	vst v16;
	vm2 =	vlt.s32 v12, v0;
	v11 =	vsub.s32 v8, v0;
	vm5 =	vlt.s32 v9, v0  }
0x44: {  	vm4 =	vlt.s32 v10, $0x1400;
	v4 =	vsel vm8, $0x1400, v4;
	vm1 =	vlt.s32 v11, $0x1400;
	[tilespmem:$0x1C0] =	vst v3  }
0x45: {  	v3 =	vsub.s32 v9, v0;
	v10 =	vnsel vm4, $0x1400, v10;
	[tilespmem:$0x190] =	vst v4;
	v4 =	vnsel vm9, $0x1400, v17  }
0x46: {  	[tilespmem:$0x130] =	vst v2;
	vm4 =	vlt.s32 v13, $0x1400;
	v10 =	vsel vm2, $0x1400, v10;
	v4 =	vsel vm3, $0x1400, v4  }
0x47: {  	[tilespmem:$0xE0] =	vst v1;
	vm2 =	vlt.s32 v3, $0x1400;
	vm3 =	vlt.s32 v5, v0;
	v5 =	vsub.s32 v6, v0  }
0x48: {  	v2 =	vnsel vm2, $0x1400, v3;
	v3 =	vnsel vm4, $0x1400, v13;
	[tilespmem:$0x1A0] =	vst v4;
	v4 =	vsub.s32 v7, v0  }
0x49: {  	[tilespmem:$0x1D0] =	vst v10;
	vm2 =	vlt.s32 v5, $0x1400;
	v2 =	vsel vm5, $0x1400, v2;
	v3 =	vsel vm3, $0x1400, v3  }
0x4a: {  	vm0 =	vlt.s32 v4, $0x1400;
	vm3 =	vlt.s32 v6, v0;
	[tilespmem:$0x1F0] =	vst v3;
	v3 =	vnsel vm2, $0x1400, v5  }
0x4b: {  	vm2 =	vlt.s32 v7, v0;
	v1 =	vnsel vm0, $0x1400, v4;
	[tilespmem:$0x1E0] =	vst v2;
	v3 =	vsel vm3, $0x1400, v3  }
0x4c: {  	vm0 =	vlt.s32 v8, v0;
	v2 =	vnsel vm1, $0x1400, v11;
	v1 =	vsel vm2, $0x1400, v1;
	[tilespmem:$0xB0] =	vst v3  }
0x4d: {  	v2 =	vsel vm0, $0x1400, v2;
	[tilespmem:$0x70] =	vst v1  }
0x4e: {  	[tilespmem:$0x20] =	vst v2  }
0x4f: {  	[bflag:$0x0] =	sbarrier.arrive $0xFFFF  }
0x50: {  	[tilespmem:s12], [sflag:$0x2] =	stream.linear.gather [hbm4b:s16+s6], $0x4000, $0x38;
	[tilespmem:$0x12240] =	vst v63  }
0x51: {  	_ = 	snop  }
0x52: {  	[tilespmem:s11], [sflag:$0x3] =	stream.linear.gather [hbm4b:s19+s6], $0x4000, $0x38;
	[tilespmem:$0x12240] =	vst v63  }
0x53: {  	_ =	swait.ge [sflag:s17], $0x4000  }
0x54: {  	[sflag:s17] =	ssyncset.done $0x0  }
0x55: {  	[sflag:s17] =	ssyncadd.s32 $0xFFFFC000  }
0x56: {  	[spmem:s2] =	stream.indirect.scatter.add.f32 [tilespmem:s12], [sflag:$0x1], $0x80, s6, s13, $0xb8;
	[tilespmem:$0x12240] =	vst v63  }
0x57: {  	_ =	swait.ge [sflag:s15], $0x4000  }
0x58: {  	[sflag:s15] =	ssyncset.done $0x0  }
0x59: {  	[sflag:s15] =	ssyncadd.s32 $0xFFFFC000  }
0x5a: {  	[tilespmem:s12], [sflag:$0x2] =	stream.linear.gather [hbm4b:s14+s6], $0x4000, $0x38;
	[tilespmem:$0x12240] =	vst v63  }
0x5b: {  	_ =	swait.ge [sflag:s18], $0x4000  }
0x5c: {  	[sflag:s18] =	ssyncset.done $0x0  }
0x5d: {  	[sflag:s18] =	ssyncadd.s32 $0xFFFFC000  }
0x5e: {  	[spmem:s2] =	stream.indirect.scatter.add.f32 [tilespmem:s11], [sflag:$0x1], $0x80, s13, s13, $0xb8;
	[tilespmem:$0x12240] =	vst v63  }
0x5f: {  	_ =	swait.ge [sflag:s15], $0x4000  }
0x60: {  	[sflag:s15] =	ssyncset.done $0x0  }
0x61: {  	[sflag:s15] =	ssyncadd.s32 $0xFFFFC000  }
0x62: {  	[tilespmem:s11], [sflag:$0x3] =	stream.linear.gather [hbm4b:s10+s6], $0x4000, $0x38;
	[tilespmem:$0x12240] =	vst v63  }
0x63: {  	_ =	swait.ge [sflag:s17], $0x4000  }
0x64: {  	[sflag:s17] =	ssyncset.done $0x0  }
0x65: {  	[sflag:s17] =	ssyncadd.s32 $0xFFFFC000  }
0x66: {  	[spmem:s2] =	stream.indirect.scatter.add.f32 [tilespmem:s12], [sflag:$0x1], $0x80, s21, s13, $0xb8;
	[tilespmem:$0x12240] =	vst v63  }
0x67: {  	_ =	swait.ge [sflag:s15], $0x4000  }
0x68: {  	[sflag:s15] =	ssyncset.done $0x0  }
0x69: {  	[sflag:s15] =	ssyncadd.s32 $0xFFFFC000  }
0x6a: {  	_ =	swait.ge [sflag:s18], $0x4000  }
0x6b: {  	[sflag:s18] =	ssyncset.done $0x0  }
0x6c: {  	[sflag:s18] =	ssyncadd.s32 $0xFFFFC000  }
0x6d: {  	[spmem:s2] =	stream.indirect.scatter.add.f32 [tilespmem:s11], [sflag:$0x1], $0x80, s20, s13, $0xb8;
	[tilespmem:$0x12240] =	vst v63  }
0x6e: {  	_ =	swait.ge [sflag:s15], $0x4000  }
0x6f: {  	[sflag:s15] =	ssyncset.done $0x0  }
0x70: {  	[sflag:s15] =	ssyncadd.s32 $0xFFFFC000  }
0x71: {  	[bflag:$0x0] =	sbarrier.arrive $0xFFFF  }
0x72: {  	[hbm:s9], [sflag:s4] =	dma.local [spmem:s5], $0x1400  }
0x73: {  	_ =	swait.ge [sflag:s3], $0x1400  }
0x74: {  	[sflag:s3] =	ssyncset.done $0x0  }
0x75: {  	[sflag:s3] =	ssyncadd.s32 $0xFFFFEC00  }
0x76: {  	[spmem:s5], [sflag:s4] =	dma.local [hbm:s7], $0x1400  }
0x77: {  	_ =	swait.ge [sflag:s3], $0x1400  }
0x78: {  	[sflag:s3] =	ssyncset.done $0x0  }
0x79: {  	[sflag:s3] =	ssyncadd.s32 $0xFFFFEC00  }
0x7a: {  	[tilespmem:s6], [sflag:$0x4] =	stream.linear.gather [hbm4b:s8+s6], $0x200, $0x38;
	[tilespmem:$0x12240] =	vst v63  }
0x7b: {  	_ =	swait.ge [sflag:s3], $0x200  }
0x7c: {  	[sflag:s3] =	ssyncset.done $0x0  }
0x7d: {  	[sflag:s3] =	ssyncadd.s32 $0xFFFFFE00  }
0x7e: {  	v1 =	vld [tilespmem:$0x60]  }
0x7f: {  	v2 =	vld [tilespmem:$0x50]  }
0x80: {  	v3 =	vld [tilespmem:$0x40]  }
0x81: {  	v4 =	vld [tilespmem:$0x10]  }
0x82: {  	v5 =	vld [tilespmem:$0x0]  }
0x83: {  	v16 =	vld [tilespmem:$0x80]  }
0x84: {  	v11 =	vld [tilespmem:$0xC0]  }
0x85: {  	v21 =	vld [tilespmem:$0x140]  }
0x86: {  	v20 =	vld [tilespmem:$0x130]  }
0x87: {  	v6 =	vld [tilespmem:$0x1B0];
	v8 =	vsub.s32 v4, v0;
	vm0 =	vlt.s32 v4, v0;
	v4 =	vimm.s32 $0x0  }
0x88: {  	v10 =	vsub.s32 v5, v0;
	vm3 =	vlt.s32 v5, v0;
	vm1 =	vlt.s32 v2, v0  }
0x89: {  	v18 =	vld [tilespmem:$0x110];
	v12 =	vsub.s32 v1, v0;
	vm5 =	vlt.s32 v1, v0;
	v2 =	vsub.s32 v2, v0  }
0x8a: {  	v29 =	vsub.s32 v11, v0;
	v31 =	vsub.s32 v16, v0;
	vm14 =	vlt.s32 v21, v0  }
0x8b: {  	v26 =	vld [tilespmem:$0x190];
	vm6 =	vlt.s32 v20, v0;
	v4 =	vsel vm0, $0xFFFFFFFF, v4;
	vm0 =	vlt.s32 v3, v0  }
0x8c: {  	v5 =	vld [tilespmem:$0xA0];
	vm13 =	vlt.s32 v8, $0x1400;
	[tilespmem:$0x1FFD0] =	vst v4;
	v4 =	vsub.s32 v3, v0;
	v3 =	vsub.s32 v6, v0  }
0x8d: {  	v1 =	vld [tilespmem:$0xD0];
	vm7 =	vlt.s32 v12, $0x1400;
	v30 =	vnsel vm13, $0x1400, v8;
	vm4 =	vlt.s32 v3, $0x1400  }
0x8e: {  	v7 =	vld [tilespmem:$0x30];
	vm13 =	vlt.s32 v18, v0;
	vm2 =	vlt.s32 v4, $0x1400;
	v14 =	vnsel vm4, $0x1400, v3  }
0x8f: {  	v3 =	vnsel vm2, $0x1400, v4;
	v4 =	vnsel vm7, $0x1400, v12;
	vm2 =	vlt.s32 v10, $0x1400  }
0x90: {  	v13 =	vld [tilespmem:$0xE0];
	vm4 =	vlt.s32 v11, v0;
	v11 =	vsub.s32 v26, v0;
	v3 =	vsel vm0, $0x1400, v3  }
0x91: {  	v4 =	vsel vm5, $0x1400, v4;
	v17 =	vnsel vm2, $0x1400, v10;
	vm0 =	vlt.s32 v2, $0x1400  }
0x92: {  	vm2 =	vlt.s32 v5, v0;
	vm7 =	vlt.s32 v1, v0;
	vm5 =	vlt.s32 v6, v0  }
0x93: {  	v9 =	vld [tilespmem:$0x90];
	v1 =	vsub.s32 v1, v0;
	[tilespmem:$0x40] =	vst v3;
	v3 =	vsub.s32 v5, v0;
	v5 =	vsub.s32 v7, v0  }
0x94: {  	[tilespmem:$0x60] =	vst v4;
	v4 =	vimm.s32 $0x0;
	vm10 =	vlt.s32 v1, $0x1400;
	v10 =	vnsel vm0, $0x1400, v2  }
0x95: {  	v12 =	vld [tilespmem:$0xF0];
	vm0 =	vlt.s32 v13, v0;
	v2 =	vsub.s32 v20, v0;
	v20 =	vsub.s32 v18, v0  }
0x96: {  	v15 =	vld [tilespmem:$0x100];
	v4 =	vsel vm4, $0xFFFFFFFF, v4;
	vm9 =	vlt.s32 v3, $0x1400;
	v1 =	vnsel vm10, $0x1400, v1  }
0x97: {  	v28 =	vld [tilespmem:$0x1C0];
	vm10 =	vlt.s32 v7, v0;
	vm4 =	vlt.s32 v2, $0x1400;
	vm15 =	vlt.s32 v20, $0x1400  }
0x98: {  	v19 =	vld [tilespmem:$0x120];
	[tilespmem:$0x1FFC0] =	vst v4;
	v4 =	vsub.s32 v9, v0;
	v6 =	vnsel vm9, $0x1400, v3;
	v1 =	vsel vm7, $0x1400, v1  }
0x99: {  	vm9 =	vlt.s32 v9, v0;
	vm7 =	vlt.s32 v5, $0x1400;
	v20 =	vnsel vm15, $0x1400, v20  }
0x9a: {  	vm11 =	vlt.s32 v4, $0x1400;
	v6 =	vsel vm2, $0x1400, v6;
	v23 =	vsub.s32 v12, v0  }
0x9b: {  	[tilespmem:$0xD0] =	vst v1;
	v1 =	vimm.s32 $0x0;
	v5 =	vnsel vm7, $0x1400, v5;
	vm12 =	vlt.s32 v12, v0  }
0x9c: {  	v25 =	vld [tilespmem:$0x180];
	vm7 =	vlt.s32 v28, v0;
	v22 =	vnsel vm11, $0x1400, v4;
	v1 =	vsel vm0, $0xFFFFFFFF, v1  }
0x9d: {  	[tilespmem:$0xA0] =	vst v6;
	vm0 =	vlt.s32 v15, v0;
	v6 =	vsel vm1, $0x1400, v10;
	vm11 =	vlt.s32 v19, v0  }
0x9e: {  	v62 =	vld [tilespmem:$0x1FFD0];
	v19 =	vsub.s32 v19, v0;
	v15 =	vsub.s32 v15, v0;
	vm1 =	vlt.s32 v23, $0x1400;
	[tilespmem:$0x1FFE0] =	vst v1  }
0x9f: {  	v24 =	vld [tilespmem:$0x170];
	v1 =	vimm.s32 $0x0;
	[tilespmem:$0x50] =	vst v6;
	v6 =	vsel vm3, $0x1400, v17;
	v17 =	vsub.s32 v21, v0  }
0xa0: {  	v3 =	vld [tilespmem:$0x150];
	vm2 =	vlt.s32 v19, $0x1400;
	vm3 =	vlt.s32 v29, $0x1400;
	v18 =	vnsel vm1, $0x1400, v23  }
0xa1: {  	v60 =	vld [tilespmem:$0x1FFC0];
	v21 =	vsub.s32 v25, v0;
	v22 =	vsel vm9, $0x1400, v22;
	v1 =	vsel vm0, $0xFFFFFFFF, v1  }
0xa2: {  	vm0 =	vlt.s32 v17, $0x1400;
	v23 =	vnsel vm3, $0x1400, v29;
	v59 =	vsel vm12, $0x1400, v18  }
0xa3: {  	v18 =	vsub.s32 v28, v0;
	vm3 =	vnez.u8 v62;
	[tilespmem:$0x90] =	vst v22;
	v19 =	vnsel vm2, $0x1400, v19  }
0xa4: {  	v27 =	vld [tilespmem:$0x1A0];
	v22 =	vsub.s32 v24, v0;
	[tilespmem:$0x1FFF0] =	vst v1;
	v1 =	vsub.s32 v13, v0;
	v13 =	vsel vm10, $0x1400, v5  }
0xa5: {  	v10 =	vsub.s32 v3, v0;
	v5 =	vsel vm5, $0x1400, v14;
	vm10 =	vlt.s32 v24, v0  }
0xa6: {  	v61 =	vnsel vm0, $0x1400, v17;
	vm0 =	vlt.s32 v25, v0;
	vm1 =	vnez.u8 v60  }
0xa7: {  	v4 =	vld [tilespmem:$0x160];
	v25 =	vsel vm3, $0x1400, v30;
	v23 =	vsel vm1, $0x1400, v23;
	vm1 =	vlt.s32 v31, $0x1400  }
0xa8: {  	vm3 =	vlt.s32 v16, v0;
	[tilespmem:$0x1B0] =	vst v5;
	v5 =	vld [tilespmem:$0x1F0];
	v16 =	vnsel vm1, $0x1400, v31;
	vm1 =	vlt.s32 v21, $0x1400  }
0xa9: {  	vm5 =	vlt.s32 v27, v0;
	v19 =	vsel vm11, $0x1400, v19;
	[tilespmem:$0xC0] =	vst v23;
	v23 =	vld [tilespmem:$0x1FFE0];
	v21 =	vnsel vm1, $0x1400, v21  }
0xaa: {  	p0 =	sne.s32 s22, $0x1;
	vm2 =	vlt.s32 v22, $0x1400;
	[tilespmem:$0x120] =	vst v19;
	v19 =	vsel vm0, $0x1400, v21;
	v21 =	vsel vm13, $0x1400, v20;
	v20 =	vld [tilespmem:$0x1FFF0]  }
.Ltmp1:
0xab: {  	v8 =	vld [tilespmem:$0x20];
	[tilespmem:$0x0] =	vst v6;
	v17 =	vsub.s32 v27, v0;
	vm8 =	vlt.s32 v1, $0x1400;
	v22 =	vnsel vm2, $0x1400, v22;
	(pc) =	sbr.rel @p0 .LBB2_1-.Ltmp1, $4  }
0xac: {  	v7 =	vld [tilespmem:$0x70];
	[tilespmem:$0xF0] =	vst v59;
	v14 =	vsub.s32 v4, v0;
	vm12 =	vmmov vm8;
	vm8 =	vlt.s32 v26, v0  }
0xad: {  	v9 =	vld [tilespmem:$0x1E0];
	[tilespmem:$0x30] =	vst v13;
	v63 =	vsel vm3, $0x1400, v16;
	vm3 =	vmmov vm5;
	vm5 =	vmmov vm6  }
0xae: {  	v12 =	vld [tilespmem:$0x1D0];
	[tilespmem:$0x10] =	vst v25;
	v16 =	vsel vm14, $0x1400, v61;
	vm6 =	vlt.s32 v14, $0x1400;
	v13 =	vsub.s32 v5, v0  }
0xaf: {  	s22 =	sadd.s32 $0xFFFFFFFF, s22;
	v6 =	vld [tilespmem:$0xB0];
	[tilespmem:$0x80] =	vst v63;
	vm11 =	vnez.u8 v23;
	vm13 =	vnez.u8 v20;
	v20 =	vsel vm10, $0x1400, v22  }
.LBB2_2:
0xb0: {  	v14 =	vnsel vm6, $0x1400, v14;
	vm0 =	vlt.s32 v10, $0x1400;
	vm1 =	vlt.s32 v4, v0  }
0xb1: {  	[tilespmem:$0x110] =	vst v21;
	vm2 =	vlt.s32 v3, v0;
	vm14 =	vlt.s32 v15, $0x1400;
	vm15 =	vlt.s32 v18, $0x1400  }
0xb2: {  	[tilespmem:$0x170] =	vst v20;
	vm6 =	vlt.s32 v17, $0x1400;
	v2 =	vnsel vm4, $0x1400, v2;
	vm9 =	vlt.s32 v11, $0x1400  }
0xb3: {  	[tilespmem:$0x180] =	vst v19;
	v1 =	vnsel vm12, $0x1400, v1;
	v46 =	vnsel vm0, $0x1400, v10;
	v4 =	vsel vm1, $0x1400, v14  }
0xb4: {  	[tilespmem:$0x140] =	vst v16;
	v47 =	vnsel vm14, $0x1400, v15;
	v48 =	vnsel vm15, $0x1400, v18;
	v52 =	vnsel vm9, $0x1400, v11  }
0xb5: {  	v2 =	vsel vm5, $0x1400, v2;
	v54 =	vnsel vm6, $0x1400, v17;
	vm15 =	vlt.s32 v5, v0;
	[tilespmem:$0x160] =	vst v4  }
0xb6: {  	v1 =	vsel vm11, $0x1400, v1;
	v3 =	vsel vm2, $0x1400, v46;
	v49 =	vsel vm13, $0x1400, v47;
	[tilespmem:$0x130] =	vst v2  }
0xb7: {  	v50 =	vsel vm7, $0x1400, v48;
	v55 =	vsub.s32 v9, v0;
	vm9 =	vlt.s32 v9, v0;
	[tilespmem:$0xE0] =	vst v1  }
0xb8: {  	[tilespmem:$0x150] =	vst v3;
	v51 =	vsub.s32 v12, v0;
	vm13 =	vlt.s32 v12, v0;
	v3 =	vsel vm8, $0x1400, v52  }
0xb9: {  	[tilespmem:$0x100] =	vst v49;
	vm14 =	vlt.s32 v55, $0x1400;
	vm8 =	vlt.s32 v13, $0x1400;
	v60 =	vsub.s32 v7, v0  }
0xba: {  	vm10 =	vlt.s32 v51, $0x1400;
	v53 =	vsub.s32 v8, v0;
	[tilespmem:$0x190] =	vst v3;
	v3 =	vsel vm3, $0x1400, v54  }
0xbb: {  	[tilespmem:$0x1C0] =	vst v50;
	v56 =	vnsel vm14, $0x1400, v55;
	v57 =	vnsel vm8, $0x1400, v13;
	v58 =	vsub.s32 v6, v0  }
0xbc: {  	vm12 =	vlt.s32 v60, $0x1400;
	vm14 =	vlt.s32 v7, v0;
	[tilespmem:$0x1A0] =	vst v3;
	v59 =	vsel vm15, $0x1400, v57  }
0xbd: {  	v10 =	vnsel vm10, $0x1400, v51;
	vm0 =	vlt.s32 v53, $0x1400;
	v2 =	vsel vm9, $0x1400, v56;
	[tilespmem:$0x1F0] =	vst v59  }
0xbe: {  	vm10 =	vlt.s32 v58, $0x1400;
	v62 =	vnsel vm12, $0x1400, v60;
	v10 =	vsel vm13, $0x1400, v10;
	[tilespmem:$0x1E0] =	vst v2  }
0xbf: {  	vm13 =	vlt.s32 v6, v0;
	v61 =	vnsel vm10, $0x1400, v58;
	v1 =	vsel vm14, $0x1400, v62;
	[tilespmem:$0x1D0] =	vst v10  }
0xc0: {  	vm15 =	vlt.s32 v8, v0;
	v63 =	vnsel vm0, $0x1400, v53;
	v3 =	vsel vm13, $0x1400, v61;
	[tilespmem:$0x70] =	vst v1  }
0xc1: {  	v0 =	vsel vm15, $0x1400, v63;
	[tilespmem:$0xB0] =	vst v3  }
0xc2: {  	[tilespmem:$0x20] =	vst v0  }
0xc3: {  	[bflag:$0x0] =	sbarrier.arrive $0xFFFF  }
0xc4: {  	[tilespmem:s12], [sflag:$0x2] =	stream.linear.gather [hbm4b:s16+s6], $0x4000, $0x38;
	[tilespmem:$0x12240] =	vst v63  }
0xc5: {  	_ = 	snop  }
0xc6: {  	[tilespmem:s11], [sflag:$0x3] =	stream.linear.gather [hbm4b:s19+s6], $0x4000, $0x38;
	[tilespmem:$0x12240] =	vst v63  }
0xc7: {  	_ =	swait.ge [sflag:s17], $0x4000  }
0xc8: {  	[sflag:s17] =	ssyncset.done $0x0  }
0xc9: {  	[sflag:s17] =	ssyncadd.s32 $0xFFFFC000  }
0xca: {  	[spmem:s2] =	stream.indirect.scatter.add.f32 [tilespmem:s12], [sflag:$0x1], $0x80, s6, s13, $0xb8;
	[tilespmem:$0x12240] =	vst v63  }
0xcb: {  	_ =	swait.ge [sflag:s15], $0x4000  }
0xcc: {  	[sflag:s15] =	ssyncset.done $0x0  }
0xcd: {  	[sflag:s15] =	ssyncadd.s32 $0xFFFFC000  }
0xce: {  	[tilespmem:s12], [sflag:$0x2] =	stream.linear.gather [hbm4b:s14+s6], $0x4000, $0x38;
	[tilespmem:$0x12240] =	vst v63  }
0xcf: {  	_ =	swait.ge [sflag:s18], $0x4000  }
0xd0: {  	[sflag:s18] =	ssyncset.done $0x0  }
0xd1: {  	[sflag:s18] =	ssyncadd.s32 $0xFFFFC000  }
0xd2: {  	[spmem:s2] =	stream.indirect.scatter.add.f32 [tilespmem:s11], [sflag:$0x1], $0x80, s13, s13, $0xb8;
	[tilespmem:$0x12240] =	vst v63  }
0xd3: {  	_ =	swait.ge [sflag:s15], $0x4000  }
0xd4: {  	[sflag:s15] =	ssyncset.done $0x0  }
0xd5: {  	[sflag:s15] =	ssyncadd.s32 $0xFFFFC000  }
0xd6: {  	[tilespmem:s11], [sflag:$0x3] =	stream.linear.gather [hbm4b:s10+s6], $0x4000, $0x38;
	[tilespmem:$0x12240] =	vst v63  }
0xd7: {  	_ =	swait.ge [sflag:s17], $0x4000  }
0xd8: {  	[sflag:s17] =	ssyncset.done $0x0  }
0xd9: {  	[sflag:s17] =	ssyncadd.s32 $0xFFFFC000  }
0xda: {  	[spmem:s2] =	stream.indirect.scatter.add.f32 [tilespmem:s12], [sflag:$0x1], $0x80, s21, s13, $0xb8;
	[tilespmem:$0x12240] =	vst v63  }
0xdb: {  	_ =	swait.ge [sflag:s15], $0x4000  }
0xdc: {  	[sflag:s15] =	ssyncset.done $0x0  }
0xdd: {  	[sflag:s15] =	ssyncadd.s32 $0xFFFFC000  }
0xde: {  	_ =	swait.ge [sflag:s18], $0x4000  }
0xdf: {  	[sflag:s18] =	ssyncset.done $0x0  }
0xe0: {  	[sflag:s18] =	ssyncadd.s32 $0xFFFFC000  }
0xe1: {  	[spmem:s2] =	stream.indirect.scatter.add.f32 [tilespmem:s11], [sflag:$0x1], $0x80, s20, s13, $0xb8;
	[tilespmem:$0x12240] =	vst v63  }
0xe2: {  	_ =	swait.ge [sflag:s15], $0x4000  }
0xe3: {  	[sflag:s15] =	ssyncset.done $0x0  }
0xe4: {  	[sflag:s15] =	ssyncadd.s32 $0xFFFFC000  }
0xe5: {  	[bflag:$0x0] =	sbarrier.arrive $0xFFFF  }
0xe6: {  	[hbm:s9], [sflag:s4] =	dma.local [spmem:s5], $0x1400  }
0xe7: {  	_ =	swait.ge [sflag:s3], $0x1400  }
0xe8: {  	[sflag:s3] =	ssyncset.done $0x0  }
0xe9: {  	[sflag:s3] =	ssyncadd.s32 $0xFFFFEC00  }
0xea: {  	_ =	sfence.sel $0x180000  }
0xeb: {  	[bflag:$0x0] =	sbarrier.arrive $0xFFFF  }
0xec: {  	p0 =	sne.s32 s1, $0x0;
	_ =	strace $0x90000053  }
0xed: {  	s0 =	sadd.s32 @!p0 $0x100000, s0;
	[bflag:$0x2] =	sbarrier.arrive $0xFFFF  }
0xee: {  	[sflag:s0] =	ssyncadd.tile.s32 @!p0 $0x1;
	_ =	shalt  }
.Lfunc_end2:
_tile_overlayer_lowered:
.L_overlay_start_2:
0xef: {  	(tag) =	ssettag $0x2  }
0xf0: {  	s0 =	rddreg [dreg:$0x0];
	s2 =	stileid.u32  }
0xf1: {  	s1 =	rddreg [dreg:$0x1];
	p0 =	sne.s32 s2, $0x0  }
0xf2: {  	s3 =	rddreg [dreg:$0x2];
	[bflag:$0x3] =	sbarrier.arrive $0xFFFF;
	s2 =	simm.s32 @!p0 $0x1C04  }
0xf3: {  	[timem:s3], [sflag:s2] =	dma.local @!p0 [hbm:s0], s1  }
0xf4: {  	s0 =	simm.s32 @!p0 $0x4  }
0xf5: {  	_ =	swait.ge @!p0 [sflag:s0], s1  }
0xf6: {  	s1 =	ssub.s32 @!p0 $0x0, s1;
	[sflag:s0] =	ssyncset.done @!p0 $0x0  }
0xf7: {  	[sflag:s0] =	ssyncadd.s32 @!p0 s1  }
0xf8: {  	[bflag:$0x3] =	sbarrier.arrive $0xFFFF  }
0xf9: {  	_ =	shalt  }

// kernel: kernel.24.cloned.1.call-start
scs
__scs_entry_jumppad:
0x0: {  	(pc) =	sbr.rel $0x88, $3  }
0x1: {  	(tag) =	ssettag $0x0;
	lr =	simm.s32 $0x1  }
0x2: {  	[smem:$0x3F96] =	sst lr;
	_ =	strace $0xD0000000  }
0x3: {  	_ = 	snop  }
0x4: {  	_ = 	snop  }
0x5: {  	_ = 	snop  }
0x6: {  	_ = 	snop  }
0x7: {  	_ = 	snop  }
__scs_overlays_trampoline_lowered:
0x8: {  	[smem:$0x3FA5] =	sst s0  }
0x9: {  	[smem:$0x3FA6] =	sst s1  }
0xa: {  	[smem:$0x3FA7] =	sst s2  }
0xb: {  	[smem:$0x3FA8] =	sst s3  }
0xc: {  	[smem:$0x3FA9] =	sst s4  }
0xd: {  	[smem:$0x3FAA] =	sst s5  }
0xe: {  	[smem:$0x3FAB] =	sst s6  }
0xf: {  	[smem:$0x3FAC] =	sst s7  }
0x10: {  	[smem:$0x3FAD] =	sst s8  }
0x11: {  	[smem:$0x3FAE] =	sst s9;
	s0 =	simm.s32 @!p0 $0x0  }
0x12: {  	s1 =	sld [smem:$0x3F94];
	s0 =	simm.s32 @p0 $0x1  }
0x13: {  	[smem:$0x3FAF] =	sst s0;
	s0 =	simm.s32 @!p1 $0x0  }
0x14: {  	s2 =	sld [smem:$0x3F93];
	s0 =	simm.s32 @p1 $0x1  }
0x15: {  	[smem:$0x3FB0] =	sst s0;
	s0 =	simm.s32 @!p2 $0x0  }
0x16: {  	s3 =	sld [smem:$0x3FDB];
	s0 =	simm.s32 @p2 $0x1  }
0x17: {  	s4 =	simm.s32 $0x1BF5;
	[smem:$0x3FB2] =	sst s0  }
0x18: {  	s0 =	sld [smem:$0x3F95];
	_ =	swait.ge [sflag:s4], $0x0  }
0x19: {  	s7 =	sld [smem:$0x3F96]  }
0x1a: {  	s8 =	sadd.s32 $0xFFFFE003, lr  }
0x1b: {  	s9 =	sadd.s32 $0xFFFFFEF7, lr;
	s5 =	simm.s32 $0xFFFFFFFF;
	p2 =	slt.u32 s8, $0xFFFFF086  }
0x1c: {  	p1 =	slt.u32 s9, $0xF7A;
	s5 =	simm.s32 @!p2 $0x0  }
0x1d: {  	s5 =	simm.s32 @p1 $0x1;
	p0 =	seq.s32 s7, s2  }
0x1e: {  	s7 =	smul.u32 @!p0 $0xF7A, s2;
	p2 =	seq.s32 @!p0 s5, $0x0  }
0x1f: {  	s9 =	smul.u32 $0xF7A, s1;
	s8 =	simm.s32 @!p0 $0x1BF5;
	p2 =	por !p2, p0  }
0x20: {  	[sflag:s8] =	ssyncset.s32 @!p0 $0xFFFFF086;
	s6 =	sadd.s32 @!p0 s3, s7;
	s7 =	simm.s32 @!p0 $0x108  }
0x21: {  	s3 =	sadd.s32 s3, s9;
	s6 =	sadd.s32 @!p0 $0x88, s6;
	s7 =	simm.s32 @p2 $0x1082  }
0x22: {  	[simem:s7], [sflag:s8] =	dma.local @!p0 [hbm:s6], $0xF7A  }
0x23: {  	s9 =	sor.u32 $0xD0000000, s2;
	s6 =	simm.s32 $0x108;
	_ =	swait.ge @!p0 [sflag:s8], $0x0  }
0x24: {  	s3 =	sadd.s32 $0x88, s3;
	s6 =	simm.s32 @!p1 $0x1082;
	[sflag:s4] =	ssyncset.s32 $0xFFFFF086  }
0x25: {  	[simem:s6], [sflag:s4] =	dma.local [hbm:s3], $0xF7A  }
0x26: {  	[smem:$0x3F96] =	sst s1;
	(tag) =	ssettag s2;
	_ =	strace s9  }
0x27: {  	s1 =	sld [smem:$0x3FA6]  }
0x28: {  	s2 =	sld [smem:$0x3FA7]  }
0x29: {  	s4 =	sld [smem:$0x3FA9]  }
0x2a: {  	p0 =	seq.s32 s5, $0x0;
	s5 =	sld [smem:$0x3FAA]  }
0x2b: {  	s6 =	sld [smem:$0x3FAB]  }
0x2c: {  	s7 =	sld [smem:$0x3FAC]  }
0x2d: {  	s3 =	simm.s32 $0x108;
	s8 =	sld [smem:$0x3FAD]  }
0x2e: {  	s3 =	simm.s32 @!p0 $0x1082;
	s9 =	sld [smem:$0x3FAE]  }
0x2f: {  	lr =	sadd.s32 s0, s3;
	s0 =	sld [smem:$0x3FA5]  }
0x30: {  	s3 =	sld [smem:$0x3FA8]  }
0x31: {  	[smem:$0x3FB1] =	sst s10  }
0x32: {  	s10 =	sld [smem:$0x3FAF];
	_ =	sdelay $0x3  }
0x33: {  	p0 =	seq.s32 s10, $0x1;
	s10 =	sld [smem:$0x3FB1];
	_ =	sdelay $0x3  }
0x34: {  	[smem:$0x3FB1] =	sst s10  }
0x35: {  	s10 =	sld [smem:$0x3FB0];
	_ =	sdelay $0x3  }
0x36: {  	p1 =	seq.s32 s10, $0x1;
	s10 =	sld [smem:$0x3FB1];
	_ =	sdelay $0x3  }
0x37: {  	[smem:$0x3FB1] =	sst s10  }
0x38: {  	s10 =	sld [smem:$0x3FB2]  }
0x39: {  	_ = 	snop;
	(pc) =	sbr.ind lr, $3  }
0x3a: {  	_ = 	snop  }
0x3b: {  	_ = 	snop  }
0x3c: {  	p2 =	seq.s32 s10, $0x1;
	s10 =	sld [smem:$0x3FB1]  }
0x3d: {  	_ =	shalt  }
0x3e: {  	_ =	shalt  }
0x3f: {  	_ =	shalt  }
0x40: {  	_ =	shalt  }
0x41: {  	_ =	shalt  }
0x42: {  	_ =	shalt  }
0x43: {  	_ =	shalt  }
0x44: {  	_ =	shalt  }
0x45: {  	_ =	shalt  }
0x46: {  	_ =	shalt  }
0x47: {  	_ =	shalt  }
0x48: {  	_ =	shalt  }
0x49: {  	_ =	shalt  }
0x4a: {  	_ =	shalt  }
0x4b: {  	_ =	shalt  }
0x4c: {  	_ =	shalt  }
0x4d: {  	_ =	shalt  }
0x4e: {  	_ =	shalt  }
0x4f: {  	_ =	shalt  }
0x50: {  	_ =	shalt  }
0x51: {  	_ =	shalt  }
0x52: {  	_ =	shalt  }
0x53: {  	_ =	shalt  }
0x54: {  	_ =	shalt  }
0x55: {  	_ =	shalt  }
0x56: {  	_ =	shalt  }
0x57: {  	_ =	shalt  }
0x58: {  	_ =	shalt  }
0x59: {  	_ =	shalt  }
0x5a: {  	_ =	shalt  }
0x5b: {  	_ =	shalt  }
0x5c: {  	_ =	shalt  }
0x5d: {  	_ =	shalt  }
0x5e: {  	_ =	shalt  }
0x5f: {  	_ =	shalt  }
0x60: {  	_ =	shalt  }
0x61: {  	_ =	shalt  }
0x62: {  	_ =	shalt  }
0x63: {  	_ =	shalt  }
0x64: {  	_ =	shalt  }
0x65: {  	_ =	shalt  }
0x66: {  	_ =	shalt  }
0x67: {  	_ =	shalt  }
0x68: {  	_ =	shalt  }
0x69: {  	_ =	shalt  }
0x6a: {  	_ =	shalt  }
0x6b: {  	_ =	shalt  }
0x6c: {  	_ =	shalt  }
0x6d: {  	_ =	shalt  }
0x6e: {  	_ =	shalt  }
0x6f: {  	_ =	shalt  }
0x70: {  	_ =	shalt  }
0x71: {  	_ =	shalt  }
0x72: {  	_ =	shalt  }
0x73: {  	_ =	shalt  }
0x74: {  	_ =	shalt  }
0x75: {  	_ =	shalt  }
0x76: {  	_ =	shalt  }
0x77: {  	_ =	shalt  }
0x78: {  	_ =	shalt  }
0x79: {  	_ =	shalt  }
0x7a: {  	_ =	shalt  }
0x7b: {  	_ =	shalt  }
0x7c: {  	_ =	shalt  }
0x7d: {  	_ =	shalt  }
0x7e: {  	_ =	shalt  }
0x7f: {  	_ =	shalt  }
0x80: {  	_ =	shalt  }
0x81: {  	_ =	shalt  }
0x82: {  	_ =	shalt  }
0x83: {  	_ =	shalt  }
0x84: {  	_ =	shalt  }
0x85: {  	_ =	shalt  }
0x86: {  	_ =	shalt  }
0x87: {  	_ =	shalt  }
.Lfunc_end0:
.L_simem_size_0:
called_computation.4_lowered:
.L_overlay_start_0:
0x88: {  	s2 =	sld [smem:$0x3FD9]  }
0x89: {  	s3 =	sld [smem:$0x3FFE];
	_ =	sdelay $0x1  }
0x8a: {  	s1 =	srdreg.scid  }
0x8b: {  	s0 =	sand.u32 $0x1, s1  }
0x8c: {  	s17 =	sshll.u32 s0, $0xA;
	s2 =	sadd.s32 s3, s2  }
0x8d: {  	s2 =	sadd.s32 s2, s17  }
0x8e: {  	[smem:$0x3FBD] =	sst s2  }
0x8f: {  	_ = 	snop  }
0x90: {  	s18 =	sld [smem:$0x3FD0];
	(tm) =	ssettm $0x1  }
0x91: {  	s19 =	sld [smem:$0x3FFB];
	_ =	sdelay $0x3  }
0x92: {  	_ =	strace s19  }
0x93: {  	s2 =	sld [smem:$0x3FFC];
	_ =	sdelay $0x3  }
0x94: {  	_ =	strace s2  }
0x95: {  	s2 =	sld [smem:$0x3FFD];
	_ =	sdelay $0x3  }
0x96: {  	_ =	strace s2  }
0x97: {  	_ =	strace $0x8FFFFFFF  }
0x98: {  	s20 =	sld [smem:$0x3FDB];
	_ =	sdelay $0x1  }
0x99: {  	s4 =	simm.s32 $_scs_section_size  }
0x9a: {  	s5 =	simm.s32 $_size__tile_overlayer_lowered;
	s6 =	simm.s32 $_tile_overlayer_lowered  }
0x9b: {  	s7 =	simm.s32 $0x1BFF;
	s21 =	sshll.u32 s6, $0x1;
	s4 =	sadd.s32 s4, s20  }
0x9c: {  	s22 =	simm.s32 $0x0;
	s5 =	sshll.u32 s5, $0x1;
	s6 =	sadd.s32 s21, s4  }
0x9d: {  	[timem:s22], [sflag:s7] =	dma.local [hbm:s6], s5  }
0x9e: {  	_ =	swait.ge [sflag:s7], s5  }
0x9f: {  	s5 =	ssub.s32 $0x0, s5;
	[sflag:s7] =	ssyncset.done $0x0  }
0xa0: {  	[sflag:s7] =	ssyncadd.s32 s5;
	_ =	sdelay $0x1  }
0xa1: {  	s23 =	simm.s32 $0x1B8B  }
0xa2: {  	_ =	swait.ge [sflag:s23], $0x1  }
0xa3: {  	[sflag:s23] =	ssyncset.done $0x0  }
0xa4: {  	[sflag:s23] =	ssyncadd.s32 $0xFFFFFFFF  }
0xa5: {  	s5 =	sld [smem:$0x0]  }
0xa6: {  	s6 =	sand.u32 $0xFFFFFFFE, s1  }
0xa7: {  	p0 =	sne.s32 s1, s6  }
0xa8: {  	s6 =	sshll.u32 @p0 s6, $0xE  }
0xa9: {  	s6 =	sadd.s32 @p0 $0x11B8D, s6;
	s7 =	sshll.u32 @p0 s5, $0x11  }
0xaa: {  	s6 =	sor.u32 @p0 s7, s6  }
0xab: {  	[sflag:s6] =	ssyncadd.remote.s32 @p0 $0x1;
	_ =	sdelay $0x1  }
0xac: {  	s6 =	simm.s32 @p0 $0x1B8D  }
0xad: {  	_ =	swait.eq @p0 [sflag:s6], $0x1  }
0xae: {  	[sflag:s6] =	ssyncadd.s32 @p0 $0xFFFFFFFF  }
0xaf: {  	s7 =	sshll.u32 @!p0 s1, $0xE  }
0xb0: {  	s7 =	sor.u32 @!p0 $0x4000, s7;
	s6 =	simm.s32 @!p0 $0x1B8D  }
0xb1: {  	s5 =	sshll.u32 @!p0 s5, $0x11;
	s7 =	sadd.s32 @!p0 $0x11B8D, s7;
	_ =	swait.eq @!p0 [sflag:s6], $0x1  }
0xb2: {  	s5 =	sor.u32 @!p0 s5, s7;
	[sflag:s6] =	ssyncadd.s32 @!p0 $0xFFFFFFFF  }
0xb3: {  	s25 =	simm.s32 $0x1B8E;
	s24 =	sld [smem:$0x3FFE];
	[sflag:s5] =	ssyncadd.remote.s32 @!p0 $0x1  }
0xb4: {  	s26 =	simm.s32 $execute0_lowered;
	[smem:$0x3FD2] =	sst s25  }
0xb5: {  	s6 =	sshll.u32 s26, $0x1;
	_ =	strace $0x8000004C;
	[dreg:$0x1] =	wrdreg $0xFFFFFFFF  }
0xb6: {  	s28 =	simm.s32 $_size_execute0_lowered;
	s4 =	sadd.s32 s4, s6;
	[dreg:$0x0] =	wrdreg $0x0  }
0xb7: {  	s6 =	sshll.u32 s28, $0x1;
	[dreg:$0x2] =	wrdreg s4  }
0xb8: {  	[dreg:$0x3] =	wrdreg s6  }
0xb9: {  	[dreg:$0x4] =	wrdreg $0xC0  }
0xba: {  	_ =	task [dreg:s22], $0x5FFFF  }
0xbb: {  	[dreg:$0x1] =	wrdreg $0xFFFFFFFF  }
0xbc: {  	[dreg:$0x0] =	wrdreg $0x60  }
0xbd: {  	[dreg:$0x2] =	wrdreg s24  }
0xbe: {  	[dreg:$0x3] =	wrdreg s18  }
0xbf: {  	[dreg:$0x4] =	wrdreg $0xA  }
0xc0: {  	_ =	task.clear_ibuf [dreg:s22], $0x5FFFF;
	_ =	strace $0x9000004C  }
0xc1: {  	s29 =	simm.s32 $0xA;
	_ =	strace $0x8000004E  }
0xc2: {  	_ =	swait.ge [sflag:s29], $0x1  }
0xc3: {  	[sflag:s29] =	ssyncadd.s32 $0xFFFFFFFF  }
0xc4: {  	_ =	strace $0x9000004E  }
0xc5: {  	_ =	sfence  }
0xc6: {  	s30 =	sld [smem:$0x0];
	_ =	sdelay $0x2  }
0xc7: {  	s31 =	sshll.u32 s1, $0xD;
	s1 =	sshrl.u32 s1, $0x2  }
0xc8: {  	s4 =	sand.u32 $0x4000, s31;
	s1 =	sadd.s32 s1, s30  }
0xc9: {  	s0 =	sor.u32 s4, s0;
	s1 =	sshll.u32 s1, $0x11  }
0xca: {  	s0 =	sor.u32 s1, s0  }
0xcb: {  	s0 =	sadd.s32 $0x8F2B, s0  }
0xcc: {  	[sflag:s0] =	ssyncadd.remote.s32 $0x1  }
0xcd: {  	_ =	sfence.sel $0xFFFF  }
0xce: {  	[dreg:$0x0] =	wrdreg $0xFFFFFFFF;
	(pc) =	sbr.abs _section_cstart, $3  }
0xcf: {  	[dreg:$0x1] =	wrdreg $0xFFFFFFFF  }
0xd0: {  	_ =	task.clear_ibuf [dreg:s22], $0x2FFFF;
	_ =	strace $0x9FFFFFFF  }
0xd1: {  	(tm) =	ssettm $0x7FFFFFFF  }
tec
execute0_lowered:
.L_overlay_start_1:
0x0: {  	(tag) =	ssettag $0x1  }
0x1: {  	s1 =	srdreg.scid  }
0x2: {  	s0 =	stileid.u32;
	s6 =	sand.u32 $0x1, s1  }
0x3: {  	s5 =	rddreg [dreg:$0x0];
	s31 =	sshll.u32 s0, $0x8;
	s2 =	sshll.u32 s6, $0x7  }
0x4: {  	s8 =	rddreg [dreg:$0x1];
	s9 =	sor.u32 s2, s31  }
0x5: {  	s1 =	rddreg [dreg:$0x2];
	s2 =	simm.s32 $0x0;
	s3 =	sshrl.u32 s9, $0x3  }
0x6: {  	s4 =	simm.s32 $0x3;
	[smem:$0x7FF] =	sst s2;
	s3 =	sadd.s32 s3, s5  }
0x7: {  	s10 =	ssub.s32 $0x2, s6;
	_ =	strace $0x8000004D;
	s3 =	sadd.s32 $0x6C400, s3  }
0x8: {  	[tilespmem:s2], [sflag:$0x3] =	stream.linear.gather [hbm4b:s3+s2], $0x80, $0x38;
	[tilespmem:$0x4080] =	vst v63  }
0x9: {  	s7 =	simm.s32 $0x1;
	s11 =	sshrl.u32 s10, $0x1;
	_ =	swait.ge [sflag:s4], $0x80  }
0xa: {  	s6 =	simm.s32 $0x80;
	s10 =	ssub.s32 s10, s11;
	[sflag:s4] =	ssyncset.done $0x0  }
0xb: {  	s5 =	sadd.s32 $0x4E00, s5;
	s10 =	smax.u32 s10, $0x1;
	[sflag:s4] =	ssyncadd.s32 $0xFFFFFF80  }
0xc: {  	[tilespmem:s6], [sflag:$0x1] =	stream.indirect.gather [hbm4b:s5+s6], $0x80, s2, s6, $0xb8;
	[tilespmem:$0x4080] =	vst v63  }
0xd: {  	p0 =	sne.s32 s10, $0x1;
	_ =	swait.ge [sflag:s7], $0x4000  }
.Ltmp0:
0xe: {  	s9 =	sshll.u32 s9, $0x4;
	[sflag:s7] =	ssyncset.done $0x0;
	(pc) =	sbr.rel @!p0 .LBB2_2-.Ltmp0, $4  }
0xf: {  	s8 =	sadd.s32 s8, s9;
	s9 =	simm.s32 $0x2;
	[sflag:s7] =	ssyncadd.s32 $0xFFFFC000  }
0x10: {  	[hbm4b:s8+s2] =	stream.linear.scatter [tilespmem:s6], [sflag:$0x2], $0x4000, $0x38;
	[tilespmem:$0x4080] =	vst v63  }
0x11: {  	_ =	swait.ge [sflag:s9], $0x4000  }
0x12: {  	s10 =	sadd.s32 $0xFFFFFFFF, s10;
	[sflag:s9] =	ssyncset.done $0x0  }
.LBB2_1:
0x13: {  	p0 =	sne.s32 s10, $0x1;
	s10 =	sadd.s32 $0xFFFFFFFF, s10;
	[sflag:s9] =	ssyncadd.s32 $0xFFFFC000  }
0x14: {  	[tilespmem:s2], [sflag:$0x3] =	stream.linear.gather [hbm4b:s3+s2], $0x80, $0x38;
	[tilespmem:$0x4080] =	vst v63  }
0x15: {  	_ =	swait.ge [sflag:s4], $0x80  }
0x16: {  	[sflag:s4] =	ssyncset.done $0x0  }
0x17: {  	[sflag:s4] =	ssyncadd.s32 $0xFFFFFF80  }
0x18: {  	[tilespmem:s6], [sflag:$0x1] =	stream.indirect.gather [hbm4b:s5+s6], $0x80, s2, s6, $0xb8;
	[tilespmem:$0x4080] =	vst v63  }
0x19: {  	_ =	swait.ge [sflag:s7], $0x4000  }
.Ltmp1:
0x1a: {  	[sflag:s7] =	ssyncset.done $0x0;
	(pc) =	sbr.rel @p0 .LBB2_1-.Ltmp1, $4  }
0x1b: {  	[sflag:s7] =	ssyncadd.s32 $0xFFFFC000  }
0x1c: {  	[hbm4b:s8+s2] =	stream.linear.scatter [tilespmem:s6], [sflag:$0x2], $0x4000, $0x38;
	[tilespmem:$0x4080] =	vst v63  }
0x1d: {  	_ =	swait.ge [sflag:s9], $0x4000  }
0x1e: {  	[sflag:s9] =	ssyncset.done $0x0  }
.LBB2_2:
0x1f: {  	[sflag:s9] =	ssyncadd.s32 $0xFFFFC000  }
0x20: {  	_ =	sfence.sel $0x180000  }
0x21: {  	[bflag:$0x0] =	sbarrier.arrive $0xFFFF  }
0x22: {  	p0 =	sne.s32 s0, $0x0;
	_ =	strace $0x9000004D  }
0x23: {  	s0 =	sadd.s32 @!p0 $0x100000, s1;
	[bflag:$0x2] =	sbarrier.arrive $0xFFFF  }
0x24: {  	[sflag:s0] =	ssyncadd.tile.s32 @!p0 $0x1;
	_ =	shalt  }
.Lfunc_end2:
_tile_overlayer_lowered:
.L_overlay_start_2:
0x25: {  	(tag) =	ssettag $0x2  }
0x26: {  	s0 =	rddreg [dreg:$0x0];
	s2 =	stileid.u32  }
0x27: {  	s1 =	rddreg [dreg:$0x1];
	p0 =	sne.s32 s2, $0x0  }
0x28: {  	s3 =	rddreg [dreg:$0x2];
	[bflag:$0x3] =	sbarrier.arrive $0xFFFF;
	s2 =	simm.s32 @!p0 $0x1C03  }
0x29: {  	[timem:s3], [sflag:s2] =	dma.local @!p0 [hbm:s0], s1  }
0x2a: {  	s0 =	simm.s32 @!p0 $0x3  }
0x2b: {  	_ =	swait.ge @!p0 [sflag:s0], s1  }
0x2c: {  	s1 =	ssub.s32 @!p0 $0x0, s1;
	[sflag:s0] =	ssyncset.done @!p0 $0x0  }
0x2d: {  	[sflag:s0] =	ssyncadd.s32 @!p0 s1  }
0x2e: {  	[bflag:$0x3] =	sbarrier.arrive $0xFFFF  }
0x2f: {  	_ =	shalt  }

// kernel: kernel.27.cloned.1.call-start
scs
__scs_entry_jumppad:
0x0: {  	(pc) =	sbr.rel $0x88, $3  }
0x1: {  	(tag) =	ssettag $0x0;
	lr =	simm.s32 $0x1  }
0x2: {  	[smem:$0x3F96] =	sst lr;
	_ =	strace $0xD0000000  }
0x3: {  	_ = 	snop  }
0x4: {  	_ = 	snop  }
0x5: {  	_ = 	snop  }
0x6: {  	_ = 	snop  }
0x7: {  	_ = 	snop  }
__scs_overlays_trampoline_lowered:
0x8: {  	[smem:$0x3FA5] =	sst s0  }
0x9: {  	[smem:$0x3FA6] =	sst s1  }
0xa: {  	[smem:$0x3FA7] =	sst s2  }
0xb: {  	[smem:$0x3FA8] =	sst s3  }
0xc: {  	[smem:$0x3FA9] =	sst s4  }
0xd: {  	[smem:$0x3FAA] =	sst s5  }
0xe: {  	[smem:$0x3FAB] =	sst s6  }
0xf: {  	[smem:$0x3FAC] =	sst s7  }
0x10: {  	[smem:$0x3FAD] =	sst s8  }
0x11: {  	[smem:$0x3FAE] =	sst s9;
	s0 =	simm.s32 @!p0 $0x0  }
0x12: {  	s1 =	sld [smem:$0x3F94];
	s0 =	simm.s32 @p0 $0x1  }
0x13: {  	[smem:$0x3FAF] =	sst s0;
	s0 =	simm.s32 @!p1 $0x0  }
0x14: {  	s2 =	sld [smem:$0x3F93];
	s0 =	simm.s32 @p1 $0x1  }
0x15: {  	[smem:$0x3FB0] =	sst s0;
	s0 =	simm.s32 @!p2 $0x0  }
0x16: {  	s3 =	sld [smem:$0x3FDB];
	s0 =	simm.s32 @p2 $0x1  }
0x17: {  	s4 =	simm.s32 $0x1BF5;
	[smem:$0x3FB2] =	sst s0  }
0x18: {  	s0 =	sld [smem:$0x3F95];
	_ =	swait.ge [sflag:s4], $0x0  }
0x19: {  	s7 =	sld [smem:$0x3F96]  }
0x1a: {  	s8 =	sadd.s32 $0xFFFFE003, lr  }
0x1b: {  	s9 =	sadd.s32 $0xFFFFFEF7, lr;
	s5 =	simm.s32 $0xFFFFFFFF;
	p2 =	slt.u32 s8, $0xFFFFF086  }
0x1c: {  	p1 =	slt.u32 s9, $0xF7A;
	s5 =	simm.s32 @!p2 $0x0  }
0x1d: {  	s5 =	simm.s32 @p1 $0x1;
	p0 =	seq.s32 s7, s2  }
0x1e: {  	s7 =	smul.u32 @!p0 $0xF7A, s2;
	p2 =	seq.s32 @!p0 s5, $0x0  }
0x1f: {  	s9 =	smul.u32 $0xF7A, s1;
	s8 =	simm.s32 @!p0 $0x1BF5;
	p2 =	por !p2, p0  }
0x20: {  	[sflag:s8] =	ssyncset.s32 @!p0 $0xFFFFF086;
	s6 =	sadd.s32 @!p0 s3, s7;
	s7 =	simm.s32 @!p0 $0x108  }
0x21: {  	s3 =	sadd.s32 s3, s9;
	s6 =	sadd.s32 @!p0 $0x88, s6;
	s7 =	simm.s32 @p2 $0x1082  }
0x22: {  	[simem:s7], [sflag:s8] =	dma.local @!p0 [hbm:s6], $0xF7A  }
0x23: {  	s9 =	sor.u32 $0xD0000000, s2;
	s6 =	simm.s32 $0x108;
	_ =	swait.ge @!p0 [sflag:s8], $0x0  }
0x24: {  	s3 =	sadd.s32 $0x88, s3;
	s6 =	simm.s32 @!p1 $0x1082;
	[sflag:s4] =	ssyncset.s32 $0xFFFFF086  }
0x25: {  	[simem:s6], [sflag:s4] =	dma.local [hbm:s3], $0xF7A  }
0x26: {  	[smem:$0x3F96] =	sst s1;
	(tag) =	ssettag s2;
	_ =	strace s9  }
0x27: {  	s1 =	sld [smem:$0x3FA6]  }
0x28: {  	s2 =	sld [smem:$0x3FA7]  }
0x29: {  	s4 =	sld [smem:$0x3FA9]  }
0x2a: {  	p0 =	seq.s32 s5, $0x0;
	s5 =	sld [smem:$0x3FAA]  }
0x2b: {  	s6 =	sld [smem:$0x3FAB]  }
0x2c: {  	s7 =	sld [smem:$0x3FAC]  }
0x2d: {  	s3 =	simm.s32 $0x108;
	s8 =	sld [smem:$0x3FAD]  }
0x2e: {  	s3 =	simm.s32 @!p0 $0x1082;
	s9 =	sld [smem:$0x3FAE]  }
0x2f: {  	lr =	sadd.s32 s0, s3;
	s0 =	sld [smem:$0x3FA5]  }
0x30: {  	s3 =	sld [smem:$0x3FA8]  }
0x31: {  	[smem:$0x3FB1] =	sst s10  }
0x32: {  	s10 =	sld [smem:$0x3FAF];
	_ =	sdelay $0x3  }
0x33: {  	p0 =	seq.s32 s10, $0x1;
	s10 =	sld [smem:$0x3FB1];
	_ =	sdelay $0x3  }
0x34: {  	[smem:$0x3FB1] =	sst s10  }
0x35: {  	s10 =	sld [smem:$0x3FB0];
	_ =	sdelay $0x3  }
0x36: {  	p1 =	seq.s32 s10, $0x1;
	s10 =	sld [smem:$0x3FB1];
	_ =	sdelay $0x3  }
0x37: {  	[smem:$0x3FB1] =	sst s10  }
0x38: {  	s10 =	sld [smem:$0x3FB2]  }
0x39: {  	_ = 	snop;
	(pc) =	sbr.ind lr, $3  }
0x3a: {  	_ = 	snop  }
0x3b: {  	_ = 	snop  }
0x3c: {  	p2 =	seq.s32 s10, $0x1;
	s10 =	sld [smem:$0x3FB1]  }
0x3d: {  	_ =	shalt  }
0x3e: {  	_ =	shalt  }
0x3f: {  	_ =	shalt  }
0x40: {  	_ =	shalt  }
0x41: {  	_ =	shalt  }
0x42: {  	_ =	shalt  }
0x43: {  	_ =	shalt  }
0x44: {  	_ =	shalt  }
0x45: {  	_ =	shalt  }
0x46: {  	_ =	shalt  }
0x47: {  	_ =	shalt  }
0x48: {  	_ =	shalt  }
0x49: {  	_ =	shalt  }
0x4a: {  	_ =	shalt  }
0x4b: {  	_ =	shalt  }
0x4c: {  	_ =	shalt  }
0x4d: {  	_ =	shalt  }
0x4e: {  	_ =	shalt  }
0x4f: {  	_ =	shalt  }
0x50: {  	_ =	shalt  }
0x51: {  	_ =	shalt  }
0x52: {  	_ =	shalt  }
0x53: {  	_ =	shalt  }
0x54: {  	_ =	shalt  }
0x55: {  	_ =	shalt  }
0x56: {  	_ =	shalt  }
0x57: {  	_ =	shalt  }
0x58: {  	_ =	shalt  }
0x59: {  	_ =	shalt  }
0x5a: {  	_ =	shalt  }
0x5b: {  	_ =	shalt  }
0x5c: {  	_ =	shalt  }
0x5d: {  	_ =	shalt  }
0x5e: {  	_ =	shalt  }
0x5f: {  	_ =	shalt  }
0x60: {  	_ =	shalt  }
0x61: {  	_ =	shalt  }
0x62: {  	_ =	shalt  }
0x63: {  	_ =	shalt  }
0x64: {  	_ =	shalt  }
0x65: {  	_ =	shalt  }
0x66: {  	_ =	shalt  }
0x67: {  	_ =	shalt  }
0x68: {  	_ =	shalt  }
0x69: {  	_ =	shalt  }
0x6a: {  	_ =	shalt  }
0x6b: {  	_ =	shalt  }
0x6c: {  	_ =	shalt  }
0x6d: {  	_ =	shalt  }
0x6e: {  	_ =	shalt  }
0x6f: {  	_ =	shalt  }
0x70: {  	_ =	shalt  }
0x71: {  	_ =	shalt  }
0x72: {  	_ =	shalt  }
0x73: {  	_ =	shalt  }
0x74: {  	_ =	shalt  }
0x75: {  	_ =	shalt  }
0x76: {  	_ =	shalt  }
0x77: {  	_ =	shalt  }
0x78: {  	_ =	shalt  }
0x79: {  	_ =	shalt  }
0x7a: {  	_ =	shalt  }
0x7b: {  	_ =	shalt  }
0x7c: {  	_ =	shalt  }
0x7d: {  	_ =	shalt  }
0x7e: {  	_ =	shalt  }
0x7f: {  	_ =	shalt  }
0x80: {  	_ =	shalt  }
0x81: {  	_ =	shalt  }
0x82: {  	_ =	shalt  }
0x83: {  	_ =	shalt  }
0x84: {  	_ =	shalt  }
0x85: {  	_ =	shalt  }
0x86: {  	_ =	shalt  }
0x87: {  	_ =	shalt  }
.Lfunc_end0:
.L_simem_size_0:
called_computation.5_lowered:
.L_overlay_start_0:
0x88: {  	s2 =	sld [smem:$0x3FD9]  }
0x89: {  	s3 =	sld [smem:$0x3FFE];
	_ =	sdelay $0x1  }
0x8a: {  	s1 =	srdreg.scid  }
0x8b: {  	s0 =	sand.u32 $0x1, s1  }
0x8c: {  	s17 =	sshll.u32 s0, $0xA;
	s2 =	sadd.s32 s3, s2  }
0x8d: {  	s2 =	sadd.s32 s2, s17  }
0x8e: {  	[smem:$0x3FBD] =	sst s2  }
0x8f: {  	_ = 	snop  }
0x90: {  	s18 =	sld [smem:$0x3FD0];
	(tm) =	ssettm $0x1  }
0x91: {  	s19 =	sld [smem:$0x3FFB];
	_ =	sdelay $0x3  }
0x92: {  	_ =	strace s19  }
0x93: {  	s2 =	sld [smem:$0x3FFC];
	_ =	sdelay $0x3  }
0x94: {  	_ =	strace s2  }
0x95: {  	s2 =	sld [smem:$0x3FFD];
	_ =	sdelay $0x3  }
0x96: {  	_ =	strace s2  }
0x97: {  	_ =	strace $0x8FFFFFFF  }
0x98: {  	s20 =	sld [smem:$0x3FDB];
	_ =	sdelay $0x1  }
0x99: {  	s4 =	simm.s32 $_scs_section_size  }
0x9a: {  	s5 =	simm.s32 $_size__tile_overlayer_lowered;
	s6 =	simm.s32 $_tile_overlayer_lowered  }
0x9b: {  	s7 =	simm.s32 $0x1BFF;
	s21 =	sshll.u32 s6, $0x1;
	s4 =	sadd.s32 s4, s20  }
0x9c: {  	s22 =	simm.s32 $0x0;
	s5 =	sshll.u32 s5, $0x1;
	s6 =	sadd.s32 s21, s4  }
0x9d: {  	[timem:s22], [sflag:s7] =	dma.local [hbm:s6], s5  }
0x9e: {  	_ =	swait.ge [sflag:s7], s5  }
0x9f: {  	s5 =	ssub.s32 $0x0, s5;
	[sflag:s7] =	ssyncset.done $0x0  }
0xa0: {  	[sflag:s7] =	ssyncadd.s32 s5;
	_ =	sdelay $0x1  }
0xa1: {  	s23 =	simm.s32 $0x1B8B  }
0xa2: {  	_ =	swait.ge [sflag:s23], $0x1  }
0xa3: {  	[sflag:s23] =	ssyncset.done $0x0  }
0xa4: {  	[sflag:s23] =	ssyncadd.s32 $0xFFFFFFFF  }
0xa5: {  	s5 =	sld [smem:$0x0]  }
0xa6: {  	s6 =	sand.u32 $0xFFFFFFFE, s1  }
0xa7: {  	p0 =	sne.s32 s1, s6  }
0xa8: {  	s6 =	sshll.u32 @p0 s6, $0xE  }
0xa9: {  	s6 =	sadd.s32 @p0 $0x11B8D, s6;
	s7 =	sshll.u32 @p0 s5, $0x11  }
0xaa: {  	s6 =	sor.u32 @p0 s7, s6  }
0xab: {  	[sflag:s6] =	ssyncadd.remote.s32 @p0 $0x1;
	_ =	sdelay $0x1  }
0xac: {  	s6 =	simm.s32 @p0 $0x1B8D  }
0xad: {  	_ =	swait.eq @p0 [sflag:s6], $0x1  }
0xae: {  	[sflag:s6] =	ssyncadd.s32 @p0 $0xFFFFFFFF  }
0xaf: {  	s7 =	sshll.u32 @!p0 s1, $0xE  }
0xb0: {  	s7 =	sor.u32 @!p0 $0x4000, s7;
	s6 =	simm.s32 @!p0 $0x1B8D  }
0xb1: {  	s5 =	sshll.u32 @!p0 s5, $0x11;
	s7 =	sadd.s32 @!p0 $0x11B8D, s7;
	_ =	swait.eq @!p0 [sflag:s6], $0x1  }
0xb2: {  	s5 =	sor.u32 @!p0 s5, s7;
	[sflag:s6] =	ssyncadd.s32 @!p0 $0xFFFFFFFF  }
0xb3: {  	s25 =	simm.s32 $0x1B8E;
	s24 =	sld [smem:$0x3FFE];
	[sflag:s5] =	ssyncadd.remote.s32 @!p0 $0x1  }
0xb4: {  	s26 =	simm.s32 $execute0_lowered;
	[smem:$0x3FD2] =	sst s25  }
0xb5: {  	s6 =	sshll.u32 s26, $0x1;
	_ =	strace $0x80000055;
	[dreg:$0x1] =	wrdreg $0xFFFFFFFF  }
0xb6: {  	s28 =	simm.s32 $_size_execute0_lowered;
	s4 =	sadd.s32 s4, s6;
	[dreg:$0x0] =	wrdreg $0x0  }
0xb7: {  	s6 =	sshll.u32 s28, $0x1;
	[dreg:$0x2] =	wrdreg s4  }
0xb8: {  	[dreg:$0x3] =	wrdreg s6  }
0xb9: {  	[dreg:$0x4] =	wrdreg $0xC0  }
0xba: {  	_ =	task [dreg:s22], $0x5FFFF  }
0xbb: {  	[dreg:$0x1] =	wrdreg $0xFFFFFFFF  }
0xbc: {  	[dreg:$0x0] =	wrdreg $0x60  }
0xbd: {  	[dreg:$0x2] =	wrdreg s18  }
0xbe: {  	[dreg:$0x3] =	wrdreg s24  }
0xbf: {  	[dreg:$0x4] =	wrdreg $0x81000  }
0xc0: {  	[dreg:$0x5] =	wrdreg $0xA  }
0xc1: {  	_ =	task.clear_ibuf [dreg:s22], $0x6FFFF;
	_ =	strace $0x90000055  }
0xc2: {  	s29 =	simm.s32 $0xA;
	_ =	strace $0x80000057  }
0xc3: {  	_ =	swait.ge [sflag:s29], $0x1  }
0xc4: {  	[sflag:s29] =	ssyncadd.s32 $0xFFFFFFFF  }
0xc5: {  	_ =	strace $0x90000057  }
0xc6: {  	_ =	sfence  }
0xc7: {  	s30 =	sld [smem:$0x0];
	_ =	sdelay $0x2  }
0xc8: {  	s31 =	sshll.u32 s1, $0xD;
	s1 =	sshrl.u32 s1, $0x2  }
0xc9: {  	s4 =	sand.u32 $0x4000, s31;
	s1 =	sadd.s32 s1, s30  }
0xca: {  	s0 =	sor.u32 s4, s0;
	s1 =	sshll.u32 s1, $0x11  }
0xcb: {  	s0 =	sor.u32 s1, s0  }
0xcc: {  	s0 =	sadd.s32 $0x8F2B, s0  }
0xcd: {  	[sflag:s0] =	ssyncadd.remote.s32 $0x1  }
0xce: {  	_ =	sfence.sel $0xFFFF  }
0xcf: {  	[dreg:$0x0] =	wrdreg $0xFFFFFFFF;
	(pc) =	sbr.abs _section_cstart, $3  }
0xd0: {  	[dreg:$0x1] =	wrdreg $0xFFFFFFFF  }
0xd1: {  	_ =	task.clear_ibuf [dreg:s22], $0x2FFFF;
	_ =	strace $0x9FFFFFFF  }
0xd2: {  	(tm) =	ssettm $0x7FFFFFFF  }
0xd3: {  	_ =	shalt  }
tec
execute0_lowered:
.L_overlay_start_1:
0x0: {  	(tag) =	ssettag $0x1  }
0x1: {  	s9 =	rddreg [dreg:$0x0]  }
0x2: {  	s10 =	rddreg [dreg:$0x1];
	s1 =	stileid.u32  }
0x3: {  	s2 =	rddreg [dreg:$0x2];
	s3 =	smul.u32 $0x28000, s1  }
0x4: {  	s0 =	rddreg [dreg:$0x3];
	s6 =	simm.s32 $0x0  }
0x5: {  	[smem:$0x7FF] =	sst s6;
	s7 =	sadd.s32 $0xBA800, s10;
	s3 =	sshrl.u32 s3, $0x2  }
0x6: {  	s4 =	sshll.u32 s1, $0x6;
	_ =	strace $0x80000056;
	s3 =	sadd.s32 s3, s2  }
0x7: {  	s4 =	sor.u32 $0x1C04, s4;
	s5 =	sshrl.u32 s3, $0x3;
	s3 =	simm.s32 $0x4  }
0x8: {  	[spmem:s5], [sflag:s4] =	dma.local [hbm:s7], $0x1400  }
0x9: {  	s8 =	sshll.u32 s1, $0x5;
	_ =	swait.ge [sflag:s3], $0x1400  }
0xa: {  	s8 =	sadd.s32 s8, s10;
	[sflag:s3] =	ssyncset.done $0x0  }
0xb: {  	s8 =	sadd.s32 $0x6C000, s8;
	[sflag:s3] =	ssyncadd.s32 $0xFFFFEC00  }
0xc: {  	[tilespmem:s6], [sflag:$0x4] =	stream.linear.gather [hbm4b:s8+s6], $0x100, $0x38;
	[tilespmem:$0x12140] =	vst v63  }
0xd: {  	_ =	swait.ge [sflag:s3], $0x100  }
0xe: {  	[sflag:s3] =	ssyncset.done $0x0  }
0xf: {  	[sflag:s3] =	ssyncadd.s32 $0xFFFFFF00  }
0x10: {  	v1 =	vld [tilespmem:$0xF0]  }
0x11: {  	v2 =	vld [tilespmem:$0xB0]  }
0x12: {  	v3 =	vld [tilespmem:$0x60]  }
0x13: {  	v4 =	vld [tilespmem:$0xE0]  }
0x14: {  	s11 =	srdreg.scid;
	v5 =	vld [tilespmem:$0x10]  }
0x15: {  	s11 =	sand.u32 $0x1, s11;
	v6 =	vld [tilespmem:$0x20]  }
0x16: {  	s12 =	smul.u32 $0x1400, s11;
	v8 =	vld [tilespmem:$0x0]  }
0x17: {  	v15 =	vld [tilespmem:$0x80]  }
0x18: {  	v0 =	vmov s12;
	v16 =	vld [tilespmem:$0xD0]  }
0x19: {  	v7 =	vsub.s32 v1, v0  }
0x1a: {  	v9 =	vsub.s32 v2, v0;
	vm0 =	vlt.s32 v1, v0;
	v10 =	vsub.s32 v3, v0  }
0x1b: {  	vm4 =	vlt.s32 v2, v0;
	v2 =	vsub.s32 v4, v0;
	v11 =	vsub.s32 v5, v0  }
0x1c: {  	vm5 =	vlt.s32 v5, v0;
	v12 =	vsub.s32 v6, v0;
	vm7 =	vlt.s32 v8, v0  }
0x1d: {  	vm13 =	vlt.s32 v16, v0;
	vm14 =	vlt.s32 v15, v0;
	v63 =	vsub.s32 v15, v0  }
0x1e: {  	vm1 =	vlt.s32 v7, $0x1400;
	vm2 =	vlt.s32 v9, $0x1400;
	vm3 =	vlt.s32 v11, $0x1400  }
0x1f: {  	v1 =	vld [tilespmem:$0x40];
	vm10 =	vlt.s32 v2, $0x1400;
	vm11 =	vlt.s32 v10, $0x1400;
	v7 =	vnsel vm1, $0x1400, v7  }
0x20: {  	vm1 =	vlt.s32 v4, v0;
	v11 =	vnsel vm3, $0x1400, v11;
	v9 =	vnsel vm2, $0x1400, v9  }
0x21: {  	v4 =	vld [tilespmem:$0x50];
	v2 =	vnsel vm10, $0x1400, v2;
	v5 =	vsel vm0, $0x1400, v7;
	vm0 =	vlt.s32 v6, v0  }
0x22: {  	v13 =	vld [tilespmem:$0x70];
	v6 =	vsub.s32 v8, v0;
	v9 =	vsel vm4, $0x1400, v9;
	v11 =	vsel vm5, $0x1400, v11  }
0x23: {  	v7 =	vld [tilespmem:$0x30];
	v2 =	vsel vm1, $0x1400, v2;
	vm1 =	vlt.s32 v3, v0;
	vm2 =	vlt.s32 v6, $0x1400  }
0x24: {  	v3 =	vnsel vm11, $0x1400, v10;
	v14 =	vsub.s32 v1, v0;
	v6 =	vnsel vm2, $0x1400, v6  }
0x25: {  	v61 =	vld [tilespmem:$0xA0];
	vm3 =	vlt.s32 v1, v0;
	vm2 =	vlt.s32 v12, $0x1400;
	vm8 =	vlt.s32 v14, $0x1400  }
0x26: {  	v62 =	vld [tilespmem:$0xC0];
	v6 =	vsel vm7, $0x1400, v6;
	v1 =	vsub.s32 v4, v0;
	v14 =	vnsel vm8, $0x1400, v14  }
0x27: {  	vm9 =	vlt.s32 v4, v0;
	v4 =	vld [tilespmem:$0x90];
	vm8 =	vlt.s32 v13, v0;
	v13 =	vsub.s32 v13, v0  }
0x28: {  	[tilespmem:$0xF0] =	vst v5;
	vm6 =	vlt.s32 v7, v0;
	vm15 =	vlt.s32 v1, $0x1400;
	v7 =	vsub.s32 v7, v0  }
0x29: {  	[tilespmem:$0x0] =	vst v6;
	vm12 =	vlt.s32 v13, $0x1400;
	v6 =	vsel vm3, $0x1400, v14;
	v1 =	vnsel vm15, $0x1400, v1  }
0x2a: {  	s11 =	ssub.s32 $0x2, s11;
	vm3 =	vlt.s32 v63, $0x1400;
	vm15 =	vlt.s32 v61, v0;
	[tilespmem:$0x40] =	vst v6;
	v1 =	vsel vm9, $0x1400, v1  }
0x2b: {  	s31 =	sshrl.u32 s11, $0x1;
	v6 =	vnsel vm3, $0x1400, v63;
	[tilespmem:$0x50] =	vst v1;
	v1 =	vsel vm1, $0x1400, v3;
	v3 =	vsub.s32 v61, v0  }
0x2c: {  	s11 =	ssub.s32 s11, s31;
	[tilespmem:$0x10] =	vst v11;
	vm3 =	vlt.s32 v62, v0;
	v5 =	vsub.s32 v4, v0;
	vm1 =	vlt.s32 v3, $0x1400  }
0x2d: {  	s18 =	smax.u32 s11, $0x1;
	[tilespmem:$0xE0] =	vst v2;
	vm9 =	vlt.s32 v7, $0x1400;
	vm11 =	vlt.s32 v5, $0x1400;
	v2 =	vnsel vm1, $0x1400, v3  }
0x2e: {  	s13 =	smul.u32 $0x140, s1;
	p0 =	sne.s32 s18, $0x1;
	[tilespmem:$0xB0] =	vst v9;
	v3 =	vsub.s32 v16, v0;
	vm1 =	vlt.s32 v4, v0;
	v4 =	vnsel vm9, $0x1400, v7  }
.Ltmp0:
0x2f: {  	s16 =	simm.s32 $0x2;
	s15 =	simm.s32 $0x1;
	[tilespmem:$0x60] =	vst v1;
	v7 =	vsub.s32 v62, v0;
	v1 =	vnsel vm11, $0x1400, v5;
	v2 =	vsel vm15, $0x1400, v2;
	(pc) =	sbr.rel @!p0 .LBB2_2-.Ltmp0, $4  }
0x30: {  	s17 =	simm.s32 $0x3;
	s30 =	sshll.u32 s1, $0xC;
	s12 =	sadd.s32 s13, s12;
	v5 =	vnsel vm12, $0x1400, v13;
	v4 =	vsel vm6, $0x1400, v4;
	[tilespmem:$0xA0] =	vst v2;
	v2 =	vnsel vm2, $0x1400, v12  }
0x31: {  	s13 =	simm.s32 $0x100;
	s12 =	sshll.u32 s12, $0x4;
	s11 =	simm.s32 $0x4100;
	[tilespmem:$0x30] =	vst v4;
	vm2 =	vlt.s32 v3, $0x1400;
	v2 =	vsel vm0, $0x1400, v2;
	vm0 =	vlt.s32 v7, $0x1400  }
0x32: {  	s14 =	sadd.s32 s12, s10;
	s10 =	sadd.s32 s9, s30;
	s18 =	sadd.s32 $0xFFFFFFFF, s18;
	v5 =	vsel vm8, $0x1400, v5;
	v3 =	vnsel vm2, $0x1400, v3;
	[tilespmem:$0x20] =	vst v2;
	v2 =	vnsel vm0, $0x1400, v7  }
0x33: {  	s12 =	sadd.s32 $0x800, s10;
	s9 =	sadd.s32 $0x6C200, s14;
	s14 =	simm.s32 $0x80;
	v4 =	vsel vm14, $0x1400, v6;
	[tilespmem:$0x70] =	vst v5;
	v3 =	vsel vm13, $0x1400, v3;
	v2 =	vsel vm3, $0x1400, v2  }
.LBB2_1:
0x34: {  	p0 =	sne.s32 s18, $0x1;
	s18 =	sadd.s32 $0xFFFFFFFF, s18;
	[tilespmem:$0x80] =	vst v4;
	v1 =	vsel vm1, $0x1400, v1  }
0x35: {  	[tilespmem:$0x90] =	vst v1  }
0x36: {  	[tilespmem:$0xD0] =	vst v3  }
0x37: {  	[tilespmem:$0xC0] =	vst v2  }
0x38: {  	[bflag:$0x0] =	sbarrier.arrive $0xFFFF  }
0x39: {  	[tilespmem:s13], [sflag:$0x2] =	stream.linear.gather [hbm4b:s10+s6], $0x4000, $0x38;
	[tilespmem:$0x12140] =	vst v63  }
0x3a: {  	_ = 	snop  }
0x3b: {  	[tilespmem:s11], [sflag:$0x3] =	stream.linear.gather [hbm4b:s12+s6], $0x4000, $0x38;
	[tilespmem:$0x12140] =	vst v63  }
0x3c: {  	_ =	swait.ge [sflag:s16], $0x4000  }
0x3d: {  	[sflag:s16] =	ssyncset.done $0x0  }
0x3e: {  	[sflag:s16] =	ssyncadd.s32 $0xFFFFC000  }
0x3f: {  	[spmem:s2] =	stream.indirect.scatter.add.f32 [tilespmem:s13], [sflag:$0x1], $0x80, s6, s14, $0xb8;
	[tilespmem:$0x12140] =	vst v63  }
0x40: {  	_ =	swait.ge [sflag:s15], $0x4000  }
0x41: {  	[sflag:s15] =	ssyncset.done $0x0  }
0x42: {  	[sflag:s15] =	ssyncadd.s32 $0xFFFFC000  }
0x43: {  	_ =	swait.ge [sflag:s17], $0x4000  }
0x44: {  	[sflag:s17] =	ssyncset.done $0x0  }
0x45: {  	[sflag:s17] =	ssyncadd.s32 $0xFFFFC000  }
0x46: {  	[spmem:s2] =	stream.indirect.scatter.add.f32 [tilespmem:s11], [sflag:$0x1], $0x80, s14, s14, $0xb8;
	[tilespmem:$0x12140] =	vst v63  }
0x47: {  	_ =	swait.ge [sflag:s15], $0x4000  }
0x48: {  	[sflag:s15] =	ssyncset.done $0x0  }
0x49: {  	[sflag:s15] =	ssyncadd.s32 $0xFFFFC000  }
0x4a: {  	[bflag:$0x0] =	sbarrier.arrive $0xFFFF  }
0x4b: {  	[hbm:s9], [sflag:s4] =	dma.local [spmem:s5], $0x1400  }
0x4c: {  	_ =	swait.ge [sflag:s3], $0x1400  }
0x4d: {  	[sflag:s3] =	ssyncset.done $0x0  }
0x4e: {  	[sflag:s3] =	ssyncadd.s32 $0xFFFFEC00  }
0x4f: {  	[spmem:s5], [sflag:s4] =	dma.local [hbm:s7], $0x1400  }
0x50: {  	_ =	swait.ge [sflag:s3], $0x1400  }
0x51: {  	[sflag:s3] =	ssyncset.done $0x0  }
0x52: {  	[sflag:s3] =	ssyncadd.s32 $0xFFFFEC00  }
0x53: {  	[tilespmem:s6], [sflag:$0x4] =	stream.linear.gather [hbm4b:s8+s6], $0x100, $0x38;
	[tilespmem:$0x12140] =	vst v63  }
0x54: {  	_ =	swait.ge [sflag:s3], $0x100  }
0x55: {  	[sflag:s3] =	ssyncset.done $0x0  }
0x56: {  	[sflag:s3] =	ssyncadd.s32 $0xFFFFFF00  }
0x57: {  	v1 =	vld [tilespmem:$0xF0]  }
0x58: {  	v2 =	vld [tilespmem:$0xB0]  }
0x59: {  	v3 =	vld [tilespmem:$0x60]  }
0x5a: {  	v4 =	vld [tilespmem:$0xE0]  }
0x5b: {  	v5 =	vld [tilespmem:$0x10]  }
0x5c: {  	v6 =	vld [tilespmem:$0x20];
	v7 =	vsub.s32 v1, v0  }
0x5d: {  	vm0 =	vlt.s32 v1, v0;
	v8 =	vld [tilespmem:$0x0];
	v9 =	vsub.s32 v2, v0;
	vm1 =	vlt.s32 v7, $0x1400  }
0x5e: {  	v1 =	vld [tilespmem:$0x40];
	v10 =	vsub.s32 v3, v0;
	vm2 =	vlt.s32 v9, $0x1400;
	v7 =	vnsel vm1, $0x1400, v7  }
0x5f: {  	vm5 =	vlt.s32 v2, v0;
	v11 =	vld [tilespmem:$0x50];
	v2 =	vsub.s32 v4, v0;
	vm1 =	vlt.s32 v4, v0  }
0x60: {  	v7 =	vsel vm0, $0x1400, v7;
	v4 =	vsub.s32 v5, v0;
	vm7 =	vlt.s32 v5, v0;
	v5 =	vld [tilespmem:$0x30]  }
0x61: {  	vm3 =	vlt.s32 v4, $0x1400;
	v12 =	vsub.s32 v6, v0;
	vm0 =	vlt.s32 v6, v0;
	v6 =	vld [tilespmem:$0x70];
	[tilespmem:$0xF0] =	vst v7  }
0x62: {  	v9 =	vnsel vm2, $0x1400, v9;
	v7 =	vsub.s32 v8, v0;
	v4 =	vnsel vm3, $0x1400, v4;
	v13 =	vld [tilespmem:$0x80]  }
0x63: {  	vm10 =	vlt.s32 v2, $0x1400;
	vm2 =	vlt.s32 v7, $0x1400;
	v14 =	vsub.s32 v1, v0;
	v15 =	vld [tilespmem:$0x90]  }
0x64: {  	v7 =	vnsel vm2, $0x1400, v7;
	vm2 =	vlt.s32 v1, v0;
	vm8 =	vlt.s32 v14, $0x1400;
	v16 =	vld [tilespmem:$0xA0]  }
0x65: {  	vm6 =	vlt.s32 v8, v0;
	vm3 =	vlt.s32 v12, $0x1400;
	v1 =	vsub.s32 v11, v0;
	v8 =	vld [tilespmem:$0xC0]  }
0x66: {  	vm4 =	vlt.s32 v5, v0;
	v14 =	vnsel vm8, $0x1400, v14;
	vm8 =	vlt.s32 v1, $0x1400;
	v17 =	vld [tilespmem:$0xD0]  }
0x67: {  	vm9 =	vlt.s32 v11, v0;
	v5 =	vsub.s32 v5, v0;
	v1 =	vnsel vm8, $0x1400, v1  }
0x68: {  	v9 =	vsel vm5, $0x1400, v9;
	vm8 =	vlt.s32 v6, v0;
	v1 =	vsel vm9, $0x1400, v1  }
0x69: {  	v4 =	vsel vm7, $0x1400, v4;
	vm9 =	vlt.s32 v5, $0x1400;
	[tilespmem:$0x50] =	vst v1;
	v1 =	vnsel vm10, $0x1400, v2  }
0x6a: {  	vm5 =	vlt.s32 v10, $0x1400;
	v2 =	vsub.s32 v6, v0;
	v1 =	vsel vm1, $0x1400, v1  }
0x6b: {  	vm1 =	vlt.s32 v3, v0;
	v3 =	vnsel vm5, $0x1400, v10;
	vm10 =	vlt.s32 v2, $0x1400;
	[tilespmem:$0x10] =	vst v4  }
0x6c: {  	v3 =	vsel vm1, $0x1400, v3;
	v4 =	vsub.s32 v16, v0;
	vm5 =	vlt.s32 v17, v0;
	[tilespmem:$0xE0] =	vst v1  }
0x6d: {  	vm7 =	vlt.s32 v13, v0;
	v1 =	vsub.s32 v15, v0;
	vm1 =	vlt.s32 v4, $0x1400;
	[tilespmem:$0x60] =	vst v3  }
0x6e: {  	vm11 =	vlt.s32 v1, $0x1400;
	v3 =	vnsel vm1, $0x1400, v4;
	v4 =	vsub.s32 v17, v0;
	[tilespmem:$0xB0] =	vst v9  }
0x6f: {  	v6 =	vsel vm6, $0x1400, v7;
	vm6 =	vlt.s32 v16, v0;
	v1 =	vnsel vm11, $0x1400, v1  }
0x70: {  	v2 =	vnsel vm10, $0x1400, v2;
	vm1 =	vlt.s32 v15, v0;
	[tilespmem:$0x0] =	vst v6;
	v6 =	vsub.s32 v13, v0  }
0x71: {  	v5 =	vnsel vm9, $0x1400, v5;
	v2 =	vsel vm8, $0x1400, v2;
	v3 =	vsel vm6, $0x1400, v3  }
.Ltmp1:
0x72: {  	v5 =	vsel vm4, $0x1400, v5;
	v7 =	vsel vm2, $0x1400, v14;
	vm2 =	vlt.s32 v6, $0x1400;
	[tilespmem:$0xA0] =	vst v3;
	(pc) =	sbr.rel @p0 .LBB2_1-.Ltmp1, $4  }
0x73: {  	v3 =	vnsel vm3, $0x1400, v12;
	v6 =	vnsel vm2, $0x1400, v6;
	[tilespmem:$0x40] =	vst v7;
	v7 =	vsub.s32 v8, v0  }
0x74: {  	vm2 =	vlt.s32 v4, $0x1400;
	v3 =	vsel vm0, $0x1400, v3;
	[tilespmem:$0x30] =	vst v5;
	vm0 =	vlt.s32 v7, $0x1400  }
0x75: {  	vm3 =	vlt.s32 v8, v0;
	v5 =	vnsel vm2, $0x1400, v4;
	[tilespmem:$0x20] =	vst v3;
	v3 =	vnsel vm0, $0x1400, v7  }
0x76: {  	v4 =	vsel vm7, $0x1400, v6;
	[tilespmem:$0x70] =	vst v2;
	v2 =	vsel vm3, $0x1400, v3;
	v3 =	vsel vm5, $0x1400, v5  }
.LBB2_2:
0x77: {  	[tilespmem:$0x80] =	vst v4  }
0x78: {  	[tilespmem:$0xD0] =	vst v3  }
0x79: {  	v0 =	vsel vm1, $0x1400, v1;
	[tilespmem:$0xC0] =	vst v2  }
0x7a: {  	[tilespmem:$0x90] =	vst v0  }
0x7b: {  	[bflag:$0x0] =	sbarrier.arrive $0xFFFF  }
0x7c: {  	[tilespmem:s13], [sflag:$0x2] =	stream.linear.gather [hbm4b:s10+s6], $0x4000, $0x38;
	[tilespmem:$0x12140] =	vst v63  }
0x7d: {  	_ = 	snop  }
0x7e: {  	[tilespmem:s11], [sflag:$0x3] =	stream.linear.gather [hbm4b:s12+s6], $0x4000, $0x38;
	[tilespmem:$0x12140] =	vst v63  }
0x7f: {  	_ =	swait.ge [sflag:s16], $0x4000  }
0x80: {  	[sflag:s16] =	ssyncset.done $0x0  }
0x81: {  	[sflag:s16] =	ssyncadd.s32 $0xFFFFC000  }
0x82: {  	[spmem:s2] =	stream.indirect.scatter.add.f32 [tilespmem:s13], [sflag:$0x1], $0x80, s6, s14, $0xb8;
	[tilespmem:$0x12140] =	vst v63  }
0x83: {  	_ =	swait.ge [sflag:s15], $0x4000  }
0x84: {  	[sflag:s15] =	ssyncset.done $0x0  }
0x85: {  	[sflag:s15] =	ssyncadd.s32 $0xFFFFC000  }
0x86: {  	_ =	swait.ge [sflag:s17], $0x4000  }
0x87: {  	[sflag:s17] =	ssyncset.done $0x0  }
0x88: {  	[sflag:s17] =	ssyncadd.s32 $0xFFFFC000  }
0x89: {  	[spmem:s2] =	stream.indirect.scatter.add.f32 [tilespmem:s11], [sflag:$0x1], $0x80, s14, s14, $0xb8;
	[tilespmem:$0x12140] =	vst v63  }
0x8a: {  	_ =	swait.ge [sflag:s15], $0x4000  }
0x8b: {  	[sflag:s15] =	ssyncset.done $0x0  }
0x8c: {  	[sflag:s15] =	ssyncadd.s32 $0xFFFFC000  }
0x8d: {  	[bflag:$0x0] =	sbarrier.arrive $0xFFFF  }
0x8e: {  	[hbm:s9], [sflag:s4] =	dma.local [spmem:s5], $0x1400  }
0x8f: {  	_ =	swait.ge [sflag:s3], $0x1400  }
0x90: {  	[sflag:s3] =	ssyncset.done $0x0  }
0x91: {  	[sflag:s3] =	ssyncadd.s32 $0xFFFFEC00  }
0x92: {  	_ =	sfence.sel $0x180000  }
0x93: {  	[bflag:$0x0] =	sbarrier.arrive $0xFFFF  }
0x94: {  	p0 =	sne.s32 s1, $0x0;
	_ =	strace $0x90000056  }
0x95: {  	s0 =	sadd.s32 @!p0 $0x100000, s0;
	[bflag:$0x2] =	sbarrier.arrive $0xFFFF  }
0x96: {  	[sflag:s0] =	ssyncadd.tile.s32 @!p0 $0x1;
	_ =	shalt  }
.Lfunc_end2:
_tile_overlayer_lowered:
.L_overlay_start_2:
0x97: {  	(tag) =	ssettag $0x2  }
0x98: {  	s0 =	rddreg [dreg:$0x0];
	s2 =	stileid.u32  }
0x99: {  	s1 =	rddreg [dreg:$0x1];
	p0 =	sne.s32 s2, $0x0  }
0x9a: {  	s3 =	rddreg [dreg:$0x2];
	[bflag:$0x3] =	sbarrier.arrive $0xFFFF;
	s2 =	simm.s32 @!p0 $0x1C04  }
0x9b: {  	[timem:s3], [sflag:s2] =	dma.local @!p0 [hbm:s0], s1  }
0x9c: {  	s0 =	simm.s32 @!p0 $0x4  }
0x9d: {  	_ =	swait.ge @!p0 [sflag:s0], s1  }
0x9e: {  	s1 =	ssub.s32 @!p0 $0x0, s1;
	[sflag:s0] =	ssyncset.done @!p0 $0x0  }
0x9f: {  	[sflag:s0] =	ssyncadd.s32 @!p0 s1  }
0xa0: {  	[bflag:$0x3] =	sbarrier.arrive $0xFFFF  }
0xa1: {  	_ =	shalt  }

</sc_bundles>
